<compile_context>
chip_gen: v7x
topology: tpu7x:2x2x1
jax: 0.10.2.dev20260603
libtpu: 0.0.44.dev20260713+nightly
codegen_flags: <defaults>
</compile_context>

<pallas_src>
import functools

import jax
import jax.numpy as jnp
from jax import lax
from jax.experimental import pallas as pl
from jax.experimental.pallas import tpu as pltpu
from jax.experimental.pallas import tpu_sc as plsc

DIM = 64
NW = 32
LANES = 16

_mesh = plsc.VectorSubcoreMesh(core_axis_name="c", subcore_axis_name="s")


def _iota16():
  return lax.iota(jnp.int32, LANES)


def _wid():
  return lax.axis_index("s") * 2 + lax.axis_index("c")


@functools.lru_cache(maxsize=None)
def _make_detile(vocab: int):
  nfull = vocab // 128
  tail = vocab - nfull * 128
  nblk = nfull + (1 if tail else 0)
  kmax = (nblk + NW - 1) // NW

  @functools.partial(
      pl.kernel,
      mesh=_mesh,
      compiler_params=pltpu.CompilerParams(
          use_tc_tiling_on_sc=True, needs_layout_passes=False),
      out_type=jax.ShapeDtypeStruct((nblk * DIM, 128), jnp.float32),
      scratch_types=[
          *[pltpu.VMEM((DIM, 128), jnp.float32) for _ in range(2)],
          *[pltpu.SemaphoreType.DMA for _ in range(4)],
      ],
  )
  def detile(tt_hbm, tail_hbm, raw_hbm, vb0, vb1, si0, si1, so0, so1):
    vbuf = (vb0, vb1)
    sin = (si0, si1)
    sout = (so0, so1)
    wid = _wid()

    def issue_in(m, slot):
      if tail:
        @pl.when(m < nfull)
        def _():
          pltpu.async_copy(
              tt_hbm.at[:, pl.ds(m * 128, 128)], vbuf[slot], sin[slot])

        @pl.when(m == nfull)
        def _():
          pltpu.async_copy(tail_hbm, vbuf[slot], sin[slot])
      else:
        pltpu.async_copy(
            tt_hbm.at[:, pl.ds(m * 128, 128)], vbuf[slot], sin[slot])

    def drain_in(slot):
      pltpu.make_async_copy(
          tt_hbm.at[:, pl.ds(0, 128)], vbuf[slot], sin[slot]).wait()

    del sout

    issue_in(wid, 0)
    issue_in(wid + NW, 1)

    def group(g, carry):
      for b in range(2):
        k = g * 2 + b
        m = wid + NW * k

        @pl.when(m < nblk)
        def _():
          drain_in(b)
          pltpu.sync_copy(vbuf[b], raw_hbm.at[pl.ds(m * DIM, DIM)])

        @pl.when(m + 2 * NW < nblk)
        def _():
          issue_in(m + 2 * NW, b)
      return carry

    lax.fori_loop(0, (kmax + 1) // 2, group, 0)

  return detile


@functools.lru_cache(maxsize=None)
def _make_repack(nblk: int):
  kmax = (nblk + NW - 1) // NW

  @functools.partial(
      pl.kernel,
      mesh=_mesh,
      compiler_params=pltpu.CompilerParams(
          use_tc_tiling_on_sc=False, needs_layout_passes=False),
      out_type=jax.ShapeDtypeStruct((nblk * 128, DIM), jnp.float32),
      scratch_types=[
          *[pltpu.VMEM((DIM, 128), jnp.float32) for _ in range(2)],
          *[pltpu.VMEM((128, 65), jnp.float32) for _ in range(2)],
          *[pltpu.SemaphoreType.DMA for _ in range(4)],
      ],
  )
  def repack(raw_hbm, packed_hbm, vb0, vb1, pb0, pb1, si0, si1, so0, so1):
    vbuf = (vb0, vb1)
    pbuf = (pb0, pb1)
    sin = (si0, si1)
    sout = (so0, so1)
    wid = _wid()

    vl_vecs = [_iota16() + vlg * LANES for vlg in range(8)]

    def issue_in(m, slot):
      pltpu.async_copy(
          raw_hbm.at[pl.ds(m * DIM, DIM)], vbuf[slot], sin[slot])

    def drain_in(slot):
      pltpu.make_async_copy(
          raw_hbm.at[pl.ds(0, DIM)], vbuf[slot], sin[slot]).wait()

    def transpose(slot):
      @plsc.parallel_loop(0, DIM, unroll=8)
      def _(d):
        d_vec = jnp.full((LANES,), d, jnp.int32)
        for vlg in range(8):
          vals = vbuf[slot][d, pl.ds(vlg * LANES, LANES)]
          plsc.store_scatter(pbuf[slot], [vl_vecs[vlg], d_vec], vals)

    def start_out(m, slot):
      pltpu.async_copy(
          pbuf[slot].at[:, pl.ds(0, DIM)],
          packed_hbm.at[pl.ds(m * 128, 128)], sout[slot])

    def wait_out(slot):
      pltpu.make_async_copy(
          pbuf[slot].at[:, pl.ds(0, DIM)],
          packed_hbm.at[pl.ds(0, 128)], sout[slot]).wait()

    issue_in(wid, 0)
    issue_in(wid + NW, 1)

    def group(g, carry):
      for b in range(2):
        k = g * 2 + b
        m = wid + NW * k

        @pl.when(m < nblk)
        def _():
          drain_in(b)

        @pl.when(jnp.logical_and(k >= 2, m < nblk))
        def _():
          wait_out(b)

        transpose(b)

        @pl.when(m < nblk)
        def _():
          start_out(m, b)

        @pl.when(m + 2 * NW < nblk)
        def _():
          issue_in(m + 2 * NW, b)
      return carry

    lax.fori_loop(0, (kmax + 1) // 2, group, 0)
    wait_out(0)
    wait_out(1)

  return repack


@functools.lru_cache(maxsize=None)
def _make_lookup(n_b: int, n_s: int, vrows: int):
  bw = n_b // NW
  ngrp = n_s // 4

  @functools.partial(
      pl.kernel,
      mesh=_mesh,
      compiler_params=pltpu.CompilerParams(
          use_tc_tiling_on_sc=False, needs_layout_passes=False),
      out_type=jax.ShapeDtypeStruct((n_s, 8, n_b // 128, 8, 128), jnp.float32),
      scratch_types=[
          pltpu.VMEM((n_s, bw), jnp.int32),
          *[pltpu.VMEM((bw, DIM), jnp.float32) for _ in range(4)],
          *[pltpu.VMEM((8, 8, 129), jnp.float32) for _ in range(2)],
          *[pltpu.SemaphoreType.DMA for _ in range(6)],
      ],
  )
  def lookup(xt_hbm, table_hbm, out_hbm, idx_v, *bufs_sems):
    gbuf = bufs_sems[:4]
    tbuf = bufs_sems[4:6]
    gsem = bufs_sems[6:10]
    tsem = bufs_sems[10:12]
    wid = _wid()

    dh_vecs = [(_iota16() + dv * LANES) >> 3 for dv in range(4)]
    dl_vecs = [(_iota16() + dv * LANES) & 7 for dv in range(4)]

    pltpu.sync_copy(xt_hbm.at[:, pl.ds(wid * bw, bw)], idx_v)

    def start_gather(s, gb):
      pltpu.async_copy(table_hbm.at[idx_v.at[s]], gbuf[gb], gsem[gb])

    def wait_gather(gb):
      pltpu.make_async_copy(
          table_hbm.at[idx_v.at[0]], gbuf[gb], gsem[gb]).wait()

    def transpose(gb, tb):
      @plsc.parallel_loop(0, bw, unroll=8)
      def _(bl):
        bl_vec = jnp.full((LANES,), bl, jnp.int32)
        for dv in range(4):
          vals = gbuf[gb][bl, pl.ds(dv * LANES, LANES)]
          plsc.store_scatter(
              tbuf[tb], [dh_vecs[dv], dl_vecs[dv], bl_vec], vals)

    def start_out(s, tb):
      pltpu.async_copy(
          tbuf[tb].at[:, :, pl.ds(0, 128)], out_hbm.at[s, :, wid], tsem[tb])

    def wait_out(tb):
      pltpu.make_async_copy(
          tbuf[tb].at[:, :, pl.ds(0, 128)], out_hbm.at[0, :, 0],
          tsem[tb]).wait()

    for b in range(4):
      start_gather(b, b)

    def group(g, carry):
      for b in range(4):
        s = g * 4 + b
        tb = b & 1
        wait_gather(b)

        @pl.when(s >= 2)
        def _():
          wait_out(tb)

        transpose(b, tb)
        start_out(s, tb)

        @pl.when(s + 4 < n_s)
        def _():
          start_gather(s + 4, b)
      return carry

    lax.fori_loop(0, ngrp, group, 0)
    wait_out(0)
    wait_out(1)

  return lookup


def kernel(x, table):
  n_b, n_s = x.shape
  vocab = table.shape[0]
  nfull = vocab // 128
  tail = vocab - nfull * 128
  nblk = nfull + (1 if tail else 0)
  tt_tail = jnp.transpose(
      jnp.pad(table[nfull * 128:], ((0, 128 - tail), (0, 0))))
  raw = _make_detile(vocab)(jnp.transpose(table), tt_tail)
  packed = _make_repack(nblk)(raw)
  out6 = _make_lookup(n_b, n_s, nblk * 128)(jnp.transpose(x), packed)
  return jnp.transpose(out6, (2, 4, 0, 1, 3)).reshape(n_b, n_s, DIM)

# --- scband reference (transcript-rebuilt; emitter-appended) ---
"""Pipeline reference for scband-token-embedding-19524921328243 (READ-ONLY COPY).

The authoritative reference and input builder live on the scoring server;
editing this copy changes nothing except your own understanding.
"""

import jax, jax.numpy as jnp
import numpy as np

VOCAB = 1000000
DIM = 64
PAD = 0

def setup_inputs(seed: int = 0) -> dict:
    key = jax.random.key(seed)
    k1, k2 = jax.random.split(key)
    x = jax.random.randint(k1, (4096, 200), 0, VOCAB, dtype=jnp.int64) if jax.config.jax_enable_x64 else jax.random.randint(k1, (4096, 200), 0, VOCAB, dtype=jnp.int32)
    table = jax.random.normal(k2, (VOCAB, DIM), dtype=jnp.float32)
    # padding_idx row is zero-initialized, matching nn.Embedding(padding_idx=PAD)
    table = table.at[PAD].set(0.0)
    return {"x": x, "table": table}

def reference(x, table):
    # nn.Embedding forward: gather rows; padding_idx row is zero, and any index
    # equal to padding_idx yields a zero vector.
    out = jnp.take(table, x, axis=0)
    mask = (x != PAD)[..., None].astype(out.dtype)
    out = out * mask
    return out

if __name__ == "__main__":
    import jax
    _d = setup_inputs()
    print(jax.jit(kernel)(*tuple(_d.values())))

</pallas_src>

<mosaic_0001>
#map = affine_map<(d0, d1) -> (0, 0)>
module attributes {stable_mosaic.version = 14 : i64} {
  func.func @repack(%arg0: i32, %arg1: i32, %arg2: memref<500032x128xf32, #tpu.memory_space<hbm>>, %arg3: memref<1000064x64xf32, #tpu.memory_space<hbm>>, %arg4: memref<64x128xf32, #tpu.memory_space<vmem>>, %arg5: memref<64x128xf32, #tpu.memory_space<vmem>>, %arg6: memref<128x65xf32, #tpu.memory_space<vmem>>, %arg7: memref<128x65xf32, #tpu.memory_space<vmem>>, %arg8: memref<!tpu.dma_semaphore, #tpu.memory_space<semaphore_mem>>, %arg9: memref<!tpu.dma_semaphore, #tpu.memory_space<semaphore_mem>>, %arg10: memref<!tpu.dma_semaphore, #tpu.memory_space<semaphore_mem>>, %arg11: memref<!tpu.dma_semaphore, #tpu.memory_space<semaphore_mem>>) attributes {dimension_semantics = [#tpu.dimension_semantics<core_parallel>, #tpu.dimension_semantics<subcore_parallel>], iteration_bounds = array<i64: 2, 16>, scalar_prefetch = 0 : i64, scratch_operands = 8 : i64, tpu.core_type = #tpu.core_type<sc_vector_subcore>, window_params = [{transform_indices = #map}, {transform_indices = #map}]} {
    %mul3A = arith.constant 2 : i32
    %mul3A_0 = arith.muli %arg1, %mul3A : i32
    %add3A = arith.addi %mul3A_0, %arg0 : i32
    %iota3A = tpu.iota {dimensions = array<i32: 0>} : vector<16xi32>
    %add3A_1 = arith.constant 0 : i32
    %add3A_2 = vector.broadcast %add3A_1 : i32 to vector<16xi32>
    %add3A_3 = arith.addi %iota3A, %add3A_2 : vector<16xi32>
    %iota3A_4 = tpu.iota {dimensions = array<i32: 0>} : vector<16xi32>
    %add3A_5 = arith.constant 16 : i32
    %add3A_6 = vector.broadcast %add3A_5 : i32 to vector<16xi32>
    %add3A_7 = arith.addi %iota3A_4, %add3A_6 : vector<16xi32>
    %iota3A_8 = tpu.iota {dimensions = array<i32: 0>} : vector<16xi32>
    %add3A_9 = arith.constant 32 : i32
    %add3A_10 = vector.broadcast %add3A_9 : i32 to vector<16xi32>
    %add3A_11 = arith.addi %iota3A_8, %add3A_10 : vector<16xi32>
    %iota3A_12 = tpu.iota {dimensions = array<i32: 0>} : vector<16xi32>
    %add3A_13 = arith.constant 48 : i32
    %add3A_14 = vector.broadcast %add3A_13 : i32 to vector<16xi32>
    %add3A_15 = arith.addi %iota3A_12, %add3A_14 : vector<16xi32>
    %iota3A_16 = tpu.iota {dimensions = array<i32: 0>} : vector<16xi32>
    %add3A_17 = arith.constant 64 : i32
    %add3A_18 = vector.broadcast %add3A_17 : i32 to vector<16xi32>
    %add3A_19 = arith.addi %iota3A_16, %add3A_18 : vector<16xi32>
    %iota3A_20 = tpu.iota {dimensions = array<i32: 0>} : vector<16xi32>
    %add3A_21 = arith.constant 80 : i32
    %add3A_22 = vector.broadcast %add3A_21 : i32 to vector<16xi32>
    %add3A_23 = arith.addi %iota3A_20, %add3A_22 : vector<16xi32>
    %iota3A_24 = tpu.iota {dimensions = array<i32: 0>} : vector<16xi32>
    %add3A_25 = arith.constant 96 : i32
    %add3A_26 = vector.broadcast %add3A_25 : i32 to vector<16xi32>
    %add3A_27 = arith.addi %iota3A_24, %add3A_26 : vector<16xi32>
    %iota3A_28 = tpu.iota {dimensions = array<i32: 0>} : vector<16xi32>
    %add3A_29 = arith.constant 112 : i32
    %add3A_30 = vector.broadcast %add3A_29 : i32 to vector<16xi32>
    %add3A_31 = arith.addi %iota3A_28, %add3A_30 : vector<16xi32>
    %mul3A_32 = arith.constant 64 : i32
    %mul3A_33 = arith.muli %add3A, %mul3A_32 : i32
    %dma_start3A = arith.constant 0 : i32
    %dma_start3A_34 = tpu.memref_slice %arg2[%mul3A_33, %dma_start3A] : memref<500032x128xf32, #tpu.memory_space<hbm>> -> memref<64x128xf32, #tpu.memory_space<hbm>>
    %dma_start3A_35 = arith.constant 0 : i32
    %dma_start3A_36 = tpu.memref_slice %arg2[%mul3A_33, %dma_start3A_35] : memref<500032x128xf32, #tpu.memory_space<hbm>> -> memref<64x128xf32, #tpu.memory_space<hbm>>
    tpu.enqueue_dma source(%dma_start3A_36 : memref<64x128xf32, #tpu.memory_space<hbm>>) target(%arg4 : memref<64x128xf32, #tpu.memory_space<vmem>>) target_semaphore(%arg8 : memref<!tpu.dma_semaphore, #tpu.memory_space<semaphore_mem>>)
    %add3A_37 = arith.constant 32 : i32
    %add3A_38 = arith.addi %add3A, %add3A_37 : i32
    %mul3A_39 = arith.constant 64 : i32
    %mul3A_40 = arith.muli %add3A_38, %mul3A_39 : i32
    %dma_start3A_41 = arith.constant 0 : i32
    %dma_start3A_42 = tpu.memref_slice %arg2[%mul3A_40, %dma_start3A_41] : memref<500032x128xf32, #tpu.memory_space<hbm>> -> memref<64x128xf32, #tpu.memory_space<hbm>>
    %dma_start3A_43 = arith.constant 0 : i32
    %dma_start3A_44 = tpu.memref_slice %arg2[%mul3A_40, %dma_start3A_43] : memref<500032x128xf32, #tpu.memory_space<hbm>> -> memref<64x128xf32, #tpu.memory_space<hbm>>
    tpu.enqueue_dma source(%dma_start3A_44 : memref<64x128xf32, #tpu.memory_space<hbm>>) target(%arg5 : memref<64x128xf32, #tpu.memory_space<vmem>>) target_semaphore(%arg9 : memref<!tpu.dma_semaphore, #tpu.memory_space<semaphore_mem>>)
    %scan3A = arith.constant 0 : i32
    %scan3A_45 = arith.constant 0 : i32
    %scan3A_46 = arith.constant 123 : i32
    %scan3A_47 = arith.addi %scan3A_45, %scan3A_46 : i32
    %scan3A_48 = arith.constant 1 : i32
    scf.for %scan3A_73 = %scan3A_45 to %scan3A_47 step %scan3A_48  : i32 {
      %mul3A_74 = arith.constant 2 : i32
      %mul3A_75 = arith.muli %scan3A_73, %mul3A_74 : i32
      %add3A_76 = arith.constant 0 : i32
      %add3A_77 = arith.addi %mul3A_75, %add3A_76 : i32
      %mul3A_78 = arith.constant 32 : i32
      %mul3A_79 = arith.muli %mul3A_78, %add3A_77 : i32
      %add3A_80 = arith.addi %add3A, %mul3A_79 : i32
      %lt3A = arith.constant 7813 : i32
      %lt3A_81 = arith.cmpi slt, %add3A_80, %lt3A : i32
      %convert_element_type3A = arith.extui %lt3A_81 : i1 to i32
      %cond3A = arith.constant 0 : i32
      %cond3A_82 = arith.cmpi ne, %convert_element_type3A, %cond3A : i32
      scf.if %cond3A_82 {
        %dma_wait3A_138 = arith.constant 0 : i32
        %dma_wait3A_139 = arith.constant 0 : i32
        %dma_wait3A_140 = tpu.memref_slice %arg2[%dma_wait3A_138, %dma_wait3A_139] : memref<500032x128xf32, #tpu.memory_space<hbm>> -> memref<64x128xf32, #tpu.memory_space<hbm>>
        %dma_wait3A_141 = arith.constant 0 : i32
        %dma_wait3A_142 = arith.constant 0 : i32
        %dma_wait3A_143 = tpu.memref_slice %arg2[%dma_wait3A_141, %dma_wait3A_142] : memref<500032x128xf32, #tpu.memory_space<hbm>> -> memref<64x128xf32, #tpu.memory_space<hbm>>
        tpu.wait_dma2 semaphore(%arg8 : memref<!tpu.dma_semaphore, #tpu.memory_space<semaphore_mem>>) src(%dma_wait3A_143 : memref<64x128xf32, #tpu.memory_space<hbm>>) dst(%arg4 : memref<64x128xf32, #tpu.memory_space<vmem>>)
      } else {
      }
      %ge3A = arith.constant 2 : i32
      %ge3A_83 = arith.cmpi sge, %add3A_77, %ge3A : i32
      %lt3A_84 = arith.constant 7813 : i32
      %lt3A_85 = arith.cmpi slt, %add3A_80, %lt3A_84 : i32
      %and3A = arith.andi %ge3A_83, %lt3A_85 : i1
      %convert_element_type3A_86 = arith.extui %and3A : i1 to i32
      %cond3A_87 = arith.constant 0 : i32
      %cond3A_88 = arith.cmpi ne, %convert_element_type3A_86, %cond3A_87 : i32
      scf.if %cond3A_88 {
        %dma_wait3A_138 = arith.constant 0 : i32
        %dma_wait3A_139 = arith.constant 0 : i32
        %dma_wait3A_140 = tpu.memref_slice %arg6[%dma_wait3A_138, %dma_wait3A_139] : memref<128x65xf32, #tpu.memory_space<vmem>> -> memref<128x64xf32, #tpu.memory_space<vmem>>
        %dma_wait3A_141 = arith.constant 0 : i32
        %dma_wait3A_142 = arith.constant 0 : i32
        %dma_wait3A_143 = tpu.memref_slice %arg3[%dma_wait3A_141, %dma_wait3A_142] : memref<1000064x64xf32, #tpu.memory_space<hbm>> -> memref<128x64xf32, #tpu.memory_space<hbm>>
        %dma_wait3A_144 = arith.constant 0 : i32
        %dma_wait3A_145 = arith.constant 0 : i32
        %dma_wait3A_146 = tpu.memref_slice %arg3[%dma_wait3A_144, %dma_wait3A_145] : memref<1000064x64xf32, #tpu.memory_space<hbm>> -> memref<128x64xf32, #tpu.memory_space<hbm>>
        %dma_wait3A_147 = arith.constant 0 : i32
        %dma_wait3A_148 = arith.constant 0 : i32
        %dma_wait3A_149 = tpu.memref_slice %arg6[%dma_wait3A_147, %dma_wait3A_148] : memref<128x65xf32, #tpu.memory_space<vmem>> -> memref<128x64xf32, #tpu.memory_space<vmem>>
        tpu.wait_dma2 semaphore(%arg10 : memref<!tpu.dma_semaphore, #tpu.memory_space<semaphore_mem>>) src(%dma_wait3A_149 : memref<128x64xf32, #tpu.memory_space<vmem>>) dst(%dma_wait3A_146 : memref<128x64xf32, #tpu.memory_space<hbm>>)
      } else {
      }
      %parallel_loop3A = arith.constant 0 : i32
      %parallel_loop3A_89 = arith.constant 64 : i32
      %parallel_loop3A_90 = arith.constant 1 : i32
      scf.for %parallel_loop3A_138 = %parallel_loop3A to %parallel_loop3A_89 step %parallel_loop3A_90  : i32 {
        %parallel_loop3A_139 = vector.broadcast %parallel_loop3A_138 : i32 to vector<16xi32>
        %parallel_loop3A_140 = arith.index_cast %parallel_loop3A_138 : i32 to index
        %parallel_loop3A_141 = arith.constant 0 : index
        %parallel_loop3A_142 = tpu.vector_load %arg4[%parallel_loop3A_140, %parallel_loop3A_141] {strides = array<i32>} : memref<64x128xf32, #tpu.memory_space<vmem>>, vector<16xf32>,
        tpu.vector_store_idx %arg6[%add3A_3, %parallel_loop3A_139], %parallel_loop3A_142 : memref<128x65xf32, #tpu.memory_space<vmem>>[vector<16xi32>, vector<16xi32>], vector<16xf32>,
        %parallel_loop3A_143 = arith.index_cast %parallel_loop3A_138 : i32 to index
        %parallel_loop3A_144 = arith.constant 16 : index
        %parallel_loop3A_145 = tpu.vector_load %arg4[%parallel_loop3A_143, %parallel_loop3A_144] {strides = array<i32>} : memref<64x128xf32, #tpu.memory_space<vmem>>, vector<16xf32>,
        tpu.vector_store_idx %arg6[%add3A_7, %parallel_loop3A_139], %parallel_loop3A_145 : memref<128x65xf32, #tpu.memory_space<vmem>>[vector<16xi32>, vector<16xi32>], vector<16xf32>,
        %parallel_loop3A_146 = arith.index_cast %parallel_loop3A_138 : i32 to index
        %parallel_loop3A_147 = arith.constant 32 : index
        %parallel_loop3A_148 = tpu.vector_load %arg4[%parallel_loop3A_146, %parallel_loop3A_147] {strides = array<i32>} : memref<64x128xf32, #tpu.memory_space<vmem>>, vector<16xf32>,
        tpu.vector_store_idx %arg6[%add3A_11, %parallel_loop3A_139], %parallel_loop3A_148 : memref<128x65xf32, #tpu.memory_space<vmem>>[vector<16xi32>, vector<16xi32>], vector<16xf32>,
        %parallel_loop3A_149 = arith.index_cast %parallel_loop3A_138 : i32 to index
        %parallel_loop3A_150 = arith.constant 48 : index
        %parallel_loop3A_151 = tpu.vector_load %arg4[%parallel_loop3A_149, %parallel_loop3A_150] {strides = array<i32>} : memref<64x128xf32, #tpu.memory_space<vmem>>, vector<16xf32>,
        tpu.vector_store_idx %arg6[%add3A_15, %parallel_loop3A_139], %parallel_loop3A_151 : memref<128x65xf32, #tpu.memory_space<vmem>>[vector<16xi32>, vector<16xi32>], vector<16xf32>,
        %parallel_loop3A_152 = arith.index_cast %parallel_loop3A_138 : i32 to index
        %parallel_loop3A_153 = arith.constant 64 : index
        %parallel_loop3A_154 = tpu.vector_load %arg4[%parallel_loop3A_152, %parallel_loop3A_153] {strides = array<i32>} : memref<64x128xf32, #tpu.memory_space<vmem>>, vector<16xf32>,
        tpu.vector_store_idx %arg6[%add3A_19, %parallel_loop3A_139], %parallel_loop3A_154 : memref<128x65xf32, #tpu.memory_space<vmem>>[vector<16xi32>, vector<16xi32>], vector<16xf32>,
        %parallel_loop3A_155 = arith.index_cast %parallel_loop3A_138 : i32 to index
        %parallel_loop3A_156 = arith.constant 80 : index
        %parallel_loop3A_157 = tpu.vector_load %arg4[%parallel_loop3A_155, %parallel_loop3A_156] {strides = array<i32>} : memref<64x128xf32, #tpu.memory_space<vmem>>, vector<16xf32>,
        tpu.vector_store_idx %arg6[%add3A_23, %parallel_loop3A_139], %parallel_loop3A_157 : memref<128x65xf32, #tpu.memory_space<vmem>>[vector<16xi32>, vector<16xi32>], vector<16xf32>,
        %parallel_loop3A_158 = arith.index_cast %parallel_loop3A_138 : i32 to index
        %parallel_loop3A_159 = arith.constant 96 : index
        %parallel_loop3A_160 = tpu.vector_load %arg4[%parallel_loop3A_158, %parallel_loop3A_159] {strides = array<i32>} : memref<64x128xf32, #tpu.memory_space<vmem>>, vector<16xf32>,
        tpu.vector_store_idx %arg6[%add3A_27, %parallel_loop3A_139], %parallel_loop3A_160 : memref<128x65xf32, #tpu.memory_space<vmem>>[vector<16xi32>, vector<16xi32>], vector<16xf32>,
        %parallel_loop3A_161 = arith.index_cast %parallel_loop3A_138 : i32 to index
        %parallel_loop3A_162 = arith.constant 112 : index
        %parallel_loop3A_163 = tpu.vector_load %arg4[%parallel_loop3A_161, %parallel_loop3A_162] {strides = array<i32>} : memref<64x128xf32, #tpu.memory_space<vmem>>, vector<16xf32>,
        tpu.vector_store_idx %arg6[%add3A_31, %parallel_loop3A_139], %parallel_loop3A_163 : memref<128x65xf32, #tpu.memory_space<vmem>>[vector<16xi32>, vector<16xi32>], vector<16xf32>,
      } {sc.loop_unroll_factor = 8 : i64, sc.parallel_access}
      %lt3A_91 = arith.constant 7813 : i32
      %lt3A_92 = arith.cmpi slt, %add3A_80, %lt3A_91 : i32
      %convert_element_type3A_93 = arith.extui %lt3A_92 : i1 to i32
      %cond3A_94 = arith.constant 0 : i32
      %cond3A_95 = arith.cmpi ne, %convert_element_type3A_93, %cond3A_94 : i32
      scf.if %cond3A_95 {
        %mul3A_138 = arith.constant 128 : i32
        %mul3A_139 = arith.muli %add3A_80, %mul3A_138 : i32
        %dma_start3A_140 = arith.constant 0 : i32
        %dma_start3A_141 = arith.constant 0 : i32
        %dma_start3A_142 = tpu.memref_slice %arg6[%dma_start3A_140, %dma_start3A_141] : memref<128x65xf32, #tpu.memory_space<vmem>> -> memref<128x64xf32, #tpu.memory_space<vmem>>
        %dma_start3A_143 = arith.constant 0 : i32
        %dma_start3A_144 = tpu.memref_slice %arg3[%mul3A_139, %dma_start3A_143] : memref<1000064x64xf32, #tpu.memory_space<hbm>> -> memref<128x64xf32, #tpu.memory_space<hbm>>
        %dma_start3A_145 = arith.constant 0 : i32
        %dma_start3A_146 = tpu.memref_slice %arg3[%mul3A_139, %dma_start3A_145] : memref<1000064x64xf32, #tpu.memory_space<hbm>> -> memref<128x64xf32, #tpu.memory_space<hbm>>
        %dma_start3A_147 = arith.constant 0 : i32
        %dma_start3A_148 = arith.constant 0 : i32
        %dma_start3A_149 = tpu.memref_slice %arg6[%dma_start3A_147, %dma_start3A_148] : memref<128x65xf32, #tpu.memory_space<vmem>> -> memref<128x64xf32, #tpu.memory_space<vmem>>
        tpu.enqueue_dma source(%dma_start3A_149 : memref<128x64xf32, #tpu.memory_space<vmem>>) target(%dma_start3A_146 : memref<128x64xf32, #tpu.memory_space<hbm>>) target_semaphore(%arg10 : memref<!tpu.dma_semaphore, #tpu.memory_space<semaphore_mem>>)
      } else {
      }
      %add3A_96 = arith.constant 64 : i32
      %add3A_97 = arith.addi %add3A_80, %add3A_96 : i32
      %lt3A_98 = arith.constant 7813 : i32
      %lt3A_99 = arith.cmpi slt, %add3A_97, %lt3A_98 : i32
      %convert_element_type3A_100 = arith.extui %lt3A_99 : i1 to i32
      %cond3A_101 = arith.constant 0 : i32
      %cond3A_102 = arith.cmpi ne, %convert_element_type3A_100, %cond3A_101 : i32
      scf.if %cond3A_102 {
        %add3A_138 = arith.constant 64 : i32
        %add3A_139 = arith.addi %add3A_80, %add3A_138 : i32
        %mul3A_140 = arith.constant 64 : i32
        %mul3A_141 = arith.muli %add3A_139, %mul3A_140 : i32
        %dma_start3A_142 = arith.constant 0 : i32
        %dma_start3A_143 = tpu.memref_slice %arg2[%mul3A_141, %dma_start3A_142] : memref<500032x128xf32, #tpu.memory_space<hbm>> -> memref<64x128xf32, #tpu.memory_space<hbm>>
        %dma_start3A_144 = arith.constant 0 : i32
        %dma_start3A_145 = tpu.memref_slice %arg2[%mul3A_141, %dma_start3A_144] : memref<500032x128xf32, #tpu.memory_space<hbm>> -> memref<64x128xf32, #tpu.memory_space<hbm>>
        tpu.enqueue_dma source(%dma_start3A_145 : memref<64x128xf32, #tpu.memory_space<hbm>>) target(%arg4 : memref<64x128xf32, #tpu.memory_space<vmem>>) target_semaphore(%arg8 : memref<!tpu.dma_semaphore, #tpu.memory_space<semaphore_mem>>)
      } else {
      }
      %mul3A_103 = arith.constant 2 : i32
      %mul3A_104 = arith.muli %scan3A_73, %mul3A_103 : i32
      %add3A_105 = arith.constant 1 : i32
      %add3A_106 = arith.addi %mul3A_104, %add3A_105 : i32
      %mul3A_107 = arith.constant 32 : i32
      %mul3A_108 = arith.muli %mul3A_107, %add3A_106 : i32
      %add3A_109 = arith.addi %add3A, %mul3A_108 : i32
      %lt3A_110 = arith.constant 7813 : i32
      %lt3A_111 = arith.cmpi slt, %add3A_109, %lt3A_110 : i32
      %convert_element_type3A_112 = arith.extui %lt3A_111 : i1 to i32
      %cond3A_113 = arith.constant 0 : i32
      %cond3A_114 = arith.cmpi ne, %convert_element_type3A_112, %cond3A_113 : i32
      scf.if %cond3A_114 {
        %dma_wait3A_138 = arith.constant 0 : i32
        %dma_wait3A_139 = arith.constant 0 : i32
        %dma_wait3A_140 = tpu.memref_slice %arg2[%dma_wait3A_138, %dma_wait3A_139] : memref<500032x128xf32, #tpu.memory_space<hbm>> -> memref<64x128xf32, #tpu.memory_space<hbm>>
        %dma_wait3A_141 = arith.constant 0 : i32
        %dma_wait3A_142 = arith.constant 0 : i32
        %dma_wait3A_143 = tpu.memref_slice %arg2[%dma_wait3A_141, %dma_wait3A_142] : memref<500032x128xf32, #tpu.memory_space<hbm>> -> memref<64x128xf32, #tpu.memory_space<hbm>>
        tpu.wait_dma2 semaphore(%arg9 : memref<!tpu.dma_semaphore, #tpu.memory_space<semaphore_mem>>) src(%dma_wait3A_143 : memref<64x128xf32, #tpu.memory_space<hbm>>) dst(%arg5 : memref<64x128xf32, #tpu.memory_space<vmem>>)
      } else {
      }
      %ge3A_115 = arith.constant 2 : i32
      %ge3A_116 = arith.cmpi sge, %add3A_106, %ge3A_115 : i32
      %lt3A_117 = arith.constant 7813 : i32
      %lt3A_118 = arith.cmpi slt, %add3A_109, %lt3A_117 : i32
      %and3A_119 = arith.andi %ge3A_116, %lt3A_118 : i1
      %convert_element_type3A_120 = arith.extui %and3A_119 : i1 to i32
      %cond3A_121 = arith.constant 0 : i32
      %cond3A_122 = arith.cmpi ne, %convert_element_type3A_120, %cond3A_121 : i32
      scf.if %cond3A_122 {
        %dma_wait3A_138 = arith.constant 0 : i32
        %dma_wait3A_139 = arith.constant 0 : i32
        %dma_wait3A_140 = tpu.memref_slice %arg7[%dma_wait3A_138, %dma_wait3A_139] : memref<128x65xf32, #tpu.memory_space<vmem>> -> memref<128x64xf32, #tpu.memory_space<vmem>>
        %dma_wait3A_141 = arith.constant 0 : i32
        %dma_wait3A_142 = arith.constant 0 : i32
        %dma_wait3A_143 = tpu.memref_slice %arg3[%dma_wait3A_141, %dma_wait3A_142] : memref<1000064x64xf32, #tpu.memory_space<hbm>> -> memref<128x64xf32, #tpu.memory_space<hbm>>
        %dma_wait3A_144 = arith.constant 0 : i32
        %dma_wait3A_145 = arith.constant 0 : i32
        %dma_wait3A_146 = tpu.memref_slice %arg3[%dma_wait3A_144, %dma_wait3A_145] : memref<1000064x64xf32, #tpu.memory_space<hbm>> -> memref<128x64xf32, #tpu.memory_space<hbm>>
        %dma_wait3A_147 = arith.constant 0 : i32
        %dma_wait3A_148 = arith.constant 0 : i32
        %dma_wait3A_149 = tpu.memref_slice %arg7[%dma_wait3A_147, %dma_wait3A_148] : memref<128x65xf32, #tpu.memory_space<vmem>> -> memref<128x64xf32, #tpu.memory_space<vmem>>
        tpu.wait_dma2 semaphore(%arg11 : memref<!tpu.dma_semaphore, #tpu.memory_space<semaphore_mem>>) src(%dma_wait3A_149 : memref<128x64xf32, #tpu.memory_space<vmem>>) dst(%dma_wait3A_146 : memref<128x64xf32, #tpu.memory_space<hbm>>)
      } else {
      }
      %parallel_loop3A_123 = arith.constant 0 : i32
      %parallel_loop3A_124 = arith.constant 64 : i32
      %parallel_loop3A_125 = arith.constant 1 : i32
      scf.for %parallel_loop3A_138 = %parallel_loop3A_123 to %parallel_loop3A_124 step %parallel_loop3A_125  : i32 {
        %parallel_loop3A_139 = vector.broadcast %parallel_loop3A_138 : i32 to vector<16xi32>
        %parallel_loop3A_140 = arith.index_cast %parallel_loop3A_138 : i32 to index
        %parallel_loop3A_141 = arith.constant 0 : index
        %parallel_loop3A_142 = tpu.vector_load %arg5[%parallel_loop3A_140, %parallel_loop3A_141] {strides = array<i32>} : memref<64x128xf32, #tpu.memory_space<vmem>>, vector<16xf32>,
        tpu.vector_store_idx %arg7[%add3A_3, %parallel_loop3A_139], %parallel_loop3A_142 : memref<128x65xf32, #tpu.memory_space<vmem>>[vector<16xi32>, vector<16xi32>], vector<16xf32>,
        %parallel_loop3A_143 = arith.index_cast %parallel_loop3A_138 : i32 to index
        %parallel_loop3A_144 = arith.constant 16 : index
        %parallel_loop3A_145 = tpu.vector_load %arg5[%parallel_loop3A_143, %parallel_loop3A_144] {strides = array<i32>} : memref<64x128xf32, #tpu.memory_space<vmem>>, vector<16xf32>,
        tpu.vector_store_idx %arg7[%add3A_7, %parallel_loop3A_139], %parallel_loop3A_145 : memref<128x65xf32, #tpu.memory_space<vmem>>[vector<16xi32>, vector<16xi32>], vector<16xf32>,
        %parallel_loop3A_146 = arith.index_cast %parallel_loop3A_138 : i32 to index
        %parallel_loop3A_147 = arith.constant 32 : index
        %parallel_loop3A_148 = tpu.vector_load %arg5[%parallel_loop3A_146, %parallel_loop3A_147] {strides = array<i32>} : memref<64x128xf32, #tpu.memory_space<vmem>>, vector<16xf32>,
        tpu.vector_store_idx %arg7[%add3A_11, %parallel_loop3A_139], %parallel_loop3A_148 : memref<128x65xf32, #tpu.memory_space<vmem>>[vector<16xi32>, vector<16xi32>], vector<16xf32>,
        %parallel_loop3A_149 = arith.index_cast %parallel_loop3A_138 : i32 to index
        %parallel_loop3A_150 = arith.constant 48 : index
        %parallel_loop3A_151 = tpu.vector_load %arg5[%parallel_loop3A_149, %parallel_loop3A_150] {strides = array<i32>} : memref<64x128xf32, #tpu.memory_space<vmem>>, vector<16xf32>,
        tpu.vector_store_idx %arg7[%add3A_15, %parallel_loop3A_139], %parallel_loop3A_151 : memref<128x65xf32, #tpu.memory_space<vmem>>[vector<16xi32>, vector<16xi32>], vector<16xf32>,
        %parallel_loop3A_152 = arith.index_cast %parallel_loop3A_138 : i32 to index
        %parallel_loop3A_153 = arith.constant 64 : index
        %parallel_loop3A_154 = tpu.vector_load %arg5[%parallel_loop3A_152, %parallel_loop3A_153] {strides = array<i32>} : memref<64x128xf32, #tpu.memory_space<vmem>>, vector<16xf32>,
        tpu.vector_store_idx %arg7[%add3A_19, %parallel_loop3A_139], %parallel_loop3A_154 : memref<128x65xf32, #tpu.memory_space<vmem>>[vector<16xi32>, vector<16xi32>], vector<16xf32>,
        %parallel_loop3A_155 = arith.index_cast %parallel_loop3A_138 : i32 to index
        %parallel_loop3A_156 = arith.constant 80 : index
        %parallel_loop3A_157 = tpu.vector_load %arg5[%parallel_loop3A_155, %parallel_loop3A_156] {strides = array<i32>} : memref<64x128xf32, #tpu.memory_space<vmem>>, vector<16xf32>,
        tpu.vector_store_idx %arg7[%add3A_23, %parallel_loop3A_139], %parallel_loop3A_157 : memref<128x65xf32, #tpu.memory_space<vmem>>[vector<16xi32>, vector<16xi32>], vector<16xf32>,
        %parallel_loop3A_158 = arith.index_cast %parallel_loop3A_138 : i32 to index
        %parallel_loop3A_159 = arith.constant 96 : index
        %parallel_loop3A_160 = tpu.vector_load %arg5[%parallel_loop3A_158, %parallel_loop3A_159] {strides = array<i32>} : memref<64x128xf32, #tpu.memory_space<vmem>>, vector<16xf32>,
        tpu.vector_store_idx %arg7[%add3A_27, %parallel_loop3A_139], %parallel_loop3A_160 : memref<128x65xf32, #tpu.memory_space<vmem>>[vector<16xi32>, vector<16xi32>], vector<16xf32>,
        %parallel_loop3A_161 = arith.index_cast %parallel_loop3A_138 : i32 to index
        %parallel_loop3A_162 = arith.constant 112 : index
        %parallel_loop3A_163 = tpu.vector_load %arg5[%parallel_loop3A_161, %parallel_loop3A_162] {strides = array<i32>} : memref<64x128xf32, #tpu.memory_space<vmem>>, vector<16xf32>,
        tpu.vector_store_idx %arg7[%add3A_31, %parallel_loop3A_139], %parallel_loop3A_163 : memref<128x65xf32, #tpu.memory_space<vmem>>[vector<16xi32>, vector<16xi32>], vector<16xf32>,
      } {sc.loop_unroll_factor = 8 : i64, sc.parallel_access}
      %lt3A_126 = arith.constant 7813 : i32
      %lt3A_127 = arith.cmpi slt, %add3A_109, %lt3A_126 : i32
      %convert_element_type3A_128 = arith.extui %lt3A_127 : i1 to i32
      %cond3A_129 = arith.constant 0 : i32
      %cond3A_130 = arith.cmpi ne, %convert_element_type3A_128, %cond3A_129 : i32
      scf.if %cond3A_130 {
        %mul3A_138 = arith.constant 128 : i32
        %mul3A_139 = arith.muli %add3A_109, %mul3A_138 : i32
        %dma_start3A_140 = arith.constant 0 : i32
        %dma_start3A_141 = arith.constant 0 : i32
        %dma_start3A_142 = tpu.memref_slice %arg7[%dma_start3A_140, %dma_start3A_141] : memref<128x65xf32, #tpu.memory_space<vmem>> -> memref<128x64xf32, #tpu.memory_space<vmem>>
        %dma_start3A_143 = arith.constant 0 : i32
        %dma_start3A_144 = tpu.memref_slice %arg3[%mul3A_139, %dma_start3A_143] : memref<1000064x64xf32, #tpu.memory_space<hbm>> -> memref<128x64xf32, #tpu.memory_space<hbm>>
        %dma_start3A_145 = arith.constant 0 : i32
        %dma_start3A_146 = tpu.memref_slice %arg3[%mul3A_139, %dma_start3A_145] : memref<1000064x64xf32, #tpu.memory_space<hbm>> -> memref<128x64xf32, #tpu.memory_space<hbm>>
        %dma_start3A_147 = arith.constant 0 : i32
        %dma_start3A_148 = arith.constant 0 : i32
        %dma_start3A_149 = tpu.memref_slice %arg7[%dma_start3A_147, %dma_start3A_148] : memref<128x65xf32, #tpu.memory_space<vmem>> -> memref<128x64xf32, #tpu.memory_space<vmem>>
        tpu.enqueue_dma source(%dma_start3A_149 : memref<128x64xf32, #tpu.memory_space<vmem>>) target(%dma_start3A_146 : memref<128x64xf32, #tpu.memory_space<hbm>>) target_semaphore(%arg11 : memref<!tpu.dma_semaphore, #tpu.memory_space<semaphore_mem>>)
      } else {
      }
      %add3A_131 = arith.constant 64 : i32
      %add3A_132 = arith.addi %add3A_109, %add3A_131 : i32
      %lt3A_133 = arith.constant 7813 : i32
      %lt3A_134 = arith.cmpi slt, %add3A_132, %lt3A_133 : i32
      %convert_element_type3A_135 = arith.extui %lt3A_134 : i1 to i32
      %cond3A_136 = arith.constant 0 : i32
      %cond3A_137 = arith.cmpi ne, %convert_element_type3A_135, %cond3A_136 : i32
      scf.if %cond3A_137 {
        %add3A_138 = arith.constant 64 : i32
        %add3A_139 = arith.addi %add3A_109, %add3A_138 : i32
        %mul3A_140 = arith.constant 64 : i32
        %mul3A_141 = arith.muli %add3A_139, %mul3A_140 : i32
        %dma_start3A_142 = arith.constant 0 : i32
        %dma_start3A_143 = tpu.memref_slice %arg2[%mul3A_141, %dma_start3A_142] : memref<500032x128xf32, #tpu.memory_space<hbm>> -> memref<64x128xf32, #tpu.memory_space<hbm>>
        %dma_start3A_144 = arith.constant 0 : i32
        %dma_start3A_145 = tpu.memref_slice %arg2[%mul3A_141, %dma_start3A_144] : memref<500032x128xf32, #tpu.memory_space<hbm>> -> memref<64x128xf32, #tpu.memory_space<hbm>>
        tpu.enqueue_dma source(%dma_start3A_145 : memref<64x128xf32, #tpu.memory_space<hbm>>) target(%arg5 : memref<64x128xf32, #tpu.memory_space<vmem>>) target_semaphore(%arg9 : memref<!tpu.dma_semaphore, #tpu.memory_space<semaphore_mem>>)
      } else {
      }
    }
    %scan3A_49 = arith.constant 123 : i32
    %dma_wait3A = arith.constant 0 : i32
    %dma_wait3A_50 = arith.constant 0 : i32
    %dma_wait3A_51 = tpu.memref_slice %arg6[%dma_wait3A, %dma_wait3A_50] : memref<128x65xf32, #tpu.memory_space<vmem>> -> memref<128x64xf32, #tpu.memory_space<vmem>>
    %dma_wait3A_52 = arith.constant 0 : i32
    %dma_wait3A_53 = arith.constant 0 : i32
    %dma_wait3A_54 = tpu.memref_slice %arg3[%dma_wait3A_52, %dma_wait3A_53] : memref<1000064x64xf32, #tpu.memory_space<hbm>> -> memref<128x64xf32, #tpu.memory_space<hbm>>
    %dma_wait3A_55 = arith.constant 0 : i32
    %dma_wait3A_56 = arith.constant 0 : i32
    %dma_wait3A_57 = tpu.memref_slice %arg3[%dma_wait3A_55, %dma_wait3A_56] : memref<1000064x64xf32, #tpu.memory_space<hbm>> -> memref<128x64xf32, #tpu.memory_space<hbm>>
    %dma_wait3A_58 = arith.constant 0 : i32
    %dma_wait3A_59 = arith.constant 0 : i32
    %dma_wait3A_60 = tpu.memref_slice %arg6[%dma_wait3A_58, %dma_wait3A_59] : memref<128x65xf32, #tpu.memory_space<vmem>> -> memref<128x64xf32, #tpu.memory_space<vmem>>
    tpu.wait_dma2 semaphore(%arg10 : memref<!tpu.dma_semaphore, #tpu.memory_space<semaphore_mem>>) src(%dma_wait3A_60 : memref<128x64xf32, #tpu.memory_space<vmem>>) dst(%dma_wait3A_57 : memref<128x64xf32, #tpu.memory_space<hbm>>)
    %dma_wait3A_61 = arith.constant 0 : i32
    %dma_wait3A_62 = arith.constant 0 : i32
    %dma_wait3A_63 = tpu.memref_slice %arg7[%dma_wait3A_61, %dma_wait3A_62] : memref<128x65xf32, #tpu.memory_space<vmem>> -> memref<128x64xf32, #tpu.memory_space<vmem>>
    %dma_wait3A_64 = arith.constant 0 : i32
    %dma_wait3A_65 = arith.constant 0 : i32
    %dma_wait3A_66 = tpu.memref_slice %arg3[%dma_wait3A_64, %dma_wait3A_65] : memref<1000064x64xf32, #tpu.memory_space<hbm>> -> memref<128x64xf32, #tpu.memory_space<hbm>>
    %dma_wait3A_67 = arith.constant 0 : i32
    %dma_wait3A_68 = arith.constant 0 : i32
    %dma_wait3A_69 = tpu.memref_slice %arg3[%dma_wait3A_67, %dma_wait3A_68] : memref<1000064x64xf32, #tpu.memory_space<hbm>> -> memref<128x64xf32, #tpu.memory_space<hbm>>
    %dma_wait3A_70 = arith.constant 0 : i32
    %dma_wait3A_71 = arith.constant 0 : i32
    %dma_wait3A_72 = tpu.memref_slice %arg7[%dma_wait3A_70, %dma_wait3A_71] : memref<128x65xf32, #tpu.memory_space<vmem>> -> memref<128x64xf32, #tpu.memory_space<vmem>>
    tpu.wait_dma2 semaphore(%arg11 : memref<!tpu.dma_semaphore, #tpu.memory_space<semaphore_mem>>) src(%dma_wait3A_72 : memref<128x64xf32, #tpu.memory_space<vmem>>) dst(%dma_wait3A_69 : memref<128x64xf32, #tpu.memory_space<hbm>>)
    return
  }
}

#map = affine_map<(d0, d1) -> (0, 0)>
module attributes {stable_mosaic.version = 14 : i64} {
  func.func @detile(%arg0: i32, %arg1: i32, %arg2: memref<64x1000000xf32, #tpu.memory_space<hbm>>, %arg3: memref<64x128xf32, #tpu.memory_space<hbm>>, %arg4: memref<500032x128xf32, #tpu.memory_space<hbm>>, %arg5: memref<64x128xf32, #tpu.memory_space<vmem>>, %arg6: memref<64x128xf32, #tpu.memory_space<vmem>>, %arg7: memref<!tpu.dma_semaphore, #tpu.memory_space<semaphore_mem>>, %arg8: memref<!tpu.dma_semaphore, #tpu.memory_space<semaphore_mem>>, %arg9: memref<!tpu.dma_semaphore, #tpu.memory_space<semaphore_mem>>, %arg10: memref<!tpu.dma_semaphore, #tpu.memory_space<semaphore_mem>>) attributes {dimension_semantics = [#tpu.dimension_semantics<core_parallel>, #tpu.dimension_semantics<subcore_parallel>], iteration_bounds = array<i64: 2, 16>, scalar_prefetch = 0 : i64, scratch_operands = 6 : i64, tpu.core_type = #tpu.core_type<sc_vector_subcore>, window_params = [{transform_indices = #map}, {transform_indices = #map}, {transform_indices = #map}]} {
    %mul3A = arith.constant 2 : i32
    %mul3A_0 = arith.muli %arg1, %mul3A : i32
    %add3A = arith.addi %mul3A_0, %arg0 : i32
    %lt3A = arith.constant 7812 : i32
    %lt3A_1 = arith.cmpi slt, %add3A, %lt3A : i32
    %convert_element_type3A = arith.extui %lt3A_1 : i1 to i32
    %cond3A = arith.constant 0 : i32
    %cond3A_2 = arith.cmpi ne, %convert_element_type3A, %cond3A : i32
    scf.if %cond3A_2 {
      %mul3A_24 = arith.constant 128 : i32
      %mul3A_25 = arith.muli %add3A, %mul3A_24 : i32
      %dma_start3A = arith.constant 0 : i32
      %dma_start3A_26 = tpu.memref_slice %arg2[%dma_start3A, %mul3A_25] : memref<64x1000000xf32, #tpu.memory_space<hbm>> -> memref<64x128xf32, #tpu.memory_space<hbm>>
      %dma_start3A_27 = arith.constant 0 : i32
      %dma_start3A_28 = tpu.memref_slice %arg2[%dma_start3A_27, %mul3A_25] : memref<64x1000000xf32, #tpu.memory_space<hbm>> -> memref<64x128xf32, #tpu.memory_space<hbm>>
      tpu.enqueue_dma source(%dma_start3A_28 : memref<64x128xf32, #tpu.memory_space<hbm>>) target(%arg5 : memref<64x128xf32, #tpu.memory_space<vmem>>) target_semaphore(%arg7 : memref<!tpu.dma_semaphore, #tpu.memory_space<semaphore_mem>>)
    } else {
    }
    %eq3A = arith.constant 7812 : i32
    %eq3A_3 = arith.cmpi eq, %add3A, %eq3A : i32
    %convert_element_type3A_4 = arith.extui %eq3A_3 : i1 to i32
    %cond3A_5 = arith.constant 0 : i32
    %cond3A_6 = arith.cmpi ne, %convert_element_type3A_4, %cond3A_5 : i32
    scf.if %cond3A_6 {
      tpu.enqueue_dma source(%arg3 : memref<64x128xf32, #tpu.memory_space<hbm>>) target(%arg5 : memref<64x128xf32, #tpu.memory_space<vmem>>) target_semaphore(%arg7 : memref<!tpu.dma_semaphore, #tpu.memory_space<semaphore_mem>>)
    } else {
    }
    %add3A_7 = arith.constant 32 : i32
    %add3A_8 = arith.addi %add3A, %add3A_7 : i32
    %lt3A_9 = arith.constant 7812 : i32
    %lt3A_10 = arith.cmpi slt, %add3A_8, %lt3A_9 : i32
    %convert_element_type3A_11 = arith.extui %lt3A_10 : i1 to i32
    %cond3A_12 = arith.constant 0 : i32
    %cond3A_13 = arith.cmpi ne, %convert_element_type3A_11, %cond3A_12 : i32
    scf.if %cond3A_13 {
      %mul3A_24 = arith.constant 128 : i32
      %mul3A_25 = arith.muli %add3A_8, %mul3A_24 : i32
      %dma_start3A = arith.constant 0 : i32
      %dma_start3A_26 = tpu.memref_slice %arg2[%dma_start3A, %mul3A_25] : memref<64x1000000xf32, #tpu.memory_space<hbm>> -> memref<64x128xf32, #tpu.memory_space<hbm>>
      %dma_start3A_27 = arith.constant 0 : i32
      %dma_start3A_28 = tpu.memref_slice %arg2[%dma_start3A_27, %mul3A_25] : memref<64x1000000xf32, #tpu.memory_space<hbm>> -> memref<64x128xf32, #tpu.memory_space<hbm>>
      tpu.enqueue_dma source(%dma_start3A_28 : memref<64x128xf32, #tpu.memory_space<hbm>>) target(%arg6 : memref<64x128xf32, #tpu.memory_space<vmem>>) target_semaphore(%arg8 : memref<!tpu.dma_semaphore, #tpu.memory_space<semaphore_mem>>)
    } else {
    }
    %eq3A_14 = arith.constant 7812 : i32
    %eq3A_15 = arith.cmpi eq, %add3A_8, %eq3A_14 : i32
    %convert_element_type3A_16 = arith.extui %eq3A_15 : i1 to i32
    %cond3A_17 = arith.constant 0 : i32
    %cond3A_18 = arith.cmpi ne, %convert_element_type3A_16, %cond3A_17 : i32
    scf.if %cond3A_18 {
      tpu.enqueue_dma source(%arg3 : memref<64x128xf32, #tpu.memory_space<hbm>>) target(%arg6 : memref<64x128xf32, #tpu.memory_space<vmem>>) target_semaphore(%arg8 : memref<!tpu.dma_semaphore, #tpu.memory_space<semaphore_mem>>)
    } else {
    }
    %scan3A = arith.constant 0 : i32
    %scan3A_19 = arith.constant 0 : i32
    %scan3A_20 = arith.constant 123 : i32
    %scan3A_21 = arith.addi %scan3A_19, %scan3A_20 : i32
    %scan3A_22 = arith.constant 1 : i32
    scf.for %scan3A_24 = %scan3A_19 to %scan3A_21 step %scan3A_22  : i32 {
      %mul3A_25 = arith.constant 2 : i32
      %mul3A_26 = arith.muli %scan3A_24, %mul3A_25 : i32
      %add3A_27 = arith.constant 0 : i32
      %add3A_28 = arith.addi %mul3A_26, %add3A_27 : i32
      %mul3A_29 = arith.constant 32 : i32
      %mul3A_30 = arith.muli %mul3A_29, %add3A_28 : i32
      %add3A_31 = arith.addi %add3A, %mul3A_30 : i32
      %lt3A_32 = arith.constant 7813 : i32
      %lt3A_33 = arith.cmpi slt, %add3A_31, %lt3A_32 : i32
      %convert_element_type3A_34 = arith.extui %lt3A_33 : i1 to i32
      %cond3A_35 = arith.constant 0 : i32
      %cond3A_36 = arith.cmpi ne, %convert_element_type3A_34, %cond3A_35 : i32
      scf.if %cond3A_36 {
        %dma_wait3A = arith.constant 0 : i32
        %dma_wait3A_63 = arith.constant 0 : i32
        %dma_wait3A_64 = tpu.memref_slice %arg2[%dma_wait3A, %dma_wait3A_63] : memref<64x1000000xf32, #tpu.memory_space<hbm>> -> memref<64x128xf32, #tpu.memory_space<hbm>>
        %dma_wait3A_65 = arith.constant 0 : i32
        %dma_wait3A_66 = arith.constant 0 : i32
        %dma_wait3A_67 = tpu.memref_slice %arg2[%dma_wait3A_65, %dma_wait3A_66] : memref<64x1000000xf32, #tpu.memory_space<hbm>> -> memref<64x128xf32, #tpu.memory_space<hbm>>
        tpu.wait_dma2 semaphore(%arg7 : memref<!tpu.dma_semaphore, #tpu.memory_space<semaphore_mem>>) src(%dma_wait3A_67 : memref<64x128xf32, #tpu.memory_space<hbm>>) dst(%arg5 : memref<64x128xf32, #tpu.memory_space<vmem>>)
        %mul3A_68 = arith.constant 64 : i32
        %mul3A_69 = arith.muli %add3A_31, %mul3A_68 : i32
        "tpu.region"() ({
          %run_scoped3A = tpu.sem_alloc : memref<!tpu.dma_semaphore, #tpu.memory_space<semaphore_mem>>
          %dma_start3A = arith.constant 0 : i32
          %dma_start3A_70 = tpu.memref_slice %arg4[%mul3A_69, %dma_start3A] : memref<500032x128xf32, #tpu.memory_space<hbm>> -> memref<64x128xf32, #tpu.memory_space<hbm>>
          %dma_start3A_71 = arith.constant 0 : i32
          %dma_start3A_72 = tpu.memref_slice %arg4[%mul3A_69, %dma_start3A_71] : memref<500032x128xf32, #tpu.memory_space<hbm>> -> memref<64x128xf32, #tpu.memory_space<hbm>>
          tpu.enqueue_dma source(%arg5 : memref<64x128xf32, #tpu.memory_space<vmem>>) target(%dma_start3A_72 : memref<64x128xf32, #tpu.memory_space<hbm>>) target_semaphore(%run_scoped3A : memref<!tpu.dma_semaphore, #tpu.memory_space<semaphore_mem>>)
          %dma_wait3A_73 = arith.constant 0 : i32
          %dma_wait3A_74 = tpu.memref_slice %arg4[%mul3A_69, %dma_wait3A_73] : memref<500032x128xf32, #tpu.memory_space<hbm>> -> memref<64x128xf32, #tpu.memory_space<hbm>>
          %dma_wait3A_75 = arith.constant 0 : i32
          %dma_wait3A_76 = tpu.memref_slice %arg4[%mul3A_69, %dma_wait3A_75] : memref<500032x128xf32, #tpu.memory_space<hbm>> -> memref<64x128xf32, #tpu.memory_space<hbm>>
          tpu.wait_dma2 semaphore(%run_scoped3A : memref<!tpu.dma_semaphore, #tpu.memory_space<semaphore_mem>>) src(%arg5 : memref<64x128xf32, #tpu.memory_space<vmem>>) dst(%dma_wait3A_76 : memref<64x128xf32, #tpu.memory_space<hbm>>)
          tpu.yield
        }) : () -> ()
      } else {
      }
      %add3A_37 = arith.constant 64 : i32
      %add3A_38 = arith.addi %add3A_31, %add3A_37 : i32
      %lt3A_39 = arith.constant 7813 : i32
      %lt3A_40 = arith.cmpi slt, %add3A_38, %lt3A_39 : i32
      %convert_element_type3A_41 = arith.extui %lt3A_40 : i1 to i32
      %cond3A_42 = arith.constant 0 : i32
      %cond3A_43 = arith.cmpi ne, %convert_element_type3A_41, %cond3A_42 : i32
      scf.if %cond3A_43 {
        %add3A_63 = arith.constant 64 : i32
        %add3A_64 = arith.addi %add3A_31, %add3A_63 : i32
        %lt3A_65 = arith.constant 7812 : i32
        %lt3A_66 = arith.cmpi slt, %add3A_64, %lt3A_65 : i32
        %convert_element_type3A_67 = arith.extui %lt3A_66 : i1 to i32
        %cond3A_68 = arith.constant 0 : i32
        %cond3A_69 = arith.cmpi ne, %convert_element_type3A_67, %cond3A_68 : i32
        scf.if %cond3A_69 {
          %mul3A_75 = arith.constant 128 : i32
          %mul3A_76 = arith.muli %add3A_64, %mul3A_75 : i32
          %dma_start3A = arith.constant 0 : i32
          %dma_start3A_77 = tpu.memref_slice %arg2[%dma_start3A, %mul3A_76] : memref<64x1000000xf32, #tpu.memory_space<hbm>> -> memref<64x128xf32, #tpu.memory_space<hbm>>
          %dma_start3A_78 = arith.constant 0 : i32
          %dma_start3A_79 = tpu.memref_slice %arg2[%dma_start3A_78, %mul3A_76] : memref<64x1000000xf32, #tpu.memory_space<hbm>> -> memref<64x128xf32, #tpu.memory_space<hbm>>
          tpu.enqueue_dma source(%dma_start3A_79 : memref<64x128xf32, #tpu.memory_space<hbm>>) target(%arg5 : memref<64x128xf32, #tpu.memory_space<vmem>>) target_semaphore(%arg7 : memref<!tpu.dma_semaphore, #tpu.memory_space<semaphore_mem>>)
        } else {
        }
        %eq3A_70 = arith.constant 7812 : i32
        %eq3A_71 = arith.cmpi eq, %add3A_64, %eq3A_70 : i32
        %convert_element_type3A_72 = arith.extui %eq3A_71 : i1 to i32
        %cond3A_73 = arith.constant 0 : i32
        %cond3A_74 = arith.cmpi ne, %convert_element_type3A_72, %cond3A_73 : i32
        scf.if %cond3A_74 {
          tpu.enqueue_dma source(%arg3 : memref<64x128xf32, #tpu.memory_space<hbm>>) target(%arg5 : memref<64x128xf32, #tpu.memory_space<vmem>>) target_semaphore(%arg7 : memref<!tpu.dma_semaphore, #tpu.memory_space<semaphore_mem>>)
        } else {
        }
      } else {
      }
      %mul3A_44 = arith.constant 2 : i32
      %mul3A_45 = arith.muli %scan3A_24, %mul3A_44 : i32
      %add3A_46 = arith.constant 1 : i32
      %add3A_47 = arith.addi %mul3A_45, %add3A_46 : i32
      %mul3A_48 = arith.constant 32 : i32
      %mul3A_49 = arith.muli %mul3A_48, %add3A_47 : i32
      %add3A_50 = arith.addi %add3A, %mul3A_49 : i32
      %lt3A_51 = arith.constant 7813 : i32
      %lt3A_52 = arith.cmpi slt, %add3A_50, %lt3A_51 : i32
      %convert_element_type3A_53 = arith.extui %lt3A_52 : i1 to i32
      %cond3A_54 = arith.constant 0 : i32
      %cond3A_55 = arith.cmpi ne, %convert_element_type3A_53, %cond3A_54 : i32
      scf.if %cond3A_55 {
        %dma_wait3A = arith.constant 0 : i32
        %dma_wait3A_63 = arith.constant 0 : i32
        %dma_wait3A_64 = tpu.memref_slice %arg2[%dma_wait3A, %dma_wait3A_63] : memref<64x1000000xf32, #tpu.memory_space<hbm>> -> memref<64x128xf32, #tpu.memory_space<hbm>>
        %dma_wait3A_65 = arith.constant 0 : i32
        %dma_wait3A_66 = arith.constant 0 : i32
        %dma_wait3A_67 = tpu.memref_slice %arg2[%dma_wait3A_65, %dma_wait3A_66] : memref<64x1000000xf32, #tpu.memory_space<hbm>> -> memref<64x128xf32, #tpu.memory_space<hbm>>
        tpu.wait_dma2 semaphore(%arg8 : memref<!tpu.dma_semaphore, #tpu.memory_space<semaphore_mem>>) src(%dma_wait3A_67 : memref<64x128xf32, #tpu.memory_space<hbm>>) dst(%arg6 : memref<64x128xf32, #tpu.memory_space<vmem>>)
        %mul3A_68 = arith.constant 64 : i32
        %mul3A_69 = arith.muli %add3A_50, %mul3A_68 : i32
        "tpu.region"() ({
          %run_scoped3A = tpu.sem_alloc : memref<!tpu.dma_semaphore, #tpu.memory_space<semaphore_mem>>
          %dma_start3A = arith.constant 0 : i32
          %dma_start3A_70 = tpu.memref_slice %arg4[%mul3A_69, %dma_start3A] : memref<500032x128xf32, #tpu.memory_space<hbm>> -> memref<64x128xf32, #tpu.memory_space<hbm>>
          %dma_start3A_71 = arith.constant 0 : i32
          %dma_start3A_72 = tpu.memref_slice %arg4[%mul3A_69, %dma_start3A_71] : memref<500032x128xf32, #tpu.memory_space<hbm>> -> memref<64x128xf32, #tpu.memory_space<hbm>>
          tpu.enqueue_dma source(%arg6 : memref<64x128xf32, #tpu.memory_space<vmem>>) target(%dma_start3A_72 : memref<64x128xf32, #tpu.memory_space<hbm>>) target_semaphore(%run_scoped3A : memref<!tpu.dma_semaphore, #tpu.memory_space<semaphore_mem>>)
          %dma_wait3A_73 = arith.constant 0 : i32
          %dma_wait3A_74 = tpu.memref_slice %arg4[%mul3A_69, %dma_wait3A_73] : memref<500032x128xf32, #tpu.memory_space<hbm>> -> memref<64x128xf32, #tpu.memory_space<hbm>>
          %dma_wait3A_75 = arith.constant 0 : i32
          %dma_wait3A_76 = tpu.memref_slice %arg4[%mul3A_69, %dma_wait3A_75] : memref<500032x128xf32, #tpu.memory_space<hbm>> -> memref<64x128xf32, #tpu.memory_space<hbm>>
          tpu.wait_dma2 semaphore(%run_scoped3A : memref<!tpu.dma_semaphore, #tpu.memory_space<semaphore_mem>>) src(%arg6 : memref<64x128xf32, #tpu.memory_space<vmem>>) dst(%dma_wait3A_76 : memref<64x128xf32, #tpu.memory_space<hbm>>)
          tpu.yield
        }) : () -> ()
      } else {
      }
      %add3A_56 = arith.constant 64 : i32
      %add3A_57 = arith.addi %add3A_50, %add3A_56 : i32
      %lt3A_58 = arith.constant 7813 : i32
      %lt3A_59 = arith.cmpi slt, %add3A_57, %lt3A_58 : i32
      %convert_element_type3A_60 = arith.extui %lt3A_59 : i1 to i32
      %cond3A_61 = arith.constant 0 : i32
      %cond3A_62 = arith.cmpi ne, %convert_element_type3A_60, %cond3A_61 : i32
      scf.if %cond3A_62 {
        %add3A_63 = arith.constant 64 : i32
        %add3A_64 = arith.addi %add3A_50, %add3A_63 : i32
        %lt3A_65 = arith.constant 7812 : i32
        %lt3A_66 = arith.cmpi slt, %add3A_64, %lt3A_65 : i32
        %convert_element_type3A_67 = arith.extui %lt3A_66 : i1 to i32
        %cond3A_68 = arith.constant 0 : i32
        %cond3A_69 = arith.cmpi ne, %convert_element_type3A_67, %cond3A_68 : i32
        scf.if %cond3A_69 {
          %mul3A_75 = arith.constant 128 : i32
          %mul3A_76 = arith.muli %add3A_64, %mul3A_75 : i32
          %dma_start3A = arith.constant 0 : i32
          %dma_start3A_77 = tpu.memref_slice %arg2[%dma_start3A, %mul3A_76] : memref<64x1000000xf32, #tpu.memory_space<hbm>> -> memref<64x128xf32, #tpu.memory_space<hbm>>
          %dma_start3A_78 = arith.constant 0 : i32
          %dma_start3A_79 = tpu.memref_slice %arg2[%dma_start3A_78, %mul3A_76] : memref<64x1000000xf32, #tpu.memory_space<hbm>> -> memref<64x128xf32, #tpu.memory_space<hbm>>
          tpu.enqueue_dma source(%dma_start3A_79 : memref<64x128xf32, #tpu.memory_space<hbm>>) target(%arg6 : memref<64x128xf32, #tpu.memory_space<vmem>>) target_semaphore(%arg8 : memref<!tpu.dma_semaphore, #tpu.memory_space<semaphore_mem>>)
        } else {
        }
        %eq3A_70 = arith.constant 7812 : i32
        %eq3A_71 = arith.cmpi eq, %add3A_64, %eq3A_70 : i32
        %convert_element_type3A_72 = arith.extui %eq3A_71 : i1 to i32
        %cond3A_73 = arith.constant 0 : i32
        %cond3A_74 = arith.cmpi ne, %convert_element_type3A_72, %cond3A_73 : i32
        scf.if %cond3A_74 {
          tpu.enqueue_dma source(%arg3 : memref<64x128xf32, #tpu.memory_space<hbm>>) target(%arg6 : memref<64x128xf32, #tpu.memory_space<vmem>>) target_semaphore(%arg8 : memref<!tpu.dma_semaphore, #tpu.memory_space<semaphore_mem>>)
        } else {
        }
      } else {
      }
    }
    %scan3A_23 = arith.constant 123 : i32
    return
  }
}

#map = affine_map<(d0, d1) -> (0, 0)>
#map1 = affine_map<(d0, d1) -> (0, 0, 0, 0, 0)>
module attributes {stable_mosaic.version = 14 : i64} {
  func.func @lookup(%arg0: i32, %arg1: i32, %arg2: memref<200x4096xi32, #tpu.memory_space<hbm>>, %arg3: memref<1000064x64xf32, #tpu.memory_space<hbm>>, %arg4: memref<200x8x32x8x128xf32, #tpu.memory_space<hbm>>, %arg5: memref<200x128xi32, #tpu.memory_space<vmem>>, %arg6: memref<128x64xf32, #tpu.memory_space<vmem>>, %arg7: memref<128x64xf32, #tpu.memory_space<vmem>>, %arg8: memref<128x64xf32, #tpu.memory_space<vmem>>, %arg9: memref<128x64xf32, #tpu.memory_space<vmem>>, %arg10: memref<8x8x129xf32, #tpu.memory_space<vmem>>, %arg11: memref<8x8x129xf32, #tpu.memory_space<vmem>>, %arg12: memref<!tpu.dma_semaphore, #tpu.memory_space<semaphore_mem>>, %arg13: memref<!tpu.dma_semaphore, #tpu.memory_space<semaphore_mem>>, %arg14: memref<!tpu.dma_semaphore, #tpu.memory_space<semaphore_mem>>, %arg15: memref<!tpu.dma_semaphore, #tpu.memory_space<semaphore_mem>>, %arg16: memref<!tpu.dma_semaphore, #tpu.memory_space<semaphore_mem>>, %arg17: memref<!tpu.dma_semaphore, #tpu.memory_space<semaphore_mem>>) attributes {dimension_semantics = [#tpu.dimension_semantics<core_parallel>, #tpu.dimension_semantics<subcore_parallel>], iteration_bounds = array<i64: 2, 16>, scalar_prefetch = 0 : i64, scratch_operands = 13 : i64, tpu.core_type = #tpu.core_type<sc_vector_subcore>, window_params = [{transform_indices = #map}, {transform_indices = #map}, {transform_indices = #map1}]} {
    %mul3A = arith.constant 2 : i32
    %mul3A_0 = arith.muli %arg1, %mul3A : i32
    %add3A = arith.addi %mul3A_0, %arg0 : i32
    %iota3A = tpu.iota {dimensions = array<i32: 0>} : vector<16xi32>
    %add3A_1 = arith.constant 0 : i32
    %add3A_2 = vector.broadcast %add3A_1 : i32 to vector<16xi32>
    %add3A_3 = arith.addi %iota3A, %add3A_2 : vector<16xi32>
    %shift_right_arithmetic3A = arith.constant 3 : i32
    %shift_right_arithmetic3A_4 = vector.broadcast %shift_right_arithmetic3A : i32 to vector<16xi32>
    %shift_right_arithmetic3A_5 = arith.shrsi %add3A_3, %shift_right_arithmetic3A_4 : vector<16xi32>
    %iota3A_6 = tpu.iota {dimensions = array<i32: 0>} : vector<16xi32>
    %add3A_7 = arith.constant 16 : i32
    %add3A_8 = vector.broadcast %add3A_7 : i32 to vector<16xi32>
    %add3A_9 = arith.addi %iota3A_6, %add3A_8 : vector<16xi32>
    %shift_right_arithmetic3A_10 = arith.constant 3 : i32
    %shift_right_arithmetic3A_11 = vector.broadcast %shift_right_arithmetic3A_10 : i32 to vector<16xi32>
    %shift_right_arithmetic3A_12 = arith.shrsi %add3A_9, %shift_right_arithmetic3A_11 : vector<16xi32>
    %iota3A_13 = tpu.iota {dimensions = array<i32: 0>} : vector<16xi32>
    %add3A_14 = arith.constant 32 : i32
    %add3A_15 = vector.broadcast %add3A_14 : i32 to vector<16xi32>
    %add3A_16 = arith.addi %iota3A_13, %add3A_15 : vector<16xi32>
    %shift_right_arithmetic3A_17 = arith.constant 3 : i32
    %shift_right_arithmetic3A_18 = vector.broadcast %shift_right_arithmetic3A_17 : i32 to vector<16xi32>
    %shift_right_arithmetic3A_19 = arith.shrsi %add3A_16, %shift_right_arithmetic3A_18 : vector<16xi32>
    %iota3A_20 = tpu.iota {dimensions = array<i32: 0>} : vector<16xi32>
    %add3A_21 = arith.constant 48 : i32
    %add3A_22 = vector.broadcast %add3A_21 : i32 to vector<16xi32>
    %add3A_23 = arith.addi %iota3A_20, %add3A_22 : vector<16xi32>
    %shift_right_arithmetic3A_24 = arith.constant 3 : i32
    %shift_right_arithmetic3A_25 = vector.broadcast %shift_right_arithmetic3A_24 : i32 to vector<16xi32>
    %shift_right_arithmetic3A_26 = arith.shrsi %add3A_23, %shift_right_arithmetic3A_25 : vector<16xi32>
    %iota3A_27 = tpu.iota {dimensions = array<i32: 0>} : vector<16xi32>
    %add3A_28 = arith.constant 0 : i32
    %add3A_29 = vector.broadcast %add3A_28 : i32 to vector<16xi32>
    %add3A_30 = arith.addi %iota3A_27, %add3A_29 : vector<16xi32>
    %and3A = arith.constant 7 : i32
    %and3A_31 = vector.broadcast %and3A : i32 to vector<16xi32>
    %and3A_32 = arith.andi %add3A_30, %and3A_31 : vector<16xi32>
    %iota3A_33 = tpu.iota {dimensions = array<i32: 0>} : vector<16xi32>
    %add3A_34 = arith.constant 16 : i32
    %add3A_35 = vector.broadcast %add3A_34 : i32 to vector<16xi32>
    %add3A_36 = arith.addi %iota3A_33, %add3A_35 : vector<16xi32>
    %and3A_37 = arith.constant 7 : i32
    %and3A_38 = vector.broadcast %and3A_37 : i32 to vector<16xi32>
    %and3A_39 = arith.andi %add3A_36, %and3A_38 : vector<16xi32>
    %iota3A_40 = tpu.iota {dimensions = array<i32: 0>} : vector<16xi32>
    %add3A_41 = arith.constant 32 : i32
    %add3A_42 = vector.broadcast %add3A_41 : i32 to vector<16xi32>
    %add3A_43 = arith.addi %iota3A_40, %add3A_42 : vector<16xi32>
    %and3A_44 = arith.constant 7 : i32
    %and3A_45 = vector.broadcast %and3A_44 : i32 to vector<16xi32>
    %and3A_46 = arith.andi %add3A_43, %and3A_45 : vector<16xi32>
    %iota3A_47 = tpu.iota {dimensions = array<i32: 0>} : vector<16xi32>
    %add3A_48 = arith.constant 48 : i32
    %add3A_49 = vector.broadcast %add3A_48 : i32 to vector<16xi32>
    %add3A_50 = arith.addi %iota3A_47, %add3A_49 : vector<16xi32>
    %and3A_51 = arith.constant 7 : i32
    %and3A_52 = vector.broadcast %and3A_51 : i32 to vector<16xi32>
    %and3A_53 = arith.andi %add3A_50, %and3A_52 : vector<16xi32>
    %mul3A_54 = arith.constant 128 : i32
    %mul3A_55 = arith.muli %add3A, %mul3A_54 : i32
    "tpu.region"() ({
      %run_scoped3A = tpu.sem_alloc : memref<!tpu.dma_semaphore, #tpu.memory_space<semaphore_mem>>
      %dma_start3A_127 = arith.constant 0 : i32
      %dma_start3A_128 = tpu.memref_slice %arg2[%dma_start3A_127, %mul3A_55] : memref<200x4096xi32, #tpu.memory_space<hbm>> -> memref<200x128xi32, #tpu.memory_space<hbm>>
      %dma_start3A_129 = arith.constant 0 : i32
      %dma_start3A_130 = tpu.memref_slice %arg2[%dma_start3A_129, %mul3A_55] : memref<200x4096xi32, #tpu.memory_space<hbm>> -> memref<200x128xi32, #tpu.memory_space<hbm>>
      tpu.enqueue_dma source(%dma_start3A_130 : memref<200x128xi32, #tpu.memory_space<hbm>>) target(%arg5 : memref<200x128xi32, #tpu.memory_space<vmem>>) target_semaphore(%run_scoped3A : memref<!tpu.dma_semaphore, #tpu.memory_space<semaphore_mem>>)
      %dma_wait3A_131 = arith.constant 0 : i32
      %dma_wait3A_132 = tpu.memref_slice %arg2[%dma_wait3A_131, %mul3A_55] : memref<200x4096xi32, #tpu.memory_space<hbm>> -> memref<200x128xi32, #tpu.memory_space<hbm>>
      %dma_wait3A_133 = arith.constant 0 : i32
      %dma_wait3A_134 = tpu.memref_slice %arg2[%dma_wait3A_133, %mul3A_55] : memref<200x4096xi32, #tpu.memory_space<hbm>> -> memref<200x128xi32, #tpu.memory_space<hbm>>
      tpu.wait_dma2 semaphore(%run_scoped3A : memref<!tpu.dma_semaphore, #tpu.memory_space<semaphore_mem>>) src(%dma_wait3A_134 : memref<200x128xi32, #tpu.memory_space<hbm>>) dst(%arg5 : memref<200x128xi32, #tpu.memory_space<vmem>>)
      tpu.yield
    }) : () -> ()
    %dma_start3A = arith.constant 0 : i32
    %dma_start3A_56 = arith.constant 0 : i32
    %dma_start3A_57 = tpu.memref_slice %arg5[%dma_start3A, %dma_start3A_56] : memref<200x128xi32, #tpu.memory_space<vmem>> -> memref<1x128xi32, #tpu.memory_space<vmem>>
    %dma_start3A_58 = tpu.memref_squeeze %dma_start3A_57 : memref<1x128xi32, #tpu.memory_space<vmem>> -> memref<128xi32, #tpu.memory_space<vmem>>
    %dma_start3A_59 = arith.constant 0 : i32
    %dma_start3A_60 = arith.constant 0 : i32
    %dma_start3A_61 = tpu.memref_slice %arg3[%dma_start3A_59, %dma_start3A_60] : memref<1000064x64xf32, #tpu.memory_space<hbm>> -> memref<1000064x64xf32, #tpu.memory_space<hbm>>
    tpu.enqueue_indirect_dma source(%dma_start3A_61 : memref<1000064x64xf32, #tpu.memory_space<hbm>>) target(%arg6 : memref<128x64xf32, #tpu.memory_space<vmem>>) offsets(%dma_start3A_58 : memref<128xi32, #tpu.memory_space<vmem>>) semaphore(%arg12 : memref<!tpu.dma_semaphore, #tpu.memory_space<semaphore_mem>>)
    %dma_start3A_62 = arith.constant 1 : i32
    %dma_start3A_63 = arith.constant 0 : i32
    %dma_start3A_64 = tpu.memref_slice %arg5[%dma_start3A_62, %dma_start3A_63] : memref<200x128xi32, #tpu.memory_space<vmem>> -> memref<1x128xi32, #tpu.memory_space<vmem>>
    %dma_start3A_65 = tpu.memref_squeeze %dma_start3A_64 : memref<1x128xi32, #tpu.memory_space<vmem>> -> memref<128xi32, #tpu.memory_space<vmem>>
    %dma_start3A_66 = arith.constant 0 : i32
    %dma_start3A_67 = arith.constant 0 : i32
    %dma_start3A_68 = tpu.memref_slice %arg3[%dma_start3A_66, %dma_start3A_67] : memref<1000064x64xf32, #tpu.memory_space<hbm>> -> memref<1000064x64xf32, #tpu.memory_space<hbm>>
    tpu.enqueue_indirect_dma source(%dma_start3A_68 : memref<1000064x64xf32, #tpu.memory_space<hbm>>) target(%arg7 : memref<128x64xf32, #tpu.memory_space<vmem>>) offsets(%dma_start3A_65 : memref<128xi32, #tpu.memory_space<vmem>>) semaphore(%arg13 : memref<!tpu.dma_semaphore, #tpu.memory_space<semaphore_mem>>)
    %dma_start3A_69 = arith.constant 2 : i32
    %dma_start3A_70 = arith.constant 0 : i32
    %dma_start3A_71 = tpu.memref_slice %arg5[%dma_start3A_69, %dma_start3A_70] : memref<200x128xi32, #tpu.memory_space<vmem>> -> memref<1x128xi32, #tpu.memory_space<vmem>>
    %dma_start3A_72 = tpu.memref_squeeze %dma_start3A_71 : memref<1x128xi32, #tpu.memory_space<vmem>> -> memref<128xi32, #tpu.memory_space<vmem>>
    %dma_start3A_73 = arith.constant 0 : i32
    %dma_start3A_74 = arith.constant 0 : i32
    %dma_start3A_75 = tpu.memref_slice %arg3[%dma_start3A_73, %dma_start3A_74] : memref<1000064x64xf32, #tpu.memory_space<hbm>> -> memref<1000064x64xf32, #tpu.memory_space<hbm>>
    tpu.enqueue_indirect_dma source(%dma_start3A_75 : memref<1000064x64xf32, #tpu.memory_space<hbm>>) target(%arg8 : memref<128x64xf32, #tpu.memory_space<vmem>>) offsets(%dma_start3A_72 : memref<128xi32, #tpu.memory_space<vmem>>) semaphore(%arg14 : memref<!tpu.dma_semaphore, #tpu.memory_space<semaphore_mem>>)
    %dma_start3A_76 = arith.constant 3 : i32
    %dma_start3A_77 = arith.constant 0 : i32
    %dma_start3A_78 = tpu.memref_slice %arg5[%dma_start3A_76, %dma_start3A_77] : memref<200x128xi32, #tpu.memory_space<vmem>> -> memref<1x128xi32, #tpu.memory_space<vmem>>
    %dma_start3A_79 = tpu.memref_squeeze %dma_start3A_78 : memref<1x128xi32, #tpu.memory_space<vmem>> -> memref<128xi32, #tpu.memory_space<vmem>>
    %dma_start3A_80 = arith.constant 0 : i32
    %dma_start3A_81 = arith.constant 0 : i32
    %dma_start3A_82 = tpu.memref_slice %arg3[%dma_start3A_80, %dma_start3A_81] : memref<1000064x64xf32, #tpu.memory_space<hbm>> -> memref<1000064x64xf32, #tpu.memory_space<hbm>>
    tpu.enqueue_indirect_dma source(%dma_start3A_82 : memref<1000064x64xf32, #tpu.memory_space<hbm>>) target(%arg9 : memref<128x64xf32, #tpu.memory_space<vmem>>) offsets(%dma_start3A_79 : memref<128xi32, #tpu.memory_space<vmem>>) semaphore(%arg15 : memref<!tpu.dma_semaphore, #tpu.memory_space<semaphore_mem>>)
    %scan3A = arith.constant 0 : i32
    %scan3A_83 = arith.constant 0 : i32
    %scan3A_84 = arith.constant 50 : i32
    %scan3A_85 = arith.addi %scan3A_83, %scan3A_84 : i32
    %scan3A_86 = arith.constant 1 : i32
    scf.for %scan3A_127 = %scan3A_83 to %scan3A_85 step %scan3A_86  : i32 {
      %mul3A_128 = arith.constant 4 : i32
      %mul3A_129 = arith.muli %scan3A_127, %mul3A_128 : i32
      %add3A_130 = arith.constant 0 : i32
      %add3A_131 = arith.addi %mul3A_129, %add3A_130 : i32
      %dma_wait3A_132 = arith.constant 0 : i32
      %dma_wait3A_133 = arith.constant 0 : i32
      %dma_wait3A_134 = tpu.memref_slice %arg5[%dma_wait3A_132, %dma_wait3A_133] : memref<200x128xi32, #tpu.memory_space<vmem>> -> memref<1x128xi32, #tpu.memory_space<vmem>>
      %dma_wait3A_135 = tpu.memref_squeeze %dma_wait3A_134 : memref<1x128xi32, #tpu.memory_space<vmem>> -> memref<128xi32, #tpu.memory_space<vmem>>
      %dma_wait3A_136 = arith.constant 0 : i32
      %dma_wait3A_137 = arith.constant 0 : i32
      %dma_wait3A_138 = tpu.memref_slice %arg3[%dma_wait3A_136, %dma_wait3A_137] : memref<1000064x64xf32, #tpu.memory_space<hbm>> -> memref<1000064x64xf32, #tpu.memory_space<hbm>>
      tpu.wait_indirect_dma semaphore(%arg12 : memref<!tpu.dma_semaphore, #tpu.memory_space<semaphore_mem>>) src(%dma_wait3A_138 : memref<1000064x64xf32, #tpu.memory_space<hbm>>) dst(%arg6 : memref<128x64xf32, #tpu.memory_space<vmem>>)
      %ge3A = arith.constant 2 : i32
      %ge3A_139 = arith.cmpi sge, %add3A_131, %ge3A : i32
      %convert_element_type3A = arith.extui %ge3A_139 : i1 to i32
      %cond3A = arith.constant 0 : i32
      %cond3A_140 = arith.cmpi ne, %convert_element_type3A, %cond3A : i32
      scf.if %cond3A_140 {
        %dma_wait3A_299 = arith.constant 0 : i32
        %dma_wait3A_300 = arith.constant 0 : i32
        %dma_wait3A_301 = arith.constant 0 : i32
        %dma_wait3A_302 = arith.constant 0 : i32
        %dma_wait3A_303 = arith.constant 0 : i32
        %dma_wait3A_304 = tpu.memref_slice %arg10[%dma_wait3A_301, %dma_wait3A_302, %dma_wait3A_303] : memref<8x8x129xf32, #tpu.memory_space<vmem>> -> memref<8x8x128xf32, #tpu.memory_space<vmem>>
        %dma_wait3A_305 = arith.constant 0 : i32
        %dma_wait3A_306 = arith.constant 0 : i32
        %dma_wait3A_307 = arith.constant 0 : i32
        %dma_wait3A_308 = tpu.memref_slice %arg4[%dma_wait3A_299, %dma_wait3A_305, %dma_wait3A_300, %dma_wait3A_306, %dma_wait3A_307] : memref<200x8x32x8x128xf32, #tpu.memory_space<hbm>> -> memref<1x8x1x8x128xf32, #tpu.memory_space<hbm>>
        %dma_wait3A_309 = tpu.memref_squeeze %dma_wait3A_308 : memref<1x8x1x8x128xf32, #tpu.memory_space<hbm>> -> memref<8x8x128xf32, #tpu.memory_space<hbm>>
        %dma_wait3A_310 = arith.constant 0 : i32
        %dma_wait3A_311 = arith.constant 0 : i32
        %dma_wait3A_312 = arith.constant 0 : i32
        %dma_wait3A_313 = tpu.memref_slice %arg4[%dma_wait3A_299, %dma_wait3A_310, %dma_wait3A_300, %dma_wait3A_311, %dma_wait3A_312] : memref<200x8x32x8x128xf32, #tpu.memory_space<hbm>> -> memref<1x8x1x8x128xf32, #tpu.memory_space<hbm>>
        %dma_wait3A_314 = tpu.memref_squeeze %dma_wait3A_313 : memref<1x8x1x8x128xf32, #tpu.memory_space<hbm>> -> memref<8x8x128xf32, #tpu.memory_space<hbm>>
        %dma_wait3A_315 = arith.constant 0 : i32
        %dma_wait3A_316 = arith.constant 0 : i32
        %dma_wait3A_317 = arith.constant 0 : i32
        %dma_wait3A_318 = tpu.memref_slice %arg10[%dma_wait3A_315, %dma_wait3A_316, %dma_wait3A_317] : memref<8x8x129xf32, #tpu.memory_space<vmem>> -> memref<8x8x128xf32, #tpu.memory_space<vmem>>
        tpu.wait_dma2 semaphore(%arg16 : memref<!tpu.dma_semaphore, #tpu.memory_space<semaphore_mem>>) src(%dma_wait3A_318 : memref<8x8x128xf32, #tpu.memory_space<vmem>>) dst(%dma_wait3A_314 : memref<8x8x128xf32, #tpu.memory_space<hbm>>)
      } else {
      }
      %parallel_loop3A = arith.constant 0 : i32
      %parallel_loop3A_141 = arith.constant 128 : i32
      %parallel_loop3A_142 = arith.constant 1 : i32
      scf.for %parallel_loop3A_299 = %parallel_loop3A to %parallel_loop3A_141 step %parallel_loop3A_142  : i32 {
        %parallel_loop3A_300 = vector.broadcast %parallel_loop3A_299 : i32 to vector<16xi32>
        %parallel_loop3A_301 = arith.index_cast %parallel_loop3A_299 : i32 to index
        %parallel_loop3A_302 = arith.constant 0 : index
        %parallel_loop3A_303 = tpu.vector_load %arg6[%parallel_loop3A_301, %parallel_loop3A_302] {strides = array<i32>} : memref<128x64xf32, #tpu.memory_space<vmem>>, vector<16xf32>,
        tpu.vector_store_idx %arg10[%shift_right_arithmetic3A_5, %and3A_32, %parallel_loop3A_300], %parallel_loop3A_303 : memref<8x8x129xf32, #tpu.memory_space<vmem>>[vector<16xi32>, vector<16xi32>, vector<16xi32>], vector<16xf32>,
        %parallel_loop3A_304 = arith.index_cast %parallel_loop3A_299 : i32 to index
        %parallel_loop3A_305 = arith.constant 16 : index
        %parallel_loop3A_306 = tpu.vector_load %arg6[%parallel_loop3A_304, %parallel_loop3A_305] {strides = array<i32>} : memref<128x64xf32, #tpu.memory_space<vmem>>, vector<16xf32>,
        tpu.vector_store_idx %arg10[%shift_right_arithmetic3A_12, %and3A_39, %parallel_loop3A_300], %parallel_loop3A_306 : memref<8x8x129xf32, #tpu.memory_space<vmem>>[vector<16xi32>, vector<16xi32>, vector<16xi32>], vector<16xf32>,
        %parallel_loop3A_307 = arith.index_cast %parallel_loop3A_299 : i32 to index
        %parallel_loop3A_308 = arith.constant 32 : index
        %parallel_loop3A_309 = tpu.vector_load %arg6[%parallel_loop3A_307, %parallel_loop3A_308] {strides = array<i32>} : memref<128x64xf32, #tpu.memory_space<vmem>>, vector<16xf32>,
        tpu.vector_store_idx %arg10[%shift_right_arithmetic3A_19, %and3A_46, %parallel_loop3A_300], %parallel_loop3A_309 : memref<8x8x129xf32, #tpu.memory_space<vmem>>[vector<16xi32>, vector<16xi32>, vector<16xi32>], vector<16xf32>,
        %parallel_loop3A_310 = arith.index_cast %parallel_loop3A_299 : i32 to index
        %parallel_loop3A_311 = arith.constant 48 : index
        %parallel_loop3A_312 = tpu.vector_load %arg6[%parallel_loop3A_310, %parallel_loop3A_311] {strides = array<i32>} : memref<128x64xf32, #tpu.memory_space<vmem>>, vector<16xf32>,
        tpu.vector_store_idx %arg10[%shift_right_arithmetic3A_26, %and3A_53, %parallel_loop3A_300], %parallel_loop3A_312 : memref<8x8x129xf32, #tpu.memory_space<vmem>>[vector<16xi32>, vector<16xi32>, vector<16xi32>], vector<16xf32>,
      } {sc.loop_unroll_factor = 8 : i64, sc.parallel_access}
      %dma_start3A_143 = arith.constant 0 : i32
      %dma_start3A_144 = arith.constant 0 : i32
      %dma_start3A_145 = arith.constant 0 : i32
      %dma_start3A_146 = tpu.memref_slice %arg10[%dma_start3A_143, %dma_start3A_144, %dma_start3A_145] : memref<8x8x129xf32, #tpu.memory_space<vmem>> -> memref<8x8x128xf32, #tpu.memory_space<vmem>>
      %dma_start3A_147 = arith.constant 0 : i32
      %dma_start3A_148 = arith.constant 0 : i32
      %dma_start3A_149 = arith.constant 0 : i32
      %dma_start3A_150 = tpu.memref_slice %arg4[%add3A_131, %dma_start3A_147, %add3A, %dma_start3A_148, %dma_start3A_149] : memref<200x8x32x8x128xf32, #tpu.memory_space<hbm>> -> memref<1x8x1x8x128xf32, #tpu.memory_space<hbm>>
      %dma_start3A_151 = tpu.memref_squeeze %dma_start3A_150 : memref<1x8x1x8x128xf32, #tpu.memory_space<hbm>> -> memref<8x8x128xf32, #tpu.memory_space<hbm>>
      %dma_start3A_152 = arith.constant 0 : i32
      %dma_start3A_153 = arith.constant 0 : i32
      %dma_start3A_154 = arith.constant 0 : i32
      %dma_start3A_155 = tpu.memref_slice %arg4[%add3A_131, %dma_start3A_152, %add3A, %dma_start3A_153, %dma_start3A_154] : memref<200x8x32x8x128xf32, #tpu.memory_space<hbm>> -> memref<1x8x1x8x128xf32, #tpu.memory_space<hbm>>
      %dma_start3A_156 = tpu.memref_squeeze %dma_start3A_155 : memref<1x8x1x8x128xf32, #tpu.memory_space<hbm>> -> memref<8x8x128xf32, #tpu.memory_space<hbm>>
      %dma_start3A_157 = arith.constant 0 : i32
      %dma_start3A_158 = arith.constant 0 : i32
      %dma_start3A_159 = arith.constant 0 : i32
      %dma_start3A_160 = tpu.memref_slice %arg10[%dma_start3A_157, %dma_start3A_158, %dma_start3A_159] : memref<8x8x129xf32, #tpu.memory_space<vmem>> -> memref<8x8x128xf32, #tpu.memory_space<vmem>>
      tpu.enqueue_dma source(%dma_start3A_160 : memref<8x8x128xf32, #tpu.memory_space<vmem>>) target(%dma_start3A_156 : memref<8x8x128xf32, #tpu.memory_space<hbm>>) target_semaphore(%arg16 : memref<!tpu.dma_semaphore, #tpu.memory_space<semaphore_mem>>)
      %add3A_161 = arith.constant 4 : i32
      %add3A_162 = arith.addi %add3A_131, %add3A_161 : i32
      %lt3A = arith.constant 200 : i32
      %lt3A_163 = arith.cmpi slt, %add3A_162, %lt3A : i32
      %convert_element_type3A_164 = arith.extui %lt3A_163 : i1 to i32
      %cond3A_165 = arith.constant 0 : i32
      %cond3A_166 = arith.cmpi ne, %convert_element_type3A_164, %cond3A_165 : i32
      scf.if %cond3A_166 {
        %add3A_299 = arith.constant 4 : i32
        %add3A_300 = arith.addi %add3A_131, %add3A_299 : i32
        %dma_start3A_301 = arith.constant 0 : i32
        %dma_start3A_302 = tpu.memref_slice %arg5[%add3A_300, %dma_start3A_301] : memref<200x128xi32, #tpu.memory_space<vmem>> -> memref<1x128xi32, #tpu.memory_space<vmem>>
        %dma_start3A_303 = tpu.memref_squeeze %dma_start3A_302 : memref<1x128xi32, #tpu.memory_space<vmem>> -> memref<128xi32, #tpu.memory_space<vmem>>
        %dma_start3A_304 = arith.constant 0 : i32
        %dma_start3A_305 = arith.constant 0 : i32
        %dma_start3A_306 = tpu.memref_slice %arg3[%dma_start3A_304, %dma_start3A_305] : memref<1000064x64xf32, #tpu.memory_space<hbm>> -> memref<1000064x64xf32, #tpu.memory_space<hbm>>
        tpu.enqueue_indirect_dma source(%dma_start3A_306 : memref<1000064x64xf32, #tpu.memory_space<hbm>>) target(%arg6 : memref<128x64xf32, #tpu.memory_space<vmem>>) offsets(%dma_start3A_303 : memref<128xi32, #tpu.memory_space<vmem>>) semaphore(%arg12 : memref<!tpu.dma_semaphore, #tpu.memory_space<semaphore_mem>>)
      } else {
      }
      %mul3A_167 = arith.constant 4 : i32
      %mul3A_168 = arith.muli %scan3A_127, %mul3A_167 : i32
      %add3A_169 = arith.constant 1 : i32
      %add3A_170 = arith.addi %mul3A_168, %add3A_169 : i32
      %dma_wait3A_171 = arith.constant 0 : i32
      %dma_wait3A_172 = arith.constant 0 : i32
      %dma_wait3A_173 = tpu.memref_slice %arg5[%dma_wait3A_171, %dma_wait3A_172] : memref<200x128xi32, #tpu.memory_space<vmem>> -> memref<1x128xi32, #tpu.memory_space<vmem>>
      %dma_wait3A_174 = tpu.memref_squeeze %dma_wait3A_173 : memref<1x128xi32, #tpu.memory_space<vmem>> -> memref<128xi32, #tpu.memory_space<vmem>>
      %dma_wait3A_175 = arith.constant 0 : i32
      %dma_wait3A_176 = arith.constant 0 : i32
      %dma_wait3A_177 = tpu.memref_slice %arg3[%dma_wait3A_175, %dma_wait3A_176] : memref<1000064x64xf32, #tpu.memory_space<hbm>> -> memref<1000064x64xf32, #tpu.memory_space<hbm>>
      tpu.wait_indirect_dma semaphore(%arg13 : memref<!tpu.dma_semaphore, #tpu.memory_space<semaphore_mem>>) src(%dma_wait3A_177 : memref<1000064x64xf32, #tpu.memory_space<hbm>>) dst(%arg7 : memref<128x64xf32, #tpu.memory_space<vmem>>)
      %ge3A_178 = arith.constant 2 : i32
      %ge3A_179 = arith.cmpi sge, %add3A_170, %ge3A_178 : i32
      %convert_element_type3A_180 = arith.extui %ge3A_179 : i1 to i32
      %cond3A_181 = arith.constant 0 : i32
      %cond3A_182 = arith.cmpi ne, %convert_element_type3A_180, %cond3A_181 : i32
      scf.if %cond3A_182 {
        %dma_wait3A_299 = arith.constant 0 : i32
        %dma_wait3A_300 = arith.constant 0 : i32
        %dma_wait3A_301 = arith.constant 0 : i32
        %dma_wait3A_302 = arith.constant 0 : i32
        %dma_wait3A_303 = arith.constant 0 : i32
        %dma_wait3A_304 = tpu.memref_slice %arg11[%dma_wait3A_301, %dma_wait3A_302, %dma_wait3A_303] : memref<8x8x129xf32, #tpu.memory_space<vmem>> -> memref<8x8x128xf32, #tpu.memory_space<vmem>>
        %dma_wait3A_305 = arith.constant 0 : i32
        %dma_wait3A_306 = arith.constant 0 : i32
        %dma_wait3A_307 = arith.constant 0 : i32
        %dma_wait3A_308 = tpu.memref_slice %arg4[%dma_wait3A_299, %dma_wait3A_305, %dma_wait3A_300, %dma_wait3A_306, %dma_wait3A_307] : memref<200x8x32x8x128xf32, #tpu.memory_space<hbm>> -> memref<1x8x1x8x128xf32, #tpu.memory_space<hbm>>
        %dma_wait3A_309 = tpu.memref_squeeze %dma_wait3A_308 : memref<1x8x1x8x128xf32, #tpu.memory_space<hbm>> -> memref<8x8x128xf32, #tpu.memory_space<hbm>>
        %dma_wait3A_310 = arith.constant 0 : i32
        %dma_wait3A_311 = arith.constant 0 : i32
        %dma_wait3A_312 = arith.constant 0 : i32
        %dma_wait3A_313 = tpu.memref_slice %arg4[%dma_wait3A_299, %dma_wait3A_310, %dma_wait3A_300, %dma_wait3A_311, %dma_wait3A_312] : memref<200x8x32x8x128xf32, #tpu.memory_space<hbm>> -> memref<1x8x1x8x128xf32, #tpu.memory_space<hbm>>
        %dma_wait3A_314 = tpu.memref_squeeze %dma_wait3A_313 : memref<1x8x1x8x128xf32, #tpu.memory_space<hbm>> -> memref<8x8x128xf32, #tpu.memory_space<hbm>>
        %dma_wait3A_315 = arith.constant 0 : i32
        %dma_wait3A_316 = arith.constant 0 : i32
        %dma_wait3A_317 = arith.constant 0 : i32
        %dma_wait3A_318 = tpu.memref_slice %arg11[%dma_wait3A_315, %dma_wait3A_316, %dma_wait3A_317] : memref<8x8x129xf32, #tpu.memory_space<vmem>> -> memref<8x8x128xf32, #tpu.memory_space<vmem>>
        tpu.wait_dma2 semaphore(%arg17 : memref<!tpu.dma_semaphore, #tpu.memory_space<semaphore_mem>>) src(%dma_wait3A_318 : memref<8x8x128xf32, #tpu.memory_space<vmem>>) dst(%dma_wait3A_314 : memref<8x8x128xf32, #tpu.memory_space<hbm>>)
      } else {
      }
      %parallel_loop3A_183 = arith.constant 0 : i32
      %parallel_loop3A_184 = arith.constant 128 : i32
      %parallel_loop3A_185 = arith.constant 1 : i32
      scf.for %parallel_loop3A_299 = %parallel_loop3A_183 to %parallel_loop3A_184 step %parallel_loop3A_185  : i32 {
        %parallel_loop3A_300 = vector.broadcast %parallel_loop3A_299 : i32 to vector<16xi32>
        %parallel_loop3A_301 = arith.index_cast %parallel_loop3A_299 : i32 to index
        %parallel_loop3A_302 = arith.constant 0 : index
        %parallel_loop3A_303 = tpu.vector_load %arg7[%parallel_loop3A_301, %parallel_loop3A_302] {strides = array<i32>} : memref<128x64xf32, #tpu.memory_space<vmem>>, vector<16xf32>,
        tpu.vector_store_idx %arg11[%shift_right_arithmetic3A_5, %and3A_32, %parallel_loop3A_300], %parallel_loop3A_303 : memref<8x8x129xf32, #tpu.memory_space<vmem>>[vector<16xi32>, vector<16xi32>, vector<16xi32>], vector<16xf32>,
        %parallel_loop3A_304 = arith.index_cast %parallel_loop3A_299 : i32 to index
        %parallel_loop3A_305 = arith.constant 16 : index
        %parallel_loop3A_306 = tpu.vector_load %arg7[%parallel_loop3A_304, %parallel_loop3A_305] {strides = array<i32>} : memref<128x64xf32, #tpu.memory_space<vmem>>, vector<16xf32>,
        tpu.vector_store_idx %arg11[%shift_right_arithmetic3A_12, %and3A_39, %parallel_loop3A_300], %parallel_loop3A_306 : memref<8x8x129xf32, #tpu.memory_space<vmem>>[vector<16xi32>, vector<16xi32>, vector<16xi32>], vector<16xf32>,
        %parallel_loop3A_307 = arith.index_cast %parallel_loop3A_299 : i32 to index
        %parallel_loop3A_308 = arith.constant 32 : index
        %parallel_loop3A_309 = tpu.vector_load %arg7[%parallel_loop3A_307, %parallel_loop3A_308] {strides = array<i32>} : memref<128x64xf32, #tpu.memory_space<vmem>>, vector<16xf32>,
        tpu.vector_store_idx %arg11[%shift_right_arithmetic3A_19, %and3A_46, %parallel_loop3A_300], %parallel_loop3A_309 : memref<8x8x129xf32, #tpu.memory_space<vmem>>[vector<16xi32>, vector<16xi32>, vector<16xi32>], vector<16xf32>,
        %parallel_loop3A_310 = arith.index_cast %parallel_loop3A_299 : i32 to index
        %parallel_loop3A_311 = arith.constant 48 : index
        %parallel_loop3A_312 = tpu.vector_load %arg7[%parallel_loop3A_310, %parallel_loop3A_311] {strides = array<i32>} : memref<128x64xf32, #tpu.memory_space<vmem>>, vector<16xf32>,
        tpu.vector_store_idx %arg11[%shift_right_arithmetic3A_26, %and3A_53, %parallel_loop3A_300], %parallel_loop3A_312 : memref<8x8x129xf32, #tpu.memory_space<vmem>>[vector<16xi32>, vector<16xi32>, vector<16xi32>], vector<16xf32>,
      } {sc.loop_unroll_factor = 8 : i64, sc.parallel_access}
      %dma_start3A_186 = arith.constant 0 : i32
      %dma_start3A_187 = arith.constant 0 : i32
      %dma_start3A_188 = arith.constant 0 : i32
      %dma_start3A_189 = tpu.memref_slice %arg11[%dma_start3A_186, %dma_start3A_187, %dma_start3A_188] : memref<8x8x129xf32, #tpu.memory_space<vmem>> -> memref<8x8x128xf32, #tpu.memory_space<vmem>>
      %dma_start3A_190 = arith.constant 0 : i32
      %dma_start3A_191 = arith.constant 0 : i32
      %dma_start3A_192 = arith.constant 0 : i32
      %dma_start3A_193 = tpu.memref_slice %arg4[%add3A_170, %dma_start3A_190, %add3A, %dma_start3A_191, %dma_start3A_192] : memref<200x8x32x8x128xf32, #tpu.memory_space<hbm>> -> memref<1x8x1x8x128xf32, #tpu.memory_space<hbm>>
      %dma_start3A_194 = tpu.memref_squeeze %dma_start3A_193 : memref<1x8x1x8x128xf32, #tpu.memory_space<hbm>> -> memref<8x8x128xf32, #tpu.memory_space<hbm>>
      %dma_start3A_195 = arith.constant 0 : i32
      %dma_start3A_196 = arith.constant 0 : i32
      %dma_start3A_197 = arith.constant 0 : i32
      %dma_start3A_198 = tpu.memref_slice %arg4[%add3A_170, %dma_start3A_195, %add3A, %dma_start3A_196, %dma_start3A_197] : memref<200x8x32x8x128xf32, #tpu.memory_space<hbm>> -> memref<1x8x1x8x128xf32, #tpu.memory_space<hbm>>
      %dma_start3A_199 = tpu.memref_squeeze %dma_start3A_198 : memref<1x8x1x8x128xf32, #tpu.memory_space<hbm>> -> memref<8x8x128xf32, #tpu.memory_space<hbm>>
      %dma_start3A_200 = arith.constant 0 : i32
      %dma_start3A_201 = arith.constant 0 : i32
      %dma_start3A_202 = arith.constant 0 : i32
      %dma_start3A_203 = tpu.memref_slice %arg11[%dma_start3A_200, %dma_start3A_201, %dma_start3A_202] : memref<8x8x129xf32, #tpu.memory_space<vmem>> -> memref<8x8x128xf32, #tpu.memory_space<vmem>>
      tpu.enqueue_dma source(%dma_start3A_203 : memref<8x8x128xf32, #tpu.memory_space<vmem>>) target(%dma_start3A_199 : memref<8x8x128xf32, #tpu.memory_space<hbm>>) target_semaphore(%arg17 : memref<!tpu.dma_semaphore, #tpu.memory_space<semaphore_mem>>)
      %add3A_204 = arith.constant 4 : i32
      %add3A_205 = arith.addi %add3A_170, %add3A_204 : i32
      %lt3A_206 = arith.constant 200 : i32
      %lt3A_207 = arith.cmpi slt, %add3A_205, %lt3A_206 : i32
      %convert_element_type3A_208 = arith.extui %lt3A_207 : i1 to i32
      %cond3A_209 = arith.constant 0 : i32
      %cond3A_210 = arith.cmpi ne, %convert_element_type3A_208, %cond3A_209 : i32
      scf.if %cond3A_210 {
        %add3A_299 = arith.constant 4 : i32
        %add3A_300 = arith.addi %add3A_170, %add3A_299 : i32
        %dma_start3A_301 = arith.constant 0 : i32
        %dma_start3A_302 = tpu.memref_slice %arg5[%add3A_300, %dma_start3A_301] : memref<200x128xi32, #tpu.memory_space<vmem>> -> memref<1x128xi32, #tpu.memory_space<vmem>>
        %dma_start3A_303 = tpu.memref_squeeze %dma_start3A_302 : memref<1x128xi32, #tpu.memory_space<vmem>> -> memref<128xi32, #tpu.memory_space<vmem>>
        %dma_start3A_304 = arith.constant 0 : i32
        %dma_start3A_305 = arith.constant 0 : i32
        %dma_start3A_306 = tpu.memref_slice %arg3[%dma_start3A_304, %dma_start3A_305] : memref<1000064x64xf32, #tpu.memory_space<hbm>> -> memref<1000064x64xf32, #tpu.memory_space<hbm>>
        tpu.enqueue_indirect_dma source(%dma_start3A_306 : memref<1000064x64xf32, #tpu.memory_space<hbm>>) target(%arg7 : memref<128x64xf32, #tpu.memory_space<vmem>>) offsets(%dma_start3A_303 : memref<128xi32, #tpu.memory_space<vmem>>) semaphore(%arg13 : memref<!tpu.dma_semaphore, #tpu.memory_space<semaphore_mem>>)
      } else {
      }
      %mul3A_211 = arith.constant 4 : i32
      %mul3A_212 = arith.muli %scan3A_127, %mul3A_211 : i32
      %add3A_213 = arith.constant 2 : i32
      %add3A_214 = arith.addi %mul3A_212, %add3A_213 : i32
      %dma_wait3A_215 = arith.constant 0 : i32
      %dma_wait3A_216 = arith.constant 0 : i32
      %dma_wait3A_217 = tpu.memref_slice %arg5[%dma_wait3A_215, %dma_wait3A_216] : memref<200x128xi32, #tpu.memory_space<vmem>> -> memref<1x128xi32, #tpu.memory_space<vmem>>
      %dma_wait3A_218 = tpu.memref_squeeze %dma_wait3A_217 : memref<1x128xi32, #tpu.memory_space<vmem>> -> memref<128xi32, #tpu.memory_space<vmem>>
      %dma_wait3A_219 = arith.constant 0 : i32
      %dma_wait3A_220 = arith.constant 0 : i32
      %dma_wait3A_221 = tpu.memref_slice %arg3[%dma_wait3A_219, %dma_wait3A_220] : memref<1000064x64xf32, #tpu.memory_space<hbm>> -> memref<1000064x64xf32, #tpu.memory_space<hbm>>
      tpu.wait_indirect_dma semaphore(%arg14 : memref<!tpu.dma_semaphore, #tpu.memory_space<semaphore_mem>>) src(%dma_wait3A_221 : memref<1000064x64xf32, #tpu.memory_space<hbm>>) dst(%arg8 : memref<128x64xf32, #tpu.memory_space<vmem>>)
      %ge3A_222 = arith.constant 2 : i32
      %ge3A_223 = arith.cmpi sge, %add3A_214, %ge3A_222 : i32
      %convert_element_type3A_224 = arith.extui %ge3A_223 : i1 to i32
      %cond3A_225 = arith.constant 0 : i32
      %cond3A_226 = arith.cmpi ne, %convert_element_type3A_224, %cond3A_225 : i32
      scf.if %cond3A_226 {
        %dma_wait3A_299 = arith.constant 0 : i32
        %dma_wait3A_300 = arith.constant 0 : i32
        %dma_wait3A_301 = arith.constant 0 : i32
        %dma_wait3A_302 = arith.constant 0 : i32
        %dma_wait3A_303 = arith.constant 0 : i32
        %dma_wait3A_304 = tpu.memref_slice %arg10[%dma_wait3A_301, %dma_wait3A_302, %dma_wait3A_303] : memref<8x8x129xf32, #tpu.memory_space<vmem>> -> memref<8x8x128xf32, #tpu.memory_space<vmem>>
        %dma_wait3A_305 = arith.constant 0 : i32
        %dma_wait3A_306 = arith.constant 0 : i32
        %dma_wait3A_307 = arith.constant 0 : i32
        %dma_wait3A_308 = tpu.memref_slice %arg4[%dma_wait3A_299, %dma_wait3A_305, %dma_wait3A_300, %dma_wait3A_306, %dma_wait3A_307] : memref<200x8x32x8x128xf32, #tpu.memory_space<hbm>> -> memref<1x8x1x8x128xf32, #tpu.memory_space<hbm>>
        %dma_wait3A_309 = tpu.memref_squeeze %dma_wait3A_308 : memref<1x8x1x8x128xf32, #tpu.memory_space<hbm>> -> memref<8x8x128xf32, #tpu.memory_space<hbm>>
        %dma_wait3A_310 = arith.constant 0 : i32
        %dma_wait3A_311 = arith.constant 0 : i32
        %dma_wait3A_312 = arith.constant 0 : i32
        %dma_wait3A_313 = tpu.memref_slice %arg4[%dma_wait3A_299, %dma_wait3A_310, %dma_wait3A_300, %dma_wait3A_311, %dma_wait3A_312] : memref<200x8x32x8x128xf32, #tpu.memory_space<hbm>> -> memref<1x8x1x8x128xf32, #tpu.memory_space<hbm>>
        %dma_wait3A_314 = tpu.memref_squeeze %dma_wait3A_313 : memref<1x8x1x8x128xf32, #tpu.memory_space<hbm>> -> memref<8x8x128xf32, #tpu.memory_space<hbm>>
        %dma_wait3A_315 = arith.constant 0 : i32
        %dma_wait3A_316 = arith.constant 0 : i32
        %dma_wait3A_317 = arith.constant 0 : i32
        %dma_wait3A_318 = tpu.memref_slice %arg10[%dma_wait3A_315, %dma_wait3A_316, %dma_wait3A_317] : memref<8x8x129xf32, #tpu.memory_space<vmem>> -> memref<8x8x128xf32, #tpu.memory_space<vmem>>
        tpu.wait_dma2 semaphore(%arg16 : memref<!tpu.dma_semaphore, #tpu.memory_space<semaphore_mem>>) src(%dma_wait3A_318 : memref<8x8x128xf32, #tpu.memory_space<vmem>>) dst(%dma_wait3A_314 : memref<8x8x128xf32, #tpu.memory_space<hbm>>)
      } else {
      }
      %parallel_loop3A_227 = arith.constant 0 : i32
      %parallel_loop3A_228 = arith.constant 128 : i32
      %parallel_loop3A_229 = arith.constant 1 : i32
      scf.for %parallel_loop3A_299 = %parallel_loop3A_227 to %parallel_loop3A_228 step %parallel_loop3A_229  : i32 {
        %parallel_loop3A_300 = vector.broadcast %parallel_loop3A_299 : i32 to vector<16xi32>
        %parallel_loop3A_301 = arith.index_cast %parallel_loop3A_299 : i32 to index
        %parallel_loop3A_302 = arith.constant 0 : index
        %parallel_loop3A_303 = tpu.vector_load %arg8[%parallel_loop3A_301, %parallel_loop3A_302] {strides = array<i32>} : memref<128x64xf32, #tpu.memory_space<vmem>>, vector<16xf32>,
        tpu.vector_store_idx %arg10[%shift_right_arithmetic3A_5, %and3A_32, %parallel_loop3A_300], %parallel_loop3A_303 : memref<8x8x129xf32, #tpu.memory_space<vmem>>[vector<16xi32>, vector<16xi32>, vector<16xi32>], vector<16xf32>,
        %parallel_loop3A_304 = arith.index_cast %parallel_loop3A_299 : i32 to index
        %parallel_loop3A_305 = arith.constant 16 : index
        %parallel_loop3A_306 = tpu.vector_load %arg8[%parallel_loop3A_304, %parallel_loop3A_305] {strides = array<i32>} : memref<128x64xf32, #tpu.memory_space<vmem>>, vector<16xf32>,
        tpu.vector_store_idx %arg10[%shift_right_arithmetic3A_12, %and3A_39, %parallel_loop3A_300], %parallel_loop3A_306 : memref<8x8x129xf32, #tpu.memory_space<vmem>>[vector<16xi32>, vector<16xi32>, vector<16xi32>], vector<16xf32>,
        %parallel_loop3A_307 = arith.index_cast %parallel_loop3A_299 : i32 to index
        %parallel_loop3A_308 = arith.constant 32 : index
        %parallel_loop3A_309 = tpu.vector_load %arg8[%parallel_loop3A_307, %parallel_loop3A_308] {strides = array<i32>} : memref<128x64xf32, #tpu.memory_space<vmem>>, vector<16xf32>,
        tpu.vector_store_idx %arg10[%shift_right_arithmetic3A_19, %and3A_46, %parallel_loop3A_300], %parallel_loop3A_309 : memref<8x8x129xf32, #tpu.memory_space<vmem>>[vector<16xi32>, vector<16xi32>, vector<16xi32>], vector<16xf32>,
        %parallel_loop3A_310 = arith.index_cast %parallel_loop3A_299 : i32 to index
        %parallel_loop3A_311 = arith.constant 48 : index
        %parallel_loop3A_312 = tpu.vector_load %arg8[%parallel_loop3A_310, %parallel_loop3A_311] {strides = array<i32>} : memref<128x64xf32, #tpu.memory_space<vmem>>, vector<16xf32>,
        tpu.vector_store_idx %arg10[%shift_right_arithmetic3A_26, %and3A_53, %parallel_loop3A_300], %parallel_loop3A_312 : memref<8x8x129xf32, #tpu.memory_space<vmem>>[vector<16xi32>, vector<16xi32>, vector<16xi32>], vector<16xf32>,
      } {sc.loop_unroll_factor = 8 : i64, sc.parallel_access}
      %dma_start3A_230 = arith.constant 0 : i32
      %dma_start3A_231 = arith.constant 0 : i32
      %dma_start3A_232 = arith.constant 0 : i32
      %dma_start3A_233 = tpu.memref_slice %arg10[%dma_start3A_230, %dma_start3A_231, %dma_start3A_232] : memref<8x8x129xf32, #tpu.memory_space<vmem>> -> memref<8x8x128xf32, #tpu.memory_space<vmem>>
      %dma_start3A_234 = arith.constant 0 : i32
      %dma_start3A_235 = arith.constant 0 : i32
      %dma_start3A_236 = arith.constant 0 : i32
      %dma_start3A_237 = tpu.memref_slice %arg4[%add3A_214, %dma_start3A_234, %add3A, %dma_start3A_235, %dma_start3A_236] : memref<200x8x32x8x128xf32, #tpu.memory_space<hbm>> -> memref<1x8x1x8x128xf32, #tpu.memory_space<hbm>>
      %dma_start3A_238 = tpu.memref_squeeze %dma_start3A_237 : memref<1x8x1x8x128xf32, #tpu.memory_space<hbm>> -> memref<8x8x128xf32, #tpu.memory_space<hbm>>
      %dma_start3A_239 = arith.constant 0 : i32
      %dma_start3A_240 = arith.constant 0 : i32
      %dma_start3A_241 = arith.constant 0 : i32
      %dma_start3A_242 = tpu.memref_slice %arg4[%add3A_214, %dma_start3A_239, %add3A, %dma_start3A_240, %dma_start3A_241] : memref<200x8x32x8x128xf32, #tpu.memory_space<hbm>> -> memref<1x8x1x8x128xf32, #tpu.memory_space<hbm>>
      %dma_start3A_243 = tpu.memref_squeeze %dma_start3A_242 : memref<1x8x1x8x128xf32, #tpu.memory_space<hbm>> -> memref<8x8x128xf32, #tpu.memory_space<hbm>>
      %dma_start3A_244 = arith.constant 0 : i32
      %dma_start3A_245 = arith.constant 0 : i32
      %dma_start3A_246 = arith.constant 0 : i32
      %dma_start3A_247 = tpu.memref_slice %arg10[%dma_start3A_244, %dma_start3A_245, %dma_start3A_246] : memref<8x8x129xf32, #tpu.memory_space<vmem>> -> memref<8x8x128xf32, #tpu.memory_space<vmem>>
      tpu.enqueue_dma source(%dma_start3A_247 : memref<8x8x128xf32, #tpu.memory_space<vmem>>) target(%dma_start3A_243 : memref<8x8x128xf32, #tpu.memory_space<hbm>>) target_semaphore(%arg16 : memref<!tpu.dma_semaphore, #tpu.memory_space<semaphore_mem>>)
      %add3A_248 = arith.constant 4 : i32
      %add3A_249 = arith.addi %add3A_214, %add3A_248 : i32
      %lt3A_250 = arith.constant 200 : i32
      %lt3A_251 = arith.cmpi slt, %add3A_249, %lt3A_250 : i32
      %convert_element_type3A_252 = arith.extui %lt3A_251 : i1 to i32
      %cond3A_253 = arith.constant 0 : i32
      %cond3A_254 = arith.cmpi ne, %convert_element_type3A_252, %cond3A_253 : i32
      scf.if %cond3A_254 {
        %add3A_299 = arith.constant 4 : i32
        %add3A_300 = arith.addi %add3A_214, %add3A_299 : i32
        %dma_start3A_301 = arith.constant 0 : i32
        %dma_start3A_302 = tpu.memref_slice %arg5[%add3A_300, %dma_start3A_301] : memref<200x128xi32, #tpu.memory_space<vmem>> -> memref<1x128xi32, #tpu.memory_space<vmem>>
        %dma_start3A_303 = tpu.memref_squeeze %dma_start3A_302 : memref<1x128xi32, #tpu.memory_space<vmem>> -> memref<128xi32, #tpu.memory_space<vmem>>
        %dma_start3A_304 = arith.constant 0 : i32
        %dma_start3A_305 = arith.constant 0 : i32
        %dma_start3A_306 = tpu.memref_slice %arg3[%dma_start3A_304, %dma_start3A_305] : memref<1000064x64xf32, #tpu.memory_space<hbm>> -> memref<1000064x64xf32, #tpu.memory_space<hbm>>
        tpu.enqueue_indirect_dma source(%dma_start3A_306 : memref<1000064x64xf32, #tpu.memory_space<hbm>>) target(%arg8 : memref<128x64xf32, #tpu.memory_space<vmem>>) offsets(%dma_start3A_303 : memref<128xi32, #tpu.memory_space<vmem>>) semaphore(%arg14 : memref<!tpu.dma_semaphore, #tpu.memory_space<semaphore_mem>>)
      } else {
      }
      %mul3A_255 = arith.constant 4 : i32
      %mul3A_256 = arith.muli %scan3A_127, %mul3A_255 : i32
      %add3A_257 = arith.constant 3 : i32
      %add3A_258 = arith.addi %mul3A_256, %add3A_257 : i32
      %dma_wait3A_259 = arith.constant 0 : i32
      %dma_wait3A_260 = arith.constant 0 : i32
      %dma_wait3A_261 = tpu.memref_slice %arg5[%dma_wait3A_259, %dma_wait3A_260] : memref<200x128xi32, #tpu.memory_space<vmem>> -> memref<1x128xi32, #tpu.memory_space<vmem>>
      %dma_wait3A_262 = tpu.memref_squeeze %dma_wait3A_261 : memref<1x128xi32, #tpu.memory_space<vmem>> -> memref<128xi32, #tpu.memory_space<vmem>>
      %dma_wait3A_263 = arith.constant 0 : i32
      %dma_wait3A_264 = arith.constant 0 : i32
      %dma_wait3A_265 = tpu.memref_slice %arg3[%dma_wait3A_263, %dma_wait3A_264] : memref<1000064x64xf32, #tpu.memory_space<hbm>> -> memref<1000064x64xf32, #tpu.memory_space<hbm>>
      tpu.wait_indirect_dma semaphore(%arg15 : memref<!tpu.dma_semaphore, #tpu.memory_space<semaphore_mem>>) src(%dma_wait3A_265 : memref<1000064x64xf32, #tpu.memory_space<hbm>>) dst(%arg9 : memref<128x64xf32, #tpu.memory_space<vmem>>)
      %ge3A_266 = arith.constant 2 : i32
      %ge3A_267 = arith.cmpi sge, %add3A_258, %ge3A_266 : i32
      %convert_element_type3A_268 = arith.extui %ge3A_267 : i1 to i32
      %cond3A_269 = arith.constant 0 : i32
      %cond3A_270 = arith.cmpi ne, %convert_element_type3A_268, %cond3A_269 : i32
      scf.if %cond3A_270 {
        %dma_wait3A_299 = arith.constant 0 : i32
        %dma_wait3A_300 = arith.constant 0 : i32
        %dma_wait3A_301 = arith.constant 0 : i32
        %dma_wait3A_302 = arith.constant 0 : i32
        %dma_wait3A_303 = arith.constant 0 : i32
        %dma_wait3A_304 = tpu.memref_slice %arg11[%dma_wait3A_301, %dma_wait3A_302, %dma_wait3A_303] : memref<8x8x129xf32, #tpu.memory_space<vmem>> -> memref<8x8x128xf32, #tpu.memory_space<vmem>>
        %dma_wait3A_305 = arith.constant 0 : i32
        %dma_wait3A_306 = arith.constant 0 : i32
        %dma_wait3A_307 = arith.constant 0 : i32
        %dma_wait3A_308 = tpu.memref_slice %arg4[%dma_wait3A_299, %dma_wait3A_305, %dma_wait3A_300, %dma_wait3A_306, %dma_wait3A_307] : memref<200x8x32x8x128xf32, #tpu.memory_space<hbm>> -> memref<1x8x1x8x128xf32, #tpu.memory_space<hbm>>
        %dma_wait3A_309 = tpu.memref_squeeze %dma_wait3A_308 : memref<1x8x1x8x128xf32, #tpu.memory_space<hbm>> -> memref<8x8x128xf32, #tpu.memory_space<hbm>>
        %dma_wait3A_310 = arith.constant 0 : i32
        %dma_wait3A_311 = arith.constant 0 : i32
        %dma_wait3A_312 = arith.constant 0 : i32
        %dma_wait3A_313 = tpu.memref_slice %arg4[%dma_wait3A_299, %dma_wait3A_310, %dma_wait3A_300, %dma_wait3A_311, %dma_wait3A_312] : memref<200x8x32x8x128xf32, #tpu.memory_space<hbm>> -> memref<1x8x1x8x128xf32, #tpu.memory_space<hbm>>
        %dma_wait3A_314 = tpu.memref_squeeze %dma_wait3A_313 : memref<1x8x1x8x128xf32, #tpu.memory_space<hbm>> -> memref<8x8x128xf32, #tpu.memory_space<hbm>>
        %dma_wait3A_315 = arith.constant 0 : i32
        %dma_wait3A_316 = arith.constant 0 : i32
        %dma_wait3A_317 = arith.constant 0 : i32
        %dma_wait3A_318 = tpu.memref_slice %arg11[%dma_wait3A_315, %dma_wait3A_316, %dma_wait3A_317] : memref<8x8x129xf32, #tpu.memory_space<vmem>> -> memref<8x8x128xf32, #tpu.memory_space<vmem>>
        tpu.wait_dma2 semaphore(%arg17 : memref<!tpu.dma_semaphore, #tpu.memory_space<semaphore_mem>>) src(%dma_wait3A_318 : memref<8x8x128xf32, #tpu.memory_space<vmem>>) dst(%dma_wait3A_314 : memref<8x8x128xf32, #tpu.memory_space<hbm>>)
      } else {
      }
      %parallel_loop3A_271 = arith.constant 0 : i32
      %parallel_loop3A_272 = arith.constant 128 : i32
      %parallel_loop3A_273 = arith.constant 1 : i32
      scf.for %parallel_loop3A_299 = %parallel_loop3A_271 to %parallel_loop3A_272 step %parallel_loop3A_273  : i32 {
        %parallel_loop3A_300 = vector.broadcast %parallel_loop3A_299 : i32 to vector<16xi32>
        %parallel_loop3A_301 = arith.index_cast %parallel_loop3A_299 : i32 to index
        %parallel_loop3A_302 = arith.constant 0 : index
        %parallel_loop3A_303 = tpu.vector_load %arg9[%parallel_loop3A_301, %parallel_loop3A_302] {strides = array<i32>} : memref<128x64xf32, #tpu.memory_space<vmem>>, vector<16xf32>,
        tpu.vector_store_idx %arg11[%shift_right_arithmetic3A_5, %and3A_32, %parallel_loop3A_300], %parallel_loop3A_303 : memref<8x8x129xf32, #tpu.memory_space<vmem>>[vector<16xi32>, vector<16xi32>, vector<16xi32>], vector<16xf32>,
        %parallel_loop3A_304 = arith.index_cast %parallel_loop3A_299 : i32 to index
        %parallel_loop3A_305 = arith.constant 16 : index
        %parallel_loop3A_306 = tpu.vector_load %arg9[%parallel_loop3A_304, %parallel_loop3A_305] {strides = array<i32>} : memref<128x64xf32, #tpu.memory_space<vmem>>, vector<16xf32>,
        tpu.vector_store_idx %arg11[%shift_right_arithmetic3A_12, %and3A_39, %parallel_loop3A_300], %parallel_loop3A_306 : memref<8x8x129xf32, #tpu.memory_space<vmem>>[vector<16xi32>, vector<16xi32>, vector<16xi32>], vector<16xf32>,
        %parallel_loop3A_307 = arith.index_cast %parallel_loop3A_299 : i32 to index
        %parallel_loop3A_308 = arith.constant 32 : index
        %parallel_loop3A_309 = tpu.vector_load %arg9[%parallel_loop3A_307, %parallel_loop3A_308] {strides = array<i32>} : memref<128x64xf32, #tpu.memory_space<vmem>>, vector<16xf32>,
        tpu.vector_store_idx %arg11[%shift_right_arithmetic3A_19, %and3A_46, %parallel_loop3A_300], %parallel_loop3A_309 : memref<8x8x129xf32, #tpu.memory_space<vmem>>[vector<16xi32>, vector<16xi32>, vector<16xi32>], vector<16xf32>,
        %parallel_loop3A_310 = arith.index_cast %parallel_loop3A_299 : i32 to index
        %parallel_loop3A_311 = arith.constant 48 : index
        %parallel_loop3A_312 = tpu.vector_load %arg9[%parallel_loop3A_310, %parallel_loop3A_311] {strides = array<i32>} : memref<128x64xf32, #tpu.memory_space<vmem>>, vector<16xf32>,
        tpu.vector_store_idx %arg11[%shift_right_arithmetic3A_26, %and3A_53, %parallel_loop3A_300], %parallel_loop3A_312 : memref<8x8x129xf32, #tpu.memory_space<vmem>>[vector<16xi32>, vector<16xi32>, vector<16xi32>], vector<16xf32>,
      } {sc.loop_unroll_factor = 8 : i64, sc.parallel_access}
      %dma_start3A_274 = arith.constant 0 : i32
      %dma_start3A_275 = arith.constant 0 : i32
      %dma_start3A_276 = arith.constant 0 : i32
      %dma_start3A_277 = tpu.memref_slice %arg11[%dma_start3A_274, %dma_start3A_275, %dma_start3A_276] : memref<8x8x129xf32, #tpu.memory_space<vmem>> -> memref<8x8x128xf32, #tpu.memory_space<vmem>>
      %dma_start3A_278 = arith.constant 0 : i32
      %dma_start3A_279 = arith.constant 0 : i32
      %dma_start3A_280 = arith.constant 0 : i32
      %dma_start3A_281 = tpu.memref_slice %arg4[%add3A_258, %dma_start3A_278, %add3A, %dma_start3A_279, %dma_start3A_280] : memref<200x8x32x8x128xf32, #tpu.memory_space<hbm>> -> memref<1x8x1x8x128xf32, #tpu.memory_space<hbm>>
      %dma_start3A_282 = tpu.memref_squeeze %dma_start3A_281 : memref<1x8x1x8x128xf32, #tpu.memory_space<hbm>> -> memref<8x8x128xf32, #tpu.memory_space<hbm>>
      %dma_start3A_283 = arith.constant 0 : i32
      %dma_start3A_284 = arith.constant 0 : i32
      %dma_start3A_285 = arith.constant 0 : i32
      %dma_start3A_286 = tpu.memref_slice %arg4[%add3A_258, %dma_start3A_283, %add3A, %dma_start3A_284, %dma_start3A_285] : memref<200x8x32x8x128xf32, #tpu.memory_space<hbm>> -> memref<1x8x1x8x128xf32, #tpu.memory_space<hbm>>
      %dma_start3A_287 = tpu.memref_squeeze %dma_start3A_286 : memref<1x8x1x8x128xf32, #tpu.memory_space<hbm>> -> memref<8x8x128xf32, #tpu.memory_space<hbm>>
      %dma_start3A_288 = arith.constant 0 : i32
      %dma_start3A_289 = arith.constant 0 : i32
      %dma_start3A_290 = arith.constant 0 : i32
      %dma_start3A_291 = tpu.memref_slice %arg11[%dma_start3A_288, %dma_start3A_289, %dma_start3A_290] : memref<8x8x129xf32, #tpu.memory_space<vmem>> -> memref<8x8x128xf32, #tpu.memory_space<vmem>>
      tpu.enqueue_dma source(%dma_start3A_291 : memref<8x8x128xf32, #tpu.memory_space<vmem>>) target(%dma_start3A_287 : memref<8x8x128xf32, #tpu.memory_space<hbm>>) target_semaphore(%arg17 : memref<!tpu.dma_semaphore, #tpu.memory_space<semaphore_mem>>)
      %add3A_292 = arith.constant 4 : i32
      %add3A_293 = arith.addi %add3A_258, %add3A_292 : i32
      %lt3A_294 = arith.constant 200 : i32
      %lt3A_295 = arith.cmpi slt, %add3A_293, %lt3A_294 : i32
      %convert_element_type3A_296 = arith.extui %lt3A_295 : i1 to i32
      %cond3A_297 = arith.constant 0 : i32
      %cond3A_298 = arith.cmpi ne, %convert_element_type3A_296, %cond3A_297 : i32
      scf.if %cond3A_298 {
        %add3A_299 = arith.constant 4 : i32
        %add3A_300 = arith.addi %add3A_258, %add3A_299 : i32
        %dma_start3A_301 = arith.constant 0 : i32
        %dma_start3A_302 = tpu.memref_slice %arg5[%add3A_300, %dma_start3A_301] : memref<200x128xi32, #tpu.memory_space<vmem>> -> memref<1x128xi32, #tpu.memory_space<vmem>>
        %dma_start3A_303 = tpu.memref_squeeze %dma_start3A_302 : memref<1x128xi32, #tpu.memory_space<vmem>> -> memref<128xi32, #tpu.memory_space<vmem>>
        %dma_start3A_304 = arith.constant 0 : i32
        %dma_start3A_305 = arith.constant 0 : i32
        %dma_start3A_306 = tpu.memref_slice %arg3[%dma_start3A_304, %dma_start3A_305] : memref<1000064x64xf32, #tpu.memory_space<hbm>> -> memref<1000064x64xf32, #tpu.memory_space<hbm>>
        tpu.enqueue_indirect_dma source(%dma_start3A_306 : memref<1000064x64xf32, #tpu.memory_space<hbm>>) target(%arg9 : memref<128x64xf32, #tpu.memory_space<vmem>>) offsets(%dma_start3A_303 : memref<128xi32, #tpu.memory_space<vmem>>) semaphore(%arg15 : memref<!tpu.dma_semaphore, #tpu.memory_space<semaphore_mem>>)
      } else {
      }
    }
    %scan3A_87 = arith.constant 50 : i32
    %dma_wait3A = arith.constant 0 : i32
    %dma_wait3A_88 = arith.constant 0 : i32
    %dma_wait3A_89 = arith.constant 0 : i32
    %dma_wait3A_90 = arith.constant 0 : i32
    %dma_wait3A_91 = arith.constant 0 : i32
    %dma_wait3A_92 = tpu.memref_slice %arg10[%dma_wait3A_89, %dma_wait3A_90, %dma_wait3A_91] : memref<8x8x129xf32, #tpu.memory_space<vmem>> -> memref<8x8x128xf32, #tpu.memory_space<vmem>>
    %dma_wait3A_93 = arith.constant 0 : i32
    %dma_wait3A_94 = arith.constant 0 : i32
    %dma_wait3A_95 = arith.constant 0 : i32
    %dma_wait3A_96 = tpu.memref_slice %arg4[%dma_wait3A, %dma_wait3A_93, %dma_wait3A_88, %dma_wait3A_94, %dma_wait3A_95] : memref<200x8x32x8x128xf32, #tpu.memory_space<hbm>> -> memref<1x8x1x8x128xf32, #tpu.memory_space<hbm>>
    %dma_wait3A_97 = tpu.memref_squeeze %dma_wait3A_96 : memref<1x8x1x8x128xf32, #tpu.memory_space<hbm>> -> memref<8x8x128xf32, #tpu.memory_space<hbm>>
    %dma_wait3A_98 = arith.constant 0 : i32
    %dma_wait3A_99 = arith.constant 0 : i32
    %dma_wait3A_100 = arith.constant 0 : i32
    %dma_wait3A_101 = tpu.memref_slice %arg4[%dma_wait3A, %dma_wait3A_98, %dma_wait3A_88, %dma_wait3A_99, %dma_wait3A_100] : memref<200x8x32x8x128xf32, #tpu.memory_space<hbm>> -> memref<1x8x1x8x128xf32, #tpu.memory_space<hbm>>
    %dma_wait3A_102 = tpu.memref_squeeze %dma_wait3A_101 : memref<1x8x1x8x128xf32, #tpu.memory_space<hbm>> -> memref<8x8x128xf32, #tpu.memory_space<hbm>>
    %dma_wait3A_103 = arith.constant 0 : i32
    %dma_wait3A_104 = arith.constant 0 : i32
    %dma_wait3A_105 = arith.constant 0 : i32
    %dma_wait3A_106 = tpu.memref_slice %arg10[%dma_wait3A_103, %dma_wait3A_104, %dma_wait3A_105] : memref<8x8x129xf32, #tpu.memory_space<vmem>> -> memref<8x8x128xf32, #tpu.memory_space<vmem>>
    tpu.wait_dma2 semaphore(%arg16 : memref<!tpu.dma_semaphore, #tpu.memory_space<semaphore_mem>>) src(%dma_wait3A_106 : memref<8x8x128xf32, #tpu.memory_space<vmem>>) dst(%dma_wait3A_102 : memref<8x8x128xf32, #tpu.memory_space<hbm>>)
    %dma_wait3A_107 = arith.constant 0 : i32
    %dma_wait3A_108 = arith.constant 0 : i32
    %dma_wait3A_109 = arith.constant 0 : i32
    %dma_wait3A_110 = arith.constant 0 : i32
    %dma_wait3A_111 = arith.constant 0 : i32
    %dma_wait3A_112 = tpu.memref_slice %arg11[%dma_wait3A_109, %dma_wait3A_110, %dma_wait3A_111] : memref<8x8x129xf32, #tpu.memory_space<vmem>> -> memref<8x8x128xf32, #tpu.memory_space<vmem>>
    %dma_wait3A_113 = arith.constant 0 : i32
    %dma_wait3A_114 = arith.constant 0 : i32
    %dma_wait3A_115 = arith.constant 0 : i32
    %dma_wait3A_116 = tpu.memref_slice %arg4[%dma_wait3A_107, %dma_wait3A_113, %dma_wait3A_108, %dma_wait3A_114, %dma_wait3A_115] : memref<200x8x32x8x128xf32, #tpu.memory_space<hbm>> -> memref<1x8x1x8x128xf32, #tpu.memory_space<hbm>>
    %dma_wait3A_117 = tpu.memref_squeeze %dma_wait3A_116 : memref<1x8x1x8x128xf32, #tpu.memory_space<hbm>> -> memref<8x8x128xf32, #tpu.memory_space<hbm>>
    %dma_wait3A_118 = arith.constant 0 : i32
    %dma_wait3A_119 = arith.constant 0 : i32
    %dma_wait3A_120 = arith.constant 0 : i32
    %dma_wait3A_121 = tpu.memref_slice %arg4[%dma_wait3A_107, %dma_wait3A_118, %dma_wait3A_108, %dma_wait3A_119, %dma_wait3A_120] : memref<200x8x32x8x128xf32, #tpu.memory_space<hbm>> -> memref<1x8x1x8x128xf32, #tpu.memory_space<hbm>>
    %dma_wait3A_122 = tpu.memref_squeeze %dma_wait3A_121 : memref<1x8x1x8x128xf32, #tpu.memory_space<hbm>> -> memref<8x8x128xf32, #tpu.memory_space<hbm>>
    %dma_wait3A_123 = arith.constant 0 : i32
    %dma_wait3A_124 = arith.constant 0 : i32
    %dma_wait3A_125 = arith.constant 0 : i32
    %dma_wait3A_126 = tpu.memref_slice %arg11[%dma_wait3A_123, %dma_wait3A_124, %dma_wait3A_125] : memref<8x8x129xf32, #tpu.memory_space<vmem>> -> memref<8x8x128xf32, #tpu.memory_space<vmem>>
    tpu.wait_dma2 semaphore(%arg17 : memref<!tpu.dma_semaphore, #tpu.memory_space<semaphore_mem>>) src(%dma_wait3A_126 : memref<8x8x128xf32, #tpu.memory_space<vmem>>) dst(%dma_wait3A_122 : memref<8x8x128xf32, #tpu.memory_space<hbm>>)
    return
  }
}

</mosaic_0001>

<sc_bundles>
// kernel: kernel.11.cloned.1.call-start
scs
__scs_entry_jumppad:
0x0: {  	(pc) =	sbr.rel $0x88, $3  }
0x1: {  	(tag) =	ssettag $0x0;
	lr =	simm.s32 $0x1  }
0x2: {  	[smem:$0x3F9F] =	sst lr;
	_ =	strace $0xD0000000  }
0x3: {  	_ = 	snop  }
0x4: {  	_ = 	snop  }
0x5: {  	_ = 	snop  }
0x6: {  	_ = 	snop  }
0x7: {  	_ = 	snop  }
__scs_overlays_trampoline_lowered:
0x8: {  	[smem:$0x3FAE] =	sst s0  }
0x9: {  	[smem:$0x3FAF] =	sst s1  }
0xa: {  	[smem:$0x3FB0] =	sst s2  }
0xb: {  	[smem:$0x3FB1] =	sst s3  }
0xc: {  	[smem:$0x3FB2] =	sst s4  }
0xd: {  	[smem:$0x3FB3] =	sst s5  }
0xe: {  	[smem:$0x3FB4] =	sst s6  }
0xf: {  	[smem:$0x3FB5] =	sst s7  }
0x10: {  	[smem:$0x3FB6] =	sst s8  }
0x11: {  	[smem:$0x3FB7] =	sst s9;
	s0 =	simm.s32 @!p0 $0x0  }
0x12: {  	s1 =	sld [smem:$0x3F9D];
	s0 =	simm.s32 @p0 $0x1  }
0x13: {  	[smem:$0x3FB8] =	sst s0;
	s0 =	simm.s32 @!p1 $0x0  }
0x14: {  	s2 =	sld [smem:$0x3F9C];
	s0 =	simm.s32 @p1 $0x1  }
0x15: {  	[smem:$0x3FB9] =	sst s0;
	s0 =	simm.s32 @!p2 $0x0  }
0x16: {  	s3 =	sld [smem:$0x3FDB];
	s0 =	simm.s32 @p2 $0x1  }
0x17: {  	s4 =	simm.s32 $0x1BF5;
	[smem:$0x3FBB] =	sst s0  }
0x18: {  	s0 =	sld [smem:$0x3F9E];
	_ =	swait.ge [sflag:s4], $0x0  }
0x19: {  	s7 =	sld [smem:$0x3F9F]  }
0x1a: {  	s8 =	sadd.s32 $0xFFFFE003, lr  }
0x1b: {  	s9 =	sadd.s32 $0xFFFFFEF7, lr;
	s5 =	simm.s32 $0xFFFFFFFF;
	p2 =	slt.u32 s8, $0xFFFFF086  }
0x1c: {  	p1 =	slt.u32 s9, $0xF7A;
	s5 =	simm.s32 @!p2 $0x0  }
0x1d: {  	s5 =	simm.s32 @p1 $0x1;
	p0 =	seq.s32 s7, s2  }
0x1e: {  	s7 =	smul.u32 @!p0 $0xF7A, s2;
	p2 =	seq.s32 @!p0 s5, $0x0  }
0x1f: {  	s9 =	smul.u32 $0xF7A, s1;
	s8 =	simm.s32 @!p0 $0x1BF5;
	p2 =	por !p2, p0  }
0x20: {  	[sflag:s8] =	ssyncset.s32 @!p0 $0xFFFFF086;
	s6 =	sadd.s32 @!p0 s3, s7;
	s7 =	simm.s32 @!p0 $0x108  }
0x21: {  	s3 =	sadd.s32 s3, s9;
	s6 =	sadd.s32 @!p0 $0x88, s6;
	s7 =	simm.s32 @p2 $0x1082  }
0x22: {  	[simem:s7], [sflag:s8] =	dma.local @!p0 [hbm:s6], $0xF7A  }
0x23: {  	s9 =	sor.u32 $0xD0000000, s2;
	s6 =	simm.s32 $0x108;
	_ =	swait.ge @!p0 [sflag:s8], $0x0  }
0x24: {  	s3 =	sadd.s32 $0x88, s3;
	s6 =	simm.s32 @!p1 $0x1082;
	[sflag:s4] =	ssyncset.s32 $0xFFFFF086  }
0x25: {  	[simem:s6], [sflag:s4] =	dma.local [hbm:s3], $0xF7A  }
0x26: {  	[smem:$0x3F9F] =	sst s1;
	(tag) =	ssettag s2;
	_ =	strace s9  }
0x27: {  	s1 =	sld [smem:$0x3FAF]  }
0x28: {  	s2 =	sld [smem:$0x3FB0]  }
0x29: {  	s4 =	sld [smem:$0x3FB2]  }
0x2a: {  	p0 =	seq.s32 s5, $0x0;
	s5 =	sld [smem:$0x3FB3]  }
0x2b: {  	s6 =	sld [smem:$0x3FB4]  }
0x2c: {  	s7 =	sld [smem:$0x3FB5]  }
0x2d: {  	s3 =	simm.s32 $0x108;
	s8 =	sld [smem:$0x3FB6]  }
0x2e: {  	s3 =	simm.s32 @!p0 $0x1082;
	s9 =	sld [smem:$0x3FB7]  }
0x2f: {  	lr =	sadd.s32 s0, s3;
	s0 =	sld [smem:$0x3FAE]  }
0x30: {  	s3 =	sld [smem:$0x3FB1]  }
0x31: {  	[smem:$0x3FBA] =	sst s10  }
0x32: {  	s10 =	sld [smem:$0x3FB8];
	_ =	sdelay $0x3  }
0x33: {  	p0 =	seq.s32 s10, $0x1;
	s10 =	sld [smem:$0x3FBA];
	_ =	sdelay $0x3  }
0x34: {  	[smem:$0x3FBA] =	sst s10  }
0x35: {  	s10 =	sld [smem:$0x3FB9];
	_ =	sdelay $0x3  }
0x36: {  	p1 =	seq.s32 s10, $0x1;
	s10 =	sld [smem:$0x3FBA];
	_ =	sdelay $0x3  }
0x37: {  	[smem:$0x3FBA] =	sst s10  }
0x38: {  	s10 =	sld [smem:$0x3FBB]  }
0x39: {  	_ = 	snop;
	(pc) =	sbr.ind lr, $3  }
0x3a: {  	_ = 	snop  }
0x3b: {  	_ = 	snop  }
0x3c: {  	p2 =	seq.s32 s10, $0x1;
	s10 =	sld [smem:$0x3FBA]  }
0x3d: {  	_ =	shalt  }
0x3e: {  	_ =	shalt  }
0x3f: {  	_ =	shalt  }
0x40: {  	_ =	shalt  }
0x41: {  	_ =	shalt  }
0x42: {  	_ =	shalt  }
0x43: {  	_ =	shalt  }
0x44: {  	_ =	shalt  }
0x45: {  	_ =	shalt  }
0x46: {  	_ =	shalt  }
0x47: {  	_ =	shalt  }
0x48: {  	_ =	shalt  }
0x49: {  	_ =	shalt  }
0x4a: {  	_ =	shalt  }
0x4b: {  	_ =	shalt  }
0x4c: {  	_ =	shalt  }
0x4d: {  	_ =	shalt  }
0x4e: {  	_ =	shalt  }
0x4f: {  	_ =	shalt  }
0x50: {  	_ =	shalt  }
0x51: {  	_ =	shalt  }
0x52: {  	_ =	shalt  }
0x53: {  	_ =	shalt  }
0x54: {  	_ =	shalt  }
0x55: {  	_ =	shalt  }
0x56: {  	_ =	shalt  }
0x57: {  	_ =	shalt  }
0x58: {  	_ =	shalt  }
0x59: {  	_ =	shalt  }
0x5a: {  	_ =	shalt  }
0x5b: {  	_ =	shalt  }
0x5c: {  	_ =	shalt  }
0x5d: {  	_ =	shalt  }
0x5e: {  	_ =	shalt  }
0x5f: {  	_ =	shalt  }
0x60: {  	_ =	shalt  }
0x61: {  	_ =	shalt  }
0x62: {  	_ =	shalt  }
0x63: {  	_ =	shalt  }
0x64: {  	_ =	shalt  }
0x65: {  	_ =	shalt  }
0x66: {  	_ =	shalt  }
0x67: {  	_ =	shalt  }
0x68: {  	_ =	shalt  }
0x69: {  	_ =	shalt  }
0x6a: {  	_ =	shalt  }
0x6b: {  	_ =	shalt  }
0x6c: {  	_ =	shalt  }
0x6d: {  	_ =	shalt  }
0x6e: {  	_ =	shalt  }
0x6f: {  	_ =	shalt  }
0x70: {  	_ =	shalt  }
0x71: {  	_ =	shalt  }
0x72: {  	_ =	shalt  }
0x73: {  	_ =	shalt  }
0x74: {  	_ =	shalt  }
0x75: {  	_ =	shalt  }
0x76: {  	_ =	shalt  }
0x77: {  	_ =	shalt  }
0x78: {  	_ =	shalt  }
0x79: {  	_ =	shalt  }
0x7a: {  	_ =	shalt  }
0x7b: {  	_ =	shalt  }
0x7c: {  	_ =	shalt  }
0x7d: {  	_ =	shalt  }
0x7e: {  	_ =	shalt  }
0x7f: {  	_ =	shalt  }
0x80: {  	_ =	shalt  }
0x81: {  	_ =	shalt  }
0x82: {  	_ =	shalt  }
0x83: {  	_ =	shalt  }
0x84: {  	_ =	shalt  }
0x85: {  	_ =	shalt  }
0x86: {  	_ =	shalt  }
0x87: {  	_ =	shalt  }
.Lfunc_end0:
.L_simem_size_0:
called_computation.2_lowered:
.L_overlay_start_0:
0x88: {  	s2 =	sld [smem:$0x3FD9]  }
0x89: {  	s3 =	sld [smem:$0x3FFE];
	_ =	sdelay $0x1  }
0x8a: {  	s1 =	srdreg.scid  }
0x8b: {  	s0 =	sand.u32 $0x1, s1  }
0x8c: {  	s17 =	sshll.u32 s0, $0xA;
	s2 =	sadd.s32 s3, s2  }
0x8d: {  	s2 =	sadd.s32 s2, s17  }
0x8e: {  	[smem:$0x3FC6] =	sst s2  }
0x8f: {  	_ = 	snop  }
0x90: {  	s2 =	sld [smem:$0x3FD0];
	(tm) =	ssettm $0x1  }
0x91: {  	s18 =	sld [smem:$0x3FFB];
	_ =	sdelay $0x3  }
0x92: {  	_ =	strace s18  }
0x93: {  	s3 =	sld [smem:$0x3FFC];
	_ =	sdelay $0x3  }
0x94: {  	_ =	strace s3  }
0x95: {  	s3 =	sld [smem:$0x3FFD];
	_ =	sdelay $0x3  }
0x96: {  	_ =	strace s3  }
0x97: {  	_ =	strace $0x8FFFFFFF  }
0x98: {  	s19 =	sld [smem:$0x3FDB];
	_ =	sdelay $0x1  }
0x99: {  	s4 =	simm.s32 $_scs_section_size  }
0x9a: {  	s5 =	simm.s32 $_size__tile_overlayer_lowered;
	s6 =	simm.s32 $_tile_overlayer_lowered  }
0x9b: {  	s22 =	simm.s32 $0x1BFF;
	s21 =	sshll.u32 s6, $0x1;
	s3 =	sadd.s32 s4, s19  }
0x9c: {  	s7 =	simm.s32 $0x0;
	s20 =	sshll.u32 s5, $0x1;
	s5 =	sadd.s32 s21, s3  }
0x9d: {  	[timem:s7], [sflag:s22] =	dma.local [hbm:s5], s20  }
0x9e: {  	_ =	swait.ge [sflag:s22], s20  }
0x9f: {  	s4 =	ssub.s32 $0x0, s20;
	[sflag:s22] =	ssyncset.done $0x0  }
0xa0: {  	[sflag:s22] =	ssyncadd.s32 s4;
	_ =	sdelay $0x1  }
0xa1: {  	s23 =	simm.s32 $0x1B8B  }
0xa2: {  	_ =	swait.ge [sflag:s23], $0x1  }
0xa3: {  	[sflag:s23] =	ssyncset.done $0x0  }
0xa4: {  	s25 =	simm.s32 $0x1B8E;
	s24 =	sld [smem:$0x3FFE];
	[sflag:s23] =	ssyncadd.s32 $0xFFFFFFFF  }
0xa5: {  	s26 =	simm.s32 $execute0_lowered;
	[smem:$0x3FD2] =	sst s25  }
0xa6: {  	s5 =	sshll.u32 s26, $0x1;
	_ =	strace $0x8000004C;
	[dreg:$0x1] =	wrdreg $0xFFFFFFFF  }
0xa7: {  	s28 =	simm.s32 $_size_execute0_lowered;
	s3 =	sadd.s32 s3, s5;
	[dreg:$0x0] =	wrdreg $0x0  }
0xa8: {  	s5 =	sshll.u32 s28, $0x1;
	[dreg:$0x2] =	wrdreg s3  }
0xa9: {  	[dreg:$0x3] =	wrdreg s5  }
0xaa: {  	[dreg:$0x4] =	wrdreg $0xC0  }
0xab: {  	_ =	task [dreg:s7], $0x5FFFF  }
0xac: {  	[dreg:$0x1] =	wrdreg $0xFFFFFFFF  }
0xad: {  	[dreg:$0x0] =	wrdreg $0x60  }
0xae: {  	[dreg:$0x2] =	wrdreg s24  }
0xaf: {  	[dreg:$0x3] =	wrdreg s2  }
0xb0: {  	[dreg:$0x4] =	wrdreg $0x9  }
0xb1: {  	_ =	task.clear_ibuf [dreg:s7], $0x5FFFF;
	_ =	strace $0x9000004C  }
0xb2: {  	s29 =	simm.s32 $0x9;
	_ =	strace $0x8000004E  }
0xb3: {  	_ =	swait.ge [sflag:s29], $0x1  }
0xb4: {  	[sflag:s29] =	ssyncadd.s32 $0xFFFFFFFF  }
0xb5: {  	_ =	strace $0x9000004E  }
0xb6: {  	_ =	sfence  }
0xb7: {  	s30 =	sld [smem:$0x0];
	_ =	sdelay $0x2  }
0xb8: {  	s31 =	sshll.u32 s1, $0xD;
	s1 =	sshrl.u32 s1, $0x2  }
0xb9: {  	s3 =	sand.u32 $0x4000, s31;
	s1 =	sadd.s32 s1, s30  }
0xba: {  	s0 =	sor.u32 s3, s0;
	s1 =	sshll.u32 s1, $0x11  }
0xbb: {  	s0 =	sor.u32 s1, s0  }
0xbc: {  	s0 =	sadd.s32 $0x8F2B, s0  }
0xbd: {  	[sflag:s0] =	ssyncadd.remote.s32 $0x1  }
0xbe: {  	_ =	sfence.sel $0xFFFF  }
0xbf: {  	[dreg:$0x0] =	wrdreg $0xFFFFFFFF;
	(pc) =	sbr.abs _section_cstart, $3  }
0xc0: {  	[dreg:$0x1] =	wrdreg $0xFFFFFFFF  }
0xc1: {  	_ =	task.clear_ibuf [dreg:s7], $0x2FFFF;
	_ =	strace $0x9FFFFFFF  }
0xc2: {  	(tm) =	ssettm $0x7FFFFFFF  }
0xc3: {  	_ =	shalt  }
tec
execute0_lowered:
.L_overlay_start_1:
0x0: {  	(tag) =	ssettag $0x1  }
0x1: {  	s0 =	rddreg [dreg:$0x0];
	v0 =	vlaneseq.u32  }
0x2: {  	s2 =	rddreg [dreg:$0x1];
	v0 =	vmul.u32 $0x88, v0  }
0x3: {  	s1 =	srdreg.scid;
	s4 =	stileid.u32;
	v1 =	vimm.s32 $0x0;
	vm0 =	vcmask $0x300  }
0x4: {  	s3 =	simm.s32 $0x0;
	s11 =	simm.s32 $0x80;
	s13 =	simm.s32 $0x7;
	v1 =	vsel vm0, $0x3, v1;
	v2 =	vadd.s32 $0x880, v0  }
0x5: {  	s14 =	simm.s32 $0x6400;
	s19 =	simm.s32 $0xC400;
	s20 =	simm.s32 $0x1;
	v3 =	vadd.s32 $0x1100, v0;
	v4 =	vadd.s32 $0x1980, v0;
	v5 =	vor.u32 $0x1, v0  }
0x6: {  	s21 =	simm.s32 $0xE400;
	s22 =	simm.s32 $0x2;
	s23 =	simm.s32 $0x6;
	v6 =	vadd.s32 $0x881, v0;
	v7 =	vadd.s32 $0x1101, v0;
	v8 =	vadd.s32 $0x1981, v0  }
0x7: {  	s24 =	simm.s32 $0x10600;
	s25 =	simm.s32 $0x3;
	s26 =	simm.s32 $0x5;
	v9 =	vor.u32 $0x2, v0;
	v10 =	vadd.s32 $0x882, v0;
	v11 =	vadd.s32 $0x1102, v0  }
0x8: {  	s28 =	simm.s32 $0x4;
	s29 =	simm.s32 $0x0;
	s1 =	sand.u32 $0x1, s1;
	v12 =	vadd.s32 $0x1982, v0;
	v13 =	vor.u32 $0x3, v0;
	v14 =	vadd.s32 $0x883, v0  }
0x9: {  	s4 =	sshll.u32 s4, $0x1;
	[smem:$0x7FF] =	sst s3;
	s8 =	sadd.s32 $0x10000, s2;
	v15 =	vadd.s32 $0x1103, v0;
	v16 =	vadd.s32 $0x1983, v0;
	v17 =	vor.u32 $0x4, v0  }
.Ltmp0:
0xa: {  	s9 =	sadd.s32 $0x18000, s2;
	s6 =	sor.u32 s1, s4;
	v18 =	vadd.s32 $0x884, v0;
	v19 =	vadd.s32 $0x1104, v0;
	v20 =	vadd.s32 $0x1984, v0;
	(pc) =	sbr.rel .LBB2_1-.Ltmp0, $4  }
0xb: {  	s1 =	ssub.s32 $0x2, s1;
	_ =	strace $0x8000004D;
	s4 =	sshll.u32 s6, $0x4;
	v21 =	vor.u32 $0x5, v0;
	v22 =	vadd.s32 $0x885, v0;
	v23 =	vadd.s32 $0x1105, v0  }
0xc: {  	s5 =	sshrl.u32 s1, $0x1;
	s6 =	sshll.u32 s6, $0x7;
	v24 =	vadd.s32 $0x1985, v0;
	v25 =	vor.u32 $0x6, v0;
	v26 =	vadd.s32 $0x886, v0;
	s7 =	sadd.s32 s4, s0  }
0xd: {  	v27 =	vadd.s32 $0x1106, v0;
	v28 =	vadd.s32 $0x1986, v0;
	v29 =	vor.u32 $0x7, v0;
	s4 =	sadd.s32 $0x7A2200, s0;
	s30 =	ssub.s32 s1, s5;
	s31 =	sadd.s32 $0xF43600, s7  }
0xe: {  	v30 =	vadd.s32 $0x887, v0;
	v31 =	vadd.s32 $0x1107, v0;
	v32 =	vadd.s32 $0x1987, v0;
	s7 =	sadd.s32 $0x8000, s2;
	s10 =	smax.u32 s30, $0x1;
	[dreg:$0x3] =	wrdreg s31  }
.LBB2_24:
0xf: {  	s29 =	sadd.s32 $0x1, s29  }
0x10: {  	_ =	swait.ge [sflag:s26], $0x2000;
	p0 =	sne.s32 s29, s10  }
.Ltmp1:
0x11: {  	[sflag:s26] =	ssyncset.done $0x0;
	(pc) =	sbr.rel @!p0 .LBB2_25-.Ltmp1, $4  }
0x12: {  	[sflag:s26] =	ssyncadd.s32 $0xFFFFE000  }
0x13: {  	_ =	swait.ge [sflag:s23], $0x2000  }
0x14: {  	[sflag:s23] =	ssyncset.done $0x0  }
0x15: {  	[sflag:s23] =	ssyncadd.s32 $0xFFFFE000  }
.LBB2_1:
0x16: {  	s0 =	rddreg [dreg:$0x3];
	s1 =	simm.s32 $0x1000  }
0x17: {  	[tilespmem:s3], [sflag:$0x7] =	stream.strided.gather [hbm4b:s0+s11], $0x6400, s1, s11, $0x38;
	[tilespmem:$0x12800] =	vst v63  }
0x18: {  	_ =	swait.ge [sflag:s13], $0x6400  }
0x19: {  	[sflag:s13] =	ssyncset.done $0x0  }
0x1a: {  	[sflag:s13] =	ssyncadd.s32 $0xFFFF9C00  }
0x1b: {  	[tilespmem:s14], [sflag:$0x1] =	stream.indirect.gather [hbm4b:s4+s11], $0x40, s3, s11, $0xb8;
	[tilespmem:$0x12800] =	vst v63  }
0x1c: {  	s16 =	simm.s32 $0x8400  }
0x1d: {  	[tilespmem:s16], [sflag:$0x2] =	stream.indirect.gather [hbm4b:s4+s11], $0x40, s11, s11, $0xb8;
	[tilespmem:$0x12800] =	vst v63  }
0x1e: {  	s17 =	simm.s32 $0x100;
	s18 =	simm.s32 $0xA400  }
0x1f: {  	[tilespmem:s18], [sflag:$0x3] =	stream.indirect.gather [hbm4b:s4+s11], $0x40, s17, s11, $0xb8;
	[tilespmem:$0x12800] =	vst v63  }
0x20: {  	s31 =	simm.s32 $0x180;
	s30 =	simm.s32 $0x0  }
0x21: {  	[tilespmem:s19], [sflag:$0x4] =	stream.indirect.gather [hbm4b:s4+s11], $0x40, s31, s11, $0xb8;
	[tilespmem:$0x12800] =	vst v63  }
.LBB2_2:
0x22: {  	s0 =	simm.s32 $0x0;
	s18 =	simm.s32 $0x1;
	s1 =	simm.s32 $0x2  }
0x23: {  	s5 =	simm.s32 $0x3;
	s15 =	simm.s32 $0x4;
	s12 =	simm.s32 $0x7;
	v33 =	vmov s0;
	v34 =	vmov s18;
	v35 =	vmov s1  }
0x24: {  	_ =	swait.ge [sflag:s20], $0x2000;
	s16 =	simm.s32 $0x5;
	s17 =	simm.s32 $0x6;
	v36 =	vmov s5;
	v37 =	vmov s15;
	v38 =	vmov s12  }
0x25: {  	p0 =	seq.s32 s30, $0x0;
	[sflag:s20] =	ssyncset.done $0x0;
	v39 =	vmov s16;
	v40 =	vmov s17;
	v33 =	vshrl.u32 v33, $0x3  }
0x26: {  	s1 =	simm.s32 @!p0 $0x5;
	[sflag:s20] =	ssyncadd.s32 $0xFFFFE000;
	v38 =	vshrl.u32 v38, $0x3;
	v34 =	vshrl.u32 v34, $0x3;
	v35 =	vshrl.u32 v35, $0x3  }
0x27: {  	v36 =	vshrl.u32 v36, $0x3;
	v37 =	vshrl.u32 v37, $0x3;
	_ =	swait.ge @!p0 [sflag:s1], $0x2000;
	v38 =	vshll.u32 v38, v1  }
0x28: {  	v55 =	vshrl.u32 v39, $0x3;
	v33 =	vshll.u32 v33, v1;
	[sflag:s1] =	ssyncset.done @!p0 $0x0;
	v38 =	vbroadcast v38, $0x0  }
0x29: {  	s0 =	simm.s32 $0x6500;
	v40 =	vshrl.u32 v40, $0x3;
	v34 =	vshll.u32 v34, v1;
	v33 =	vbroadcast v33, $0x0;
	[sflag:s1] =	ssyncadd.s32 @!p0 $0xFFFFE000  }
0x2a: {  	v51 =	vshll.u32 v35, v1;
	v47 =	vbroadcast v34, $0x0;
	v41 =	vld [tilespmem:s0+$0xC0];
	v42 =	vadd.s32 v29, v38  }
0x2b: {  	v52 =	vshll.u32 v36, v1;
	v53 =	vbroadcast v51, $0x0;
	v43 =	vld [tilespmem:s0+$0xFFFFFF00];
	v44 =	vadd.s32 v0, v33  }
0x2c: {  	v54 =	vshll.u32 v37, v1;
	v35 =	vbroadcast v52, $0x0;
	v45 =	vld [tilespmem:s0+$0xFFFFFF40];
	v46 =	vadd.s32 v5, v47  }
0x2d: {  	v36 =	vshll.u32 v55, v1;
	v34 =	vbroadcast v54, $0x0;
	v48 =	vld [tilespmem:s0+$0xFFFFFF80];
	v49 =	vadd.s32 v9, v53  }
0x2e: {  	v56 =	vshll.u32 v40, v1;
	v37 =	vbroadcast v36, $0x0;
	v39 =	vld [tilespmem:s0+$0xFFFFFFC0];
	v50 =	vadd.s32 v13, v35  }
0x2f: {  	v36 =	vbroadcast v56, $0x0;
	v51 =	vld [tilespmem:s0+$0x0];
	v52 =	vadd.s32 v17, v34;
	[tilespmem:v42+s21+$0x0] =	vst.idx.msk $0xffff, v41  }
0x30: {  	v59 =	vld [tilespmem:s0+$0x40];
	v60 =	vadd.s32 v21, v37;
	[tilespmem:v44+s21+$0x0] =	vst.idx.msk $0xffff, v43  }
0x31: {  	v61 =	vld [tilespmem:s0+$0x80];
	v62 =	vadd.s32 v25, v36;
	[tilespmem:v46+s21+$0x0] =	vst.idx.msk $0xffff, v45  }
0x32: {  	v58 =	vadd.s32 v30, v38;
	[tilespmem:v49+s21+$0x0] =	vst.idx.msk $0xffff, v48;
	v57 =	vld [tilespmem:s0+$0xD0]  }
0x33: {  	v63 =	vadd.s32 v6, v47;
	[tilespmem:v50+s21+$0x0] =	vst.idx.msk $0xffff, v39;
	v46 =	vld [tilespmem:s0+$0xFFFFFF50]  }
0x34: {  	v55 =	vadd.s32 v10, v53;
	[tilespmem:v52+s21+$0x0] =	vst.idx.msk $0xffff, v51;
	v54 =	vld [tilespmem:s0+$0xFFFFFF90]  }
0x35: {  	v56 =	vadd.s32 v14, v35;
	[tilespmem:v60+s21+$0x0] =	vst.idx.msk $0xffff, v59;
	v50 =	vld [tilespmem:s0+$0xFFFFFFD0]  }
0x36: {  	[tilespmem:v62+s21+$0x0] =	vst.idx.msk $0xffff, v61;
	v45 =	vadd.s32 v22, v37;
	v44 =	vld [tilespmem:s0+$0x50]  }
0x37: {  	v59 =	vadd.s32 v18, v34;
	[tilespmem:v58+s21+$0x0] =	vst.idx.msk $0xffff, v57;
	v58 =	vld [tilespmem:s0+$0x10]  }
0x38: {  	v57 =	vadd.s32 v31, v38;
	[tilespmem:v63+s21+$0x0] =	vst.idx.msk $0xffff, v46;
	v40 =	vld [tilespmem:s0+$0xE0]  }
0x39: {  	v60 =	vadd.s32 v26, v36;
	[tilespmem:v55+s21+$0x0] =	vst.idx.msk $0xffff, v54;
	v63 =	vld [tilespmem:s0+$0x90]  }
0x3a: {  	v62 =	vadd.s32 v2, v33;
	v61 =	vld [tilespmem:s0+$0xFFFFFF10];
	[tilespmem:v56+s21+$0x0] =	vst.idx.msk $0xffff, v50  }
0x3b: {  	v51 =	vadd.s32 v7, v47;
	[tilespmem:v45+s21+$0x0] =	vst.idx.msk $0xffff, v44;
	v50 =	vld [tilespmem:s0+$0xFFFFFF60]  }
0x3c: {  	v56 =	vadd.s32 v11, v53;
	v55 =	vld [tilespmem:s0+$0xFFFFFFA0];
	[tilespmem:v59+s21+$0x0] =	vst.idx.msk $0xffff, v58  }
0x3d: {  	v58 =	vadd.s32 v15, v35;
	[tilespmem:v57+s21+$0x0] =	vst.idx.msk $0xffff, v40;
	v57 =	vld [tilespmem:s0+$0xFFFFFFE0]  }
0x3e: {  	[tilespmem:v60+s21+$0x0] =	vst.idx.msk $0xffff, v63;
	v60 =	vadd.s32 v19, v34;
	v59 =	vld [tilespmem:s0+$0x20]  }
0x3f: {  	s5 =	simm.s32 $0x9;
	v38 =	vadd.s32 v32, v38;
	[tilespmem:v62+s21+$0x0] =	vst.idx.msk $0xffff, v61;
	v54 =	vld [tilespmem:s0+$0xF0]  }
0x40: {  	s18 =	simm.s32 $0x8;
	v41 =	vadd.s32 v23, v37;
	v52 =	vmov s5;
	[tilespmem:v51+s21+$0x0] =	vst.idx.msk $0xffff, v50;
	v40 =	vld [tilespmem:s0+$0x60]  }
0x41: {  	s15 =	simm.s32 $0xB;
	s16 =	simm.s32 $0xC;
	v43 =	vadd.s32 v27, v36;
	v48 =	vadd.s32 v3, v33;
	v63 =	vmov s18;
	v42 =	vld [tilespmem:s0+$0xA0];
	[tilespmem:v56+s21+$0x0] =	vst.idx.msk $0xffff, v55  }
0x42: {  	v44 =	vmov s15;
	v46 =	vmov s16;
	v45 =	vld [tilespmem:s0+$0xFFFFFF20];
	s18 =	simm.s32 $0xE;
	v39 =	vshrl.u32 v63, $0x3;
	[tilespmem:v58+s21+$0x0] =	vst.idx.msk $0xffff, v57  }
0x43: {  	s12 =	simm.s32 $0xA;
	s17 =	simm.s32 $0xD;
	v51 =	vadd.s32 v8, v47;
	v49 =	vld [tilespmem:s0+$0xFFFFFF70];
	v47 =	vshll.u32 v39, v1;
	v39 =	vmov s18;
	[tilespmem:v60+s21+$0x0] =	vst.idx.msk $0xffff, v59  }
0x44: {  	s31 =	sshll.u32 s30, $0xB;
	s1 =	simm.s32 $0x10;
	v53 =	vadd.s32 v12, v53;
	v50 =	vld [tilespmem:s0+$0xFFFFFFB0];
	[tilespmem:v38+s21+$0x0] =	vst.idx.msk $0xffff, v54;
	v54 =	vmov s12;
	v38 =	vmov s17;
	s12 =	simm.s32 $0xF  }
.LBB2_3:
0x45: {  	p1 =	slt.u32 s1, $0x78;
	v52 =	vshrl.u32 v52, $0x3;
	v55 =	vmov s12;
	v56 =	vld [tilespmem:s0+$0xFFFFFFF0];
	v35 =	vadd.s32 v16, v35;
	[tilespmem:v41+s21+$0x0] =	vst.idx.msk $0xffff, v40  }
0x46: {  	v40 =	vshrl.u32 v54, $0x3;
	v34 =	vadd.s32 v20, v34;
	v41 =	vshrl.u32 v55, $0x3;
	v54 =	vld [tilespmem:s0+$0x30];
	[tilespmem:v43+s21+$0x0] =	vst.idx.msk $0xffff, v42  }
0x47: {  	v37 =	vadd.s32 v24, v37;
	v42 =	vshrl.u32 v44, $0x3;
	v41 =	vshll.u32 v41, v1;
	[tilespmem:v48+s21+$0x0] =	vst.idx.msk $0xffff, v45;
	v43 =	vld [tilespmem:s0+$0x70]  }
0x48: {  	v36 =	vadd.s32 v28, v36;
	v44 =	vshrl.u32 v46, $0x3;
	v41 =	vbroadcast v41, $0x0;
	[tilespmem:v51+s21+$0x0] =	vst.idx.msk $0xffff, v49;
	v45 =	vld [tilespmem:s0+$0xB0]  }
0x49: {  	v46 =	vshll.u32 v52, v1;
	v49 =	vadd.s32 v4, v33;
	v33 =	vbroadcast v47, $0x0;
	v48 =	vld [tilespmem:s0+$0xFFFFFF30];
	[tilespmem:v53+s21+$0x0] =	vst.idx.msk $0xffff, v50;
	s0 =	sadd.s32 $0x200, s0  }
0x4a: {  	v40 =	vshll.u32 v40, v1;
	v47 =	vbroadcast v46, $0x0;
	v46 =	vld [tilespmem:s0+$0xC0];
	v50 =	vadd.s32 v29, v41;
	[tilespmem:v35+s21+$0x0] =	vst.idx.msk $0xffff, v56  }
0x4b: {  	v53 =	vbroadcast v40, $0x0;
	v52 =	vadd.s32 v0, v33;
	v35 =	vshll.u32 v42, v1;
	v51 =	vld [tilespmem:s0+$0xFFFFFF00];
	[tilespmem:v34+s21+$0x0] =	vst.idx.msk $0xffff, v54  }
0x4c: {  	v42 =	vadd.s32 v5, v47;
	v35 =	vbroadcast v35, $0x0;
	v34 =	vshll.u32 v44, v1;
	v40 =	vld [tilespmem:s0+$0xFFFFFF40];
	[tilespmem:v37+s21+$0x0] =	vst.idx.msk $0xffff, v43  }
0x4d: {  	v44 =	vadd.s32 v9, v53;
	v34 =	vbroadcast v34, $0x0;
	v37 =	vshrl.u32 v38, $0x3;
	v43 =	vld [tilespmem:s0+$0xFFFFFF80];
	[tilespmem:v36+s21+$0x0] =	vst.idx.msk $0xffff, v45  }
0x4e: {  	v39 =	vshrl.u32 v39, $0x3;
	v45 =	vadd.s32 v13, v35;
	v36 =	vshll.u32 v37, v1;
	v38 =	vld [tilespmem:s0+$0xFFFFFFC0];
	[tilespmem:v49+s21+$0x0] =	vst.idx.msk $0xffff, v48  }
0x4f: {  	v49 =	vadd.s32 v17, v34;
	v37 =	vbroadcast v36, $0x0;
	v36 =	vshll.u32 v39, v1;
	v48 =	vld [tilespmem:s0+$0x0];
	[tilespmem:v50+s21+$0x0] =	vst.idx.msk $0xffff, v46  }
0x50: {  	v36 =	vbroadcast v36, $0x0;
	v46 =	vadd.s32 v30, v41;
	[tilespmem:v52+s21+$0x0] =	vst.idx.msk $0xffff, v51;
	v39 =	vld [tilespmem:s0+$0xD0]  }
0x51: {  	[tilespmem:v42+s21+$0x0] =	vst.idx.msk $0xffff, v40;
	v40 =	vld [tilespmem:s0+$0x40];
	v42 =	vadd.s32 v21, v37  }
0x52: {  	[tilespmem:v44+s21+$0x0] =	vst.idx.msk $0xffff, v43;
	v43 =	vld [tilespmem:s0+$0x80];
	v44 =	vadd.s32 v25, v36  }
0x53: {  	v51 =	vadd.s32 v6, v47;
	v50 =	vld [tilespmem:s0+$0xFFFFFF50];
	[tilespmem:v45+s21+$0x0] =	vst.idx.msk $0xffff, v38  }
0x54: {  	v45 =	vadd.s32 v10, v53;
	v38 =	vld [tilespmem:s0+$0xFFFFFF90];
	[tilespmem:v49+s21+$0x0] =	vst.idx.msk $0xffff, v48  }
0x55: {  	v49 =	vadd.s32 v14, v35;
	v48 =	vld [tilespmem:s0+$0xFFFFFFD0];
	[tilespmem:v46+s21+$0x0] =	vst.idx.msk $0xffff, v39  }
0x56: {  	[tilespmem:v42+s21+$0x0] =	vst.idx.msk $0xffff, v40;
	v39 =	vld [tilespmem:s0+$0xE0];
	v40 =	vadd.s32 v31, v41  }
0x57: {  	v46 =	vadd.s32 v18, v34;
	v42 =	vld [tilespmem:s0+$0x10];
	[tilespmem:v44+s21+$0x0] =	vst.idx.msk $0xffff, v43  }
0x58: {  	v44 =	vadd.s32 v22, v37;
	[tilespmem:v51+s21+$0x0] =	vst.idx.msk $0xffff, v50;
	v43 =	vld [tilespmem:s0+$0x50]  }
0x59: {  	[tilespmem:v45+s21+$0x0] =	vst.idx.msk $0xffff, v38;
	v38 =	vld [tilespmem:s0+$0x90];
	v45 =	vadd.s32 v26, v36  }
0x5a: {  	v51 =	vadd.s32 v2, v33;
	v50 =	vld [tilespmem:s0+$0xFFFFFF10];
	[tilespmem:v49+s21+$0x0] =	vst.idx.msk $0xffff, v48  }
0x5b: {  	v49 =	vadd.s32 v7, v47;
	v48 =	vld [tilespmem:s0+$0xFFFFFF60];
	[tilespmem:v40+s21+$0x0] =	vst.idx.msk $0xffff, v39  }
0x5c: {  	[tilespmem:v46+s21+$0x0] =	vst.idx.msk $0xffff, v42;
	v39 =	vld [tilespmem:s0+$0xF0];
	v46 =	vadd.s32 v32, v41  }
0x5d: {  	v56 =	vadd.s32 v11, v53;
	v55 =	vld [tilespmem:s0+$0xFFFFFFA0];
	[tilespmem:v44+s21+$0x0] =	vst.idx.msk $0xffff, v43  }
0x5e: {  	v58 =	vadd.s32 v15, v35;
	v57 =	vld [tilespmem:s0+$0xFFFFFFE0];
	[tilespmem:v45+s21+$0x0] =	vst.idx.msk $0xffff, v38  }
0x5f: {  	v60 =	vadd.s32 v19, v34;
	[tilespmem:v51+s21+$0x0] =	vst.idx.msk $0xffff, v50;
	v59 =	vld [tilespmem:s0+$0x20]  }
.Ltmp2:
0x60: {  	s12 =	sadd.s32 $0x1, s1;
	v41 =	vadd.s32 v23, v37;
	v38 =	vmov s1;
	[tilespmem:v49+s21+$0x0] =	vst.idx.msk $0xffff, v48;
	v40 =	vld [tilespmem:s0+$0x60];
	(pc) =	sbr.rel @p1 .LBB2_3-.Ltmp2, $4  }
0x61: {  	s15 =	sadd.s32 $0x3, s1;
	v52 =	vmov s12;
	s12 =	sadd.s32 $0x2, s1;
	v43 =	vadd.s32 v27, v36;
	v50 =	vshrl.u32 v38, $0x3;
	v42 =	vld [tilespmem:s0+$0xA0];
	[tilespmem:v46+s21+$0x0] =	vst.idx.msk $0xffff, v39  }
0x62: {  	v54 =	vmov s12;
	s12 =	sadd.s32 $0x4, s1;
	v44 =	vmov s15;
	s15 =	sadd.s32 $0x5, s1;
	v48 =	vadd.s32 v3, v33;
	v45 =	vld [tilespmem:s0+$0xFFFFFF20];
	[tilespmem:v56+s21+$0x0] =	vst.idx.msk $0xffff, v55  }
0x63: {  	v38 =	vmov s15;
	v51 =	vadd.s32 v8, v47;
	v46 =	vmov s12;
	s12 =	sadd.s32 $0x6, s1;
	v49 =	vld [tilespmem:s0+$0xFFFFFF70];
	[tilespmem:v58+s21+$0x0] =	vst.idx.msk $0xffff, v57  }
0x64: {  	v53 =	vadd.s32 v12, v53;
	v47 =	vshll.u32 v50, v1;
	v39 =	vmov s12;
	s12 =	sadd.s32 $0x7, s1;
	s1 =	sadd.s32 $0x8, s1;
	v50 =	vld [tilespmem:s0+$0xFFFFFFB0];
	[tilespmem:v60+s21+$0x0] =	vst.idx.msk $0xffff, v59  }
0x65: {  	_ =	sdelay $0x2  }
0x66: {  	v52 =	vshrl.u32 v52, $0x3  }
0x67: {  	v55 =	vmov s12;
	v56 =	vld [tilespmem:s0+$0xFFFFFFF0];
	v35 =	vadd.s32 v16, v35;
	[tilespmem:v41+s21+$0x0] =	vst.idx.msk $0xffff, v40;
	v57 =	vshrl.u32 v54, $0x3  }
0x68: {  	v59 =	vld [tilespmem:s0+$0x30];
	v34 =	vadd.s32 v20, v34;
	v60 =	vshrl.u32 v44, $0x3;
	v58 =	vshrl.u32 v55, $0x3;
	[tilespmem:v43+s21+$0x0] =	vst.idx.msk $0xffff, v42  }
0x69: {  	v37 =	vadd.s32 v24, v37;
	v62 =	vshrl.u32 v46, $0x3;
	v61 =	vld [tilespmem:s0+$0x70];
	v41 =	vshll.u32 v58, v1;
	[tilespmem:v48+s21+$0x0] =	vst.idx.msk $0xffff, v45  }
0x6a: {  	v36 =	vadd.s32 v28, v36;
	v46 =	vbroadcast v47, $0x0;
	v63 =	vld [tilespmem:s0+$0xB0];
	v41 =	vbroadcast v41, $0x0;
	[tilespmem:v51+s21+$0x0] =	vst.idx.msk $0xffff, v49  }
0x6b: {  	v33 =	vadd.s32 v4, v33;
	s15 =	sadd.s32 $0x200, s0;
	v38 =	vshrl.u32 v38, $0x3;
	v55 =	vshll.u32 v52, v1;
	v48 =	vld [tilespmem:s0+$0xFFFFFF30];
	[tilespmem:v53+s21+$0x0] =	vst.idx.msk $0xffff, v50  }
0x6c: {  	v40 =	vshll.u32 v57, v1;
	v47 =	vbroadcast v55, $0x0;
	v49 =	vld [tilespmem:s15+$0xC0];
	v50 =	vadd.s32 v29, v41;
	[tilespmem:v35+s21+$0x0] =	vst.idx.msk $0xffff, v56  }
0x6d: {  	v42 =	vshll.u32 v60, v1;
	v40 =	vbroadcast v40, $0x0;
	v35 =	vld [tilespmem:s15+$0xFFFFFF00];
	v56 =	vadd.s32 v0, v46;
	[tilespmem:v34+s21+$0x0] =	vst.idx.msk $0xffff, v59  }
0x6e: {  	v57 =	vld [tilespmem:s15+$0xFFFFFF40];
	v44 =	vshll.u32 v62, v1;
	v42 =	vbroadcast v42, $0x0;
	v58 =	vadd.s32 v5, v47;
	[tilespmem:v37+s21+$0x0] =	vst.idx.msk $0xffff, v61  }
0x6f: {  	v38 =	vshll.u32 v38, v1;
	v44 =	vbroadcast v44, $0x0;
	v60 =	vadd.s32 v9, v40;
	v59 =	vld [tilespmem:s15+$0xFFFFFF80];
	[tilespmem:v36+s21+$0x0] =	vst.idx.msk $0xffff, v63  }
0x70: {  	v38 =	vbroadcast v38, $0x0;
	v62 =	vadd.s32 v13, v42;
	v61 =	vld [tilespmem:s15+$0xFFFFFFC0];
	[tilespmem:v33+s21+$0x0] =	vst.idx.msk $0xffff, v48  }
0x71: {  	v39 =	vshrl.u32 v39, $0x3;
	v63 =	vadd.s32 v17, v44;
	v33 =	vld [tilespmem:s15+$0x0];
	[tilespmem:v50+s21+$0x0] =	vst.idx.msk $0xffff, v49  }
0x72: {  	v39 =	vshll.u32 v39, v1;
	v34 =	vld [tilespmem:s15+$0x40];
	[tilespmem:v56+s21+$0x0] =	vst.idx.msk $0xffff, v35;
	v56 =	vadd.s32 v21, v38  }
0x73: {  	[tilespmem:v58+s21+$0x0] =	vst.idx.msk $0xffff, v57;
	v35 =	vbroadcast v39, $0x0;
	v49 =	vadd.s32 v30, v41;
	v39 =	vld [tilespmem:s15+$0xD0]  }
0x74: {  	[tilespmem:v60+s21+$0x0] =	vst.idx.msk $0xffff, v59;
	v59 =	vld [tilespmem:s15+$0xFFFFFF50];
	v60 =	vadd.s32 v6, v47  }
0x75: {  	v57 =	vld [tilespmem:s15+$0x80];
	[tilespmem:v62+s21+$0x0] =	vst.idx.msk $0xffff, v61;
	v58 =	vadd.s32 v25, v35  }
0x76: {  	v61 =	vld [tilespmem:s15+$0xFFFFFF90];
	v62 =	vadd.s32 v10, v40;
	[tilespmem:v63+s21+$0x0] =	vst.idx.msk $0xffff, v33  }
0x77: {  	v33 =	vld [tilespmem:s15+$0xFFFFFFD0];
	v63 =	vadd.s32 v14, v42;
	[tilespmem:v56+s21+$0x0] =	vst.idx.msk $0xffff, v34  }
0x78: {  	v56 =	vadd.s32 v18, v44;
	[tilespmem:v49+s21+$0x0] =	vst.idx.msk $0xffff, v39;
	v49 =	vld [tilespmem:s15+$0x10]  }
0x79: {  	[tilespmem:v60+s21+$0x0] =	vst.idx.msk $0xffff, v59;
	v39 =	vadd.s32 v31, v41;
	v34 =	vld [tilespmem:s15+$0xE0]  }
0x7a: {  	[tilespmem:v58+s21+$0x0] =	vst.idx.msk $0xffff, v57;
	v57 =	vld [tilespmem:s15+$0x50];
	v58 =	vadd.s32 v22, v38  }
0x7b: {  	[tilespmem:v62+s21+$0x0] =	vst.idx.msk $0xffff, v61;
	v61 =	vld [tilespmem:s15+$0xFFFFFF10];
	v62 =	vadd.s32 v2, v46  }
0x7c: {  	v60 =	vadd.s32 v26, v35;
	v59 =	vld [tilespmem:s15+$0x90];
	[tilespmem:v63+s21+$0x0] =	vst.idx.msk $0xffff, v33  }
0x7d: {  	v55 =	vadd.s32 v11, v40;
	v54 =	vadd.s32 v32, v41;
	v41 =	vld [tilespmem:s15+$0xFFFFFFA0];
	[tilespmem:v56+s21+$0x0] =	vst.idx.msk $0xffff, v49  }
0x7e: {  	v53 =	vadd.s32 v7, v47;
	v63 =	vld [tilespmem:s15+$0xFFFFFF60];
	[tilespmem:v39+s21+$0x0] =	vst.idx.msk $0xffff, v34  }
0x7f: {  	v56 =	vld [tilespmem:s15+$0xFFFFFFE0];
	[tilespmem:v58+s21+$0x0] =	vst.idx.msk $0xffff, v57;
	v57 =	vadd.s32 v15, v42  }
0x80: {  	[tilespmem:v62+s21+$0x0] =	vst.idx.msk $0xffff, v61;
	v34 =	vld [tilespmem:s15+$0xF0]  }
0x81: {  	v58 =	vld [tilespmem:s15+$0x20];
	[tilespmem:v60+s21+$0x0] =	vst.idx.msk $0xffff, v59;
	v59 =	vadd.s32 v19, v44  }
0x82: {  	v61 =	vadd.s32 v23, v38;
	[tilespmem:v55+s21+$0x0] =	vst.idx.msk $0xffff, v41;
	v60 =	vld [tilespmem:s15+$0x60]  }
0x83: {  	[tilespmem:v53+s21+$0x0] =	vst.idx.msk $0xffff, v63;
	v63 =	vadd.s32 v27, v35;
	v62 =	vld [tilespmem:s15+$0xA0]  }
0x84: {  	v47 =	vadd.s32 v8, v47;
	v55 =	vld [tilespmem:s15+$0xFFFFFF70];
	[tilespmem:v57+s21+$0x0] =	vst.idx.msk $0xffff, v56  }
0x85: {  	v53 =	vld [tilespmem:s15+$0xFFFFFF20];
	[tilespmem:v54+s21+$0x0] =	vst.idx.msk $0xffff, v34;
	v54 =	vadd.s32 v3, v46  }
0x86: {  	v40 =	vadd.s32 v12, v40;
	v56 =	vld [tilespmem:s15+$0xFFFFFFB0];
	[tilespmem:v59+s21+$0x0] =	vst.idx.msk $0xffff, v58  }
0x87: {  	v42 =	vadd.s32 v16, v42;
	v57 =	vld [tilespmem:s15+$0xFFFFFFF0];
	[tilespmem:v61+s21+$0x0] =	vst.idx.msk $0xffff, v60  }
0x88: {  	v59 =	vadd.s32 v20, v44;
	v58 =	vld [tilespmem:s15+$0x30];
	[tilespmem:v63+s21+$0x0] =	vst.idx.msk $0xffff, v62  }
0x89: {  	v38 =	vadd.s32 v24, v38;
	v60 =	vld [tilespmem:s15+$0x70];
	[tilespmem:v47+s21+$0x0] =	vst.idx.msk $0xffff, v55  }
0x8a: {  	v35 =	vadd.s32 v28, v35;
	v61 =	vld [tilespmem:s15+$0xB0];
	[tilespmem:v54+s21+$0x0] =	vst.idx.msk $0xffff, v53  }
0x8b: {  	v63 =	vadd.s32 v4, v46;
	[tilespmem:v40+s21+$0x0] =	vst.idx.msk $0xffff, v56;
	v62 =	vld [tilespmem:s15+$0xFFFFFF30]  }
0x8c: {  	[tilespmem:v42+s21+$0x0] =	vst.idx.msk $0xffff, v57  }
0x8d: {  	[tilespmem:v59+s21+$0x0] =	vst.idx.msk $0xffff, v58  }
0x8e: {  	s16 =	sshll.u32 s30, $0x11;
	[tilespmem:v38+s21+$0x0] =	vst.idx.msk $0xffff, v60  }
0x8f: {  	s0 =	sor.u32 s6, s16;
	[tilespmem:v35+s21+$0x0] =	vst.idx.msk $0xffff, v61  }
0x90: {  	s1 =	simm.s32 $0xE400;
	s12 =	sadd.s32 s2, s0;
	[tilespmem:v63+s21+$0x0] =	vst.idx.msk $0xffff, v62  }
0x91: {  	[hbm4b:s12+s3] =	stream.linear.scatter [tilespmem:s1], [sflag:$0x5], $0x80, $0x38;
	[tilespmem:$0x12800] =	vst v63  }
0x92: {  	s17 =	simm.s32 $0xE488;
	s15 =	sadd.s32 $0x10, s12  }
0x93: {  	[hbm4b:s15+s3] =	stream.linear.scatter [tilespmem:s17], [sflag:$0x5], $0x80, $0x38;
	[tilespmem:$0x12800] =	vst v63  }
0x94: {  	s18 =	simm.s32 $0xE510;
	s5 =	sadd.s32 $0x20, s12  }
0x95: {  	[hbm4b:s5+s3] =	stream.linear.scatter [tilespmem:s18], [sflag:$0x5], $0x80, $0x38;
	[tilespmem:$0x12800] =	vst v63  }
0x96: {  	s16 =	simm.s32 $0xE598;
	s17 =	sadd.s32 $0x30, s12  }
0x97: {  	[hbm4b:s17+s3] =	stream.linear.scatter [tilespmem:s16], [sflag:$0x5], $0x80, $0x38;
	[tilespmem:$0x12800] =	vst v63  }
0x98: {  	s18 =	simm.s32 $0xE620;
	s5 =	sadd.s32 $0x40, s12  }
0x99: {  	[hbm4b:s5+s3] =	stream.linear.scatter [tilespmem:s18], [sflag:$0x5], $0x80, $0x38;
	[tilespmem:$0x12800] =	vst v63  }
0x9a: {  	s1 =	simm.s32 $0x440;
	s15 =	simm.s32 $0xE6A8;
	s16 =	sadd.s32 $0x50, s12  }
0x9b: {  	[hbm4b:s16+s3] =	stream.linear.scatter [tilespmem:s15], [sflag:$0x5], $0x80, $0x38;
	[tilespmem:$0x12800] =	vst v63  }
0x9c: {  	s17 =	simm.s32 $0xE730;
	s18 =	sadd.s32 $0x60, s12;
	s15 =	simm.s32 $0x2200  }
0x9d: {  	[hbm4b:s18+s3] =	stream.linear.scatter [tilespmem:s17], [sflag:$0x5], $0x80, $0x38;
	[tilespmem:$0x12800] =	vst v63  }
0x9e: {  	s16 =	simm.s32 $0xE7B8;
	s17 =	sadd.s32 $0x70, s12;
	s12 =	sadd.s32 $0x1000, s12  }
.LBB2_5:
0x9f: {  	[hbm4b:s17+s3] =	stream.linear.scatter [tilespmem:s16], [sflag:$0x5], $0x80, $0x38;
	[tilespmem:$0x12800] =	vst v63  }
0xa0: {  	s16 =	smov.u32 s1;
	s1 =	smov.u32 s15  }
0xa1: {  	s18 =	sadd.s32 $0x1100, s15;
	s1 =	sshra.s32 s1, $0x2;
	s17 =	sadd.s32 $0xE400, s16  }
0xa2: {  	[hbm4b:s12+s3] =	stream.linear.scatter [tilespmem:s17], [sflag:$0x5], $0x80, $0x38;
	[tilespmem:$0x12800] =	vst v63  }
0xa3: {  	p1 =	sne.s32 s15, $0x7700;
	s15 =	sadd.s32 $0xE488, s16;
	s17 =	sadd.s32 $0x10, s12  }
0xa4: {  	[hbm4b:s17+s3] =	stream.linear.scatter [tilespmem:s15], [sflag:$0x5], $0x80, $0x38;
	[tilespmem:$0x12800] =	vst v63  }
0xa5: {  	s15 =	sadd.s32 $0xE510, s16;
	s17 =	sadd.s32 $0x20, s12  }
0xa6: {  	[hbm4b:s17+s3] =	stream.linear.scatter [tilespmem:s15], [sflag:$0x5], $0x80, $0x38;
	[tilespmem:$0x12800] =	vst v63  }
0xa7: {  	s15 =	sadd.s32 $0xE598, s16;
	s17 =	sadd.s32 $0x30, s12  }
0xa8: {  	[hbm4b:s17+s3] =	stream.linear.scatter [tilespmem:s15], [sflag:$0x5], $0x80, $0x38;
	[tilespmem:$0x12800] =	vst v63  }
0xa9: {  	s15 =	sadd.s32 $0xE620, s16;
	s17 =	sadd.s32 $0x40, s12  }
0xaa: {  	[hbm4b:s17+s3] =	stream.linear.scatter [tilespmem:s15], [sflag:$0x5], $0x80, $0x38;
	[tilespmem:$0x12800] =	vst v63  }
.Ltmp3:
0xab: {  	s15 =	sadd.s32 $0xE6A8, s16;
	s17 =	sadd.s32 $0x50, s12;
	(pc) =	sbr.rel @p1 .LBB2_5-.Ltmp3, $4  }
0xac: {  	[hbm4b:s17+s3] =	stream.linear.scatter [tilespmem:s15], [sflag:$0x5], $0x80, $0x38;
	[tilespmem:$0x12800] =	vst v63  }
0xad: {  	s15 =	sadd.s32 $0xE730, s16;
	s17 =	sadd.s32 $0x60, s12;
	s16 =	sadd.s32 $0xE7B8, s16  }
0xae: {  	[hbm4b:s17+s3] =	stream.linear.scatter [tilespmem:s15], [sflag:$0x5], $0x80, $0x38;
	[tilespmem:$0x12800] =	vst v63  }
0xaf: {  	s17 =	sadd.s32 $0x70, s12;
	s12 =	sadd.s32 $0x1000, s12;
	s15 =	smov.u32 s18  }
0xb0: {  	[hbm4b:s17+s3] =	stream.linear.scatter [tilespmem:s16], [sflag:$0x5], $0x80, $0x38;
	[tilespmem:$0x12800] =	vst v63  }
0xb1: {  	s15 =	sadd.s32 $0xE400, s1  }
0xb2: {  	[hbm4b:s12+s3] =	stream.linear.scatter [tilespmem:s15], [sflag:$0x5], $0x80, $0x38;
	[tilespmem:$0x12800] =	vst v63  }
0xb3: {  	s16 =	sadd.s32 $0xE488, s1;
	s17 =	sadd.s32 $0x10, s12  }
0xb4: {  	[hbm4b:s17+s3] =	stream.linear.scatter [tilespmem:s16], [sflag:$0x5], $0x80, $0x38;
	[tilespmem:$0x12800] =	vst v63  }
0xb5: {  	s18 =	sadd.s32 $0xE510, s1;
	s5 =	sadd.s32 $0x20, s12  }
0xb6: {  	[hbm4b:s5+s3] =	stream.linear.scatter [tilespmem:s18], [sflag:$0x5], $0x80, $0x38;
	[tilespmem:$0x12800] =	vst v63  }
0xb7: {  	s16 =	sadd.s32 $0xE598, s1;
	s17 =	sadd.s32 $0x30, s12  }
0xb8: {  	[hbm4b:s17+s3] =	stream.linear.scatter [tilespmem:s16], [sflag:$0x5], $0x80, $0x38;
	[tilespmem:$0x12800] =	vst v63  }
0xb9: {  	s18 =	sadd.s32 $0xE620, s1;
	s5 =	sadd.s32 $0x40, s12  }
0xba: {  	[hbm4b:s5+s3] =	stream.linear.scatter [tilespmem:s18], [sflag:$0x5], $0x80, $0x38;
	[tilespmem:$0x12800] =	vst v63  }
0xbb: {  	p1 =	sne.s32 s30, $0x31;
	s16 =	sadd.s32 $0xE6A8, s1;
	s17 =	sadd.s32 $0x50, s12  }
0xbc: {  	[hbm4b:s17+s3] =	stream.linear.scatter [tilespmem:s16], [sflag:$0x5], $0x80, $0x38;
	[tilespmem:$0x12800] =	vst v63  }
.Ltmp4:
0xbd: {  	_ = 	snop;
	(pc) =	sbr.rel @p1 .LBB2_8-.Ltmp4, $4  }
0xbe: {  	s18 =	sadd.s32 $0xE730, s1;
	s5 =	sadd.s32 $0x60, s12  }
0xbf: {  	[hbm4b:s5+s3] =	stream.linear.scatter [tilespmem:s18], [sflag:$0x5], $0x80, $0x38;
	[tilespmem:$0x12800] =	vst v63  }
0xc0: {  	s17 =	sadd.s32 $0xE7B8, s1;
	s18 =	sadd.s32 $0x70, s12  }
0xc1: {  	[hbm4b:s18+s3] =	stream.linear.scatter [tilespmem:s17], [sflag:$0x5], $0x80, $0x38;
	[tilespmem:$0x12800] =	vst v63  }
.Ltmp5:
0xc2: {  	(pc) =	sbr.rel .LBB2_9-.Ltmp5, $4  }
0xc3: {  	_ = 	snop  }
0xc4: {  	_ =	swait.ge [sflag:s22], $0x2000  }
0xc5: {  	[sflag:s22] =	ssyncset.done $0x0  }
0xc6: {  	[sflag:s22] =	ssyncadd.s32 $0xFFFFE000  }
.LBB2_8:
0xc7: {  	s1 =	sshrl.u32 s31, $0x2  }
.Ltmp6:
0xc8: {  	s1 =	sadd.s32 $0x200, s1;
	(pc) =	sbr.rel @p0 .LBB2_10-.Ltmp6, $4  }
0xc9: {  	[tilespmem:s14], [sflag:$0x1] =	stream.indirect.gather [hbm4b:s4+s11], $0x40, s1, s11, $0xb8;
	[tilespmem:$0x12800] =	vst v63  }
0xca: {  	_ =	swait.ge [sflag:s22], $0x2000  }
0xcb: {  	[sflag:s22] =	ssyncset.done $0x0  }
0xcc: {  	[sflag:s22] =	ssyncadd.s32 $0xFFFFE000  }
.LBB2_9:
0xcd: {  	_ =	swait.ge [sflag:s23], $0x2000  }
0xce: {  	[sflag:s23] =	ssyncset.done $0x0  }
0xcf: {  	[sflag:s23] =	ssyncadd.s32 $0xFFFFE000  }
.LBB2_10:
0xd0: {  	s1 =	simm.s32 $0x0;
	s16 =	simm.s32 $0x1;
	s12 =	simm.s32 $0x2  }
0xd1: {  	s17 =	simm.s32 $0x3;
	s18 =	simm.s32 $0x4;
	s15 =	simm.s32 $0x7;
	v33 =	vmov s1;
	v34 =	vmov s16;
	v35 =	vmov s12  }
0xd2: {  	s5 =	simm.s32 $0x5;
	v36 =	vmov s17;
	v37 =	vmov s18;
	v38 =	vmov s15  }
0xd3: {  	v39 =	vmov s5;
	s15 =	simm.s32 $0x6;
	v33 =	vshrl.u32 v33, $0x3;
	v38 =	vshrl.u32 v38, $0x3  }
0xd4: {  	v40 =	vmov s15;
	v34 =	vshrl.u32 v34, $0x3;
	v35 =	vshrl.u32 v35, $0x3  }
0xd5: {  	v36 =	vshrl.u32 v36, $0x3;
	v37 =	vshrl.u32 v37, $0x3;
	v38 =	vshll.u32 v38, v1  }
0xd6: {  	v55 =	vshrl.u32 v39, $0x3;
	v33 =	vshll.u32 v33, v1;
	v38 =	vbroadcast v38, $0x0  }
0xd7: {  	s1 =	simm.s32 $0x8500;
	v34 =	vshll.u32 v34, v1;
	v52 =	vshll.u32 v35, v1;
	v33 =	vbroadcast v33, $0x0  }
0xd8: {  	v41 =	vld [tilespmem:s1+$0xC0];
	v53 =	vshll.u32 v36, v1;
	v45 =	vbroadcast v34, $0x0;
	v42 =	vadd.s32 v29, v38  }
0xd9: {  	v43 =	vld [tilespmem:s1+$0xFFFFFF00];
	v54 =	vshll.u32 v37, v1;
	v52 =	vbroadcast v52, $0x0;
	v44 =	vadd.s32 v0, v33  }
0xda: {  	v46 =	vld [tilespmem:s1+$0xFFFFFF40];
	v36 =	vshll.u32 v55, v1;
	v35 =	vbroadcast v53, $0x0;
	v47 =	vadd.s32 v5, v45  }
0xdb: {  	v48 =	vld [tilespmem:s1+$0xFFFFFF80];
	v40 =	vshrl.u32 v40, $0x3;
	v34 =	vbroadcast v54, $0x0;
	v49 =	vadd.s32 v9, v52  }
0xdc: {  	v39 =	vld [tilespmem:s1+$0xFFFFFFC0];
	v37 =	vbroadcast v36, $0x0;
	v56 =	vshll.u32 v40, v1;
	v50 =	vadd.s32 v13, v35  }
0xdd: {  	v51 =	vld [tilespmem:s1+$0x0];
	v36 =	vbroadcast v56, $0x0;
	v53 =	vadd.s32 v17, v34;
	[tilespmem:v42+s24+$0x0] =	vst.idx.msk $0xffff, v41  }
0xde: {  	v59 =	vld [tilespmem:s1+$0x40];
	v60 =	vadd.s32 v21, v37;
	[tilespmem:v44+s24+$0x0] =	vst.idx.msk $0xffff, v43  }
0xdf: {  	v61 =	vld [tilespmem:s1+$0x80];
	v62 =	vadd.s32 v25, v36;
	[tilespmem:v47+s24+$0x0] =	vst.idx.msk $0xffff, v46  }
0xe0: {  	v58 =	vadd.s32 v30, v38;
	[tilespmem:v49+s24+$0x0] =	vst.idx.msk $0xffff, v48;
	v57 =	vld [tilespmem:s1+$0xD0]  }
0xe1: {  	v63 =	vadd.s32 v6, v45;
	[tilespmem:v50+s24+$0x0] =	vst.idx.msk $0xffff, v39;
	v47 =	vld [tilespmem:s1+$0xFFFFFF50]  }
0xe2: {  	v55 =	vadd.s32 v10, v52;
	[tilespmem:v53+s24+$0x0] =	vst.idx.msk $0xffff, v51;
	v54 =	vld [tilespmem:s1+$0xFFFFFF90]  }
0xe3: {  	v56 =	vadd.s32 v14, v35;
	[tilespmem:v60+s24+$0x0] =	vst.idx.msk $0xffff, v59;
	v50 =	vld [tilespmem:s1+$0xFFFFFFD0]  }
0xe4: {  	v46 =	vadd.s32 v22, v37;
	[tilespmem:v62+s24+$0x0] =	vst.idx.msk $0xffff, v61;
	v44 =	vld [tilespmem:s1+$0x50]  }
0xe5: {  	v59 =	vadd.s32 v18, v34;
	[tilespmem:v58+s24+$0x0] =	vst.idx.msk $0xffff, v57;
	v58 =	vld [tilespmem:s1+$0x10]  }
0xe6: {  	v57 =	vadd.s32 v31, v38;
	[tilespmem:v63+s24+$0x0] =	vst.idx.msk $0xffff, v47;
	v40 =	vld [tilespmem:s1+$0xE0]  }
0xe7: {  	v61 =	vld [tilespmem:s1+$0xFFFFFF10];
	v62 =	vadd.s32 v2, v33;
	[tilespmem:v55+s24+$0x0] =	vst.idx.msk $0xffff, v54  }
0xe8: {  	v60 =	vadd.s32 v26, v36;
	v63 =	vld [tilespmem:s1+$0x90];
	[tilespmem:v56+s24+$0x0] =	vst.idx.msk $0xffff, v50  }
0xe9: {  	v51 =	vadd.s32 v7, v45;
	[tilespmem:v46+s24+$0x0] =	vst.idx.msk $0xffff, v44;
	v50 =	vld [tilespmem:s1+$0xFFFFFF60]  }
0xea: {  	v56 =	vadd.s32 v11, v52;
	v55 =	vld [tilespmem:s1+$0xFFFFFFA0];
	[tilespmem:v59+s24+$0x0] =	vst.idx.msk $0xffff, v58  }
0xeb: {  	v58 =	vadd.s32 v15, v35;
	[tilespmem:v57+s24+$0x0] =	vst.idx.msk $0xffff, v40;
	v57 =	vld [tilespmem:s1+$0xFFFFFFE0]  }
0xec: {  	v38 =	vadd.s32 v32, v38;
	[tilespmem:v62+s24+$0x0] =	vst.idx.msk $0xffff, v61;
	v54 =	vld [tilespmem:s1+$0xF0]  }
0xed: {  	s17 =	simm.s32 $0x9;
	[tilespmem:v60+s24+$0x0] =	vst.idx.msk $0xffff, v63;
	v60 =	vadd.s32 v19, v34;
	v59 =	vld [tilespmem:s1+$0x20]  }
0xee: {  	s16 =	simm.s32 $0x8;
	v41 =	vadd.s32 v23, v37;
	v53 =	vmov s17;
	[tilespmem:v51+s24+$0x0] =	vst.idx.msk $0xffff, v50;
	v40 =	vld [tilespmem:s1+$0x60]  }
0xef: {  	s5 =	simm.s32 $0xB;
	v43 =	vadd.s32 v27, v36;
	v48 =	vadd.s32 v3, v33;
	v63 =	vmov s16;
	v42 =	vld [tilespmem:s1+$0xA0];
	[tilespmem:v56+s24+$0x0] =	vst.idx.msk $0xffff, v55  }
0xf0: {  	s18 =	simm.s32 $0xA;
	v44 =	vmov s5;
	v52 =	vadd.s32 v12, v52;
	v46 =	vld [tilespmem:s1+$0xFFFFFF20];
	s16 =	simm.s32 $0xC;
	v39 =	vshrl.u32 v63, $0x3;
	[tilespmem:v58+s24+$0x0] =	vst.idx.msk $0xffff, v57  }
0xf1: {  	s17 =	simm.s32 $0xD;
	v47 =	vmov s16;
	v51 =	vadd.s32 v8, v45;
	v49 =	vld [tilespmem:s1+$0xFFFFFF70];
	[tilespmem:v38+s24+$0x0] =	vst.idx.msk $0xffff, v54;
	v54 =	vmov s18;
	s18 =	simm.s32 $0xE  }
0xf2: {  	s12 =	simm.s32 $0x10;
	s15 =	simm.s32 $0xF;
	v45 =	vshll.u32 v39, v1;
	v50 =	vld [tilespmem:s1+$0xFFFFFFB0];
	[tilespmem:v60+s24+$0x0] =	vst.idx.msk $0xffff, v59;
	v38 =	vmov s17;
	v39 =	vmov s18  }
.LBB2_11:
0xf3: {  	p0 =	slt.u32 s12, $0x78;
	v53 =	vshrl.u32 v53, $0x3;
	v55 =	vmov s15;
	v56 =	vld [tilespmem:s1+$0xFFFFFFF0];
	v35 =	vadd.s32 v16, v35;
	[tilespmem:v41+s24+$0x0] =	vst.idx.msk $0xffff, v40  }
0xf4: {  	v40 =	vshrl.u32 v54, $0x3;
	v34 =	vadd.s32 v20, v34;
	v41 =	vshrl.u32 v55, $0x3;
	v54 =	vld [tilespmem:s1+$0x30];
	[tilespmem:v43+s24+$0x0] =	vst.idx.msk $0xffff, v42  }
0xf5: {  	v37 =	vadd.s32 v24, v37;
	v42 =	vshrl.u32 v44, $0x3;
	v41 =	vshll.u32 v41, v1;
	[tilespmem:v48+s24+$0x0] =	vst.idx.msk $0xffff, v46;
	v43 =	vld [tilespmem:s1+$0x70]  }
0xf6: {  	v36 =	vadd.s32 v28, v36;
	v44 =	vshrl.u32 v47, $0x3;
	v41 =	vbroadcast v41, $0x0;
	[tilespmem:v51+s24+$0x0] =	vst.idx.msk $0xffff, v49;
	v46 =	vld [tilespmem:s1+$0xB0]  }
0xf7: {  	v47 =	vshll.u32 v53, v1;
	v49 =	vadd.s32 v4, v33;
	v33 =	vbroadcast v45, $0x0;
	v48 =	vld [tilespmem:s1+$0xFFFFFF30];
	[tilespmem:v52+s24+$0x0] =	vst.idx.msk $0xffff, v50;
	s1 =	sadd.s32 $0x200, s1  }
0xf8: {  	v40 =	vshll.u32 v40, v1;
	v45 =	vbroadcast v47, $0x0;
	v47 =	vld [tilespmem:s1+$0xC0];
	v50 =	vadd.s32 v29, v41;
	[tilespmem:v35+s24+$0x0] =	vst.idx.msk $0xffff, v56  }
0xf9: {  	v55 =	vbroadcast v40, $0x0;
	v52 =	vadd.s32 v0, v33;
	v35 =	vshll.u32 v42, v1;
	v51 =	vld [tilespmem:s1+$0xFFFFFF00];
	[tilespmem:v34+s24+$0x0] =	vst.idx.msk $0xffff, v54  }
0xfa: {  	v42 =	vadd.s32 v5, v45;
	v35 =	vbroadcast v35, $0x0;
	v34 =	vshll.u32 v44, v1;
	v40 =	vld [tilespmem:s1+$0xFFFFFF40];
	[tilespmem:v37+s24+$0x0] =	vst.idx.msk $0xffff, v43  }
0xfb: {  	v44 =	vadd.s32 v9, v55;
	v34 =	vbroadcast v34, $0x0;
	v37 =	vshrl.u32 v38, $0x3;
	v43 =	vld [tilespmem:s1+$0xFFFFFF80];
	[tilespmem:v36+s24+$0x0] =	vst.idx.msk $0xffff, v46  }
0xfc: {  	v39 =	vshrl.u32 v39, $0x3;
	v46 =	vadd.s32 v13, v35;
	v36 =	vshll.u32 v37, v1;
	v38 =	vld [tilespmem:s1+$0xFFFFFFC0];
	[tilespmem:v49+s24+$0x0] =	vst.idx.msk $0xffff, v48  }
0xfd: {  	v49 =	vadd.s32 v17, v34;
	v37 =	vbroadcast v36, $0x0;
	v36 =	vshll.u32 v39, v1;
	v48 =	vld [tilespmem:s1+$0x0];
	[tilespmem:v50+s24+$0x0] =	vst.idx.msk $0xffff, v47  }
0xfe: {  	v36 =	vbroadcast v36, $0x0;
	v47 =	vadd.s32 v30, v41;
	[tilespmem:v52+s24+$0x0] =	vst.idx.msk $0xffff, v51;
	v39 =	vld [tilespmem:s1+$0xD0]  }
0xff: {  	[tilespmem:v42+s24+$0x0] =	vst.idx.msk $0xffff, v40;
	v40 =	vld [tilespmem:s1+$0x40];
	v42 =	vadd.s32 v21, v37  }
0x100: {  	[tilespmem:v44+s24+$0x0] =	vst.idx.msk $0xffff, v43;
	v43 =	vld [tilespmem:s1+$0x80];
	v44 =	vadd.s32 v25, v36  }
0x101: {  	v51 =	vadd.s32 v6, v45;
	v50 =	vld [tilespmem:s1+$0xFFFFFF50];
	[tilespmem:v46+s24+$0x0] =	vst.idx.msk $0xffff, v38  }
0x102: {  	v46 =	vadd.s32 v10, v55;
	v38 =	vld [tilespmem:s1+$0xFFFFFF90];
	[tilespmem:v49+s24+$0x0] =	vst.idx.msk $0xffff, v48  }
0x103: {  	v49 =	vadd.s32 v14, v35;
	v48 =	vld [tilespmem:s1+$0xFFFFFFD0];
	[tilespmem:v47+s24+$0x0] =	vst.idx.msk $0xffff, v39  }
0x104: {  	[tilespmem:v42+s24+$0x0] =	vst.idx.msk $0xffff, v40;
	v39 =	vld [tilespmem:s1+$0xE0];
	v40 =	vadd.s32 v31, v41  }
0x105: {  	v47 =	vadd.s32 v18, v34;
	v42 =	vld [tilespmem:s1+$0x10];
	[tilespmem:v44+s24+$0x0] =	vst.idx.msk $0xffff, v43  }
0x106: {  	v44 =	vadd.s32 v22, v37;
	[tilespmem:v51+s24+$0x0] =	vst.idx.msk $0xffff, v50;
	v43 =	vld [tilespmem:s1+$0x50]  }
0x107: {  	[tilespmem:v46+s24+$0x0] =	vst.idx.msk $0xffff, v38;
	v38 =	vld [tilespmem:s1+$0x90];
	v46 =	vadd.s32 v26, v36  }
0x108: {  	v51 =	vadd.s32 v2, v33;
	v50 =	vld [tilespmem:s1+$0xFFFFFF10];
	[tilespmem:v49+s24+$0x0] =	vst.idx.msk $0xffff, v48  }
0x109: {  	v49 =	vadd.s32 v7, v45;
	v48 =	vld [tilespmem:s1+$0xFFFFFF60];
	[tilespmem:v40+s24+$0x0] =	vst.idx.msk $0xffff, v39  }
0x10a: {  	[tilespmem:v47+s24+$0x0] =	vst.idx.msk $0xffff, v42;
	v39 =	vld [tilespmem:s1+$0xF0];
	v47 =	vadd.s32 v32, v41  }
0x10b: {  	v56 =	vadd.s32 v11, v55;
	v52 =	vld [tilespmem:s1+$0xFFFFFFA0];
	[tilespmem:v44+s24+$0x0] =	vst.idx.msk $0xffff, v43  }
0x10c: {  	v58 =	vadd.s32 v15, v35;
	v57 =	vld [tilespmem:s1+$0xFFFFFFE0];
	[tilespmem:v46+s24+$0x0] =	vst.idx.msk $0xffff, v38  }
0x10d: {  	v60 =	vadd.s32 v19, v34;
	[tilespmem:v51+s24+$0x0] =	vst.idx.msk $0xffff, v50;
	v59 =	vld [tilespmem:s1+$0x20]  }
.Ltmp7:
0x10e: {  	s15 =	sadd.s32 $0x1, s12;
	v41 =	vadd.s32 v23, v37;
	v38 =	vmov s12;
	[tilespmem:v49+s24+$0x0] =	vst.idx.msk $0xffff, v48;
	v40 =	vld [tilespmem:s1+$0x60];
	(pc) =	sbr.rel @p0 .LBB2_11-.Ltmp7, $4  }
0x10f: {  	s16 =	sadd.s32 $0x3, s12;
	v53 =	vmov s15;
	s15 =	sadd.s32 $0x2, s12;
	v43 =	vadd.s32 v27, v36;
	v50 =	vshrl.u32 v38, $0x3;
	v42 =	vld [tilespmem:s1+$0xA0];
	[tilespmem:v47+s24+$0x0] =	vst.idx.msk $0xffff, v39  }
0x110: {  	v54 =	vmov s15;
	s15 =	sadd.s32 $0x4, s12;
	v44 =	vmov s16;
	s16 =	sadd.s32 $0x5, s12;
	v48 =	vadd.s32 v3, v33;
	v46 =	vld [tilespmem:s1+$0xFFFFFF20];
	[tilespmem:v56+s24+$0x0] =	vst.idx.msk $0xffff, v52  }
0x111: {  	v38 =	vmov s16;
	v51 =	vadd.s32 v8, v45;
	v47 =	vmov s15;
	s15 =	sadd.s32 $0x6, s12;
	v49 =	vld [tilespmem:s1+$0xFFFFFF70];
	[tilespmem:v58+s24+$0x0] =	vst.idx.msk $0xffff, v57  }
0x112: {  	v45 =	vshll.u32 v50, v1;
	v39 =	vmov s15;
	s15 =	sadd.s32 $0x7, s12;
	s12 =	sadd.s32 $0x8, s12;
	v52 =	vadd.s32 v12, v55;
	v50 =	vld [tilespmem:s1+$0xFFFFFFB0];
	[tilespmem:v60+s24+$0x0] =	vst.idx.msk $0xffff, v59  }
0x113: {  	_ =	sdelay $0x2  }
0x114: {  	v53 =	vshrl.u32 v53, $0x3  }
0x115: {  	v55 =	vmov s15;
	v56 =	vld [tilespmem:s1+$0xFFFFFFF0];
	v35 =	vadd.s32 v16, v35;
	[tilespmem:v41+s24+$0x0] =	vst.idx.msk $0xffff, v40;
	v57 =	vshrl.u32 v54, $0x3  }
0x116: {  	v59 =	vld [tilespmem:s1+$0x30];
	v34 =	vadd.s32 v20, v34;
	v60 =	vshrl.u32 v44, $0x3;
	v58 =	vshrl.u32 v55, $0x3;
	[tilespmem:v43+s24+$0x0] =	vst.idx.msk $0xffff, v42  }
0x117: {  	v37 =	vadd.s32 v24, v37;
	v62 =	vshrl.u32 v47, $0x3;
	v61 =	vld [tilespmem:s1+$0x70];
	v41 =	vshll.u32 v58, v1;
	[tilespmem:v48+s24+$0x0] =	vst.idx.msk $0xffff, v46  }
0x118: {  	v36 =	vadd.s32 v28, v36;
	v45 =	vbroadcast v45, $0x0;
	v63 =	vld [tilespmem:s1+$0xB0];
	v41 =	vbroadcast v41, $0x0;
	[tilespmem:v51+s24+$0x0] =	vst.idx.msk $0xffff, v49  }
0x119: {  	v33 =	vadd.s32 v4, v33;
	s12 =	sadd.s32 $0x200, s1;
	v38 =	vshrl.u32 v38, $0x3;
	v55 =	vshll.u32 v53, v1;
	v48 =	vld [tilespmem:s1+$0xFFFFFF30];
	[tilespmem:v52+s24+$0x0] =	vst.idx.msk $0xffff, v50  }
0x11a: {  	v40 =	vshll.u32 v57, v1;
	v47 =	vbroadcast v55, $0x0;
	v49 =	vld [tilespmem:s12+$0xC0];
	v50 =	vadd.s32 v29, v41;
	[tilespmem:v35+s24+$0x0] =	vst.idx.msk $0xffff, v56  }
0x11b: {  	v42 =	vshll.u32 v60, v1;
	v40 =	vbroadcast v40, $0x0;
	v35 =	vld [tilespmem:s12+$0xFFFFFF00];
	v56 =	vadd.s32 v0, v45;
	[tilespmem:v34+s24+$0x0] =	vst.idx.msk $0xffff, v59  }
0x11c: {  	v57 =	vld [tilespmem:s12+$0xFFFFFF40];
	v44 =	vshll.u32 v62, v1;
	v42 =	vbroadcast v42, $0x0;
	v58 =	vadd.s32 v5, v47;
	[tilespmem:v37+s24+$0x0] =	vst.idx.msk $0xffff, v61  }
0x11d: {  	v38 =	vshll.u32 v38, v1;
	v44 =	vbroadcast v44, $0x0;
	v60 =	vadd.s32 v9, v40;
	v59 =	vld [tilespmem:s12+$0xFFFFFF80];
	[tilespmem:v36+s24+$0x0] =	vst.idx.msk $0xffff, v63  }
0x11e: {  	v38 =	vbroadcast v38, $0x0;
	v62 =	vadd.s32 v13, v42;
	v61 =	vld [tilespmem:s12+$0xFFFFFFC0];
	[tilespmem:v33+s24+$0x0] =	vst.idx.msk $0xffff, v48  }
0x11f: {  	v39 =	vshrl.u32 v39, $0x3;
	v63 =	vadd.s32 v17, v44;
	v33 =	vld [tilespmem:s12+$0x0];
	[tilespmem:v50+s24+$0x0] =	vst.idx.msk $0xffff, v49  }
0x120: {  	v39 =	vshll.u32 v39, v1;
	v34 =	vld [tilespmem:s12+$0x40];
	[tilespmem:v56+s24+$0x0] =	vst.idx.msk $0xffff, v35;
	v56 =	vadd.s32 v21, v38  }
0x121: {  	[tilespmem:v58+s24+$0x0] =	vst.idx.msk $0xffff, v57;
	v35 =	vbroadcast v39, $0x0;
	v49 =	vadd.s32 v30, v41;
	v39 =	vld [tilespmem:s12+$0xD0]  }
0x122: {  	[tilespmem:v60+s24+$0x0] =	vst.idx.msk $0xffff, v59;
	v59 =	vld [tilespmem:s12+$0xFFFFFF50];
	v60 =	vadd.s32 v6, v47  }
0x123: {  	v57 =	vld [tilespmem:s12+$0x80];
	[tilespmem:v62+s24+$0x0] =	vst.idx.msk $0xffff, v61;
	v58 =	vadd.s32 v25, v35  }
0x124: {  	v61 =	vld [tilespmem:s12+$0xFFFFFF90];
	v62 =	vadd.s32 v10, v40;
	[tilespmem:v63+s24+$0x0] =	vst.idx.msk $0xffff, v33  }
0x125: {  	v33 =	vld [tilespmem:s12+$0xFFFFFFD0];
	v63 =	vadd.s32 v14, v42;
	[tilespmem:v56+s24+$0x0] =	vst.idx.msk $0xffff, v34  }
0x126: {  	v56 =	vadd.s32 v18, v44;
	[tilespmem:v49+s24+$0x0] =	vst.idx.msk $0xffff, v39;
	v49 =	vld [tilespmem:s12+$0x10]  }
0x127: {  	[tilespmem:v60+s24+$0x0] =	vst.idx.msk $0xffff, v59;
	v39 =	vadd.s32 v31, v41;
	v34 =	vld [tilespmem:s12+$0xE0]  }
0x128: {  	[tilespmem:v58+s24+$0x0] =	vst.idx.msk $0xffff, v57;
	v57 =	vld [tilespmem:s12+$0x50];
	v58 =	vadd.s32 v22, v38  }
0x129: {  	[tilespmem:v62+s24+$0x0] =	vst.idx.msk $0xffff, v61;
	v61 =	vld [tilespmem:s12+$0xFFFFFF10];
	v62 =	vadd.s32 v2, v45  }
0x12a: {  	v60 =	vadd.s32 v26, v35;
	v59 =	vld [tilespmem:s12+$0x90];
	[tilespmem:v63+s24+$0x0] =	vst.idx.msk $0xffff, v33  }
0x12b: {  	v55 =	vadd.s32 v11, v40;
	v54 =	vadd.s32 v32, v41;
	v41 =	vld [tilespmem:s12+$0xFFFFFFA0];
	[tilespmem:v56+s24+$0x0] =	vst.idx.msk $0xffff, v49  }
0x12c: {  	v53 =	vadd.s32 v7, v47;
	v63 =	vld [tilespmem:s12+$0xFFFFFF60];
	[tilespmem:v39+s24+$0x0] =	vst.idx.msk $0xffff, v34  }
0x12d: {  	v56 =	vld [tilespmem:s12+$0xFFFFFFE0];
	[tilespmem:v58+s24+$0x0] =	vst.idx.msk $0xffff, v57;
	v57 =	vadd.s32 v15, v42  }
0x12e: {  	[tilespmem:v62+s24+$0x0] =	vst.idx.msk $0xffff, v61;
	v34 =	vld [tilespmem:s12+$0xF0]  }
0x12f: {  	v58 =	vld [tilespmem:s12+$0x20];
	[tilespmem:v60+s24+$0x0] =	vst.idx.msk $0xffff, v59;
	v59 =	vadd.s32 v19, v44  }
0x130: {  	v61 =	vadd.s32 v23, v38;
	[tilespmem:v55+s24+$0x0] =	vst.idx.msk $0xffff, v41;
	v60 =	vld [tilespmem:s12+$0x60]  }
0x131: {  	[tilespmem:v53+s24+$0x0] =	vst.idx.msk $0xffff, v63;
	v63 =	vadd.s32 v27, v35;
	v62 =	vld [tilespmem:s12+$0xA0]  }
0x132: {  	v47 =	vadd.s32 v8, v47;
	v55 =	vld [tilespmem:s12+$0xFFFFFF70];
	[tilespmem:v57+s24+$0x0] =	vst.idx.msk $0xffff, v56  }
0x133: {  	v53 =	vld [tilespmem:s12+$0xFFFFFF20];
	[tilespmem:v54+s24+$0x0] =	vst.idx.msk $0xffff, v34;
	v54 =	vadd.s32 v3, v45  }
0x134: {  	v40 =	vadd.s32 v12, v40;
	v56 =	vld [tilespmem:s12+$0xFFFFFFB0];
	[tilespmem:v59+s24+$0x0] =	vst.idx.msk $0xffff, v58  }
0x135: {  	v42 =	vadd.s32 v16, v42;
	v57 =	vld [tilespmem:s12+$0xFFFFFFF0];
	[tilespmem:v61+s24+$0x0] =	vst.idx.msk $0xffff, v60  }
0x136: {  	v59 =	vadd.s32 v20, v44;
	v58 =	vld [tilespmem:s12+$0x30];
	[tilespmem:v63+s24+$0x0] =	vst.idx.msk $0xffff, v62  }
0x137: {  	v38 =	vadd.s32 v24, v38;
	v60 =	vld [tilespmem:s12+$0x70];
	[tilespmem:v47+s24+$0x0] =	vst.idx.msk $0xffff, v55  }
0x138: {  	v35 =	vadd.s32 v28, v35;
	v61 =	vld [tilespmem:s12+$0xB0];
	[tilespmem:v54+s24+$0x0] =	vst.idx.msk $0xffff, v53  }
0x139: {  	v63 =	vadd.s32 v4, v45;
	[tilespmem:v40+s24+$0x0] =	vst.idx.msk $0xffff, v56;
	v62 =	vld [tilespmem:s12+$0xFFFFFF30]  }
0x13a: {  	[tilespmem:v42+s24+$0x0] =	vst.idx.msk $0xffff, v57  }
0x13b: {  	[tilespmem:v59+s24+$0x0] =	vst.idx.msk $0xffff, v58  }
0x13c: {  	[tilespmem:v38+s24+$0x0] =	vst.idx.msk $0xffff, v60  }
0x13d: {  	[tilespmem:v35+s24+$0x0] =	vst.idx.msk $0xffff, v61  }
0x13e: {  	s15 =	simm.s32 $0x10600;
	s12 =	sadd.s32 s0, s7;
	[tilespmem:v63+s24+$0x0] =	vst.idx.msk $0xffff, v62  }
0x13f: {  	[hbm4b:s12+s3] =	stream.linear.scatter [tilespmem:s15], [sflag:$0x6], $0x80, $0x38;
	[tilespmem:$0x12800] =	vst v63  }
0x140: {  	s16 =	simm.s32 $0x10688;
	s17 =	sadd.s32 $0x10, s12  }
0x141: {  	[hbm4b:s17+s3] =	stream.linear.scatter [tilespmem:s16], [sflag:$0x6], $0x80, $0x38;
	[tilespmem:$0x12800] =	vst v63  }
0x142: {  	s18 =	simm.s32 $0x10710;
	s5 =	sadd.s32 $0x20, s12  }
0x143: {  	[hbm4b:s5+s3] =	stream.linear.scatter [tilespmem:s18], [sflag:$0x6], $0x80, $0x38;
	[tilespmem:$0x12800] =	vst v63  }
0x144: {  	s16 =	simm.s32 $0x10798;
	s17 =	sadd.s32 $0x30, s12  }
0x145: {  	[hbm4b:s17+s3] =	stream.linear.scatter [tilespmem:s16], [sflag:$0x6], $0x80, $0x38;
	[tilespmem:$0x12800] =	vst v63  }
0x146: {  	s18 =	simm.s32 $0x10820;
	s5 =	sadd.s32 $0x40, s12  }
0x147: {  	[hbm4b:s5+s3] =	stream.linear.scatter [tilespmem:s18], [sflag:$0x6], $0x80, $0x38;
	[tilespmem:$0x12800] =	vst v63  }
0x148: {  	s1 =	simm.s32 $0x440;
	s15 =	simm.s32 $0x108A8;
	s16 =	sadd.s32 $0x50, s12  }
0x149: {  	[hbm4b:s16+s3] =	stream.linear.scatter [tilespmem:s15], [sflag:$0x6], $0x80, $0x38;
	[tilespmem:$0x12800] =	vst v63  }
0x14a: {  	s17 =	simm.s32 $0x10930;
	s18 =	sadd.s32 $0x60, s12;
	s15 =	simm.s32 $0x2200  }
0x14b: {  	[hbm4b:s18+s3] =	stream.linear.scatter [tilespmem:s17], [sflag:$0x6], $0x80, $0x38;
	[tilespmem:$0x12800] =	vst v63  }
0x14c: {  	s16 =	simm.s32 $0x109B8;
	s17 =	sadd.s32 $0x70, s12;
	s12 =	sadd.s32 $0x1000, s12  }
.LBB2_13:
0x14d: {  	[hbm4b:s17+s3] =	stream.linear.scatter [tilespmem:s16], [sflag:$0x6], $0x80, $0x38;
	[tilespmem:$0x12800] =	vst v63  }
0x14e: {  	s16 =	smov.u32 s1;
	s1 =	smov.u32 s15  }
0x14f: {  	s18 =	sadd.s32 $0x1100, s15;
	s1 =	sshra.s32 s1, $0x2;
	s17 =	sadd.s32 $0x10600, s16  }
0x150: {  	[hbm4b:s12+s3] =	stream.linear.scatter [tilespmem:s17], [sflag:$0x6], $0x80, $0x38;
	[tilespmem:$0x12800] =	vst v63  }
0x151: {  	p0 =	sne.s32 s15, $0x7700;
	s15 =	sadd.s32 $0x10688, s16;
	s17 =	sadd.s32 $0x10, s12  }
0x152: {  	[hbm4b:s17+s3] =	stream.linear.scatter [tilespmem:s15], [sflag:$0x6], $0x80, $0x38;
	[tilespmem:$0x12800] =	vst v63  }
0x153: {  	s15 =	sadd.s32 $0x10710, s16;
	s17 =	sadd.s32 $0x20, s12  }
0x154: {  	[hbm4b:s17+s3] =	stream.linear.scatter [tilespmem:s15], [sflag:$0x6], $0x80, $0x38;
	[tilespmem:$0x12800] =	vst v63  }
0x155: {  	s15 =	sadd.s32 $0x10798, s16;
	s17 =	sadd.s32 $0x30, s12  }
0x156: {  	[hbm4b:s17+s3] =	stream.linear.scatter [tilespmem:s15], [sflag:$0x6], $0x80, $0x38;
	[tilespmem:$0x12800] =	vst v63  }
0x157: {  	s15 =	sadd.s32 $0x10820, s16;
	s17 =	sadd.s32 $0x40, s12  }
0x158: {  	[hbm4b:s17+s3] =	stream.linear.scatter [tilespmem:s15], [sflag:$0x6], $0x80, $0x38;
	[tilespmem:$0x12800] =	vst v63  }
.Ltmp8:
0x159: {  	s15 =	sadd.s32 $0x108A8, s16;
	s17 =	sadd.s32 $0x50, s12;
	(pc) =	sbr.rel @p0 .LBB2_13-.Ltmp8, $4  }
0x15a: {  	[hbm4b:s17+s3] =	stream.linear.scatter [tilespmem:s15], [sflag:$0x6], $0x80, $0x38;
	[tilespmem:$0x12800] =	vst v63  }
0x15b: {  	s15 =	sadd.s32 $0x10930, s16;
	s17 =	sadd.s32 $0x60, s12;
	s16 =	sadd.s32 $0x109B8, s16  }
0x15c: {  	[hbm4b:s17+s3] =	stream.linear.scatter [tilespmem:s15], [sflag:$0x6], $0x80, $0x38;
	[tilespmem:$0x12800] =	vst v63  }
0x15d: {  	s17 =	sadd.s32 $0x70, s12;
	s12 =	sadd.s32 $0x1000, s12;
	s15 =	smov.u32 s18  }
0x15e: {  	[hbm4b:s17+s3] =	stream.linear.scatter [tilespmem:s16], [sflag:$0x6], $0x80, $0x38;
	[tilespmem:$0x12800] =	vst v63  }
0x15f: {  	s15 =	sadd.s32 $0x10600, s1  }
0x160: {  	[hbm4b:s12+s3] =	stream.linear.scatter [tilespmem:s15], [sflag:$0x6], $0x80, $0x38;
	[tilespmem:$0x12800] =	vst v63  }
0x161: {  	s16 =	sadd.s32 $0x10688, s1;
	s17 =	sadd.s32 $0x10, s12  }
0x162: {  	[hbm4b:s17+s3] =	stream.linear.scatter [tilespmem:s16], [sflag:$0x6], $0x80, $0x38;
	[tilespmem:$0x12800] =	vst v63  }
0x163: {  	s18 =	sadd.s32 $0x10710, s1;
	s5 =	sadd.s32 $0x20, s12;
	p0 =	seq.s32 s30, $0x31  }
0x164: {  	[hbm4b:s5+s3] =	stream.linear.scatter [tilespmem:s18], [sflag:$0x6], $0x80, $0x38;
	[tilespmem:$0x12800] =	vst v63  }
0x165: {  	s15 =	sadd.s32 $0x109B8, s1;
	s16 =	sadd.s32 $0x10798, s1;
	s17 =	sadd.s32 $0x30, s12  }
0x166: {  	[hbm4b:s17+s3] =	stream.linear.scatter [tilespmem:s16], [sflag:$0x6], $0x80, $0x38;
	[tilespmem:$0x12800] =	vst v63  }
0x167: {  	s18 =	sadd.s32 $0x10820, s1;
	s5 =	sadd.s32 $0x40, s12;
	s16 =	sadd.s32 $0x108A8, s1  }
0x168: {  	[hbm4b:s5+s3] =	stream.linear.scatter [tilespmem:s18], [sflag:$0x6], $0x80, $0x38;
	[tilespmem:$0x12800] =	vst v63  }
0x169: {  	s17 =	sadd.s32 $0x50, s12;
	s18 =	sadd.s32 $0x10930, s1;
	s5 =	sadd.s32 $0x60, s12  }
0x16a: {  	[hbm4b:s17+s3] =	stream.linear.scatter [tilespmem:s16], [sflag:$0x6], $0x80, $0x38;
	[tilespmem:$0x12800] =	vst v63  }
0x16b: {  	s1 =	sshrl.u32 @!p0 s31, $0x2;
	s16 =	sadd.s32 $0x70, s12;
	s17 =	simm.s32 $0x0  }
0x16c: {  	[hbm4b:s5+s3] =	stream.linear.scatter [tilespmem:s18], [sflag:$0x6], $0x80, $0x38;
	[tilespmem:$0x12800] =	vst v63  }
0x16d: {  	s12 =	sadd.s32 @!p0 $0x280, s1;
	v33 =	vmov s17;
	s17 =	simm.s32 $0x4;
	s18 =	simm.s32 $0x1  }
0x16e: {  	[hbm4b:s16+s3] =	stream.linear.scatter [tilespmem:s15], [sflag:$0x6], $0x80, $0x38;
	[tilespmem:$0x12800] =	vst v63  }
0x16f: {  	s5 =	simm.s32 $0x2;
	s15 =	simm.s32 @!p0 $0x80;
	s16 =	simm.s32 @!p0 $0x8400  }
0x170: {  	v33 =	vshrl.u32 v33, $0x3;
	v37 =	vmov s17;
	[tilespmem:s16], [sflag:$0x2] =	stream.indirect.gather @!p0 [hbm4b:s4+s15], $0x40, s12, s15, $0xb8;
	[tilespmem:$0x12800] =	vst v63  }
0x171: {  	v34 =	vmov s18;
	v35 =	vmov s5;
	s18 =	simm.s32 $0x7;
	s5 =	simm.s32 $0x5;
	v33 =	vshll.u32 v33, v1;
	_ =	swait.ge [sflag:s25], $0x2000  }
0x172: {  	v37 =	vshrl.u32 v37, $0x3;
	v38 =	vmov s18;
	v39 =	vmov s5;
	[sflag:s25] =	ssyncset.done $0x0  }
0x173: {  	v34 =	vshrl.u32 v34, $0x3;
	v35 =	vshrl.u32 v35, $0x3;
	v38 =	vshrl.u32 v38, $0x3;
	[sflag:s25] =	ssyncadd.s32 $0xFFFFE000  }
0x174: {  	v33 =	vbroadcast v33, $0x0;
	v54 =	vshll.u32 v37, v1;
	v38 =	vshll.u32 v38, v1;
	_ =	swait.ge [sflag:s26], $0x2000  }
0x175: {  	v34 =	vshll.u32 v34, v1;
	v52 =	vshll.u32 v35, v1;
	s16 =	simm.s32 $0x3;
	v38 =	vbroadcast v38, $0x0;
	[sflag:s26] =	ssyncset.done $0x0  }
0x176: {  	v55 =	vshrl.u32 v39, $0x3;
	s12 =	simm.s32 $0xA500;
	v45 =	vbroadcast v34, $0x0;
	v36 =	vmov s16;
	[sflag:s26] =	ssyncadd.s32 $0xFFFFE000  }
0x177: {  	v44 =	vadd.s32 v0, v33;
	v36 =	vshrl.u32 v36, $0x3;
	v42 =	vadd.s32 v29, v38;
	v41 =	vld [tilespmem:s12+$0xC0]  }
0x178: {  	s15 =	simm.s32 $0x6;
	v52 =	vbroadcast v52, $0x0;
	v34 =	vbroadcast v54, $0x0;
	v53 =	vshll.u32 v36, v1;
	v43 =	vld [tilespmem:s12+$0xFFFFFF00]  }
0x179: {  	v40 =	vmov s15;
	v47 =	vadd.s32 v5, v45;
	v35 =	vbroadcast v53, $0x0;
	v46 =	vld [tilespmem:s12+$0xFFFFFF40]  }
0x17a: {  	v49 =	vadd.s32 v9, v52;
	v40 =	vshrl.u32 v40, $0x3;
	v36 =	vshll.u32 v55, v1;
	v48 =	vld [tilespmem:s12+$0xFFFFFF80]  }
0x17b: {  	v56 =	vshll.u32 v40, v1;
	v37 =	vbroadcast v36, $0x0;
	v50 =	vadd.s32 v13, v35;
	v39 =	vld [tilespmem:s12+$0xFFFFFFC0]  }
0x17c: {  	v53 =	vadd.s32 v17, v34;
	v36 =	vbroadcast v56, $0x0;
	v51 =	vld [tilespmem:s12+$0x0];
	[tilespmem:v42+s21+$0x0] =	vst.idx.msk $0xffff, v41  }
0x17d: {  	v60 =	vadd.s32 v21, v37;
	v59 =	vld [tilespmem:s12+$0x40];
	[tilespmem:v44+s21+$0x0] =	vst.idx.msk $0xffff, v43  }
0x17e: {  	v62 =	vadd.s32 v25, v36;
	v61 =	vld [tilespmem:s12+$0x80];
	[tilespmem:v47+s21+$0x0] =	vst.idx.msk $0xffff, v46  }
0x17f: {  	v58 =	vadd.s32 v30, v38;
	[tilespmem:v49+s21+$0x0] =	vst.idx.msk $0xffff, v48;
	v57 =	vld [tilespmem:s12+$0xD0]  }
0x180: {  	v63 =	vadd.s32 v6, v45;
	[tilespmem:v50+s21+$0x0] =	vst.idx.msk $0xffff, v39;
	v47 =	vld [tilespmem:s12+$0xFFFFFF50]  }
0x181: {  	v55 =	vadd.s32 v10, v52;
	[tilespmem:v53+s21+$0x0] =	vst.idx.msk $0xffff, v51;
	v54 =	vld [tilespmem:s12+$0xFFFFFF90]  }
0x182: {  	v56 =	vadd.s32 v14, v35;
	[tilespmem:v60+s21+$0x0] =	vst.idx.msk $0xffff, v59;
	v50 =	vld [tilespmem:s12+$0xFFFFFFD0]  }
0x183: {  	[tilespmem:v62+s21+$0x0] =	vst.idx.msk $0xffff, v61;
	v46 =	vadd.s32 v22, v37;
	v44 =	vld [tilespmem:s12+$0x50]  }
0x184: {  	v59 =	vadd.s32 v18, v34;
	[tilespmem:v58+s21+$0x0] =	vst.idx.msk $0xffff, v57;
	v58 =	vld [tilespmem:s12+$0x10]  }
0x185: {  	v57 =	vadd.s32 v31, v38;
	[tilespmem:v63+s21+$0x0] =	vst.idx.msk $0xffff, v47;
	v40 =	vld [tilespmem:s12+$0xE0]  }
0x186: {  	v62 =	vadd.s32 v2, v33;
	v61 =	vld [tilespmem:s12+$0xFFFFFF10];
	[tilespmem:v55+s21+$0x0] =	vst.idx.msk $0xffff, v54  }
0x187: {  	v60 =	vadd.s32 v26, v36;
	v63 =	vld [tilespmem:s12+$0x90];
	[tilespmem:v56+s21+$0x0] =	vst.idx.msk $0xffff, v50  }
0x188: {  	v51 =	vadd.s32 v7, v45;
	[tilespmem:v46+s21+$0x0] =	vst.idx.msk $0xffff, v44;
	v50 =	vld [tilespmem:s12+$0xFFFFFF60]  }
0x189: {  	v56 =	vadd.s32 v11, v52;
	v55 =	vld [tilespmem:s12+$0xFFFFFFA0];
	[tilespmem:v59+s21+$0x0] =	vst.idx.msk $0xffff, v58  }
0x18a: {  	v58 =	vadd.s32 v15, v35;
	[tilespmem:v57+s21+$0x0] =	vst.idx.msk $0xffff, v40;
	v57 =	vld [tilespmem:s12+$0xFFFFFFE0]  }
0x18b: {  	v38 =	vadd.s32 v32, v38;
	[tilespmem:v62+s21+$0x0] =	vst.idx.msk $0xffff, v61;
	v54 =	vld [tilespmem:s12+$0xF0]  }
0x18c: {  	s17 =	simm.s32 $0x9;
	[tilespmem:v60+s21+$0x0] =	vst.idx.msk $0xffff, v63;
	v60 =	vadd.s32 v19, v34;
	v59 =	vld [tilespmem:s12+$0x20]  }
0x18d: {  	s16 =	simm.s32 $0x8;
	v41 =	vadd.s32 v23, v37;
	v53 =	vmov s17;
	[tilespmem:v51+s21+$0x0] =	vst.idx.msk $0xffff, v50;
	v40 =	vld [tilespmem:s12+$0x60]  }
0x18e: {  	s5 =	simm.s32 $0xB;
	v43 =	vadd.s32 v27, v36;
	v48 =	vadd.s32 v3, v33;
	v63 =	vmov s16;
	v42 =	vld [tilespmem:s12+$0xA0];
	[tilespmem:v56+s21+$0x0] =	vst.idx.msk $0xffff, v55  }
0x18f: {  	s18 =	simm.s32 $0xA;
	v44 =	vmov s5;
	v52 =	vadd.s32 v12, v52;
	v46 =	vld [tilespmem:s12+$0xFFFFFF20];
	s16 =	simm.s32 $0xC;
	v39 =	vshrl.u32 v63, $0x3;
	[tilespmem:v58+s21+$0x0] =	vst.idx.msk $0xffff, v57  }
0x190: {  	s17 =	simm.s32 $0xD;
	v47 =	vmov s16;
	v51 =	vadd.s32 v8, v45;
	v49 =	vld [tilespmem:s12+$0xFFFFFF70];
	[tilespmem:v38+s21+$0x0] =	vst.idx.msk $0xffff, v54;
	v54 =	vmov s18;
	s18 =	simm.s32 $0xE  }
0x191: {  	s15 =	simm.s32 $0x10;
	s16 =	simm.s32 $0xF;
	v45 =	vshll.u32 v39, v1;
	v50 =	vld [tilespmem:s12+$0xFFFFFFB0];
	[tilespmem:v60+s21+$0x0] =	vst.idx.msk $0xffff, v59;
	v38 =	vmov s17;
	v39 =	vmov s18  }
.LBB2_15:
0x192: {  	p1 =	slt.u32 s15, $0x78;
	v53 =	vshrl.u32 v53, $0x3;
	v55 =	vmov s16;
	v56 =	vld [tilespmem:s12+$0xFFFFFFF0];
	v35 =	vadd.s32 v16, v35;
	[tilespmem:v41+s21+$0x0] =	vst.idx.msk $0xffff, v40  }
0x193: {  	v40 =	vshrl.u32 v54, $0x3;
	v34 =	vadd.s32 v20, v34;
	v41 =	vshrl.u32 v55, $0x3;
	v54 =	vld [tilespmem:s12+$0x30];
	[tilespmem:v43+s21+$0x0] =	vst.idx.msk $0xffff, v42  }
0x194: {  	v37 =	vadd.s32 v24, v37;
	v42 =	vshrl.u32 v44, $0x3;
	v41 =	vshll.u32 v41, v1;
	[tilespmem:v48+s21+$0x0] =	vst.idx.msk $0xffff, v46;
	v43 =	vld [tilespmem:s12+$0x70]  }
0x195: {  	v36 =	vadd.s32 v28, v36;
	v44 =	vshrl.u32 v47, $0x3;
	v41 =	vbroadcast v41, $0x0;
	[tilespmem:v51+s21+$0x0] =	vst.idx.msk $0xffff, v49;
	v46 =	vld [tilespmem:s12+$0xB0]  }
0x196: {  	v47 =	vshll.u32 v53, v1;
	v49 =	vadd.s32 v4, v33;
	v33 =	vbroadcast v45, $0x0;
	v48 =	vld [tilespmem:s12+$0xFFFFFF30];
	[tilespmem:v52+s21+$0x0] =	vst.idx.msk $0xffff, v50;
	s12 =	sadd.s32 $0x200, s12  }
0x197: {  	v40 =	vshll.u32 v40, v1;
	v45 =	vbroadcast v47, $0x0;
	v47 =	vld [tilespmem:s12+$0xC0];
	v50 =	vadd.s32 v29, v41;
	[tilespmem:v35+s21+$0x0] =	vst.idx.msk $0xffff, v56  }
0x198: {  	v55 =	vbroadcast v40, $0x0;
	v52 =	vadd.s32 v0, v33;
	v35 =	vshll.u32 v42, v1;
	v51 =	vld [tilespmem:s12+$0xFFFFFF00];
	[tilespmem:v34+s21+$0x0] =	vst.idx.msk $0xffff, v54  }
0x199: {  	v42 =	vadd.s32 v5, v45;
	v35 =	vbroadcast v35, $0x0;
	v34 =	vshll.u32 v44, v1;
	v40 =	vld [tilespmem:s12+$0xFFFFFF40];
	[tilespmem:v37+s21+$0x0] =	vst.idx.msk $0xffff, v43  }
0x19a: {  	v44 =	vadd.s32 v9, v55;
	v34 =	vbroadcast v34, $0x0;
	v37 =	vshrl.u32 v38, $0x3;
	v43 =	vld [tilespmem:s12+$0xFFFFFF80];
	[tilespmem:v36+s21+$0x0] =	vst.idx.msk $0xffff, v46  }
0x19b: {  	v39 =	vshrl.u32 v39, $0x3;
	v46 =	vadd.s32 v13, v35;
	v36 =	vshll.u32 v37, v1;
	v38 =	vld [tilespmem:s12+$0xFFFFFFC0];
	[tilespmem:v49+s21+$0x0] =	vst.idx.msk $0xffff, v48  }
0x19c: {  	v49 =	vadd.s32 v17, v34;
	v37 =	vbroadcast v36, $0x0;
	v36 =	vshll.u32 v39, v1;
	v48 =	vld [tilespmem:s12+$0x0];
	[tilespmem:v50+s21+$0x0] =	vst.idx.msk $0xffff, v47  }
0x19d: {  	v36 =	vbroadcast v36, $0x0;
	v47 =	vadd.s32 v30, v41;
	[tilespmem:v52+s21+$0x0] =	vst.idx.msk $0xffff, v51;
	v39 =	vld [tilespmem:s12+$0xD0]  }
0x19e: {  	[tilespmem:v42+s21+$0x0] =	vst.idx.msk $0xffff, v40;
	v40 =	vld [tilespmem:s12+$0x40];
	v42 =	vadd.s32 v21, v37  }
0x19f: {  	[tilespmem:v44+s21+$0x0] =	vst.idx.msk $0xffff, v43;
	v43 =	vld [tilespmem:s12+$0x80];
	v44 =	vadd.s32 v25, v36  }
0x1a0: {  	v51 =	vadd.s32 v6, v45;
	v50 =	vld [tilespmem:s12+$0xFFFFFF50];
	[tilespmem:v46+s21+$0x0] =	vst.idx.msk $0xffff, v38  }
0x1a1: {  	v46 =	vadd.s32 v10, v55;
	v38 =	vld [tilespmem:s12+$0xFFFFFF90];
	[tilespmem:v49+s21+$0x0] =	vst.idx.msk $0xffff, v48  }
0x1a2: {  	v49 =	vadd.s32 v14, v35;
	v48 =	vld [tilespmem:s12+$0xFFFFFFD0];
	[tilespmem:v47+s21+$0x0] =	vst.idx.msk $0xffff, v39  }
0x1a3: {  	[tilespmem:v42+s21+$0x0] =	vst.idx.msk $0xffff, v40;
	v39 =	vld [tilespmem:s12+$0xE0];
	v40 =	vadd.s32 v31, v41  }
0x1a4: {  	v47 =	vadd.s32 v18, v34;
	v42 =	vld [tilespmem:s12+$0x10];
	[tilespmem:v44+s21+$0x0] =	vst.idx.msk $0xffff, v43  }
0x1a5: {  	v44 =	vadd.s32 v22, v37;
	[tilespmem:v51+s21+$0x0] =	vst.idx.msk $0xffff, v50;
	v43 =	vld [tilespmem:s12+$0x50]  }
0x1a6: {  	[tilespmem:v46+s21+$0x0] =	vst.idx.msk $0xffff, v38;
	v38 =	vld [tilespmem:s12+$0x90];
	v46 =	vadd.s32 v26, v36  }
0x1a7: {  	v51 =	vadd.s32 v2, v33;
	v50 =	vld [tilespmem:s12+$0xFFFFFF10];
	[tilespmem:v49+s21+$0x0] =	vst.idx.msk $0xffff, v48  }
0x1a8: {  	v49 =	vadd.s32 v7, v45;
	v48 =	vld [tilespmem:s12+$0xFFFFFF60];
	[tilespmem:v40+s21+$0x0] =	vst.idx.msk $0xffff, v39  }
0x1a9: {  	[tilespmem:v47+s21+$0x0] =	vst.idx.msk $0xffff, v42;
	v39 =	vld [tilespmem:s12+$0xF0];
	v47 =	vadd.s32 v32, v41  }
0x1aa: {  	v56 =	vadd.s32 v11, v55;
	v52 =	vld [tilespmem:s12+$0xFFFFFFA0];
	[tilespmem:v44+s21+$0x0] =	vst.idx.msk $0xffff, v43  }
0x1ab: {  	v58 =	vadd.s32 v15, v35;
	v57 =	vld [tilespmem:s12+$0xFFFFFFE0];
	[tilespmem:v46+s21+$0x0] =	vst.idx.msk $0xffff, v38  }
0x1ac: {  	v60 =	vadd.s32 v19, v34;
	[tilespmem:v51+s21+$0x0] =	vst.idx.msk $0xffff, v50;
	v59 =	vld [tilespmem:s12+$0x20]  }
.Ltmp9:
0x1ad: {  	s16 =	sadd.s32 $0x1, s15;
	v41 =	vadd.s32 v23, v37;
	v38 =	vmov s15;
	[tilespmem:v49+s21+$0x0] =	vst.idx.msk $0xffff, v48;
	v40 =	vld [tilespmem:s12+$0x60];
	(pc) =	sbr.rel @p1 .LBB2_15-.Ltmp9, $4  }
0x1ae: {  	s17 =	sadd.s32 $0x3, s15;
	v53 =	vmov s16;
	s16 =	sadd.s32 $0x2, s15;
	v43 =	vadd.s32 v27, v36;
	v50 =	vshrl.u32 v38, $0x3;
	v42 =	vld [tilespmem:s12+$0xA0];
	[tilespmem:v47+s21+$0x0] =	vst.idx.msk $0xffff, v39  }
0x1af: {  	v54 =	vmov s16;
	s16 =	sadd.s32 $0x4, s15;
	v44 =	vmov s17;
	s17 =	sadd.s32 $0x5, s15;
	v48 =	vadd.s32 v3, v33;
	v46 =	vld [tilespmem:s12+$0xFFFFFF20];
	[tilespmem:v56+s21+$0x0] =	vst.idx.msk $0xffff, v52  }
0x1b0: {  	v38 =	vmov s17;
	v51 =	vadd.s32 v8, v45;
	v47 =	vmov s16;
	s16 =	sadd.s32 $0x6, s15;
	v49 =	vld [tilespmem:s12+$0xFFFFFF70];
	[tilespmem:v58+s21+$0x0] =	vst.idx.msk $0xffff, v57  }
0x1b1: {  	v45 =	vshll.u32 v50, v1;
	v39 =	vmov s16;
	s16 =	sadd.s32 $0x7, s15;
	s15 =	sadd.s32 $0x8, s15;
	v52 =	vadd.s32 v12, v55;
	v50 =	vld [tilespmem:s12+$0xFFFFFFB0];
	[tilespmem:v60+s21+$0x0] =	vst.idx.msk $0xffff, v59  }
0x1b2: {  	_ =	sdelay $0x2  }
0x1b3: {  	v53 =	vshrl.u32 v53, $0x3  }
0x1b4: {  	v55 =	vmov s16;
	v56 =	vld [tilespmem:s12+$0xFFFFFFF0];
	v35 =	vadd.s32 v16, v35;
	[tilespmem:v41+s21+$0x0] =	vst.idx.msk $0xffff, v40;
	v57 =	vshrl.u32 v54, $0x3  }
0x1b5: {  	v59 =	vld [tilespmem:s12+$0x30];
	v34 =	vadd.s32 v20, v34;
	v60 =	vshrl.u32 v44, $0x3;
	v58 =	vshrl.u32 v55, $0x3;
	[tilespmem:v43+s21+$0x0] =	vst.idx.msk $0xffff, v42  }
0x1b6: {  	v37 =	vadd.s32 v24, v37;
	v62 =	vshrl.u32 v47, $0x3;
	v61 =	vld [tilespmem:s12+$0x70];
	v41 =	vshll.u32 v58, v1;
	[tilespmem:v48+s21+$0x0] =	vst.idx.msk $0xffff, v46  }
0x1b7: {  	v36 =	vadd.s32 v28, v36;
	v45 =	vbroadcast v45, $0x0;
	v63 =	vld [tilespmem:s12+$0xB0];
	v41 =	vbroadcast v41, $0x0;
	[tilespmem:v51+s21+$0x0] =	vst.idx.msk $0xffff, v49  }
0x1b8: {  	v33 =	vadd.s32 v4, v33;
	s16 =	sadd.s32 $0x200, s12;
	v38 =	vshrl.u32 v38, $0x3;
	v55 =	vshll.u32 v53, v1;
	v48 =	vld [tilespmem:s12+$0xFFFFFF30];
	[tilespmem:v52+s21+$0x0] =	vst.idx.msk $0xffff, v50  }
0x1b9: {  	v40 =	vshll.u32 v57, v1;
	v47 =	vbroadcast v55, $0x0;
	v49 =	vld [tilespmem:s16+$0xC0];
	v50 =	vadd.s32 v29, v41;
	[tilespmem:v35+s21+$0x0] =	vst.idx.msk $0xffff, v56  }
0x1ba: {  	v42 =	vshll.u32 v60, v1;
	v40 =	vbroadcast v40, $0x0;
	v35 =	vld [tilespmem:s16+$0xFFFFFF00];
	v56 =	vadd.s32 v0, v45;
	[tilespmem:v34+s21+$0x0] =	vst.idx.msk $0xffff, v59  }
0x1bb: {  	v57 =	vld [tilespmem:s16+$0xFFFFFF40];
	v44 =	vshll.u32 v62, v1;
	v42 =	vbroadcast v42, $0x0;
	v58 =	vadd.s32 v5, v47;
	[tilespmem:v37+s21+$0x0] =	vst.idx.msk $0xffff, v61  }
0x1bc: {  	v38 =	vshll.u32 v38, v1;
	v44 =	vbroadcast v44, $0x0;
	v60 =	vadd.s32 v9, v40;
	v59 =	vld [tilespmem:s16+$0xFFFFFF80];
	[tilespmem:v36+s21+$0x0] =	vst.idx.msk $0xffff, v63  }
0x1bd: {  	v38 =	vbroadcast v38, $0x0;
	v62 =	vadd.s32 v13, v42;
	v61 =	vld [tilespmem:s16+$0xFFFFFFC0];
	[tilespmem:v33+s21+$0x0] =	vst.idx.msk $0xffff, v48  }
0x1be: {  	v39 =	vshrl.u32 v39, $0x3;
	v63 =	vadd.s32 v17, v44;
	v33 =	vld [tilespmem:s16+$0x0];
	[tilespmem:v50+s21+$0x0] =	vst.idx.msk $0xffff, v49  }
0x1bf: {  	v39 =	vshll.u32 v39, v1;
	v34 =	vld [tilespmem:s16+$0x40];
	[tilespmem:v56+s21+$0x0] =	vst.idx.msk $0xffff, v35;
	v56 =	vadd.s32 v21, v38  }
0x1c0: {  	[tilespmem:v58+s21+$0x0] =	vst.idx.msk $0xffff, v57;
	v35 =	vbroadcast v39, $0x0;
	v49 =	vadd.s32 v30, v41;
	v39 =	vld [tilespmem:s16+$0xD0]  }
0x1c1: {  	[tilespmem:v60+s21+$0x0] =	vst.idx.msk $0xffff, v59;
	v59 =	vld [tilespmem:s16+$0xFFFFFF50];
	v60 =	vadd.s32 v6, v47  }
0x1c2: {  	v57 =	vld [tilespmem:s16+$0x80];
	[tilespmem:v62+s21+$0x0] =	vst.idx.msk $0xffff, v61;
	v58 =	vadd.s32 v25, v35  }
0x1c3: {  	v61 =	vld [tilespmem:s16+$0xFFFFFF90];
	v62 =	vadd.s32 v10, v40;
	[tilespmem:v63+s21+$0x0] =	vst.idx.msk $0xffff, v33  }
0x1c4: {  	v33 =	vld [tilespmem:s16+$0xFFFFFFD0];
	v63 =	vadd.s32 v14, v42;
	[tilespmem:v56+s21+$0x0] =	vst.idx.msk $0xffff, v34  }
0x1c5: {  	v56 =	vadd.s32 v18, v44;
	[tilespmem:v49+s21+$0x0] =	vst.idx.msk $0xffff, v39;
	v49 =	vld [tilespmem:s16+$0x10]  }
0x1c6: {  	[tilespmem:v60+s21+$0x0] =	vst.idx.msk $0xffff, v59;
	v39 =	vadd.s32 v31, v41;
	v34 =	vld [tilespmem:s16+$0xE0]  }
0x1c7: {  	[tilespmem:v58+s21+$0x0] =	vst.idx.msk $0xffff, v57;
	v57 =	vld [tilespmem:s16+$0x50];
	v58 =	vadd.s32 v22, v38  }
0x1c8: {  	[tilespmem:v62+s21+$0x0] =	vst.idx.msk $0xffff, v61;
	v61 =	vld [tilespmem:s16+$0xFFFFFF10];
	v62 =	vadd.s32 v2, v45  }
0x1c9: {  	v60 =	vadd.s32 v26, v35;
	v59 =	vld [tilespmem:s16+$0x90];
	[tilespmem:v63+s21+$0x0] =	vst.idx.msk $0xffff, v33  }
0x1ca: {  	v55 =	vadd.s32 v11, v40;
	v54 =	vadd.s32 v32, v41;
	v41 =	vld [tilespmem:s16+$0xFFFFFFA0];
	[tilespmem:v56+s21+$0x0] =	vst.idx.msk $0xffff, v49  }
0x1cb: {  	v53 =	vadd.s32 v7, v47;
	v63 =	vld [tilespmem:s16+$0xFFFFFF60];
	[tilespmem:v39+s21+$0x0] =	vst.idx.msk $0xffff, v34  }
0x1cc: {  	v56 =	vld [tilespmem:s16+$0xFFFFFFE0];
	[tilespmem:v58+s21+$0x0] =	vst.idx.msk $0xffff, v57;
	v57 =	vadd.s32 v15, v42  }
0x1cd: {  	[tilespmem:v62+s21+$0x0] =	vst.idx.msk $0xffff, v61;
	v34 =	vld [tilespmem:s16+$0xF0]  }
0x1ce: {  	v58 =	vld [tilespmem:s16+$0x20];
	[tilespmem:v60+s21+$0x0] =	vst.idx.msk $0xffff, v59;
	v59 =	vadd.s32 v19, v44  }
0x1cf: {  	v61 =	vadd.s32 v23, v38;
	[tilespmem:v55+s21+$0x0] =	vst.idx.msk $0xffff, v41;
	v60 =	vld [tilespmem:s16+$0x60]  }
0x1d0: {  	[tilespmem:v53+s21+$0x0] =	vst.idx.msk $0xffff, v63;
	v63 =	vadd.s32 v27, v35;
	v62 =	vld [tilespmem:s16+$0xA0]  }
0x1d1: {  	v47 =	vadd.s32 v8, v47;
	v55 =	vld [tilespmem:s16+$0xFFFFFF70];
	[tilespmem:v57+s21+$0x0] =	vst.idx.msk $0xffff, v56  }
0x1d2: {  	v53 =	vld [tilespmem:s16+$0xFFFFFF20];
	[tilespmem:v54+s21+$0x0] =	vst.idx.msk $0xffff, v34;
	v54 =	vadd.s32 v3, v45  }
0x1d3: {  	v40 =	vadd.s32 v12, v40;
	v56 =	vld [tilespmem:s16+$0xFFFFFFB0];
	[tilespmem:v59+s21+$0x0] =	vst.idx.msk $0xffff, v58  }
0x1d4: {  	v42 =	vadd.s32 v16, v42;
	v57 =	vld [tilespmem:s16+$0xFFFFFFF0];
	[tilespmem:v61+s21+$0x0] =	vst.idx.msk $0xffff, v60  }
0x1d5: {  	v59 =	vadd.s32 v20, v44;
	v58 =	vld [tilespmem:s16+$0x30];
	[tilespmem:v63+s21+$0x0] =	vst.idx.msk $0xffff, v62  }
0x1d6: {  	v38 =	vadd.s32 v24, v38;
	v60 =	vld [tilespmem:s16+$0x70];
	[tilespmem:v47+s21+$0x0] =	vst.idx.msk $0xffff, v55  }
0x1d7: {  	v35 =	vadd.s32 v28, v35;
	v61 =	vld [tilespmem:s16+$0xB0];
	[tilespmem:v54+s21+$0x0] =	vst.idx.msk $0xffff, v53  }
0x1d8: {  	v63 =	vadd.s32 v4, v45;
	[tilespmem:v40+s21+$0x0] =	vst.idx.msk $0xffff, v56;
	v62 =	vld [tilespmem:s16+$0xFFFFFF30]  }
0x1d9: {  	[tilespmem:v42+s21+$0x0] =	vst.idx.msk $0xffff, v57  }
0x1da: {  	[tilespmem:v59+s21+$0x0] =	vst.idx.msk $0xffff, v58  }
0x1db: {  	[tilespmem:v38+s21+$0x0] =	vst.idx.msk $0xffff, v60  }
0x1dc: {  	[tilespmem:v35+s21+$0x0] =	vst.idx.msk $0xffff, v61  }
0x1dd: {  	s15 =	sadd.s32 s0, s8;
	s17 =	simm.s32 $0xE400;
	[tilespmem:v63+s21+$0x0] =	vst.idx.msk $0xffff, v62  }
0x1de: {  	[hbm4b:s15+s3] =	stream.linear.scatter [tilespmem:s17], [sflag:$0x5], $0x80, $0x38;
	[tilespmem:$0x12800] =	vst v63  }
0x1df: {  	s18 =	simm.s32 $0xE488;
	s5 =	sadd.s32 $0x10, s15  }
0x1e0: {  	[hbm4b:s5+s3] =	stream.linear.scatter [tilespmem:s18], [sflag:$0x5], $0x80, $0x38;
	[tilespmem:$0x12800] =	vst v63  }
0x1e1: {  	s16 =	simm.s32 $0xE510;
	s17 =	sadd.s32 $0x20, s15  }
0x1e2: {  	[hbm4b:s17+s3] =	stream.linear.scatter [tilespmem:s16], [sflag:$0x5], $0x80, $0x38;
	[tilespmem:$0x12800] =	vst v63  }
0x1e3: {  	s18 =	simm.s32 $0xE598;
	s5 =	sadd.s32 $0x30, s15  }
0x1e4: {  	[hbm4b:s5+s3] =	stream.linear.scatter [tilespmem:s18], [sflag:$0x5], $0x80, $0x38;
	[tilespmem:$0x12800] =	vst v63  }
0x1e5: {  	s16 =	simm.s32 $0xE620;
	s17 =	sadd.s32 $0x40, s15  }
0x1e6: {  	[hbm4b:s17+s3] =	stream.linear.scatter [tilespmem:s16], [sflag:$0x5], $0x80, $0x38;
	[tilespmem:$0x12800] =	vst v63  }
0x1e7: {  	s12 =	simm.s32 $0x440;
	s18 =	simm.s32 $0xE6A8;
	s5 =	sadd.s32 $0x50, s15  }
0x1e8: {  	[hbm4b:s5+s3] =	stream.linear.scatter [tilespmem:s18], [sflag:$0x5], $0x80, $0x38;
	[tilespmem:$0x12800] =	vst v63  }
0x1e9: {  	s17 =	simm.s32 $0xE730;
	s16 =	simm.s32 $0x2200;
	s18 =	sadd.s32 $0x60, s15  }
0x1ea: {  	[hbm4b:s18+s3] =	stream.linear.scatter [tilespmem:s17], [sflag:$0x5], $0x80, $0x38;
	[tilespmem:$0x12800] =	vst v63  }
0x1eb: {  	s17 =	simm.s32 $0xE7B8;
	s18 =	sadd.s32 $0x70, s15;
	s15 =	sadd.s32 $0x1000, s15  }
.LBB2_17:
0x1ec: {  	[hbm4b:s18+s3] =	stream.linear.scatter [tilespmem:s17], [sflag:$0x5], $0x80, $0x38;
	[tilespmem:$0x12800] =	vst v63  }
0x1ed: {  	s17 =	smov.u32 s12;
	s12 =	smov.u32 s16  }
0x1ee: {  	s5 =	sadd.s32 $0x1100, s16;
	s12 =	sshra.s32 s12, $0x2;
	s18 =	sadd.s32 $0xE400, s17  }
0x1ef: {  	[hbm4b:s15+s3] =	stream.linear.scatter [tilespmem:s18], [sflag:$0x5], $0x80, $0x38;
	[tilespmem:$0x12800] =	vst v63  }
0x1f0: {  	p1 =	sne.s32 s16, $0x7700;
	s16 =	sadd.s32 $0xE488, s17;
	s18 =	sadd.s32 $0x10, s15  }
0x1f1: {  	[hbm4b:s18+s3] =	stream.linear.scatter [tilespmem:s16], [sflag:$0x5], $0x80, $0x38;
	[tilespmem:$0x12800] =	vst v63  }
0x1f2: {  	s16 =	sadd.s32 $0xE510, s17;
	s18 =	sadd.s32 $0x20, s15  }
0x1f3: {  	[hbm4b:s18+s3] =	stream.linear.scatter [tilespmem:s16], [sflag:$0x5], $0x80, $0x38;
	[tilespmem:$0x12800] =	vst v63  }
0x1f4: {  	s16 =	sadd.s32 $0xE598, s17;
	s18 =	sadd.s32 $0x30, s15  }
0x1f5: {  	[hbm4b:s18+s3] =	stream.linear.scatter [tilespmem:s16], [sflag:$0x5], $0x80, $0x38;
	[tilespmem:$0x12800] =	vst v63  }
0x1f6: {  	s16 =	sadd.s32 $0xE620, s17;
	s18 =	sadd.s32 $0x40, s15  }
0x1f7: {  	[hbm4b:s18+s3] =	stream.linear.scatter [tilespmem:s16], [sflag:$0x5], $0x80, $0x38;
	[tilespmem:$0x12800] =	vst v63  }
.Ltmp10:
0x1f8: {  	s16 =	sadd.s32 $0xE6A8, s17;
	s18 =	sadd.s32 $0x50, s15;
	(pc) =	sbr.rel @p1 .LBB2_17-.Ltmp10, $4  }
0x1f9: {  	[hbm4b:s18+s3] =	stream.linear.scatter [tilespmem:s16], [sflag:$0x5], $0x80, $0x38;
	[tilespmem:$0x12800] =	vst v63  }
0x1fa: {  	s16 =	sadd.s32 $0xE730, s17;
	s18 =	sadd.s32 $0x60, s15;
	s17 =	sadd.s32 $0xE7B8, s17  }
0x1fb: {  	[hbm4b:s18+s3] =	stream.linear.scatter [tilespmem:s16], [sflag:$0x5], $0x80, $0x38;
	[tilespmem:$0x12800] =	vst v63  }
0x1fc: {  	s18 =	sadd.s32 $0x70, s15;
	s15 =	sadd.s32 $0x1000, s15;
	s16 =	smov.u32 s5  }
0x1fd: {  	[hbm4b:s18+s3] =	stream.linear.scatter [tilespmem:s17], [sflag:$0x5], $0x80, $0x38;
	[tilespmem:$0x12800] =	vst v63  }
0x1fe: {  	s5 =	sadd.s32 $0xE400, s12  }
0x1ff: {  	[hbm4b:s15+s3] =	stream.linear.scatter [tilespmem:s5], [sflag:$0x5], $0x80, $0x38;
	[tilespmem:$0x12800] =	vst v63  }
0x200: {  	s18 =	sadd.s32 $0xE488, s12;
	s16 =	sadd.s32 $0x10, s15  }
0x201: {  	[hbm4b:s16+s3] =	stream.linear.scatter [tilespmem:s18], [sflag:$0x5], $0x80, $0x38;
	[tilespmem:$0x12800] =	vst v63  }
0x202: {  	s17 =	sadd.s32 $0xE510, s12;
	s18 =	sadd.s32 $0x20, s15  }
0x203: {  	[hbm4b:s18+s3] =	stream.linear.scatter [tilespmem:s17], [sflag:$0x5], $0x80, $0x38;
	[tilespmem:$0x12800] =	vst v63  }
0x204: {  	s17 =	sadd.s32 $0xE598, s12;
	s18 =	sadd.s32 $0x30, s15  }
0x205: {  	[hbm4b:s18+s3] =	stream.linear.scatter [tilespmem:s17], [sflag:$0x5], $0x80, $0x38;
	[tilespmem:$0x12800] =	vst v63  }
0x206: {  	s17 =	sadd.s32 $0xE620, s12;
	s18 =	sadd.s32 $0x40, s15  }
0x207: {  	[hbm4b:s18+s3] =	stream.linear.scatter [tilespmem:s17], [sflag:$0x5], $0x80, $0x38;
	[tilespmem:$0x12800] =	vst v63  }
0x208: {  	s1 =	sadd.s32 @!p0 $0x300, s1;
	s17 =	sadd.s32 $0xE6A8, s12;
	s18 =	sadd.s32 $0x50, s15  }
0x209: {  	[hbm4b:s18+s3] =	stream.linear.scatter [tilespmem:s17], [sflag:$0x5], $0x80, $0x38;
	[tilespmem:$0x12800] =	vst v63  }
0x20a: {  	s5 =	simm.s32 @!p0 $0x80;
	s17 =	sadd.s32 $0xE730, s12;
	s18 =	sadd.s32 $0x60, s15  }
0x20b: {  	[hbm4b:s18+s3] =	stream.linear.scatter [tilespmem:s17], [sflag:$0x5], $0x80, $0x38;
	[tilespmem:$0x12800] =	vst v63  }
0x20c: {  	s16 =	simm.s32 $0x3;
	s17 =	sadd.s32 $0xE7B8, s12;
	s18 =	sadd.s32 $0x70, s15  }
0x20d: {  	[hbm4b:s18+s3] =	stream.linear.scatter [tilespmem:s17], [sflag:$0x5], $0x80, $0x38;
	[tilespmem:$0x12800] =	vst v63  }
0x20e: {  	v36 =	vmov s16;
	s16 =	simm.s32 $0x6;
	s12 =	simm.s32 @!p0 $0xA400;
	s15 =	simm.s32 $0x2  }
0x20f: {  	v40 =	vmov s16;
	v36 =	vshrl.u32 v36, $0x3;
	[tilespmem:s12], [sflag:$0x3] =	stream.indirect.gather @!p0 [hbm4b:s4+s5], $0x40, s1, s5, $0xb8;
	[tilespmem:$0x12800] =	vst v63  }
0x210: {  	v53 =	vshll.u32 v36, v1;
	v40 =	vshrl.u32 v40, $0x3;
	v35 =	vmov s15;
	s15 =	simm.s32 $0x5;
	s18 =	simm.s32 $0x7;
	_ =	swait.ge [sflag:s28], $0x2000  }
0x211: {  	s17 =	simm.s32 $0x4;
	v39 =	vmov s15;
	v35 =	vshrl.u32 v35, $0x3;
	v38 =	vmov s18;
	s5 =	simm.s32 $0x0;
	[sflag:s28] =	ssyncset.done $0x0  }
0x212: {  	v37 =	vmov s17;
	s12 =	simm.s32 $0x1;
	v38 =	vshrl.u32 v38, $0x3;
	v33 =	vmov s5;
	[sflag:s28] =	ssyncadd.s32 $0xFFFFE000  }
0x213: {  	v34 =	vmov s12;
	v38 =	vshll.u32 v38, v1;
	v33 =	vshrl.u32 v33, $0x3;
	_ =	swait.ge [sflag:s23], $0x2000  }
0x214: {  	v34 =	vshrl.u32 v34, $0x3;
	v38 =	vbroadcast v38, $0x0;
	v33 =	vshll.u32 v33, v1;
	[sflag:s23] =	ssyncset.done $0x0  }
0x215: {  	v52 =	vshll.u32 v35, v1;
	s1 =	simm.s32 $0xC500;
	v34 =	vshll.u32 v34, v1;
	v33 =	vbroadcast v33, $0x0;
	[sflag:s23] =	ssyncadd.s32 $0xFFFFE000  }
0x216: {  	v35 =	vbroadcast v53, $0x0;
	v45 =	vbroadcast v34, $0x0;
	v42 =	vadd.s32 v29, v38;
	v41 =	vld [tilespmem:s1+$0xC0]  }
0x217: {  	v37 =	vshrl.u32 v37, $0x3;
	v52 =	vbroadcast v52, $0x0;
	v44 =	vadd.s32 v0, v33;
	v43 =	vld [tilespmem:s1+$0xFFFFFF00]  }
0x218: {  	v55 =	vshrl.u32 v39, $0x3;
	v54 =	vshll.u32 v37, v1;
	v47 =	vadd.s32 v5, v45;
	v46 =	vld [tilespmem:s1+$0xFFFFFF40]  }
0x219: {  	v36 =	vshll.u32 v55, v1;
	v49 =	vadd.s32 v9, v52;
	v34 =	vbroadcast v54, $0x0;
	v48 =	vld [tilespmem:s1+$0xFFFFFF80]  }
0x21a: {  	v56 =	vshll.u32 v40, v1;
	v50 =	vadd.s32 v13, v35;
	v37 =	vbroadcast v36, $0x0;
	v39 =	vld [tilespmem:s1+$0xFFFFFFC0]  }
0x21b: {  	v36 =	vbroadcast v56, $0x0;
	v53 =	vadd.s32 v17, v34;
	v51 =	vld [tilespmem:s1+$0x0];
	[tilespmem:v42+s24+$0x0] =	vst.idx.msk $0xffff, v41  }
0x21c: {  	v60 =	vadd.s32 v21, v37;
	v59 =	vld [tilespmem:s1+$0x40];
	[tilespmem:v44+s24+$0x0] =	vst.idx.msk $0xffff, v43  }
0x21d: {  	v62 =	vadd.s32 v25, v36;
	v61 =	vld [tilespmem:s1+$0x80];
	[tilespmem:v47+s24+$0x0] =	vst.idx.msk $0xffff, v46  }
0x21e: {  	v58 =	vadd.s32 v30, v38;
	[tilespmem:v49+s24+$0x0] =	vst.idx.msk $0xffff, v48;
	v57 =	vld [tilespmem:s1+$0xD0]  }
0x21f: {  	v63 =	vadd.s32 v6, v45;
	[tilespmem:v50+s24+$0x0] =	vst.idx.msk $0xffff, v39;
	v47 =	vld [tilespmem:s1+$0xFFFFFF50]  }
0x220: {  	v55 =	vadd.s32 v10, v52;
	[tilespmem:v53+s24+$0x0] =	vst.idx.msk $0xffff, v51;
	v54 =	vld [tilespmem:s1+$0xFFFFFF90]  }
0x221: {  	v56 =	vadd.s32 v14, v35;
	[tilespmem:v60+s24+$0x0] =	vst.idx.msk $0xffff, v59;
	v50 =	vld [tilespmem:s1+$0xFFFFFFD0]  }
0x222: {  	[tilespmem:v62+s24+$0x0] =	vst.idx.msk $0xffff, v61;
	v46 =	vadd.s32 v22, v37;
	v44 =	vld [tilespmem:s1+$0x50]  }
0x223: {  	v59 =	vadd.s32 v18, v34;
	[tilespmem:v58+s24+$0x0] =	vst.idx.msk $0xffff, v57;
	v58 =	vld [tilespmem:s1+$0x10]  }
0x224: {  	v57 =	vadd.s32 v31, v38;
	[tilespmem:v63+s24+$0x0] =	vst.idx.msk $0xffff, v47;
	v40 =	vld [tilespmem:s1+$0xE0]  }
0x225: {  	v60 =	vadd.s32 v26, v36;
	[tilespmem:v55+s24+$0x0] =	vst.idx.msk $0xffff, v54;
	v63 =	vld [tilespmem:s1+$0x90]  }
0x226: {  	v62 =	vadd.s32 v2, v33;
	v61 =	vld [tilespmem:s1+$0xFFFFFF10];
	[tilespmem:v56+s24+$0x0] =	vst.idx.msk $0xffff, v50  }
0x227: {  	v51 =	vadd.s32 v7, v45;
	[tilespmem:v46+s24+$0x0] =	vst.idx.msk $0xffff, v44;
	v50 =	vld [tilespmem:s1+$0xFFFFFF60]  }
0x228: {  	v56 =	vadd.s32 v11, v52;
	v55 =	vld [tilespmem:s1+$0xFFFFFFA0];
	[tilespmem:v59+s24+$0x0] =	vst.idx.msk $0xffff, v58  }
0x229: {  	v58 =	vadd.s32 v15, v35;
	[tilespmem:v57+s24+$0x0] =	vst.idx.msk $0xffff, v40;
	v57 =	vld [tilespmem:s1+$0xFFFFFFE0]  }
0x22a: {  	[tilespmem:v60+s24+$0x0] =	vst.idx.msk $0xffff, v63;
	v60 =	vadd.s32 v19, v34;
	v59 =	vld [tilespmem:s1+$0x20]  }
0x22b: {  	s18 =	simm.s32 $0x9;
	v38 =	vadd.s32 v32, v38;
	[tilespmem:v62+s24+$0x0] =	vst.idx.msk $0xffff, v61;
	v54 =	vld [tilespmem:s1+$0xF0]  }
0x22c: {  	s17 =	simm.s32 $0x8;
	v41 =	vadd.s32 v23, v37;
	v53 =	vmov s18;
	[tilespmem:v51+s24+$0x0] =	vst.idx.msk $0xffff, v50;
	v40 =	vld [tilespmem:s1+$0x60]  }
0x22d: {  	s16 =	simm.s32 $0xC;
	s15 =	simm.s32 $0xB;
	v43 =	vadd.s32 v27, v36;
	v48 =	vadd.s32 v3, v33;
	v63 =	vmov s17;
	v42 =	vld [tilespmem:s1+$0xA0];
	[tilespmem:v56+s24+$0x0] =	vst.idx.msk $0xffff, v55  }
0x22e: {  	s18 =	simm.s32 $0xE;
	v44 =	vmov s15;
	v47 =	vmov s16;
	v46 =	vld [tilespmem:s1+$0xFFFFFF20];
	v39 =	vshrl.u32 v63, $0x3;
	[tilespmem:v58+s24+$0x0] =	vst.idx.msk $0xffff, v57  }
0x22f: {  	s12 =	simm.s32 $0xA;
	s17 =	simm.s32 $0xD;
	v51 =	vadd.s32 v8, v45;
	v49 =	vld [tilespmem:s1+$0xFFFFFF70];
	v45 =	vshll.u32 v39, v1;
	v39 =	vmov s18;
	[tilespmem:v60+s24+$0x0] =	vst.idx.msk $0xffff, v59  }
0x230: {  	s15 =	simm.s32 $0xF;
	v52 =	vadd.s32 v12, v52;
	v50 =	vld [tilespmem:s1+$0xFFFFFFB0];
	[tilespmem:v38+s24+$0x0] =	vst.idx.msk $0xffff, v54;
	v54 =	vmov s12;
	v38 =	vmov s17;
	s12 =	simm.s32 $0x10  }
.LBB2_19:
0x231: {  	p1 =	slt.u32 s12, $0x78;
	v53 =	vshrl.u32 v53, $0x3;
	v55 =	vmov s15;
	v56 =	vld [tilespmem:s1+$0xFFFFFFF0];
	v35 =	vadd.s32 v16, v35;
	[tilespmem:v41+s24+$0x0] =	vst.idx.msk $0xffff, v40  }
0x232: {  	v40 =	vshrl.u32 v54, $0x3;
	v34 =	vadd.s32 v20, v34;
	v41 =	vshrl.u32 v55, $0x3;
	v54 =	vld [tilespmem:s1+$0x30];
	[tilespmem:v43+s24+$0x0] =	vst.idx.msk $0xffff, v42  }
0x233: {  	v37 =	vadd.s32 v24, v37;
	v42 =	vshrl.u32 v44, $0x3;
	v41 =	vshll.u32 v41, v1;
	[tilespmem:v48+s24+$0x0] =	vst.idx.msk $0xffff, v46;
	v43 =	vld [tilespmem:s1+$0x70]  }
0x234: {  	v36 =	vadd.s32 v28, v36;
	v44 =	vshrl.u32 v47, $0x3;
	v41 =	vbroadcast v41, $0x0;
	[tilespmem:v51+s24+$0x0] =	vst.idx.msk $0xffff, v49;
	v46 =	vld [tilespmem:s1+$0xB0]  }
0x235: {  	v47 =	vshll.u32 v53, v1;
	v49 =	vadd.s32 v4, v33;
	v33 =	vbroadcast v45, $0x0;
	v48 =	vld [tilespmem:s1+$0xFFFFFF30];
	[tilespmem:v52+s24+$0x0] =	vst.idx.msk $0xffff, v50;
	s1 =	sadd.s32 $0x200, s1  }
0x236: {  	v40 =	vshll.u32 v40, v1;
	v45 =	vbroadcast v47, $0x0;
	v47 =	vld [tilespmem:s1+$0xC0];
	v50 =	vadd.s32 v29, v41;
	[tilespmem:v35+s24+$0x0] =	vst.idx.msk $0xffff, v56  }
0x237: {  	v55 =	vbroadcast v40, $0x0;
	v52 =	vadd.s32 v0, v33;
	v35 =	vshll.u32 v42, v1;
	v51 =	vld [tilespmem:s1+$0xFFFFFF00];
	[tilespmem:v34+s24+$0x0] =	vst.idx.msk $0xffff, v54  }
0x238: {  	v42 =	vadd.s32 v5, v45;
	v35 =	vbroadcast v35, $0x0;
	v34 =	vshll.u32 v44, v1;
	v40 =	vld [tilespmem:s1+$0xFFFFFF40];
	[tilespmem:v37+s24+$0x0] =	vst.idx.msk $0xffff, v43  }
0x239: {  	v44 =	vadd.s32 v9, v55;
	v34 =	vbroadcast v34, $0x0;
	v37 =	vshrl.u32 v38, $0x3;
	v43 =	vld [tilespmem:s1+$0xFFFFFF80];
	[tilespmem:v36+s24+$0x0] =	vst.idx.msk $0xffff, v46  }
0x23a: {  	v39 =	vshrl.u32 v39, $0x3;
	v46 =	vadd.s32 v13, v35;
	v36 =	vshll.u32 v37, v1;
	v38 =	vld [tilespmem:s1+$0xFFFFFFC0];
	[tilespmem:v49+s24+$0x0] =	vst.idx.msk $0xffff, v48  }
0x23b: {  	v49 =	vadd.s32 v17, v34;
	v37 =	vbroadcast v36, $0x0;
	v36 =	vshll.u32 v39, v1;
	v48 =	vld [tilespmem:s1+$0x0];
	[tilespmem:v50+s24+$0x0] =	vst.idx.msk $0xffff, v47  }
0x23c: {  	v36 =	vbroadcast v36, $0x0;
	v47 =	vadd.s32 v30, v41;
	[tilespmem:v52+s24+$0x0] =	vst.idx.msk $0xffff, v51;
	v39 =	vld [tilespmem:s1+$0xD0]  }
0x23d: {  	[tilespmem:v42+s24+$0x0] =	vst.idx.msk $0xffff, v40;
	v40 =	vld [tilespmem:s1+$0x40];
	v42 =	vadd.s32 v21, v37  }
0x23e: {  	[tilespmem:v44+s24+$0x0] =	vst.idx.msk $0xffff, v43;
	v43 =	vld [tilespmem:s1+$0x80];
	v44 =	vadd.s32 v25, v36  }
0x23f: {  	v51 =	vadd.s32 v6, v45;
	v50 =	vld [tilespmem:s1+$0xFFFFFF50];
	[tilespmem:v46+s24+$0x0] =	vst.idx.msk $0xffff, v38  }
0x240: {  	v46 =	vadd.s32 v10, v55;
	v38 =	vld [tilespmem:s1+$0xFFFFFF90];
	[tilespmem:v49+s24+$0x0] =	vst.idx.msk $0xffff, v48  }
0x241: {  	v49 =	vadd.s32 v14, v35;
	v48 =	vld [tilespmem:s1+$0xFFFFFFD0];
	[tilespmem:v47+s24+$0x0] =	vst.idx.msk $0xffff, v39  }
0x242: {  	[tilespmem:v42+s24+$0x0] =	vst.idx.msk $0xffff, v40;
	v39 =	vld [tilespmem:s1+$0xE0];
	v40 =	vadd.s32 v31, v41  }
0x243: {  	v47 =	vadd.s32 v18, v34;
	v42 =	vld [tilespmem:s1+$0x10];
	[tilespmem:v44+s24+$0x0] =	vst.idx.msk $0xffff, v43  }
0x244: {  	v44 =	vadd.s32 v22, v37;
	[tilespmem:v51+s24+$0x0] =	vst.idx.msk $0xffff, v50;
	v43 =	vld [tilespmem:s1+$0x50]  }
0x245: {  	[tilespmem:v46+s24+$0x0] =	vst.idx.msk $0xffff, v38;
	v38 =	vld [tilespmem:s1+$0x90];
	v46 =	vadd.s32 v26, v36  }
0x246: {  	v51 =	vadd.s32 v2, v33;
	v50 =	vld [tilespmem:s1+$0xFFFFFF10];
	[tilespmem:v49+s24+$0x0] =	vst.idx.msk $0xffff, v48  }
0x247: {  	v49 =	vadd.s32 v7, v45;
	v48 =	vld [tilespmem:s1+$0xFFFFFF60];
	[tilespmem:v40+s24+$0x0] =	vst.idx.msk $0xffff, v39  }
0x248: {  	[tilespmem:v47+s24+$0x0] =	vst.idx.msk $0xffff, v42;
	v39 =	vld [tilespmem:s1+$0xF0];
	v47 =	vadd.s32 v32, v41  }
0x249: {  	v56 =	vadd.s32 v11, v55;
	v52 =	vld [tilespmem:s1+$0xFFFFFFA0];
	[tilespmem:v44+s24+$0x0] =	vst.idx.msk $0xffff, v43  }
0x24a: {  	v58 =	vadd.s32 v15, v35;
	v57 =	vld [tilespmem:s1+$0xFFFFFFE0];
	[tilespmem:v46+s24+$0x0] =	vst.idx.msk $0xffff, v38  }
0x24b: {  	v60 =	vadd.s32 v19, v34;
	[tilespmem:v51+s24+$0x0] =	vst.idx.msk $0xffff, v50;
	v59 =	vld [tilespmem:s1+$0x20]  }
.Ltmp11:
0x24c: {  	s5 =	sadd.s32 $0x1, s12;
	v41 =	vadd.s32 v23, v37;
	v38 =	vmov s12;
	[tilespmem:v49+s24+$0x0] =	vst.idx.msk $0xffff, v48;
	v40 =	vld [tilespmem:s1+$0x60];
	(pc) =	sbr.rel @p1 .LBB2_19-.Ltmp11, $4  }
0x24d: {  	s15 =	sadd.s32 $0x3, s12;
	v53 =	vmov s5;
	s5 =	sadd.s32 $0x2, s12;
	v43 =	vadd.s32 v27, v36;
	v50 =	vshrl.u32 v38, $0x3;
	v42 =	vld [tilespmem:s1+$0xA0];
	[tilespmem:v47+s24+$0x0] =	vst.idx.msk $0xffff, v39  }
0x24e: {  	v54 =	vmov s5;
	s5 =	sadd.s32 $0x4, s12;
	v44 =	vmov s15;
	s15 =	sadd.s32 $0x5, s12;
	v48 =	vadd.s32 v3, v33;
	v46 =	vld [tilespmem:s1+$0xFFFFFF20];
	[tilespmem:v56+s24+$0x0] =	vst.idx.msk $0xffff, v52  }
0x24f: {  	v38 =	vmov s15;
	v51 =	vadd.s32 v8, v45;
	v47 =	vmov s5;
	s5 =	sadd.s32 $0x6, s12;
	v49 =	vld [tilespmem:s1+$0xFFFFFF70];
	[tilespmem:v58+s24+$0x0] =	vst.idx.msk $0xffff, v57  }
0x250: {  	s15 =	sadd.s32 $0x7, s12;
	v45 =	vshll.u32 v50, v1;
	s12 =	sadd.s32 $0x8, s12;
	v39 =	vmov s5;
	v52 =	vadd.s32 v12, v55;
	v50 =	vld [tilespmem:s1+$0xFFFFFFB0];
	[tilespmem:v60+s24+$0x0] =	vst.idx.msk $0xffff, v59  }
0x251: {  	_ =	sdelay $0x2  }
0x252: {  	v53 =	vshrl.u32 v53, $0x3  }
0x253: {  	v55 =	vmov s15;
	v56 =	vld [tilespmem:s1+$0xFFFFFFF0];
	v35 =	vadd.s32 v16, v35;
	[tilespmem:v41+s24+$0x0] =	vst.idx.msk $0xffff, v40;
	v57 =	vshrl.u32 v54, $0x3  }
0x254: {  	v59 =	vld [tilespmem:s1+$0x30];
	v34 =	vadd.s32 v20, v34;
	v60 =	vshrl.u32 v44, $0x3;
	v58 =	vshrl.u32 v55, $0x3;
	[tilespmem:v43+s24+$0x0] =	vst.idx.msk $0xffff, v42  }
0x255: {  	v37 =	vadd.s32 v24, v37;
	v62 =	vshrl.u32 v47, $0x3;
	v61 =	vld [tilespmem:s1+$0x70];
	v41 =	vshll.u32 v58, v1;
	[tilespmem:v48+s24+$0x0] =	vst.idx.msk $0xffff, v46  }
0x256: {  	v36 =	vadd.s32 v28, v36;
	v45 =	vbroadcast v45, $0x0;
	v63 =	vld [tilespmem:s1+$0xB0];
	v41 =	vbroadcast v41, $0x0;
	[tilespmem:v51+s24+$0x0] =	vst.idx.msk $0xffff, v49  }
0x257: {  	v33 =	vadd.s32 v4, v33;
	s18 =	sadd.s32 $0x200, s1;
	v38 =	vshrl.u32 v38, $0x3;
	v55 =	vshll.u32 v53, v1;
	v48 =	vld [tilespmem:s1+$0xFFFFFF30];
	[tilespmem:v52+s24+$0x0] =	vst.idx.msk $0xffff, v50  }
0x258: {  	v40 =	vshll.u32 v57, v1;
	v47 =	vbroadcast v55, $0x0;
	v49 =	vld [tilespmem:s18+$0xC0];
	v50 =	vadd.s32 v29, v41;
	[tilespmem:v35+s24+$0x0] =	vst.idx.msk $0xffff, v56  }
0x259: {  	v42 =	vshll.u32 v60, v1;
	v40 =	vbroadcast v40, $0x0;
	v35 =	vld [tilespmem:s18+$0xFFFFFF00];
	v56 =	vadd.s32 v0, v45;
	[tilespmem:v34+s24+$0x0] =	vst.idx.msk $0xffff, v59  }
0x25a: {  	v57 =	vld [tilespmem:s18+$0xFFFFFF40];
	v44 =	vshll.u32 v62, v1;
	v42 =	vbroadcast v42, $0x0;
	v58 =	vadd.s32 v5, v47;
	[tilespmem:v37+s24+$0x0] =	vst.idx.msk $0xffff, v61  }
0x25b: {  	v38 =	vshll.u32 v38, v1;
	v44 =	vbroadcast v44, $0x0;
	v60 =	vadd.s32 v9, v40;
	v59 =	vld [tilespmem:s18+$0xFFFFFF80];
	[tilespmem:v36+s24+$0x0] =	vst.idx.msk $0xffff, v63  }
0x25c: {  	v38 =	vbroadcast v38, $0x0;
	v62 =	vadd.s32 v13, v42;
	v61 =	vld [tilespmem:s18+$0xFFFFFFC0];
	[tilespmem:v33+s24+$0x0] =	vst.idx.msk $0xffff, v48  }
0x25d: {  	v39 =	vshrl.u32 v39, $0x3;
	v63 =	vadd.s32 v17, v44;
	v33 =	vld [tilespmem:s18+$0x0];
	[tilespmem:v50+s24+$0x0] =	vst.idx.msk $0xffff, v49  }
0x25e: {  	v39 =	vshll.u32 v39, v1;
	v34 =	vld [tilespmem:s18+$0x40];
	[tilespmem:v56+s24+$0x0] =	vst.idx.msk $0xffff, v35;
	v56 =	vadd.s32 v21, v38  }
0x25f: {  	[tilespmem:v58+s24+$0x0] =	vst.idx.msk $0xffff, v57;
	v35 =	vbroadcast v39, $0x0;
	v49 =	vadd.s32 v30, v41;
	v39 =	vld [tilespmem:s18+$0xD0]  }
0x260: {  	[tilespmem:v60+s24+$0x0] =	vst.idx.msk $0xffff, v59;
	v59 =	vld [tilespmem:s18+$0xFFFFFF50];
	v60 =	vadd.s32 v6, v47  }
0x261: {  	v57 =	vld [tilespmem:s18+$0x80];
	[tilespmem:v62+s24+$0x0] =	vst.idx.msk $0xffff, v61;
	v58 =	vadd.s32 v25, v35  }
0x262: {  	v61 =	vld [tilespmem:s18+$0xFFFFFF90];
	v62 =	vadd.s32 v10, v40;
	[tilespmem:v63+s24+$0x0] =	vst.idx.msk $0xffff, v33  }
0x263: {  	v33 =	vld [tilespmem:s18+$0xFFFFFFD0];
	v63 =	vadd.s32 v14, v42;
	[tilespmem:v56+s24+$0x0] =	vst.idx.msk $0xffff, v34  }
0x264: {  	v56 =	vadd.s32 v18, v44;
	[tilespmem:v49+s24+$0x0] =	vst.idx.msk $0xffff, v39;
	v49 =	vld [tilespmem:s18+$0x10]  }
0x265: {  	[tilespmem:v60+s24+$0x0] =	vst.idx.msk $0xffff, v59;
	v39 =	vadd.s32 v31, v41;
	v34 =	vld [tilespmem:s18+$0xE0]  }
0x266: {  	[tilespmem:v58+s24+$0x0] =	vst.idx.msk $0xffff, v57;
	v57 =	vld [tilespmem:s18+$0x50];
	v58 =	vadd.s32 v22, v38  }
0x267: {  	[tilespmem:v62+s24+$0x0] =	vst.idx.msk $0xffff, v61;
	v61 =	vld [tilespmem:s18+$0xFFFFFF10];
	v62 =	vadd.s32 v2, v45  }
0x268: {  	v60 =	vadd.s32 v26, v35;
	v59 =	vld [tilespmem:s18+$0x90];
	[tilespmem:v63+s24+$0x0] =	vst.idx.msk $0xffff, v33  }
0x269: {  	v55 =	vadd.s32 v11, v40;
	v54 =	vadd.s32 v32, v41;
	v41 =	vld [tilespmem:s18+$0xFFFFFFA0];
	[tilespmem:v56+s24+$0x0] =	vst.idx.msk $0xffff, v49  }
0x26a: {  	v53 =	vadd.s32 v7, v47;
	v63 =	vld [tilespmem:s18+$0xFFFFFF60];
	[tilespmem:v39+s24+$0x0] =	vst.idx.msk $0xffff, v34  }
0x26b: {  	v56 =	vld [tilespmem:s18+$0xFFFFFFE0];
	[tilespmem:v58+s24+$0x0] =	vst.idx.msk $0xffff, v57;
	v57 =	vadd.s32 v15, v42  }
0x26c: {  	[tilespmem:v62+s24+$0x0] =	vst.idx.msk $0xffff, v61;
	v34 =	vld [tilespmem:s18+$0xF0]  }
0x26d: {  	v58 =	vld [tilespmem:s18+$0x20];
	[tilespmem:v60+s24+$0x0] =	vst.idx.msk $0xffff, v59;
	v59 =	vadd.s32 v19, v44  }
0x26e: {  	v61 =	vadd.s32 v23, v38;
	[tilespmem:v55+s24+$0x0] =	vst.idx.msk $0xffff, v41;
	v60 =	vld [tilespmem:s18+$0x60]  }
0x26f: {  	[tilespmem:v53+s24+$0x0] =	vst.idx.msk $0xffff, v63;
	v63 =	vadd.s32 v27, v35;
	v62 =	vld [tilespmem:s18+$0xA0]  }
0x270: {  	v47 =	vadd.s32 v8, v47;
	v55 =	vld [tilespmem:s18+$0xFFFFFF70];
	[tilespmem:v57+s24+$0x0] =	vst.idx.msk $0xffff, v56  }
0x271: {  	v53 =	vld [tilespmem:s18+$0xFFFFFF20];
	[tilespmem:v54+s24+$0x0] =	vst.idx.msk $0xffff, v34;
	v54 =	vadd.s32 v3, v45  }
0x272: {  	v40 =	vadd.s32 v12, v40;
	v56 =	vld [tilespmem:s18+$0xFFFFFFB0];
	[tilespmem:v59+s24+$0x0] =	vst.idx.msk $0xffff, v58  }
0x273: {  	v42 =	vadd.s32 v16, v42;
	v57 =	vld [tilespmem:s18+$0xFFFFFFF0];
	[tilespmem:v61+s24+$0x0] =	vst.idx.msk $0xffff, v60  }
0x274: {  	v59 =	vadd.s32 v20, v44;
	v58 =	vld [tilespmem:s18+$0x30];
	[tilespmem:v63+s24+$0x0] =	vst.idx.msk $0xffff, v62  }
0x275: {  	v38 =	vadd.s32 v24, v38;
	v60 =	vld [tilespmem:s18+$0x70];
	[tilespmem:v47+s24+$0x0] =	vst.idx.msk $0xffff, v55  }
0x276: {  	v35 =	vadd.s32 v28, v35;
	v61 =	vld [tilespmem:s18+$0xB0];
	[tilespmem:v54+s24+$0x0] =	vst.idx.msk $0xffff, v53  }
0x277: {  	v63 =	vadd.s32 v4, v45;
	[tilespmem:v40+s24+$0x0] =	vst.idx.msk $0xffff, v56;
	v62 =	vld [tilespmem:s18+$0xFFFFFF30]  }
0x278: {  	[tilespmem:v42+s24+$0x0] =	vst.idx.msk $0xffff, v57  }
0x279: {  	[tilespmem:v59+s24+$0x0] =	vst.idx.msk $0xffff, v58  }
0x27a: {  	[tilespmem:v38+s24+$0x0] =	vst.idx.msk $0xffff, v60  }
0x27b: {  	[tilespmem:v35+s24+$0x0] =	vst.idx.msk $0xffff, v61  }
0x27c: {  	s5 =	simm.s32 $0x10600;
	s1 =	sadd.s32 s0, s9;
	[tilespmem:v63+s24+$0x0] =	vst.idx.msk $0xffff, v62  }
0x27d: {  	[hbm4b:s1+s3] =	stream.linear.scatter [tilespmem:s5], [sflag:$0x6], $0x80, $0x38;
	[tilespmem:$0x12800] =	vst v63  }
0x27e: {  	s12 =	simm.s32 $0x10688;
	s5 =	sadd.s32 $0x10, s1  }
0x27f: {  	[hbm4b:s5+s3] =	stream.linear.scatter [tilespmem:s12], [sflag:$0x6], $0x80, $0x38;
	[tilespmem:$0x12800] =	vst v63  }
0x280: {  	s15 =	simm.s32 $0x10710;
	s17 =	simm.s32 $0x10798;
	s16 =	sadd.s32 $0x20, s1  }
0x281: {  	[hbm4b:s16+s3] =	stream.linear.scatter [tilespmem:s15], [sflag:$0x6], $0x80, $0x38;
	[tilespmem:$0x12800] =	vst v63  }
0x282: {  	s0 =	simm.s32 $0x440;
	s18 =	sadd.s32 $0x30, s1;
	s5 =	simm.s32 $0x10820  }
0x283: {  	[hbm4b:s18+s3] =	stream.linear.scatter [tilespmem:s17], [sflag:$0x6], $0x80, $0x38;
	[tilespmem:$0x12800] =	vst v63  }
0x284: {  	s12 =	sadd.s32 $0x40, s1;
	s15 =	simm.s32 $0x108A8;
	s16 =	sadd.s32 $0x50, s1  }
0x285: {  	[hbm4b:s12+s3] =	stream.linear.scatter [tilespmem:s5], [sflag:$0x6], $0x80, $0x38;
	[tilespmem:$0x12800] =	vst v63  }
0x286: {  	s17 =	simm.s32 $0x10930;
	s18 =	sadd.s32 $0x60, s1;
	s12 =	simm.s32 $0x2200  }
0x287: {  	[hbm4b:s16+s3] =	stream.linear.scatter [tilespmem:s15], [sflag:$0x6], $0x80, $0x38;
	[tilespmem:$0x12800] =	vst v63  }
0x288: {  	s15 =	simm.s32 $0x109B8;
	s16 =	sadd.s32 $0x70, s1;
	s1 =	sadd.s32 $0x1000, s1  }
0x289: {  	[hbm4b:s18+s3] =	stream.linear.scatter [tilespmem:s17], [sflag:$0x6], $0x80, $0x38;
	[tilespmem:$0x12800] =	vst v63  }
.LBB2_21:
0x28a: {  	[hbm4b:s16+s3] =	stream.linear.scatter [tilespmem:s15], [sflag:$0x6], $0x80, $0x38;
	[tilespmem:$0x12800] =	vst v63  }
0x28b: {  	s5 =	smov.u32 s0;
	s0 =	smov.u32 s12  }
0x28c: {  	s17 =	sadd.s32 $0x1100, s12;
	s0 =	sshra.s32 s0, $0x2;
	s15 =	sadd.s32 $0x10600, s5  }
0x28d: {  	[hbm4b:s1+s3] =	stream.linear.scatter [tilespmem:s15], [sflag:$0x6], $0x80, $0x38;
	[tilespmem:$0x12800] =	vst v63  }
0x28e: {  	p1 =	sne.s32 s12, $0x7700;
	s12 =	sadd.s32 $0x10688, s5;
	s15 =	sadd.s32 $0x10, s1  }
0x28f: {  	[hbm4b:s15+s3] =	stream.linear.scatter [tilespmem:s12], [sflag:$0x6], $0x80, $0x38;
	[tilespmem:$0x12800] =	vst v63  }
0x290: {  	s12 =	sadd.s32 $0x10710, s5;
	s15 =	sadd.s32 $0x20, s1  }
0x291: {  	[hbm4b:s15+s3] =	stream.linear.scatter [tilespmem:s12], [sflag:$0x6], $0x80, $0x38;
	[tilespmem:$0x12800] =	vst v63  }
0x292: {  	s12 =	sadd.s32 $0x10798, s5;
	s15 =	sadd.s32 $0x30, s1  }
0x293: {  	[hbm4b:s15+s3] =	stream.linear.scatter [tilespmem:s12], [sflag:$0x6], $0x80, $0x38;
	[tilespmem:$0x12800] =	vst v63  }
0x294: {  	s12 =	sadd.s32 $0x10820, s5;
	s15 =	sadd.s32 $0x40, s1  }
0x295: {  	[hbm4b:s15+s3] =	stream.linear.scatter [tilespmem:s12], [sflag:$0x6], $0x80, $0x38;
	[tilespmem:$0x12800] =	vst v63  }
.Ltmp12:
0x296: {  	s12 =	sadd.s32 $0x108A8, s5;
	s15 =	sadd.s32 $0x50, s1;
	(pc) =	sbr.rel @p1 .LBB2_21-.Ltmp12, $4  }
0x297: {  	[hbm4b:s15+s3] =	stream.linear.scatter [tilespmem:s12], [sflag:$0x6], $0x80, $0x38;
	[tilespmem:$0x12800] =	vst v63  }
0x298: {  	s16 =	sadd.s32 $0x70, s1;
	s12 =	sadd.s32 $0x10930, s5;
	s15 =	sadd.s32 $0x60, s1  }
0x299: {  	[hbm4b:s15+s3] =	stream.linear.scatter [tilespmem:s12], [sflag:$0x6], $0x80, $0x38;
	[tilespmem:$0x12800] =	vst v63  }
0x29a: {  	s1 =	sadd.s32 $0x1000, s1;
	s15 =	sadd.s32 $0x109B8, s5;
	s12 =	smov.u32 s17  }
0x29b: {  	[hbm4b:s16+s3] =	stream.linear.scatter [tilespmem:s15], [sflag:$0x6], $0x80, $0x38;
	[tilespmem:$0x12800] =	vst v63  }
0x29c: {  	s5 =	sadd.s32 $0x10600, s0  }
0x29d: {  	[hbm4b:s1+s3] =	stream.linear.scatter [tilespmem:s5], [sflag:$0x6], $0x80, $0x38;
	[tilespmem:$0x12800] =	vst v63  }
0x29e: {  	s18 =	sadd.s32 $0x10688, s0;
	s12 =	sadd.s32 $0x10, s1  }
0x29f: {  	[hbm4b:s12+s3] =	stream.linear.scatter [tilespmem:s18], [sflag:$0x6], $0x80, $0x38;
	[tilespmem:$0x12800] =	vst v63  }
0x2a0: {  	s15 =	sadd.s32 $0x10710, s0;
	s16 =	sadd.s32 $0x20, s1  }
0x2a1: {  	[hbm4b:s16+s3] =	stream.linear.scatter [tilespmem:s15], [sflag:$0x6], $0x80, $0x38;
	[tilespmem:$0x12800] =	vst v63  }
0x2a2: {  	s17 =	sadd.s32 $0x10798, s0;
	s18 =	sadd.s32 $0x30, s1  }
0x2a3: {  	[hbm4b:s18+s3] =	stream.linear.scatter [tilespmem:s17], [sflag:$0x6], $0x80, $0x38;
	[tilespmem:$0x12800] =	vst v63  }
0x2a4: {  	s15 =	sadd.s32 $0x10820, s0;
	s16 =	sadd.s32 $0x40, s1  }
0x2a5: {  	[hbm4b:s16+s3] =	stream.linear.scatter [tilespmem:s15], [sflag:$0x6], $0x80, $0x38;
	[tilespmem:$0x12800] =	vst v63  }
0x2a6: {  	s17 =	sadd.s32 $0x108A8, s0;
	s18 =	sadd.s32 $0x50, s1  }
0x2a7: {  	[hbm4b:s18+s3] =	stream.linear.scatter [tilespmem:s17], [sflag:$0x6], $0x80, $0x38;
	[tilespmem:$0x12800] =	vst v63  }
.Ltmp13:
0x2a8: {  	_ = 	snop;
	(pc) =	sbr.rel @p0 .LBB2_24-.Ltmp13, $4  }
0x2a9: {  	s15 =	sadd.s32 $0x10930, s0;
	s16 =	sadd.s32 $0x60, s1  }
0x2aa: {  	[hbm4b:s16+s3] =	stream.linear.scatter [tilespmem:s15], [sflag:$0x6], $0x80, $0x38;
	[tilespmem:$0x12800] =	vst v63  }
0x2ab: {  	s17 =	sadd.s32 $0x109B8, s0;
	s18 =	sadd.s32 $0x70, s1  }
0x2ac: {  	[hbm4b:s18+s3] =	stream.linear.scatter [tilespmem:s17], [sflag:$0x6], $0x80, $0x38;
	[tilespmem:$0x12800] =	vst v63  }
.Ltmp14:
0x2ad: {  	(pc) =	sbr.rel .LBB2_2-.Ltmp14, $4  }
0x2ae: {  	_ = 	snop  }
0x2af: {  	s0 =	sshrl.u32 s31, $0x2  }
0x2b0: {  	s30 =	sadd.s32 $0x1, s30;
	s0 =	sadd.s32 $0x380, s0  }
0x2b1: {  	[tilespmem:s19], [sflag:$0x4] =	stream.indirect.gather [hbm4b:s4+s11], $0x40, s0, s11, $0xb8;
	[tilespmem:$0x12800] =	vst v63  }
.LBB2_25:
0x2b2: {  	_ =	sfence.sel $0x180000  }
0x2b3: {  	[bflag:$0x0] =	sbarrier.arrive $0xFFFF  }
0x2b4: {  	_ =	strace $0x9000004D  }
0x2b5: {  	s0 =	stileid.u32;
	[bflag:$0x2] =	sbarrier.arrive $0xFFFF  }
0x2b6: {  	p0 =	sne.s32 s0, $0x0;
	s0 =	rddreg [dreg:$0x2]  }
0x2b7: {  	s0 =	sadd.s32 @!p0 $0x100000, s0  }
0x2b8: {  	[sflag:s0] =	ssyncadd.tile.s32 @!p0 $0x1;
	_ =	shalt  }
.Lfunc_end2:
_tile_overlayer_lowered:
.L_overlay_start_2:
0x2b9: {  	(tag) =	ssettag $0x2  }
0x2ba: {  	s0 =	rddreg [dreg:$0x0];
	s2 =	stileid.u32  }
0x2bb: {  	s1 =	rddreg [dreg:$0x1];
	p0 =	sne.s32 s2, $0x0  }
0x2bc: {  	s3 =	rddreg [dreg:$0x2];
	[bflag:$0x3] =	sbarrier.arrive $0xFFFF;
	s2 =	simm.s32 @!p0 $0x1C07  }
0x2bd: {  	[timem:s3], [sflag:s2] =	dma.local @!p0 [hbm:s0], s1  }
0x2be: {  	s0 =	simm.s32 @!p0 $0x7  }
0x2bf: {  	_ =	swait.ge @!p0 [sflag:s0], s1  }
0x2c0: {  	s1 =	ssub.s32 @!p0 $0x0, s1;
	[sflag:s0] =	ssyncset.done @!p0 $0x0  }
0x2c1: {  	[sflag:s0] =	ssyncadd.s32 @!p0 s1  }
0x2c2: {  	[bflag:$0x3] =	sbarrier.arrive $0xFFFF  }
0x2c3: {  	_ =	shalt  }

// kernel: kernel.5.cloned.1.call-start
scs
__scs_entry_jumppad:
0x0: {  	(pc) =	sbr.rel $0x88, $3  }
0x1: {  	(tag) =	ssettag $0x0;
	lr =	simm.s32 $0x1  }
0x2: {  	[smem:$0x3F9F] =	sst lr;
	_ =	strace $0xD0000000  }
0x3: {  	_ = 	snop  }
0x4: {  	_ = 	snop  }
0x5: {  	_ = 	snop  }
0x6: {  	_ = 	snop  }
0x7: {  	_ = 	snop  }
__scs_overlays_trampoline_lowered:
0x8: {  	[smem:$0x3FAE] =	sst s0  }
0x9: {  	[smem:$0x3FAF] =	sst s1  }
0xa: {  	[smem:$0x3FB0] =	sst s2  }
0xb: {  	[smem:$0x3FB1] =	sst s3  }
0xc: {  	[smem:$0x3FB2] =	sst s4  }
0xd: {  	[smem:$0x3FB3] =	sst s5  }
0xe: {  	[smem:$0x3FB4] =	sst s6  }
0xf: {  	[smem:$0x3FB5] =	sst s7  }
0x10: {  	[smem:$0x3FB6] =	sst s8  }
0x11: {  	[smem:$0x3FB7] =	sst s9;
	s0 =	simm.s32 @!p0 $0x0  }
0x12: {  	s1 =	sld [smem:$0x3F9D];
	s0 =	simm.s32 @p0 $0x1  }
0x13: {  	[smem:$0x3FB8] =	sst s0;
	s0 =	simm.s32 @!p1 $0x0  }
0x14: {  	s2 =	sld [smem:$0x3F9C];
	s0 =	simm.s32 @p1 $0x1  }
0x15: {  	[smem:$0x3FB9] =	sst s0;
	s0 =	simm.s32 @!p2 $0x0  }
0x16: {  	s3 =	sld [smem:$0x3FDB];
	s0 =	simm.s32 @p2 $0x1  }
0x17: {  	s4 =	simm.s32 $0x1BF5;
	[smem:$0x3FBB] =	sst s0  }
0x18: {  	s0 =	sld [smem:$0x3F9E];
	_ =	swait.ge [sflag:s4], $0x0  }
0x19: {  	s7 =	sld [smem:$0x3F9F]  }
0x1a: {  	s8 =	sadd.s32 $0xFFFFE003, lr  }
0x1b: {  	s9 =	sadd.s32 $0xFFFFFEF7, lr;
	s5 =	simm.s32 $0xFFFFFFFF;
	p2 =	slt.u32 s8, $0xFFFFF086  }
0x1c: {  	p1 =	slt.u32 s9, $0xF7A;
	s5 =	simm.s32 @!p2 $0x0  }
0x1d: {  	s5 =	simm.s32 @p1 $0x1;
	p0 =	seq.s32 s7, s2  }
0x1e: {  	s7 =	smul.u32 @!p0 $0xF7A, s2;
	p2 =	seq.s32 @!p0 s5, $0x0  }
0x1f: {  	s9 =	smul.u32 $0xF7A, s1;
	s8 =	simm.s32 @!p0 $0x1BF5;
	p2 =	por !p2, p0  }
0x20: {  	[sflag:s8] =	ssyncset.s32 @!p0 $0xFFFFF086;
	s6 =	sadd.s32 @!p0 s3, s7;
	s7 =	simm.s32 @!p0 $0x108  }
0x21: {  	s3 =	sadd.s32 s3, s9;
	s6 =	sadd.s32 @!p0 $0x88, s6;
	s7 =	simm.s32 @p2 $0x1082  }
0x22: {  	[simem:s7], [sflag:s8] =	dma.local @!p0 [hbm:s6], $0xF7A  }
0x23: {  	s9 =	sor.u32 $0xD0000000, s2;
	s6 =	simm.s32 $0x108;
	_ =	swait.ge @!p0 [sflag:s8], $0x0  }
0x24: {  	s3 =	sadd.s32 $0x88, s3;
	s6 =	simm.s32 @!p1 $0x1082;
	[sflag:s4] =	ssyncset.s32 $0xFFFFF086  }
0x25: {  	[simem:s6], [sflag:s4] =	dma.local [hbm:s3], $0xF7A  }
0x26: {  	[smem:$0x3F9F] =	sst s1;
	(tag) =	ssettag s2;
	_ =	strace s9  }
0x27: {  	s1 =	sld [smem:$0x3FAF]  }
0x28: {  	s2 =	sld [smem:$0x3FB0]  }
0x29: {  	s4 =	sld [smem:$0x3FB2]  }
0x2a: {  	p0 =	seq.s32 s5, $0x0;
	s5 =	sld [smem:$0x3FB3]  }
0x2b: {  	s6 =	sld [smem:$0x3FB4]  }
0x2c: {  	s7 =	sld [smem:$0x3FB5]  }
0x2d: {  	s3 =	simm.s32 $0x108;
	s8 =	sld [smem:$0x3FB6]  }
0x2e: {  	s3 =	simm.s32 @!p0 $0x1082;
	s9 =	sld [smem:$0x3FB7]  }
0x2f: {  	lr =	sadd.s32 s0, s3;
	s0 =	sld [smem:$0x3FAE]  }
0x30: {  	s3 =	sld [smem:$0x3FB1]  }
0x31: {  	[smem:$0x3FBA] =	sst s10  }
0x32: {  	s10 =	sld [smem:$0x3FB8];
	_ =	sdelay $0x3  }
0x33: {  	p0 =	seq.s32 s10, $0x1;
	s10 =	sld [smem:$0x3FBA];
	_ =	sdelay $0x3  }
0x34: {  	[smem:$0x3FBA] =	sst s10  }
0x35: {  	s10 =	sld [smem:$0x3FB9];
	_ =	sdelay $0x3  }
0x36: {  	p1 =	seq.s32 s10, $0x1;
	s10 =	sld [smem:$0x3FBA];
	_ =	sdelay $0x3  }
0x37: {  	[smem:$0x3FBA] =	sst s10  }
0x38: {  	s10 =	sld [smem:$0x3FBB]  }
0x39: {  	_ = 	snop;
	(pc) =	sbr.ind lr, $3  }
0x3a: {  	_ = 	snop  }
0x3b: {  	_ = 	snop  }
0x3c: {  	p2 =	seq.s32 s10, $0x1;
	s10 =	sld [smem:$0x3FBA]  }
0x3d: {  	_ =	shalt  }
0x3e: {  	_ =	shalt  }
0x3f: {  	_ =	shalt  }
0x40: {  	_ =	shalt  }
0x41: {  	_ =	shalt  }
0x42: {  	_ =	shalt  }
0x43: {  	_ =	shalt  }
0x44: {  	_ =	shalt  }
0x45: {  	_ =	shalt  }
0x46: {  	_ =	shalt  }
0x47: {  	_ =	shalt  }
0x48: {  	_ =	shalt  }
0x49: {  	_ =	shalt  }
0x4a: {  	_ =	shalt  }
0x4b: {  	_ =	shalt  }
0x4c: {  	_ =	shalt  }
0x4d: {  	_ =	shalt  }
0x4e: {  	_ =	shalt  }
0x4f: {  	_ =	shalt  }
0x50: {  	_ =	shalt  }
0x51: {  	_ =	shalt  }
0x52: {  	_ =	shalt  }
0x53: {  	_ =	shalt  }
0x54: {  	_ =	shalt  }
0x55: {  	_ =	shalt  }
0x56: {  	_ =	shalt  }
0x57: {  	_ =	shalt  }
0x58: {  	_ =	shalt  }
0x59: {  	_ =	shalt  }
0x5a: {  	_ =	shalt  }
0x5b: {  	_ =	shalt  }
0x5c: {  	_ =	shalt  }
0x5d: {  	_ =	shalt  }
0x5e: {  	_ =	shalt  }
0x5f: {  	_ =	shalt  }
0x60: {  	_ =	shalt  }
0x61: {  	_ =	shalt  }
0x62: {  	_ =	shalt  }
0x63: {  	_ =	shalt  }
0x64: {  	_ =	shalt  }
0x65: {  	_ =	shalt  }
0x66: {  	_ =	shalt  }
0x67: {  	_ =	shalt  }
0x68: {  	_ =	shalt  }
0x69: {  	_ =	shalt  }
0x6a: {  	_ =	shalt  }
0x6b: {  	_ =	shalt  }
0x6c: {  	_ =	shalt  }
0x6d: {  	_ =	shalt  }
0x6e: {  	_ =	shalt  }
0x6f: {  	_ =	shalt  }
0x70: {  	_ =	shalt  }
0x71: {  	_ =	shalt  }
0x72: {  	_ =	shalt  }
0x73: {  	_ =	shalt  }
0x74: {  	_ =	shalt  }
0x75: {  	_ =	shalt  }
0x76: {  	_ =	shalt  }
0x77: {  	_ =	shalt  }
0x78: {  	_ =	shalt  }
0x79: {  	_ =	shalt  }
0x7a: {  	_ =	shalt  }
0x7b: {  	_ =	shalt  }
0x7c: {  	_ =	shalt  }
0x7d: {  	_ =	shalt  }
0x7e: {  	_ =	shalt  }
0x7f: {  	_ =	shalt  }
0x80: {  	_ =	shalt  }
0x81: {  	_ =	shalt  }
0x82: {  	_ =	shalt  }
0x83: {  	_ =	shalt  }
0x84: {  	_ =	shalt  }
0x85: {  	_ =	shalt  }
0x86: {  	_ =	shalt  }
0x87: {  	_ =	shalt  }
.Lfunc_end0:
.L_simem_size_0:
called_computation_lowered:
.L_overlay_start_0:
0x88: {  	s2 =	sld [smem:$0x3FD9]  }
0x89: {  	s3 =	sld [smem:$0x3FFE];
	_ =	sdelay $0x1  }
0x8a: {  	s1 =	srdreg.scid  }
0x8b: {  	s0 =	sand.u32 $0x1, s1  }
0x8c: {  	s17 =	sshll.u32 s0, $0xA;
	s2 =	sadd.s32 s3, s2  }
0x8d: {  	s2 =	sadd.s32 s2, s17  }
0x8e: {  	[smem:$0x3FC6] =	sst s2  }
0x8f: {  	_ = 	snop  }
0x90: {  	s2 =	sld [smem:$0x3FC8]  }
0x91: {  	s18 =	sld [smem:$0x3FD0];
	(tm) =	ssettm $0x1  }
0x92: {  	s4 =	sld [smem:$0x3FFB];
	_ =	sdelay $0x3  }
0x93: {  	_ =	strace s4  }
0x94: {  	s4 =	sld [smem:$0x3FFC];
	_ =	sdelay $0x3  }
0x95: {  	_ =	strace s4  }
0x96: {  	s4 =	sld [smem:$0x3FFD];
	_ =	sdelay $0x3  }
0x97: {  	_ =	strace s4  }
0x98: {  	_ =	strace $0x8FFFFFFF  }
0x99: {  	s19 =	sld [smem:$0x3FDB];
	_ =	sdelay $0x1  }
0x9a: {  	s5 =	simm.s32 $_scs_section_size  }
0x9b: {  	s6 =	simm.s32 $_size__tile_overlayer_lowered;
	s7 =	simm.s32 $_tile_overlayer_lowered  }
0x9c: {  	s22 =	simm.s32 $0x1BFF;
	s21 =	sshll.u32 s7, $0x1;
	s4 =	sadd.s32 s5, s19  }
0x9d: {  	s8 =	simm.s32 $0x0;
	s20 =	sshll.u32 s6, $0x1;
	s6 =	sadd.s32 s21, s4  }
0x9e: {  	[timem:s8], [sflag:s22] =	dma.local [hbm:s6], s20  }
0x9f: {  	_ =	swait.ge [sflag:s22], s20  }
0xa0: {  	s5 =	ssub.s32 $0x0, s20;
	[sflag:s22] =	ssyncset.done $0x0  }
0xa1: {  	[sflag:s22] =	ssyncadd.s32 s5;
	_ =	sdelay $0x1  }
0xa2: {  	s23 =	simm.s32 $0x1B8B  }
0xa3: {  	_ =	swait.ge [sflag:s23], $0x1  }
0xa4: {  	[sflag:s23] =	ssyncset.done $0x0  }
0xa5: {  	s25 =	simm.s32 $0x1B8E;
	s24 =	sld [smem:$0x3FFE];
	[sflag:s23] =	ssyncadd.s32 $0xFFFFFFFF  }
0xa6: {  	s26 =	simm.s32 $execute0_lowered;
	[smem:$0x3FD2] =	sst s25  }
0xa7: {  	s6 =	sshll.u32 s26, $0x1;
	_ =	strace $0x80000046;
	[dreg:$0x1] =	wrdreg $0xFFFFFFFF  }
0xa8: {  	s28 =	simm.s32 $_size_execute0_lowered;
	s4 =	sadd.s32 s4, s6;
	[dreg:$0x0] =	wrdreg $0x0  }
0xa9: {  	s6 =	sshll.u32 s28, $0x1;
	[dreg:$0x2] =	wrdreg s4  }
0xaa: {  	[dreg:$0x3] =	wrdreg s6  }
0xab: {  	[dreg:$0x4] =	wrdreg $0xC0  }
0xac: {  	_ =	task [dreg:s8], $0x5FFFF  }
0xad: {  	[dreg:$0x1] =	wrdreg $0xFFFFFFFF  }
0xae: {  	[dreg:$0x0] =	wrdreg $0x60  }
0xaf: {  	[dreg:$0x2] =	wrdreg s2  }
0xb0: {  	[dreg:$0x3] =	wrdreg s18  }
0xb1: {  	[dreg:$0x4] =	wrdreg s24  }
0xb2: {  	[dreg:$0x5] =	wrdreg $0x9  }
0xb3: {  	_ =	task.clear_ibuf [dreg:s8], $0x6FFFF;
	_ =	strace $0x90000046  }
0xb4: {  	s29 =	simm.s32 $0x9;
	_ =	strace $0x80000048  }
0xb5: {  	_ =	swait.ge [sflag:s29], $0x1  }
0xb6: {  	[sflag:s29] =	ssyncadd.s32 $0xFFFFFFFF  }
0xb7: {  	_ =	strace $0x90000048  }
0xb8: {  	_ =	sfence  }
0xb9: {  	s30 =	sld [smem:$0x0];
	_ =	sdelay $0x2  }
0xba: {  	s31 =	sshll.u32 s1, $0xD;
	s1 =	sshrl.u32 s1, $0x2  }
0xbb: {  	s3 =	sand.u32 $0x4000, s31;
	s1 =	sadd.s32 s1, s30  }
0xbc: {  	s0 =	sor.u32 s3, s0;
	s1 =	sshll.u32 s1, $0x11  }
0xbd: {  	s0 =	sor.u32 s1, s0  }
0xbe: {  	s0 =	sadd.s32 $0x8F2B, s0  }
0xbf: {  	[sflag:s0] =	ssyncadd.remote.s32 $0x1  }
0xc0: {  	_ =	sfence.sel $0xFFFF  }
0xc1: {  	[dreg:$0x0] =	wrdreg $0xFFFFFFFF;
	(pc) =	sbr.abs _section_cstart, $3  }
0xc2: {  	[dreg:$0x1] =	wrdreg $0xFFFFFFFF  }
0xc3: {  	_ =	task.clear_ibuf [dreg:s8], $0x2FFFF;
	_ =	strace $0x9FFFFFFF  }
0xc4: {  	(tm) =	ssettm $0x7FFFFFFF  }
0xc5: {  	_ =	shalt  }
tec
execute0_lowered:
.L_overlay_start_1:
0x0: {  	(tag) =	ssettag $0x1  }
0x1: {  	s10 =	rddreg [dreg:$0x0]  }
0x2: {  	s2 =	rddreg [dreg:$0x1]  }
0x3: {  	s4 =	rddreg [dreg:$0x2]  }
0x4: {  	s0 =	rddreg [dreg:$0x3]  }
0x5: {  	s5 =	srdreg.scid;
	s1 =	stileid.u32  }
0x6: {  	s3 =	simm.s32 $0x0;
	s18 =	simm.s32 $0x2;
	s11 =	sand.u32 $0x1, s5  }
0x7: {  	s28 =	sshll.u32 s1, $0x1;
	[smem:$0x7FF] =	sst s3;
	s12 =	sadd.s32 $0xE00, s4  }
0x8: {  	s14 =	sshll.u32 s1, $0xB;
	s16 =	sshll.u32 s1, $0x8;
	s6 =	ssub.s32 $0x2, s11  }
0x9: {  	s17 =	sor.u32 s11, s28;
	_ =	strace $0x80000047;
	s31 =	sshll.u32 s11, $0xA  }
0xa: {  	s16 =	sadd.s32 s16, s10;
	s11 =	sshll.u32 s11, $0x7;
	s29 =	sshrl.u32 s6, $0x1  }
0xb: {  	s7 =	sshll.u32 s17, $0x7;
	s19 =	sor.u32 $0x1E80, s17;
	s15 =	sor.u32 $0x1E40, s17  }
0xc: {  	s13 =	sshll.u32 s17, $0xA;
	s11 =	sadd.s32 s11, s16;
	s16 =	simm.s32 $0x1  }
0xd: {  	s6 =	ssub.s32 s6, s29;
	s4 =	sadd.s32 s10, s7;
	s30 =	sshll.u32 s19, $0xA  }
0xe: {  	s8 =	sshll.u32 s15, $0xA;
	s13 =	sadd.s32 s13, s12;
	p1 =	sgt.u32 s15, $0x1E44  }
0xf: {  	s15 =	simm.s32 $0x2000;
	s5 =	sadd.s32 $0x1000, s4;
	s6 =	smax.u32 s6, $0x1  }
0x10: {  	s7 =	sadd.s32 s12, s30;
	s8 =	sadd.s32 s12, s8;
	s9 =	sadd.s32 $0xF4000, s4  }
0x11: {  	s12 =	sadd.s32 s14, s12;
	s10 =	sadd.s32 $0x798000, s13;
	s13 =	simm.s32 $0x400  }
0x12: {  	s14 =	simm.s32 $0x7A1400;
	p2 =	seq.s32 @!p1 s17, $0x4;
	s17 =	simm.s32 $0x3  }
0x13: {  	s12 =	sadd.s32 s31, s12;
	p0 =	por !p2, p1;
	p1 =	por p2, p1  }
0x14: {  	p2 =	sgt.u32 s19, $0x1E84;
	s19 =	simm.s32 $0x0;
	s12 =	sadd.s32 $0x8000, s12  }
.LBB2_1:
0x15: {  	[tilespmem:s3], [sflag:$0x1] =	stream.strided.gather [hbm4b:s4+s13], $0x2000, s14, s13, $0x38;
	[tilespmem:$0x4000] =	vst v63  }
0x16: {  	_ = 	snop  }
0x17: {  	[tilespmem:s15], [sflag:$0x2] =	stream.strided.gather [hbm4b:s5+s13], $0x2000, s14, s13, $0x38;
	[tilespmem:$0x4000] =	vst v63  }
0x18: {  	_ =	swait.ge [sflag:s16], $0x2000  }
0x19: {  	[sflag:s16] =	ssyncset.done $0x0  }
0x1a: {  	s20 =	sadd.s32 $0xFFFF8000, s12;
	[sflag:s16] =	ssyncadd.s32 $0xFFFFE000  }
0x1b: {  	[hbm4b:s20+s3] =	stream.linear.scatter [tilespmem:s3], [sflag:$0x3], $0x2000, $0x38;
	[tilespmem:$0x4000] =	vst v63  }
0x1c: {  	_ =	swait.ge [sflag:s17], $0x2000  }
0x1d: {  	s21 =	sadd.s32 $0x0, s11;
	[sflag:s17] =	ssyncset.done $0x0  }
0x1e: {  	s31 =	sadd.s32 $0x2000, s21;
	[sflag:s17] =	ssyncadd.s32 $0xFFFFE000  }
0x1f: {  	[tilespmem:s3], [sflag:$0x1] =	stream.strided.gather [hbm4b:s31+s13], $0x2000, s14, s13, $0x38;
	[tilespmem:$0x4000] =	vst v63  }
0x20: {  	_ =	swait.ge [sflag:s18], $0x2000  }
0x21: {  	[sflag:s18] =	ssyncset.done $0x0  }
0x22: {  	[sflag:s18] =	ssyncadd.s32 $0xFFFFE000  }
0x23: {  	[hbm4b:s12+s3] =	stream.linear.scatter [tilespmem:s15], [sflag:$0x3], $0x2000, $0x38;
	[tilespmem:$0x4000] =	vst v63  }
0x24: {  	_ =	swait.ge [sflag:s17], $0x2000  }
0x25: {  	s22 =	sadd.s32 $0x3000, s21;
	[sflag:s17] =	ssyncset.done $0x0  }
0x26: {  	s21 =	sadd.s32 $0x10000, s12;
	s20 =	simm.s32 $0x2000;
	[sflag:s17] =	ssyncadd.s32 $0xFFFFE000  }
.LBB2_2:
0x27: {  	[tilespmem:s15], [sflag:$0x2] =	stream.strided.gather [hbm4b:s22+s13], $0x2000, s14, s13, $0x38;
	[tilespmem:$0x4000] =	vst v63  }
0x28: {  	s22 =	smov.u32 s20  }
0x29: {  	p3 =	sne.s32 s20, $0xF0000;
	s20 =	sadd.s32 $0x2000, s20;
	_ =	swait.ge [sflag:s16], $0x2000  }
0x2a: {  	[sflag:s16] =	ssyncset.done $0x0  }
0x2b: {  	s23 =	sadd.s32 $0xFFFF8000, s21;
	[sflag:s16] =	ssyncadd.s32 $0xFFFFE000  }
0x2c: {  	[hbm4b:s23+s3] =	stream.linear.scatter [tilespmem:s3], [sflag:$0x3], $0x2000, $0x38;
	[tilespmem:$0x4000] =	vst v63  }
0x2d: {  	_ =	swait.ge [sflag:s17], $0x2000  }
0x2e: {  	s22 =	sadd.s32 s22, s11;
	[sflag:s17] =	ssyncset.done $0x0  }
0x2f: {  	s23 =	sadd.s32 $0x2000, s22;
	[sflag:s17] =	ssyncadd.s32 $0xFFFFE000  }
0x30: {  	[tilespmem:s3], [sflag:$0x1] =	stream.strided.gather [hbm4b:s23+s13], $0x2000, s14, s13, $0x38;
	[tilespmem:$0x4000] =	vst v63  }
0x31: {  	_ =	swait.ge [sflag:s18], $0x2000  }
0x32: {  	[sflag:s18] =	ssyncset.done $0x0  }
.Ltmp0:
0x33: {  	[sflag:s18] =	ssyncadd.s32 $0xFFFFE000;
	(pc) =	sbr.rel @p3 .LBB2_2-.Ltmp0, $4  }
0x34: {  	[hbm4b:s21+s3] =	stream.linear.scatter [tilespmem:s15], [sflag:$0x3], $0x2000, $0x38;
	[tilespmem:$0x4000] =	vst v63  }
0x35: {  	_ =	swait.ge [sflag:s17], $0x2000  }
0x36: {  	[sflag:s17] =	ssyncset.done $0x0  }
0x37: {  	s22 =	sadd.s32 $0x3000, s22;
	s21 =	sadd.s32 $0x10000, s21;
	[sflag:s17] =	ssyncadd.s32 $0xFFFFE000  }
0x38: {  	[tilespmem:s15], [sflag:$0x2] =	stream.strided.gather [hbm4b:s22+s13], $0x2000, s14, s13, $0x38;
	[tilespmem:$0x4000] =	vst v63  }
0x39: {  	_ =	swait.ge [sflag:s16], $0x2000  }
0x3a: {  	[sflag:s16] =	ssyncset.done $0x0  }
0x3b: {  	[sflag:s16] =	ssyncadd.s32 $0xFFFFE000  }
0x3c: {  	[hbm4b:s8+s3] =	stream.linear.scatter [tilespmem:s3], [sflag:$0x3], $0x2000, $0x38;
	[tilespmem:$0x4000] =	vst v63  }
0x3d: {  	_ =	swait.ge [sflag:s17], $0x2000  }
0x3e: {  	[sflag:s17] =	ssyncset.done $0x0  }
0x3f: {  	s20 =	simm.s32 @!p0 $0x0;
	[sflag:s17] =	ssyncadd.s32 $0xFFFFE000  }
0x40: {  	[tilespmem:s20], [sflag:$0x1] =	stream.linear.gather @!p0 [hbm4b:s2+s20], $0x2000, $0x38;
	[tilespmem:$0x4000] =	vst v63  }
0x41: {  	s21 =	simm.s32 @!p1 $0x7A1400;
	s22 =	simm.s32 @!p1 $0x0;
	s20 =	simm.s32 @!p1 $0x400  }
0x42: {  	[tilespmem:s22], [sflag:$0x1] =	stream.strided.gather @!p1 [hbm4b:s9+s20], $0x2000, s21, s20, $0x38;
	[tilespmem:$0x4000] =	vst v63  }
0x43: {  	_ =	swait.ge [sflag:s18], $0x2000  }
0x44: {  	[sflag:s18] =	ssyncset.done $0x0  }
0x45: {  	[sflag:s18] =	ssyncadd.s32 $0xFFFFE000  }
0x46: {  	[hbm4b:s10+s3] =	stream.linear.scatter [tilespmem:s15], [sflag:$0x3], $0x2000, $0x38;
	[tilespmem:$0x4000] =	vst v63  }
0x47: {  	_ =	swait.ge [sflag:s17], $0x2000  }
0x48: {  	[sflag:s17] =	ssyncset.done $0x0  }
0x49: {  	s20 =	simm.s32 @!p2 $0x1;
	[sflag:s17] =	ssyncadd.s32 $0xFFFFE000  }
0x4a: {  	_ =	swait.ge @!p2 [sflag:s20], $0x2000  }
0x4b: {  	s19 =	sadd.s32 $0x1, s19;
	[sflag:s20] =	ssyncset.done @!p2 $0x0  }
0x4c: {  	p3 =	sne.s32 s19, s6;
	[sflag:s20] =	ssyncadd.s32 @!p2 $0xFFFFE000;
	s20 =	simm.s32 @!p2 $0x0  }
0x4d: {  	[hbm4b:s7+s20] =	stream.linear.scatter @!p2 [tilespmem:s20], [sflag:$0x3], $0x2000, $0x38;
	[tilespmem:$0x4000] =	vst v63  }
.Ltmp1:
0x4e: {  	_ = 	snop;
	(pc) =	sbr.rel @p3 .LBB2_1-.Ltmp1, $4  }
0x4f: {  	s20 =	simm.s32 @!p2 $0x3  }
0x50: {  	_ =	swait.ge @!p2 [sflag:s20], $0x2000  }
0x51: {  	[sflag:s20] =	ssyncset.done @!p2 $0x0  }
0x52: {  	[sflag:s20] =	ssyncadd.s32 @!p2 $0xFFFFE000  }
0x53: {  	_ =	sfence.sel $0x180000  }
0x54: {  	[bflag:$0x0] =	sbarrier.arrive $0xFFFF  }
0x55: {  	p0 =	sne.s32 s1, $0x0;
	_ =	strace $0x90000047  }
0x56: {  	s0 =	sadd.s32 @!p0 $0x100000, s0;
	[bflag:$0x2] =	sbarrier.arrive $0xFFFF  }
0x57: {  	[sflag:s0] =	ssyncadd.tile.s32 @!p0 $0x1;
	_ =	shalt  }
.Lfunc_end2:
_tile_overlayer_lowered:
.L_overlay_start_2:
0x58: {  	(tag) =	ssettag $0x2  }
0x59: {  	s0 =	rddreg [dreg:$0x0];
	s2 =	stileid.u32  }
0x5a: {  	s1 =	rddreg [dreg:$0x1];
	p0 =	sne.s32 s2, $0x0  }
0x5b: {  	s3 =	rddreg [dreg:$0x2];
	[bflag:$0x3] =	sbarrier.arrive $0xFFFF;
	s2 =	simm.s32 @!p0 $0x1C03  }
0x5c: {  	[timem:s3], [sflag:s2] =	dma.local @!p0 [hbm:s0], s1  }
0x5d: {  	s0 =	simm.s32 @!p0 $0x3  }
0x5e: {  	_ =	swait.ge @!p0 [sflag:s0], s1  }
0x5f: {  	s1 =	ssub.s32 @!p0 $0x0, s1;
	[sflag:s0] =	ssyncset.done @!p0 $0x0  }
0x60: {  	[sflag:s0] =	ssyncadd.s32 @!p0 s1  }
0x61: {  	[bflag:$0x3] =	sbarrier.arrive $0xFFFF  }
0x62: {  	_ =	shalt  }

// kernel: kernel.8.cloned.1.call-start
scs
__scs_entry_jumppad:
0x0: {  	(pc) =	sbr.rel $0x88, $3  }
0x1: {  	(tag) =	ssettag $0x0;
	lr =	simm.s32 $0x1  }
0x2: {  	[smem:$0x3F9F] =	sst lr;
	_ =	strace $0xD0000000  }
0x3: {  	_ = 	snop  }
0x4: {  	_ = 	snop  }
0x5: {  	_ = 	snop  }
0x6: {  	_ = 	snop  }
0x7: {  	_ = 	snop  }
__scs_overlays_trampoline_lowered:
0x8: {  	[smem:$0x3FAE] =	sst s0  }
0x9: {  	[smem:$0x3FAF] =	sst s1  }
0xa: {  	[smem:$0x3FB0] =	sst s2  }
0xb: {  	[smem:$0x3FB1] =	sst s3  }
0xc: {  	[smem:$0x3FB2] =	sst s4  }
0xd: {  	[smem:$0x3FB3] =	sst s5  }
0xe: {  	[smem:$0x3FB4] =	sst s6  }
0xf: {  	[smem:$0x3FB5] =	sst s7  }
0x10: {  	[smem:$0x3FB6] =	sst s8  }
0x11: {  	[smem:$0x3FB7] =	sst s9;
	s0 =	simm.s32 @!p0 $0x0  }
0x12: {  	s1 =	sld [smem:$0x3F9D];
	s0 =	simm.s32 @p0 $0x1  }
0x13: {  	[smem:$0x3FB8] =	sst s0;
	s0 =	simm.s32 @!p1 $0x0  }
0x14: {  	s2 =	sld [smem:$0x3F9C];
	s0 =	simm.s32 @p1 $0x1  }
0x15: {  	[smem:$0x3FB9] =	sst s0;
	s0 =	simm.s32 @!p2 $0x0  }
0x16: {  	s3 =	sld [smem:$0x3FDB];
	s0 =	simm.s32 @p2 $0x1  }
0x17: {  	s4 =	simm.s32 $0x1BF5;
	[smem:$0x3FBB] =	sst s0  }
0x18: {  	s0 =	sld [smem:$0x3F9E];
	_ =	swait.ge [sflag:s4], $0x0  }
0x19: {  	s7 =	sld [smem:$0x3F9F]  }
0x1a: {  	s8 =	sadd.s32 $0xFFFFE003, lr  }
0x1b: {  	s9 =	sadd.s32 $0xFFFFFEF7, lr;
	s5 =	simm.s32 $0xFFFFFFFF;
	p2 =	slt.u32 s8, $0xFFFFF086  }
0x1c: {  	p1 =	slt.u32 s9, $0xF7A;
	s5 =	simm.s32 @!p2 $0x0  }
0x1d: {  	s5 =	simm.s32 @p1 $0x1;
	p0 =	seq.s32 s7, s2  }
0x1e: {  	s7 =	smul.u32 @!p0 $0xF7A, s2;
	p2 =	seq.s32 @!p0 s5, $0x0  }
0x1f: {  	s9 =	smul.u32 $0xF7A, s1;
	s8 =	simm.s32 @!p0 $0x1BF5;
	p2 =	por !p2, p0  }
0x20: {  	[sflag:s8] =	ssyncset.s32 @!p0 $0xFFFFF086;
	s6 =	sadd.s32 @!p0 s3, s7;
	s7 =	simm.s32 @!p0 $0x108  }
0x21: {  	s3 =	sadd.s32 s3, s9;
	s6 =	sadd.s32 @!p0 $0x88, s6;
	s7 =	simm.s32 @p2 $0x1082  }
0x22: {  	[simem:s7], [sflag:s8] =	dma.local @!p0 [hbm:s6], $0xF7A  }
0x23: {  	s9 =	sor.u32 $0xD0000000, s2;
	s6 =	simm.s32 $0x108;
	_ =	swait.ge @!p0 [sflag:s8], $0x0  }
0x24: {  	s3 =	sadd.s32 $0x88, s3;
	s6 =	simm.s32 @!p1 $0x1082;
	[sflag:s4] =	ssyncset.s32 $0xFFFFF086  }
0x25: {  	[simem:s6], [sflag:s4] =	dma.local [hbm:s3], $0xF7A  }
0x26: {  	[smem:$0x3F9F] =	sst s1;
	(tag) =	ssettag s2;
	_ =	strace s9  }
0x27: {  	s1 =	sld [smem:$0x3FAF]  }
0x28: {  	s2 =	sld [smem:$0x3FB0]  }
0x29: {  	s4 =	sld [smem:$0x3FB2]  }
0x2a: {  	p0 =	seq.s32 s5, $0x0;
	s5 =	sld [smem:$0x3FB3]  }
0x2b: {  	s6 =	sld [smem:$0x3FB4]  }
0x2c: {  	s7 =	sld [smem:$0x3FB5]  }
0x2d: {  	s3 =	simm.s32 $0x108;
	s8 =	sld [smem:$0x3FB6]  }
0x2e: {  	s3 =	simm.s32 @!p0 $0x1082;
	s9 =	sld [smem:$0x3FB7]  }
0x2f: {  	lr =	sadd.s32 s0, s3;
	s0 =	sld [smem:$0x3FAE]  }
0x30: {  	s3 =	sld [smem:$0x3FB1]  }
0x31: {  	[smem:$0x3FBA] =	sst s10  }
0x32: {  	s10 =	sld [smem:$0x3FB8];
	_ =	sdelay $0x3  }
0x33: {  	p0 =	seq.s32 s10, $0x1;
	s10 =	sld [smem:$0x3FBA];
	_ =	sdelay $0x3  }
0x34: {  	[smem:$0x3FBA] =	sst s10  }
0x35: {  	s10 =	sld [smem:$0x3FB9];
	_ =	sdelay $0x3  }
0x36: {  	p1 =	seq.s32 s10, $0x1;
	s10 =	sld [smem:$0x3FBA];
	_ =	sdelay $0x3  }
0x37: {  	[smem:$0x3FBA] =	sst s10  }
0x38: {  	s10 =	sld [smem:$0x3FBB]  }
0x39: {  	_ = 	snop;
	(pc) =	sbr.ind lr, $3  }
0x3a: {  	_ = 	snop  }
0x3b: {  	_ = 	snop  }
0x3c: {  	p2 =	seq.s32 s10, $0x1;
	s10 =	sld [smem:$0x3FBA]  }
0x3d: {  	_ =	shalt  }
0x3e: {  	_ =	shalt  }
0x3f: {  	_ =	shalt  }
0x40: {  	_ =	shalt  }
0x41: {  	_ =	shalt  }
0x42: {  	_ =	shalt  }
0x43: {  	_ =	shalt  }
0x44: {  	_ =	shalt  }
0x45: {  	_ =	shalt  }
0x46: {  	_ =	shalt  }
0x47: {  	_ =	shalt  }
0x48: {  	_ =	shalt  }
0x49: {  	_ =	shalt  }
0x4a: {  	_ =	shalt  }
0x4b: {  	_ =	shalt  }
0x4c: {  	_ =	shalt  }
0x4d: {  	_ =	shalt  }
0x4e: {  	_ =	shalt  }
0x4f: {  	_ =	shalt  }
0x50: {  	_ =	shalt  }
0x51: {  	_ =	shalt  }
0x52: {  	_ =	shalt  }
0x53: {  	_ =	shalt  }
0x54: {  	_ =	shalt  }
0x55: {  	_ =	shalt  }
0x56: {  	_ =	shalt  }
0x57: {  	_ =	shalt  }
0x58: {  	_ =	shalt  }
0x59: {  	_ =	shalt  }
0x5a: {  	_ =	shalt  }
0x5b: {  	_ =	shalt  }
0x5c: {  	_ =	shalt  }
0x5d: {  	_ =	shalt  }
0x5e: {  	_ =	shalt  }
0x5f: {  	_ =	shalt  }
0x60: {  	_ =	shalt  }
0x61: {  	_ =	shalt  }
0x62: {  	_ =	shalt  }
0x63: {  	_ =	shalt  }
0x64: {  	_ =	shalt  }
0x65: {  	_ =	shalt  }
0x66: {  	_ =	shalt  }
0x67: {  	_ =	shalt  }
0x68: {  	_ =	shalt  }
0x69: {  	_ =	shalt  }
0x6a: {  	_ =	shalt  }
0x6b: {  	_ =	shalt  }
0x6c: {  	_ =	shalt  }
0x6d: {  	_ =	shalt  }
0x6e: {  	_ =	shalt  }
0x6f: {  	_ =	shalt  }
0x70: {  	_ =	shalt  }
0x71: {  	_ =	shalt  }
0x72: {  	_ =	shalt  }
0x73: {  	_ =	shalt  }
0x74: {  	_ =	shalt  }
0x75: {  	_ =	shalt  }
0x76: {  	_ =	shalt  }
0x77: {  	_ =	shalt  }
0x78: {  	_ =	shalt  }
0x79: {  	_ =	shalt  }
0x7a: {  	_ =	shalt  }
0x7b: {  	_ =	shalt  }
0x7c: {  	_ =	shalt  }
0x7d: {  	_ =	shalt  }
0x7e: {  	_ =	shalt  }
0x7f: {  	_ =	shalt  }
0x80: {  	_ =	shalt  }
0x81: {  	_ =	shalt  }
0x82: {  	_ =	shalt  }
0x83: {  	_ =	shalt  }
0x84: {  	_ =	shalt  }
0x85: {  	_ =	shalt  }
0x86: {  	_ =	shalt  }
0x87: {  	_ =	shalt  }
.Lfunc_end0:
.L_simem_size_0:
called_computation.1_lowered:
.L_overlay_start_0:
0x88: {  	s2 =	sld [smem:$0x3FD9]  }
0x89: {  	s3 =	sld [smem:$0x3FFE];
	_ =	sdelay $0x1  }
0x8a: {  	s1 =	srdreg.scid  }
0x8b: {  	s0 =	sand.u32 $0x1, s1  }
0x8c: {  	s16 =	sshll.u32 s0, $0xA;
	s2 =	sadd.s32 s3, s2  }
0x8d: {  	s2 =	sadd.s32 s2, s16  }
0x8e: {  	[smem:$0x3FC6] =	sst s2  }
0x8f: {  	_ = 	snop  }
0x90: {  	(tm) =	ssettm $0x1  }
0x91: {  	s17 =	sld [smem:$0x3FFB];
	_ =	sdelay $0x3  }
0x92: {  	_ =	strace s17  }
0x93: {  	s2 =	sld [smem:$0x3FFC];
	_ =	sdelay $0x3  }
0x94: {  	_ =	strace s2  }
0x95: {  	s2 =	sld [smem:$0x3FFD];
	_ =	sdelay $0x3  }
0x96: {  	_ =	strace s2  }
0x97: {  	_ =	strace $0x8FFFFFFF  }
0x98: {  	s18 =	sld [smem:$0x3FDB];
	_ =	sdelay $0x1  }
0x99: {  	s19 =	simm.s32 $_scs_section_size  }
0x9a: {  	s4 =	simm.s32 $_size__tile_overlayer_lowered;
	s5 =	simm.s32 $_tile_overlayer_lowered  }
0x9b: {  	s22 =	simm.s32 $0x1BFF;
	s21 =	sshll.u32 s5, $0x1;
	s2 =	sadd.s32 s19, s18  }
0x9c: {  	s6 =	simm.s32 $0x0;
	s20 =	sshll.u32 s4, $0x1;
	s4 =	sadd.s32 s21, s2  }
0x9d: {  	[timem:s6], [sflag:s22] =	dma.local [hbm:s4], s20  }
0x9e: {  	_ =	swait.ge [sflag:s22], s20  }
0x9f: {  	s3 =	ssub.s32 $0x0, s20;
	[sflag:s22] =	ssyncset.done $0x0  }
0xa0: {  	[sflag:s22] =	ssyncadd.s32 s3;
	_ =	sdelay $0x1  }
0xa1: {  	s23 =	simm.s32 $0x1B8B  }
0xa2: {  	_ =	swait.ge [sflag:s23], $0x1  }
0xa3: {  	[sflag:s23] =	ssyncset.done $0x0  }
0xa4: {  	s25 =	simm.s32 $0x1B8E;
	s24 =	sld [smem:$0x3FFE];
	[sflag:s23] =	ssyncadd.s32 $0xFFFFFFFF  }
0xa5: {  	s26 =	simm.s32 $execute0_lowered;
	[smem:$0x3FD2] =	sst s25  }
0xa6: {  	s4 =	sshll.u32 s26, $0x1;
	_ =	strace $0x80000049;
	[dreg:$0x1] =	wrdreg $0xFFFFFFFF  }
0xa7: {  	s28 =	simm.s32 $_size_execute0_lowered;
	s2 =	sadd.s32 s2, s4;
	[dreg:$0x0] =	wrdreg $0x0  }
0xa8: {  	s4 =	sshll.u32 s28, $0x1;
	[dreg:$0x2] =	wrdreg s2  }
0xa9: {  	[dreg:$0x3] =	wrdreg s4  }
0xaa: {  	[dreg:$0x4] =	wrdreg $0xC0  }
0xab: {  	_ =	task [dreg:s6], $0x5FFFF  }
0xac: {  	[dreg:$0x1] =	wrdreg $0xFFFFFFFF  }
0xad: {  	[dreg:$0x0] =	wrdreg $0x60  }
0xae: {  	[dreg:$0x2] =	wrdreg s24  }
0xaf: {  	[dreg:$0x3] =	wrdreg $0x9  }
0xb0: {  	_ =	task.clear_ibuf [dreg:s6], $0x4FFFF;
	_ =	strace $0x90000049  }
0xb1: {  	s29 =	simm.s32 $0x9;
	_ =	strace $0x8000004B  }
0xb2: {  	_ =	swait.ge [sflag:s29], $0x1  }
0xb3: {  	[sflag:s29] =	ssyncadd.s32 $0xFFFFFFFF  }
0xb4: {  	_ =	strace $0x9000004B  }
0xb5: {  	_ =	sfence  }
0xb6: {  	s30 =	sld [smem:$0x0];
	_ =	sdelay $0x2  }
0xb7: {  	s31 =	sshll.u32 s1, $0xD;
	s1 =	sshrl.u32 s1, $0x2  }
0xb8: {  	s3 =	sand.u32 $0x4000, s31;
	s1 =	sadd.s32 s1, s30  }
0xb9: {  	s0 =	sor.u32 s3, s0;
	s1 =	sshll.u32 s1, $0x11  }
0xba: {  	s0 =	sor.u32 s1, s0  }
0xbb: {  	s0 =	sadd.s32 $0x8F2B, s0  }
0xbc: {  	[sflag:s0] =	ssyncadd.remote.s32 $0x1  }
0xbd: {  	_ =	sfence.sel $0xFFFF  }
0xbe: {  	[dreg:$0x0] =	wrdreg $0xFFFFFFFF;
	(pc) =	sbr.abs _section_cstart, $3  }
0xbf: {  	[dreg:$0x1] =	wrdreg $0xFFFFFFFF  }
0xc0: {  	_ =	task.clear_ibuf [dreg:s6], $0x2FFFF;
	_ =	strace $0x9FFFFFFF  }
0xc1: {  	(tm) =	ssettm $0x7FFFFFFF  }
tec
execute0_lowered:
.L_overlay_start_1:
0x0: {  	(tag) =	ssettag $0x1  }
0x1: {  	v0 =	vlaneseq.u32  }
0x2: {  	v27 =	vmul.u32 $0x48, v0  }
0x3: {  	vm0 =	vcmask $0x300;
	v0 =	vimm.s32 $0x0  }
0x4: {  	v1 =	vsel vm0, $0x3, v0;
	v0 =	vadd.s32 $0x1F80, v27  }
0x5: {  	[tilespmem:$0x1FCB0] =	vst v0;
	v0 =	vadd.s32 $0x1684, v27  }
0x6: {  	[tilespmem:$0x1FCC0] =	vst v0;
	v0 =	vadd.s32 $0x1B05, v27  }
0x7: {  	s7 =	rddreg [dreg:$0x0];
	s2 =	simm.s32 $0x0;
	[tilespmem:$0x1FCD0] =	vst v0;
	v0 =	vadd.s32 $0x1F85, v27  }
0x8: {  	s1 =	srdreg.scid;
	[smem:$0x7FF] =	sst s2;
	[tilespmem:$0x1FCE0] =	vst v0;
	v0 =	vadd.s32 $0xD86, v27  }
0x9: {  	s4 =	sand.u32 $0x1, s1;
	s1 =	rddreg [dreg:$0x1];
	v2 =	vadd.s32 $0x1687, v27;
	_ =	strace $0x8000004A;
	[tilespmem:$0x1FCF0] =	vst v0  }
0xa: {  	v58 =	vor.u32 $0x1, v27;
	[tilespmem:$0x1FD10] =	vst v2  }
0xb: {  	v41 =	vor.u32 $0x2, v27;
	[tilespmem:$0x1FD20] =	vst v58  }
0xc: {  	v49 =	vadd.s32 $0x482, v27;
	[tilespmem:$0x1FD30] =	vst v41  }
0xd: {  	v45 =	vadd.s32 $0x902, v27;
	[tilespmem:$0x1FD40] =	vst v49  }
0xe: {  	v61 =	vor.u32 $0x3, v27;
	[tilespmem:$0x1FD50] =	vst v45  }
0xf: {  	v62 =	vadd.s32 $0x483, v27;
	[tilespmem:$0x1FD60] =	vst v61  }
0x10: {  	v39 =	vadd.s32 $0x903, v27;
	[tilespmem:$0x1FD70] =	vst v62  }
0x11: {  	v50 =	vadd.s32 $0xD83, v27;
	[tilespmem:$0x1FD80] =	vst v39  }
0x12: {  	v47 =	vor.u32 $0x4, v27;
	[tilespmem:$0x1FD90] =	vst v50  }
0x13: {  	v3 =	vadd.s32 $0x484, v27;
	[tilespmem:$0x1FDA0] =	vst v47  }
0x14: {  	v4 =	vadd.s32 $0x904, v27;
	[tilespmem:$0x1FDB0] =	vst v3  }
0x15: {  	v5 =	vadd.s32 $0xD84, v27;
	[tilespmem:$0x1FDC0] =	vst v4  }
0x16: {  	v12 =	vadd.s32 $0x1F84, v27;
	[tilespmem:$0x1FDD0] =	vst v5  }
0x17: {  	v23 =	vor.u32 $0x6, v27;
	[tilespmem:$0x1FDE0] =	vst v12  }
0x18: {  	v34 =	vor.u32 $0x7, v27;
	[tilespmem:$0x1FDF0] =	vst v23  }
0x19: {  	v8 =	vadd.s32 $0xD87, v27;
	[tilespmem:$0x1FE10] =	vst v34  }
0x1a: {  	v11 =	vadd.s32 $0x1207, v27;
	[tilespmem:$0x1FE20] =	vst v8  }
0x1b: {  	v19 =	vadd.s32 $0x1F81, v27;
	[tilespmem:$0x1FE30] =	vst v11  }
0x1c: {  	v42 =	vadd.s32 $0xD82, v27;
	[tilespmem:$0x1FE40] =	vst v19  }
0x1d: {  	v59 =	vadd.s32 $0x1201, v27;
	[tilespmem:$0x1FE50] =	vst v42  }
0x1e: {  	v48 =	vadd.s32 $0x1202, v27;
	[tilespmem:$0x1FE60] =	vst v59  }
0x1f: {  	v54 =	vadd.s32 $0x481, v27;
	[tilespmem:$0x1FE70] =	vst v48  }
0x20: {  	v20 =	vadd.s32 $0x1203, v27;
	[tilespmem:$0x1FE80] =	vst v54  }
0x21: {  	v14 =	vadd.s32 $0x1681, v27;
	[tilespmem:$0x1FE90] =	vst v20  }
0x22: {  	v22 =	vadd.s32 $0x1B03, v27;
	[tilespmem:$0x1FEA0] =	vst v14  }
0x23: {  	v16 =	vadd.s32 $0x1F83, v27;
	[tilespmem:$0x1FEB0] =	vst v22  }
0x24: {  	v6 =	vadd.s32 $0xD85, v27;
	[tilespmem:$0x1FEC0] =	vst v16  }
0x25: {  	v7 =	vadd.s32 $0x1204, v27;
	[tilespmem:$0x1FED0] =	vst v6  }
0x26: {  	v9 =	vadd.s32 $0x1685, v27;
	[tilespmem:$0x1FEE0] =	vst v7  }
0x27: {  	v10 =	vadd.s32 $0x1686, v27;
	[tilespmem:$0x1FEF0] =	vst v9  }
0x28: {  	v21 =	vadd.s32 $0x1683, v27;
	[tilespmem:$0x1FF00] =	vst v10  }
0x29: {  	v33 =	vadd.s32 $0x1B02, v27;
	[tilespmem:$0x1FF10] =	vst v21  }
0x2a: {  	v40 =	vadd.s32 $0x1682, v27;
	[tilespmem:$0x1FF20] =	vst v33  }
0x2b: {  	v17 =	vadd.s32 $0x901, v27;
	[tilespmem:$0x1FF30] =	vst v40  }
0x2c: {  	v51 =	vadd.s32 $0x486, v27;
	[tilespmem:$0x1FF40] =	vst v17  }
0x2d: {  	v60 =	vadd.s32 $0x487, v27;
	[tilespmem:$0x1FF50] =	vst v51  }
0x2e: {  	v56 =	vadd.s32 $0x485, v27;
	[tilespmem:$0x1FF60] =	vst v60  }
0x2f: {  	v55 =	vadd.s32 $0x1B00, v27;
	[tilespmem:$0x1FF70] =	vst v56  }
0x30: {  	v24 =	vadd.s32 $0x1F82, v27;
	[tilespmem:$0x1FF80] =	vst v55  }
0x31: {  	v18 =	vadd.s32 $0x1B01, v27;
	[tilespmem:$0x1FF90] =	vst v24  }
0x32: {  	v26 =	vadd.s32 $0x1B04, v27;
	[tilespmem:$0x1FFA0] =	vst v18  }
0x33: {  	s0 =	stileid.u32;
	s10 =	simm.s32 $0x4000;
	v38 =	vadd.s32 $0x1B07, v27;
	[tilespmem:$0x1FFB0] =	vst v26  }
0x34: {  	s11 =	simm.s32 $0x6400;
	s12 =	simm.s32 $0x3;
	s3 =	sshll.u32 s0, $0x1;
	v44 =	vadd.s32 $0x1206, v27;
	[tilespmem:$0x1FFC0] =	vst v38  }
.Ltmp0:
0x35: {  	s13 =	simm.s32 $0x4;
	s3 =	sor.u32 s4, s3;
	v46 =	vadd.s32 $0x1205, v27;
	[tilespmem:$0x1FFD0] =	vst v44;
	(pc) =	sbr.rel .LBB2_1-.Ltmp0, $4  }
0x36: {  	s14 =	simm.s32 $0x0;
	s6 =	ssub.s32 $0x2, s4;
	v28 =	vadd.s32 $0x480, v27;
	v29 =	vadd.s32 $0x900, v27;
	v52 =	vor.u32 $0x5, v27;
	s5 =	sshll.u32 s3, $0xA;
	[tilespmem:$0x1FFE0] =	vst v46  }
0x37: {  	s4 =	sadd.s32 $0x7A2200, s7;
	v30 =	vadd.s32 $0xD80, v27;
	v31 =	vadd.s32 $0x1200, v27;
	s31 =	sshrl.u32 s6, $0x1;
	s8 =	sadd.s32 s5, s7;
	v0 =	vadd.s32 $0x1B06, v27;
	[tilespmem:$0x1FFF0] =	vst v52  }
0x38: {  	v32 =	vadd.s32 $0x1680, v27;
	v57 =	vadd.s32 $0xD81, v27;
	s9 =	ssub.s32 s6, s31;
	s7 =	sadd.s32 $0x10E00, s7;
	s5 =	sadd.s32 $0xE00, s8;
	[tilespmem:$0x1FD00] =	vst v0;
	v0 =	vadd.s32 $0x1F86, v27  }
0x39: {  	v63 =	vadd.s32 $0x905, v27;
	v43 =	vadd.s32 $0x906, v27;
	v25 =	vadd.s32 $0x907, v27;
	s6 =	sadd.s32 $0x8E00, s8;
	s8 =	smax.u32 s9, $0x1;
	s9 =	simm.s32 $0x2000;
	[tilespmem:$0x1FE00] =	vst v0  }
.LBB2_15:
0x3a: {  	s14 =	sadd.s32 $0x1, s14  }
0x3b: {  	_ =	swait.ge [sflag:s12], $0x2000;
	p0 =	sne.s32 s14, s8  }
.Ltmp1:
0x3c: {  	[sflag:s12] =	ssyncset.done $0x0;
	(pc) =	sbr.rel @!p0 .LBB2_16-.Ltmp1, $4  }
0x3d: {  	[sflag:s12] =	ssyncadd.s32 $0xFFFFE000  }
0x3e: {  	_ =	swait.ge [sflag:s13], $0x2000  }
0x3f: {  	[sflag:s13] =	ssyncset.done $0x0  }
0x40: {  	[sflag:s13] =	ssyncadd.s32 $0xFFFFE000  }
.LBB2_1:
.Ltmp2:
0x41: {  	(pc) =	sbr.rel .LBB2_2-.Ltmp2, $4  }
0x42: {  	_ = 	snop  }
0x43: {  	[tilespmem:s2], [sflag:$0x1] =	stream.linear.gather [hbm4b:s5+s2], $0x2000, $0x38;
	[tilespmem:$0x8800] =	vst v63  }
0x44: {  	s15 =	simm.s32 $0x0  }
0x45: {  	[tilespmem:s9], [sflag:$0x2] =	stream.linear.gather [hbm4b:s6+s2], $0x2000, $0x38;
	[tilespmem:$0x8800] =	vst v63  }
.LBB2_14:
0x46: {  	v58 =	vld [tilespmem:$0x1FD20]  }
0x47: {  	v41 =	vld [tilespmem:$0x1FD30]  }
0x48: {  	v49 =	vld [tilespmem:$0x1FD40]  }
0x49: {  	v57 =	vmov v45;
	v45 =	vld [tilespmem:$0x1FD50]  }
0x4a: {  	v61 =	vld [tilespmem:$0x1FD60]  }
0x4b: {  	s15 =	sadd.s32 $0x1, s15;
	v62 =	vld [tilespmem:$0x1FD70]  }
0x4c: {  	v39 =	vld [tilespmem:$0x1FD80];
	p0 =	sne.s32 s15, $0x7B  }
.Ltmp3:
0x4d: {  	v50 =	vld [tilespmem:$0x1FD90];
	(pc) =	sbr.rel @!p0 .LBB2_15-.Ltmp3, $4  }
0x4e: {  	v47 =	vld [tilespmem:$0x1FDA0]  }
0x4f: {  	v54 =	vmov v59;
	v17 =	vmov v44;
	v7 =	vmov v52;
	v52 =	vld [tilespmem:$0x1FFF0]  }
0x50: {  	v59 =	vmovc v46;
	v40 =	vmovc v21;
	v21 =	vmov v63;
	v24 =	vmov v15;
	v26 =	vmov v34;
	v23 =	vld [tilespmem:$0x1FDF0]  }
0x51: {  	v63 =	vmovc v36;
	v46 =	vmovc v37;
	v44 =	vmov v38;
	v34 =	vld [tilespmem:$0x1FE10];
	v25 =	vmov v35;
	v38 =	vmov v53  }
.LBB2_2:
0x52: {  	s16 =	sshll.u32 s15, $0x6  }
0x53: {  	s18 =	simm.s32 $0x0;
	s31 =	simm.s32 $0x1;
	s16 =	sor.u32 s3, s16  }
0x54: {  	s19 =	simm.s32 $0x2;
	s20 =	simm.s32 $0x3;
	p0 =	slt.u32 s16, $0x1E85  }
0x55: {  	s21 =	simm.s32 $0x7;
	s22 =	simm.s32 $0x5;
	v0 =	vmov s18;
	v2 =	vmov s31;
	s17 =	simm.s32 @p0 $0x1  }
0x56: {  	v37 =	vmovc v39;
	v39 =	vmovc v6;
	v3 =	vmov s19;
	v4 =	vmov s20;
	s20 =	simm.s32 $0x4;
	v6 =	vmov s21;
	p2 =	seq.s32 @p0 s15, $0x0;
	_ =	swait.ge @p0 [sflag:s17], $0x2000  }
0x57: {  	v53 =	vmovc v7;
	v7 =	vmov s22;
	v0 =	vshrl.u32 v0, $0x3;
	v5 =	vmov s20;
	p1 =	por p2, !p0;
	[sflag:s17] =	ssyncset.done @p0 $0x0  }
0x58: {  	v6 =	vshrl.u32 v6, $0x3;
	v8 =	vshrl.u32 v2, $0x3;
	v3 =	vshrl.u32 v3, $0x3;
	[sflag:s17] =	ssyncadd.s32 @p0 $0xFFFFE000;
	s17 =	simm.s32 @!p1 $0x3  }
0x59: {  	v4 =	vshrl.u32 v4, $0x3;
	v0 =	vshll.u32 v0, v1;
	v2 =	vshll.u32 v6, v1;
	_ =	swait.ge @!p1 [sflag:s17], $0x2000  }
0x5a: {  	v35 =	vmovc v9;
	v9 =	vbroadcast v2, $0x0;
	v2 =	vbroadcast v0, $0x0;
	v0 =	vshll.u32 v8, v1;
	[sflag:s17] =	ssyncset.done @!p1 $0x0  }
0x5b: {  	v5 =	vshrl.u32 v5, $0x3;
	v8 =	vbroadcast v0, $0x0;
	v0 =	vshll.u32 v3, v1;
	[sflag:s17] =	ssyncadd.s32 @!p1 $0xFFFFE000;
	s17 =	simm.s32 $0x200  }
0x5c: {  	v12 =	vadd.s32 v34, v9;
	v36 =	vbroadcast v0, $0x0;
	v0 =	vshll.u32 v4, v1;
	v11 =	vld [tilespmem:s17+$0x180]  }
0x5d: {  	v14 =	vadd.s32 v27, v2;
	v4 =	vbroadcast v0, $0x0;
	v0 =	vshll.u32 v5, v1;
	v13 =	vld [tilespmem:s17+$0xFFFFFE00]  }
0x5e: {  	v16 =	vadd.s32 v58, v8;
	v3 =	vbroadcast v0, $0x0;
	v0 =	vshrl.u32 v7, $0x3;
	v15 =	vld [tilespmem:s17+$0xFFFFFE80]  }
0x5f: {  	s23 =	simm.s32 $0x6;
	v22 =	vmovc v40;
	v40 =	vmov v17;
	v18 =	vadd.s32 v41, v36;
	v0 =	vshll.u32 v0, v1;
	v17 =	vld [tilespmem:s17+$0xFFFFFF00]  }
0x60: {  	v33 =	vmovc v10;
	v10 =	vmov s23;
	v19 =	vadd.s32 v61, v4;
	v7 =	vld [tilespmem:s17+$0xFFFFFF80];
	v6 =	vbroadcast v0, $0x0  }
0x61: {  	v5 =	vshrl.u32 v10, $0x3;
	v61 =	vmov v20;
	v10 =	vld [tilespmem:s17+$0x0];
	v20 =	vadd.s32 v47, v3;
	[tilespmem:v12+s10+$0x0] =	vst.idx.msk $0xffff, v11  }
0x62: {  	v0 =	vshll.u32 v5, v1;
	[tilespmem:v14+s10+$0x0] =	vst.idx.msk $0xffff, v13;
	v12 =	vld [tilespmem:s17+$0x80];
	v13 =	vadd.s32 v52, v6  }
0x63: {  	v5 =	vbroadcast v0, $0x0;
	v11 =	vadd.s32 v60, v9;
	[tilespmem:v16+s10+$0x0] =	vst.idx.msk $0xffff, v15;
	v0 =	vld [tilespmem:s17+$0x190]  }
0x64: {  	[tilespmem:v18+s10+$0x0] =	vst.idx.msk $0xffff, v17  }
0x65: {  	[tilespmem:v19+s10+$0x0] =	vst.idx.msk $0xffff, v7  }
0x66: {  	[tilespmem:v20+s10+$0x0] =	vst.idx.msk $0xffff, v10  }
0x67: {  	[tilespmem:v13+s10+$0x0] =	vst.idx.msk $0xffff, v12  }
0x68: {  	v14 =	vld [tilespmem:s17+$0x100];
	[tilespmem:v11+s10+$0x0] =	vst.idx.msk $0xffff, v0  }
0x69: {  	v15 =	vadd.s32 v23, v5;
	v13 =	vld [tilespmem:$0x1FDB0]  }
0x6a: {  	v17 =	vadd.s32 v54, v8;
	v16 =	vld [tilespmem:s17+$0xFFFFFE90]  }
0x6b: {  	v18 =	vadd.s32 v49, v36;
	v7 =	vld [tilespmem:s17+$0xFFFFFF10]  }
0x6c: {  	v19 =	vadd.s32 v62, v4;
	v10 =	vld [tilespmem:s17+$0xFFFFFF90]  }
0x6d: {  	v11 =	vadd.s32 v25, v9;
	v0 =	vld [tilespmem:s17+$0x1A0]  }
0x6e: {  	v12 =	vld [tilespmem:s17+$0x10];
	[tilespmem:v15+s10+$0x0] =	vst.idx.msk $0xffff, v14;
	v13 =	vadd.s32 v13, v3  }
0x6f: {  	[tilespmem:v17+s10+$0x0] =	vst.idx.msk $0xffff, v16  }
0x70: {  	[tilespmem:v18+s10+$0x0] =	vst.idx.msk $0xffff, v7  }
0x71: {  	[tilespmem:v19+s10+$0x0] =	vst.idx.msk $0xffff, v10  }
0x72: {  	v14 =	vld [tilespmem:s17+$0x90];
	[tilespmem:v11+s10+$0x0] =	vst.idx.msk $0xffff, v0  }
0x73: {  	v15 =	vadd.s32 v56, v6;
	v7 =	vld [tilespmem:s17+$0x110];
	[tilespmem:v13+s10+$0x0] =	vst.idx.msk $0xffff, v12  }
0x74: {  	v16 =	vadd.s32 v51, v5;
	v11 =	vld [tilespmem:$0x1FE20]  }
0x75: {  	v17 =	vld [tilespmem:s17+$0xFFFFFE10];
	v18 =	vadd.s32 v28, v2;
	_ =	sdelay $0x1  }
0x76: {  	v19 =	vadd.s32 v40, v8;
	v10 =	vld [tilespmem:s17+$0xFFFFFEA0]  }
0x77: {  	v12 =	vld [tilespmem:s17+$0xFFFFFF20];
	v13 =	vadd.s32 v45, v36;
	[tilespmem:v15+s10+$0x0] =	vst.idx.msk $0xffff, v14  }
0x78: {  	v0 =	vld [tilespmem:s17+$0x1B0];
	[tilespmem:v16+s10+$0x0] =	vst.idx.msk $0xffff, v7;
	v11 =	vadd.s32 v11, v9  }
0x79: {  	[tilespmem:v18+s10+$0x0] =	vst.idx.msk $0xffff, v17  }
0x7a: {  	v16 =	vld [tilespmem:$0x1FDC0]  }
0x7b: {  	[tilespmem:v19+s10+$0x0] =	vst.idx.msk $0xffff, v10  }
0x7c: {  	[tilespmem:v13+s10+$0x0] =	vst.idx.msk $0xffff, v12  }
0x7d: {  	v14 =	vld [tilespmem:s17+$0xFFFFFFA0];
	[tilespmem:v11+s10+$0x0] =	vst.idx.msk $0xffff, v0  }
0x7e: {  	v15 =	vadd.s32 v37, v4;
	v11 =	vld [tilespmem:$0x1FE30]  }
0x7f: {  	v7 =	vld [tilespmem:s17+$0x20];
	v16 =	vadd.s32 v16, v3  }
0x80: {  	v17 =	vadd.s32 v63, v6;
	v10 =	vld [tilespmem:s17+$0xA0]  }
0x81: {  	v18 =	vld [tilespmem:s17+$0x120];
	v19 =	vadd.s32 v43, v5  }
0x82: {  	v12 =	vld [tilespmem:s17+$0xFFFFFE20];
	v13 =	vadd.s32 v29, v2  }
0x83: {  	v0 =	vld [tilespmem:s17+$0x1C0];
	[tilespmem:v15+s10+$0x0] =	vst.idx.msk $0xffff, v14;
	v11 =	vadd.s32 v11, v9  }
0x84: {  	[tilespmem:v16+s10+$0x0] =	vst.idx.msk $0xffff, v7  }
0x85: {  	v14 =	vld [tilespmem:s17+$0xFFFFFEB0];
	v15 =	vadd.s32 v57, v8;
	[tilespmem:v17+s10+$0x0] =	vst.idx.msk $0xffff, v10  }
0x86: {  	v7 =	vld [tilespmem:s17+$0xFFFFFF30];
	v16 =	vadd.s32 v42, v36;
	[tilespmem:v19+s10+$0x0] =	vst.idx.msk $0xffff, v18  }
0x87: {  	v19 =	vld [tilespmem:$0x1FDD0];
	[tilespmem:v13+s10+$0x0] =	vst.idx.msk $0xffff, v12  }
0x88: {  	[tilespmem:v11+s10+$0x0] =	vst.idx.msk $0xffff, v0  }
0x89: {  	v37 =	vld [tilespmem:$0x1FD10]  }
0x8a: {  	v10 =	vld [tilespmem:s17+$0xFFFFFFB0];
	[tilespmem:v15+s10+$0x0] =	vst.idx.msk $0xffff, v14  }
0x8b: {  	v17 =	vadd.s32 v50, v4;
	v18 =	vld [tilespmem:s17+$0x30];
	[tilespmem:v16+s10+$0x0] =	vst.idx.msk $0xffff, v7  }
0x8c: {  	v19 =	vadd.s32 v19, v3;
	v14 =	vld [tilespmem:$0x1FCF0]  }
0x8d: {  	v12 =	vld [tilespmem:s17+$0xB0];
	v13 =	vadd.s32 v39, v6  }
0x8e: {  	v0 =	vld [tilespmem:s17+$0x1D0];
	v11 =	vadd.s32 v37, v9  }
0x8f: {  	v15 =	vld [tilespmem:s17+$0xFFFFFE30];
	v16 =	vadd.s32 v30, v2  }
0x90: {  	[tilespmem:v17+s10+$0x0] =	vst.idx.msk $0xffff, v10;
	v10 =	vld [tilespmem:s17+$0xFFFFFEC0];
	v17 =	vadd.s32 v59, v8  }
0x91: {  	v7 =	vld [tilespmem:s17+$0x130];
	[tilespmem:v19+s10+$0x0] =	vst.idx.msk $0xffff, v18;
	v14 =	vadd.s32 v14, v5  }
0x92: {  	v18 =	vld [tilespmem:s17+$0xFFFFFF40];
	v19 =	vadd.s32 v48, v36;
	[tilespmem:v13+s10+$0x0] =	vst.idx.msk $0xffff, v12  }
0x93: {  	v13 =	vadd.s32 v61, v4;
	v12 =	vld [tilespmem:s17+$0xFFFFFFC0];
	[tilespmem:v11+s10+$0x0] =	vst.idx.msk $0xffff, v0  }
0x94: {  	[tilespmem:v16+s10+$0x0] =	vst.idx.msk $0xffff, v15;
	v11 =	vadd.s32 v38, v9;
	v0 =	vld [tilespmem:s17+$0x1E0]  }
0x95: {  	[tilespmem:v17+s10+$0x0] =	vst.idx.msk $0xffff, v10  }
0x96: {  	[tilespmem:v14+s10+$0x0] =	vst.idx.msk $0xffff, v7;
	v7 =	vld [tilespmem:s17+$0x40];
	v14 =	vadd.s32 v53, v3  }
0x97: {  	v15 =	vadd.s32 v46, v6;
	v10 =	vld [tilespmem:s17+$0xC0];
	[tilespmem:v19+s10+$0x0] =	vst.idx.msk $0xffff, v18  }
0x98: {  	v17 =	vadd.s32 v44, v5;
	[tilespmem:v13+s10+$0x0] =	vst.idx.msk $0xffff, v12;
	v16 =	vld [tilespmem:s17+$0x140]  }
0x99: {  	v18 =	vld [tilespmem:s17+$0xFFFFFE40];
	v19 =	vadd.s32 v31, v2;
	[tilespmem:v11+s10+$0x0] =	vst.idx.msk $0xffff, v0;
	v0 =	vadd.s32 $0x1F87, v27  }
0x9a: {  	v11 =	vld [tilespmem:s17+$0x1F0];
	[tilespmem:$0x1FCA0] =	vst v0  }
0x9b: {  	v51 =	vld [tilespmem:$0x1FEA0];
	[tilespmem:v14+s10+$0x0] =	vst.idx.msk $0xffff, v7  }
0x9c: {  	[tilespmem:v15+s10+$0x0] =	vst.idx.msk $0xffff, v10  }
0x9d: {  	[tilespmem:v17+s10+$0x0] =	vst.idx.msk $0xffff, v16  }
0x9e: {  	[tilespmem:v19+s10+$0x0] =	vst.idx.msk $0xffff, v18  }
0x9f: {  	v9 =	vadd.s32 v0, v9;
	v0 =	vld [tilespmem:$0x1FCC0];
	_ =	sdelay $0x1  }
0xa0: {  	v7 =	vld [tilespmem:s17+$0xFFFFFF50];
	v14 =	vadd.s32 v22, v36  }
0xa1: {  	v12 =	vld [tilespmem:s17+$0xFFFFFED0];
	v13 =	vadd.s32 v51, v8  }
0xa2: {  	v10 =	vld [tilespmem:s17+$0xFFFFFFD0];
	v15 =	vadd.s32 v21, v4  }
0xa3: {  	v16 =	vld [tilespmem:s17+$0x50];
	v17 =	vadd.s32 v0, v3  }
0xa4: {  	[tilespmem:v9+s10+$0x0] =	vst.idx.msk $0xffff, v11  }
0xa5: {  	v18 =	vld [tilespmem:s17+$0xD0];
	[tilespmem:v14+s10+$0x0] =	vst.idx.msk $0xffff, v7  }
0xa6: {  	v9 =	vld [tilespmem:s17+$0x150];
	[tilespmem:v13+s10+$0x0] =	vst.idx.msk $0xffff, v12  }
0xa7: {  	v60 =	vmov v40;
	v40 =	vld [tilespmem:$0x1FFA0];
	[tilespmem:v15+s10+$0x0] =	vst.idx.msk $0xffff, v10  }
0xa8: {  	v48 =	vld [tilespmem:$0x1FF20];
	[tilespmem:v17+s10+$0x0] =	vst.idx.msk $0xffff, v16  }
0xa9: {  	v19 =	vadd.s32 v35, v6;
	v15 =	vld [tilespmem:$0x1FEB0]  }
0xaa: {  	v11 =	vadd.s32 v33, v5;
	v12 =	vld [tilespmem:s17+$0xFFFFFE50]  }
0xab: {  	v13 =	vadd.s32 v32, v2;
	v7 =	vld [tilespmem:s17+$0xFFFFFEE0]  }
0xac: {  	v10 =	vld [tilespmem:s17+$0xFFFFFF60];
	v14 =	vadd.s32 v40, v8  }
0xad: {  	v22 =	vld [tilespmem:s17+$0xFFFFFFE0];
	v21 =	vadd.s32 v48, v36  }
0xae: {  	v45 =	vmov v50;
	v50 =	vmov v23;
	[tilespmem:v19+s10+$0x0] =	vst.idx.msk $0xffff, v18;
	v56 =	vld [tilespmem:s17+$0x60];
	v23 =	vadd.s32 v15, v4  }
0xaf: {  	[tilespmem:v11+s10+$0x0] =	vst.idx.msk $0xffff, v9;
	v9 =	vld [tilespmem:s17+$0xE0]  }
0xb0: {  	[tilespmem:v13+s10+$0x0] =	vst.idx.msk $0xffff, v12;
	v13 =	vld [tilespmem:s17+$0x160]  }
0xb1: {  	v59 =	vadd.s32 v26, v3;
	v12 =	vld [tilespmem:$0x1FCD0];
	[tilespmem:v14+s10+$0x0] =	vst.idx.msk $0xffff, v7  }
0xb2: {  	v39 =	vld [tilespmem:$0x1FD00];
	[tilespmem:v21+s10+$0x0] =	vst.idx.msk $0xffff, v10  }
0xb3: {  	v17 =	vld [tilespmem:s17+$0xFFFFFE60];
	[tilespmem:v23+s10+$0x0] =	vst.idx.msk $0xffff, v22  }
0xb4: {  	s26 =	simm.s32 $0xA;
	s29 =	simm.s32 $0xC;
	v33 =	vmov v25;
	v25 =	vld [tilespmem:$0x1FE40]  }
0xb5: {  	s24 =	simm.s32 $0x8;
	s25 =	simm.s32 $0x9;
	v20 =	vmov s26;
	v16 =	vmov s29;
	v21 =	vld [tilespmem:s17+$0xFFFFFEF0]  }
0xb6: {  	v61 =	vmovc v46;
	v46 =	vmov v42;
	v11 =	vmov s24;
	v18 =	vmov s25;
	v23 =	vld [tilespmem:s17+$0xFFFFFF70];
	[tilespmem:v59+s10+$0x0] =	vst.idx.msk $0xffff, v56  }
0xb7: {  	s28 =	simm.s32 $0xB;
	s30 =	simm.s32 $0xD;
	s31 =	simm.s32 $0xE;
	v53 =	vmovc v34;
	v35 =	vmovc v43;
	v19 =	vadd.s32 v55, v2;
	v11 =	vshrl.u32 v11, $0x3;
	v12 =	vadd.s32 v12, v6;
	v59 =	vld [tilespmem:$0x1FCE0]  }
0xb8: {  	p3 =	por @p0 $0x0, $0x0;
	p2 =	por !p2, !p0;
	p1 =	por @!p1 $0x1, $0x1;
	v43 =	vmovc v45;
	v45 =	vmovc v57;
	v14 =	vmov s28;
	v7 =	vshll.u32 v11, v1;
	v11 =	vmov s31;
	v57 =	vld [tilespmem:$0x1FD50]  }
0xb9: {  	p1 =	por @!p2 p3, p3;
	p2 =	sne.s32 @!p0 s15, $0x0;
	v0 =	vmovc v38;
	v10 =	vmov s30;
	v56 =	vmovc v60;
	v42 =	vld [tilespmem:$0x1FCB0];
	v15 =	vadd.s32 v39, v5;
	v22 =	vadd.s32 v25, v8  }
0xba: {  	s19 =	simm.s32 $0xF;
	s18 =	simm.s32 $0x10;
	p1 =	por @!p0 p2, p2;
	v38 =	vld [tilespmem:$0x1FD80];
	v8 =	vadd.s32 v24, v36;
	v36 =	vmovc v55;
	v60 =	vmovc v25;
	v55 =	vmov v48;
	v48 =	vmov v40  }
.LBB2_3:
0xbb: {  	_ = 	snop  }
0xbc: {  	v40 =	vmov v24;
	v24 =	vmov s19;
	v25 =	vld [tilespmem:s17+$0xFFFFFFF0]  }
0xbd: {  	[tilespmem:v12+s10+$0x0] =	vst.idx.msk $0xffff, v9;
	v9 =	vshrl.u32 v24, $0x3;
	v24 =	vld [tilespmem:$0x1FDE0]  }
0xbe: {  	[tilespmem:v19+s10+$0x0] =	vst.idx.msk $0xffff, v17;
	v17 =	vld [tilespmem:$0x1FE00]  }
0xbf: {  	v34 =	vld [tilespmem:$0x1FEC0]  }
0xc0: {  	v18 =	vshrl.u32 v18, $0x3;
	v12 =	vshrl.u32 v20, $0x3;
	v20 =	vld [tilespmem:s17+$0x70]  }
0xc1: {  	[tilespmem:v15+s10+$0x0] =	vst.idx.msk $0xffff, v13;
	v13 =	vshrl.u32 v14, $0x3;
	v15 =	vshrl.u32 v16, $0x3;
	v9 =	vshll.u32 v9, v1;
	v14 =	vld [tilespmem:s17+$0xF0]  }
0xc2: {  	v19 =	vadd.s32 v42, v2;
	v16 =	vld [tilespmem:s17+$0x170];
	v9 =	vbroadcast v9, $0x0;
	v3 =	vadd.s32 v24, v3  }
0xc3: {  	v2 =	vbroadcast v7, $0x0;
	v5 =	vadd.s32 v17, v5;
	v17 =	vshll.u32 v18, v1;
	v18 =	vld [tilespmem:s17+$0xFFFFFE70];
	s17 =	sadd.s32 $0x400, s17  }
0xc4: {  	[tilespmem:v8+s10+$0x0] =	vst.idx.msk $0xffff, v23;
	v8 =	vshll.u32 v12, v1;
	v7 =	vbroadcast v17, $0x0;
	v12 =	vld [tilespmem:s17+$0x180];
	v17 =	vadd.s32 v53, v9  }
0xc5: {  	v4 =	vadd.s32 v34, v4  }
0xc6: {  	v6 =	vadd.s32 v59, v6;
	[tilespmem:v22+s10+$0x0] =	vst.idx.msk $0xffff, v21  }
0xc7: {  	v21 =	vld [tilespmem:s17+$0xFFFFFE00];
	[tilespmem:v3+s10+$0x0] =	vst.idx.msk $0xffff, v20  }
0xc8: {  	[tilespmem:v5+s10+$0x0] =	vst.idx.msk $0xffff, v16;
	v5 =	vld [tilespmem:$0x1FD60]  }
0xc9: {  	v22 =	vadd.s32 v27, v2;
	v8 =	vbroadcast v8, $0x0;
	v3 =	vshll.u32 v15, v1;
	[tilespmem:v17+s10+$0x0] =	vst.idx.msk $0xffff, v12;
	v12 =	vld [tilespmem:$0x1FF60]  }
0xca: {  	[tilespmem:v4+s10+$0x0] =	vst.idx.msk $0xffff, v25;
	v4 =	vshll.u32 v13, v1;
	v13 =	vld [tilespmem:s17+$0xFFFFFE80];
	v20 =	vadd.s32 v58, v7;
	v3 =	vbroadcast v3, $0x0  }
0xcb: {  	[tilespmem:v6+s10+$0x0] =	vst.idx.msk $0xffff, v14;
	v14 =	vld [tilespmem:s17+$0xFFFFFF00];
	v4 =	vbroadcast v4, $0x0;
	v15 =	vadd.s32 v41, v8  }
0xcc: {  	v6 =	vshrl.u32 v10, $0x3;
	[tilespmem:v19+s10+$0x0] =	vst.idx.msk $0xffff, v18;
	v18 =	vld [tilespmem:s17+$0x0];
	v19 =	vadd.s32 v47, v3  }
0xcd: {  	v11 =	vshrl.u32 v11, $0x3;
	v10 =	vld [tilespmem:s17+$0xFFFFFF80];
	v16 =	vadd.s32 v5, v4;
	v5 =	vshll.u32 v6, v1  }
0xce: {  	[tilespmem:v22+s10+$0x0] =	vst.idx.msk $0xffff, v21;
	v6 =	vbroadcast v5, $0x0;
	v5 =	vshll.u32 v11, v1;
	v11 =	vld [tilespmem:s17+$0x190];
	v12 =	vadd.s32 v12, v9  }
0xcf: {  	[tilespmem:v20+s10+$0x0] =	vst.idx.msk $0xffff, v13;
	v13 =	vld [tilespmem:s17+$0x80];
	v5 =	vbroadcast v5, $0x0  }
0xd0: {  	[tilespmem:v15+s10+$0x0] =	vst.idx.msk $0xffff, v14;
	v14 =	vld [tilespmem:s17+$0x100];
	v17 =	vadd.s32 v52, v6  }
0xd1: {  	v20 =	vld [tilespmem:s17+$0xFFFFFE90];
	[tilespmem:v19+s10+$0x0] =	vst.idx.msk $0xffff, v18;
	v15 =	vadd.s32 v50, v5  }
0xd2: {  	[tilespmem:v16+s10+$0x0] =	vst.idx.msk $0xffff, v10;
	v10 =	vld [tilespmem:s17+$0xFFFFFF10];
	v16 =	vadd.s32 v49, v8  }
0xd3: {  	v21 =	vadd.s32 v54, v7;
	v18 =	vld [tilespmem:s17+$0xFFFFFF90];
	[tilespmem:v12+s10+$0x0] =	vst.idx.msk $0xffff, v11  }
0xd4: {  	v11 =	vld [tilespmem:s17+$0x1A0]  }
0xd5: {  	[tilespmem:v17+s10+$0x0] =	vst.idx.msk $0xffff, v13;
	v17 =	vld [tilespmem:$0x1FDB0]  }
0xd6: {  	v12 =	vadd.s32 v33, v9;
	[tilespmem:v15+s10+$0x0] =	vst.idx.msk $0xffff, v14;
	v15 =	vld [tilespmem:$0x1FF70]  }
0xd7: {  	[tilespmem:v16+s10+$0x0] =	vst.idx.msk $0xffff, v10;
	v16 =	vld [tilespmem:$0x1FF50]  }
0xd8: {  	v19 =	vadd.s32 v62, v4;
	[tilespmem:v21+s10+$0x0] =	vst.idx.msk $0xffff, v20;
	v20 =	vld [tilespmem:s17+$0xFFFFFE10]  }
0xd9: {  	v13 =	vld [tilespmem:s17+$0x10]  }
0xda: {  	v14 =	vld [tilespmem:s17+$0x90];
	v17 =	vadd.s32 v17, v3  }
0xdb: {  	[tilespmem:v12+s10+$0x0] =	vst.idx.msk $0xffff, v11;
	v12 =	vld [tilespmem:$0x1FE20];
	v15 =	vadd.s32 v15, v6  }
0xdc: {  	v10 =	vld [tilespmem:s17+$0x110];
	v16 =	vadd.s32 v16, v5  }
0xdd: {  	[tilespmem:v19+s10+$0x0] =	vst.idx.msk $0xffff, v18;
	v18 =	vld [tilespmem:s17+$0xFFFFFEA0]  }
0xde: {  	v19 =	vadd.s32 v56, v7;
	v11 =	vld [tilespmem:s17+$0x1B0]  }
0xdf: {  	v21 =	vadd.s32 v28, v2;
	[tilespmem:v17+s10+$0x0] =	vst.idx.msk $0xffff, v13;
	v13 =	vld [tilespmem:s17+$0xFFFFFF20]  }
0xe0: {  	v12 =	vadd.s32 v12, v9;
	[tilespmem:v15+s10+$0x0] =	vst.idx.msk $0xffff, v14;
	v14 =	vld [tilespmem:s17+$0xFFFFFFA0]  }
0xe1: {  	v17 =	vadd.s32 v57, v8;
	[tilespmem:v16+s10+$0x0] =	vst.idx.msk $0xffff, v10;
	v10 =	vld [tilespmem:s17+$0x20]  }
0xe2: {  	v15 =	vadd.s32 v38, v4;
	v16 =	vld [tilespmem:$0x1FDC0]  }
0xe3: {  	[tilespmem:v19+s10+$0x0] =	vst.idx.msk $0xffff, v18;
	v18 =	vld [tilespmem:s17+$0xA0]  }
0xe4: {  	[tilespmem:v21+s10+$0x0] =	vst.idx.msk $0xffff, v20;
	v19 =	vadd.s32 v63, v6;
	v20 =	vld [tilespmem:s17+$0x120]  }
0xe5: {  	v21 =	vadd.s32 v35, v5;
	[tilespmem:v12+s10+$0x0] =	vst.idx.msk $0xffff, v11;
	v12 =	vld [tilespmem:$0x1FE30]  }
0xe6: {  	[tilespmem:v17+s10+$0x0] =	vst.idx.msk $0xffff, v13;
	v13 =	vld [tilespmem:s17+$0xFFFFFE20];
	v17 =	vadd.s32 v29, v2  }
0xe7: {  	[tilespmem:v15+s10+$0x0] =	vst.idx.msk $0xffff, v14;
	v14 =	vld [tilespmem:s17+$0xFFFFFEB0];
	v15 =	vadd.s32 v45, v7  }
0xe8: {  	v11 =	vld [tilespmem:s17+$0x1C0]  }
0xe9: {  	v16 =	vadd.s32 v16, v3;
	[tilespmem:v19+s10+$0x0] =	vst.idx.msk $0xffff, v18;
	v18 =	vld [tilespmem:s17+$0xFFFFFFB0]  }
0xea: {  	v19 =	vadd.s32 v43, v4;
	[tilespmem:v21+s10+$0x0] =	vst.idx.msk $0xffff, v20;
	v21 =	vld [tilespmem:$0x1FDD0]  }
0xeb: {  	v12 =	vadd.s32 v12, v9;
	[tilespmem:v17+s10+$0x0] =	vst.idx.msk $0xffff, v13;
	v13 =	vld [tilespmem:s17+$0xB0]  }
0xec: {  	[tilespmem:v15+s10+$0x0] =	vst.idx.msk $0xffff, v14;
	v14 =	vld [tilespmem:$0x1FED0]  }
0xed: {  	v15 =	vld [tilespmem:$0x1FCF0]  }
0xee: {  	[tilespmem:v16+s10+$0x0] =	vst.idx.msk $0xffff, v10;
	v10 =	vld [tilespmem:s17+$0xFFFFFF30];
	v16 =	vadd.s32 v46, v8  }
0xef: {  	[tilespmem:v19+s10+$0x0] =	vst.idx.msk $0xffff, v18;
	v18 =	vld [tilespmem:s17+$0xFFFFFEC0]  }
0xf0: {  	v20 =	vld [tilespmem:s17+$0x30];
	v21 =	vadd.s32 v21, v3;
	[tilespmem:v12+s10+$0x0] =	vst.idx.msk $0xffff, v11  }
0xf1: {  	v12 =	vadd.s32 v37, v9;
	v11 =	vld [tilespmem:s17+$0x1D0]  }
0xf2: {  	v19 =	vld [tilespmem:$0x1FE60]  }
0xf3: {  	v14 =	vadd.s32 v14, v6;
	[tilespmem:v16+s10+$0x0] =	vst.idx.msk $0xffff, v10;
	v10 =	vld [tilespmem:s17+$0x130]  }
0xf4: {  	v16 =	vld [tilespmem:s17+$0xFFFFFE30]  }
0xf5: {  	v15 =	vadd.s32 v15, v5;
	[tilespmem:v21+s10+$0x0] =	vst.idx.msk $0xffff, v20;
	v20 =	vld [tilespmem:s17+$0xFFFFFF40]  }
0xf6: {  	v17 =	vadd.s32 v30, v2;
	v21 =	vld [tilespmem:$0x1FE70];
	[tilespmem:v12+s10+$0x0] =	vst.idx.msk $0xffff, v11  }
0xf7: {  	v11 =	vld [tilespmem:s17+$0x1E0]  }
0xf8: {  	v19 =	vadd.s32 v19, v7;
	[tilespmem:v14+s10+$0x0] =	vst.idx.msk $0xffff, v13;
	v13 =	vld [tilespmem:s17+$0xFFFFFFC0]  }
0xf9: {  	v12 =	vadd.s32 v0, v9;
	v14 =	vld [tilespmem:$0x1FE90]  }
0xfa: {  	[tilespmem:v15+s10+$0x0] =	vst.idx.msk $0xffff, v10;
	v10 =	vld [tilespmem:s17+$0x40]  }
0xfb: {  	[tilespmem:v17+s10+$0x0] =	vst.idx.msk $0xffff, v16;
	v16 =	vld [tilespmem:s17+$0xC0];
	v17 =	vadd.s32 v61, v6  }
0xfc: {  	v15 =	vld [tilespmem:$0x1FEE0];
	v21 =	vadd.s32 v21, v8  }
0xfd: {  	[tilespmem:v19+s10+$0x0] =	vst.idx.msk $0xffff, v18;
	v19 =	vadd.s32 v44, v5;
	v18 =	vld [tilespmem:s17+$0x140]  }
0xfe: {  	[tilespmem:v12+s10+$0x0] =	vst.idx.msk $0xffff, v11;
	v12 =	vld [tilespmem:$0x1FCA0]  }
0xff: {  	v11 =	vld [tilespmem:s17+$0x1F0]  }
0x100: {  	v14 =	vadd.s32 v14, v4;
	[tilespmem:v17+s10+$0x0] =	vst.idx.msk $0xffff, v16;
	v16 =	vld [tilespmem:$0x1FF10]  }
0x101: {  	v15 =	vadd.s32 v15, v3;
	[tilespmem:v21+s10+$0x0] =	vst.idx.msk $0xffff, v20;
	v20 =	vld [tilespmem:s17+$0xFFFFFE40]  }
0x102: {  	[tilespmem:v19+s10+$0x0] =	vst.idx.msk $0xffff, v18;
	v18 =	vld [tilespmem:$0x1FCC0]  }
0x103: {  	v21 =	vadd.s32 v31, v2;
	v19 =	vld [tilespmem:s17+$0xD0]  }
0x104: {  	v9 =	vadd.s32 v12, v9;
	v12 =	vld [tilespmem:s17+$0xFFFFFED0]  }
0x105: {  	[tilespmem:v14+s10+$0x0] =	vst.idx.msk $0xffff, v13;
	v14 =	vld [tilespmem:$0x1FF30]  }
0x106: {  	v13 =	vadd.s32 v51, v7;
	[tilespmem:v15+s10+$0x0] =	vst.idx.msk $0xffff, v10;
	v15 =	vld [tilespmem:s17+$0xFFFFFFD0]  }
0x107: {  	v16 =	vadd.s32 v16, v4;
	v17 =	vld [tilespmem:s17+$0x50]  }
0x108: {  	[tilespmem:v21+s10+$0x0] =	vst.idx.msk $0xffff, v20;
	v18 =	vadd.s32 v18, v3;
	v20 =	vld [tilespmem:$0x1FEF0]  }
0x109: {  	v10 =	vld [tilespmem:s17+$0xFFFFFF50]  }
0x10a: {  	v14 =	vadd.s32 v14, v8;
	[tilespmem:v9+s10+$0x0] =	vst.idx.msk $0xffff, v11;
	v11 =	vld [tilespmem:$0x1FF00]  }
0x10b: {  	[tilespmem:v13+s10+$0x0] =	vst.idx.msk $0xffff, v12;
	v12 =	vld [tilespmem:s17+$0xFFFFFE50];
	v13 =	vadd.s32 v32, v2  }
0x10c: {  	v9 =	vld [tilespmem:s17+$0x150];
	[tilespmem:v16+s10+$0x0] =	vst.idx.msk $0xffff, v15  }
0x10d: {  	v15 =	vld [tilespmem:$0x1FEB0];
	v20 =	vadd.s32 v20, v6;
	[tilespmem:v18+s10+$0x0] =	vst.idx.msk $0xffff, v17  }
0x10e: {  	v34 =	vmov v26;
	v26 =	vadd.s32 v26, v3;
	v25 =	vld [tilespmem:s17+$0x60]  }
0x10f: {  	v11 =	vadd.s32 v11, v5;
	[tilespmem:v14+s10+$0x0] =	vst.idx.msk $0xffff, v10;
	v10 =	vld [tilespmem:s17+$0xFFFFFEE0]  }
0x110: {  	v14 =	vadd.s32 v48, v7;
	[tilespmem:v13+s10+$0x0] =	vst.idx.msk $0xffff, v12;
	v12 =	vld [tilespmem:$0x1FCD0]  }
0x111: {  	v21 =	vadd.s32 v55, v8;
	v16 =	vld [tilespmem:s17+$0xFFFFFF60]  }
0x112: {  	p0 =	slt.u32 s18, $0x38;
	v23 =	vld [tilespmem:s17+$0xFFFFFFE0];
	v24 =	vadd.s32 v15, v4;
	[tilespmem:v20+s10+$0x0] =	vst.idx.msk $0xffff, v19  }
.Ltmp4:
0x113: {  	s26 =	sadd.s32 $0x1, s18;
	s28 =	sadd.s32 $0x2, s18;
	v22 =	vadd.s32 v60, v7;
	v8 =	vadd.s32 v40, v8;
	v17 =	vld [tilespmem:s17+$0xFFFFFE60];
	[tilespmem:v26+s10+$0x0] =	vst.idx.msk $0xffff, v25;
	(pc) =	sbr.rel @p0 .LBB2_3-.Ltmp4, $4  }
0x114: {  	v18 =	vmov s26;
	v15 =	vadd.s32 v39, v5;
	v20 =	vmov s28;
	[tilespmem:v11+s10+$0x0] =	vst.idx.msk $0xffff, v9;
	v9 =	vld [tilespmem:s17+$0xE0]  }
0x115: {  	s20 =	sadd.s32 $0x3, s18;
	s30 =	sadd.s32 $0x5, s18;
	v19 =	vadd.s32 v36, v2;
	v11 =	vmov s18;
	v12 =	vadd.s32 v12, v6;
	[tilespmem:v14+s10+$0x0] =	vst.idx.msk $0xffff, v10;
	v13 =	vld [tilespmem:s17+$0x160]  }
0x116: {  	s29 =	sadd.s32 $0x4, s18;
	s31 =	sadd.s32 $0x6, s18;
	v14 =	vmov s20;
	v10 =	vmov s30;
	v11 =	vshrl.u32 v11, $0x3;
	[tilespmem:v21+s10+$0x0] =	vst.idx.msk $0xffff, v16;
	v21 =	vld [tilespmem:s17+$0xFFFFFEF0]  }
0x117: {  	s19 =	sadd.s32 $0x7, s18;
	v26 =	vmovc v34;
	s18 =	sadd.s32 $0x8, s18;
	v16 =	vmov s29;
	[tilespmem:v24+s10+$0x0] =	vst.idx.msk $0xffff, v23;
	v24 =	vmovc v40;
	v7 =	vshll.u32 v11, v1;
	v11 =	vmov s31;
	v23 =	vld [tilespmem:s17+$0xFFFFFF70]  }
0x118: {  	_ =	sdelay $0x3  }
0x119: {  	[tilespmem:v12+s10+$0x0] =	vst.idx.msk $0xffff, v9  }
0x11a: {  	v25 =	vld [tilespmem:$0x1FEC0];
	_ =	sdelay $0x3  }
0x11b: {  	[tilespmem:v15+s10+$0x0] =	vst.idx.msk $0xffff, v13  }
0x11c: {  	v4 =	vadd.s32 v25, v4;
	v25 =	vld [tilespmem:$0x1FDE0];
	[tilespmem:v19+s10+$0x0] =	vst.idx.msk $0xffff, v17  }
0x11d: {  	[tilespmem:v22+s10+$0x0] =	vst.idx.msk $0xffff, v21  }
0x11e: {  	v22 =	vld [tilespmem:$0x1FE00];
	_ =	sdelay $0x1  }
0x11f: {  	v12 =	vld [tilespmem:s17+$0xFFFFFFF0]  }
0x120: {  	v6 =	vadd.s32 v59, v6;
	v9 =	vmov s19;
	v17 =	vld [tilespmem:s17+$0xF0]  }
0x121: {  	v13 =	vshrl.u32 v20, $0x3;
	v9 =	vshrl.u32 v9, $0x3;
	v15 =	vld [tilespmem:s17+$0x70];
	v20 =	vadd.s32 v25, v3  }
0x122: {  	v19 =	vld [tilespmem:s17+$0x170];
	v3 =	vshll.u32 v9, v1;
	v21 =	vadd.s32 v22, v5  }
0x123: {  	[tilespmem:v8+s10+$0x0] =	vst.idx.msk $0xffff, v23;
	v8 =	vadd.s32 v42, v2;
	v9 =	vbroadcast v3, $0x0;
	v3 =	vbroadcast v7, $0x0;
	v7 =	vld [tilespmem:s17+$0xFFFFFE70]  }
0x124: {  	[tilespmem:v4+s10+$0x0] =	vst.idx.msk $0xffff, v12  }
0x125: {  	v18 =	vshrl.u32 v18, $0x3;
	s31 =	sadd.s32 $0x400, s17;
	v42 =	vshll.u32 v13, v1;
	[tilespmem:v6+s10+$0x0] =	vst.idx.msk $0xffff, v17  }
0x126: {  	v14 =	vshrl.u32 v14, $0x3;
	v12 =	vld [tilespmem:s31+$0x180];
	v4 =	vbroadcast v42, $0x0;
	v13 =	vadd.s32 v53, v9;
	[tilespmem:v20+s10+$0x0] =	vst.idx.msk $0xffff, v15  }
0x127: {  	v16 =	vshrl.u32 v16, $0x3;
	v42 =	vshll.u32 v14, v1;
	v59 =	vadd.s32 v27, v3;
	v15 =	vld [tilespmem:s31+$0xFFFFFE00];
	[tilespmem:v21+s10+$0x0] =	vst.idx.msk $0xffff, v19  }
0x128: {  	v6 =	vshll.u32 v16, v1;
	v16 =	vld [tilespmem:s31+$0xFFFFFF00];
	v5 =	vbroadcast v42, $0x0;
	v42 =	vadd.s32 v41, v4;
	[tilespmem:v8+s10+$0x0] =	vst.idx.msk $0xffff, v7  }
0x129: {  	v18 =	vshll.u32 v18, v1;
	v7 =	vld [tilespmem:$0x1FD60]  }
0x12a: {  	v2 =	vbroadcast v18, $0x0;
	v8 =	vshrl.u32 v11, $0x3  }
0x12b: {  	v8 =	vshll.u32 v8, v1;
	[tilespmem:v13+s10+$0x0] =	vst.idx.msk $0xffff, v12  }
0x12c: {  	v14 =	vld [tilespmem:s31+$0xFFFFFE80];
	v53 =	vadd.s32 v58, v2;
	v8 =	vbroadcast v8, $0x0;
	[tilespmem:v59+s10+$0x0] =	vst.idx.msk $0xffff, v15  }
0x12d: {  	v10 =	vshrl.u32 v10, $0x3;
	v6 =	vbroadcast v6, $0x0;
	v58 =	vld [tilespmem:$0x1FF60];
	[tilespmem:v42+s10+$0x0] =	vst.idx.msk $0xffff, v16  }
0x12e: {  	v41 =	vld [tilespmem:s31+$0x100];
	v42 =	vadd.s32 v50, v8;
	v21 =	vadd.s32 v7, v5;
	v7 =	vshll.u32 v10, v1  }
0x12f: {  	v20 =	vld [tilespmem:s31+$0xFFFFFF80];
	v7 =	vbroadcast v7, $0x0  }
0x130: {  	v11 =	vadd.s32 v47, v6;
	v10 =	vld [tilespmem:s31+$0x0]  }
0x131: {  	[tilespmem:v53+s10+$0x0] =	vst.idx.msk $0xffff, v14;
	v14 =	vld [tilespmem:s31+$0x80];
	v15 =	vadd.s32 v52, v7  }
0x132: {  	v12 =	vld [tilespmem:s31+$0x190];
	v13 =	vadd.s32 v58, v9  }
0x133: {  	[tilespmem:v42+s10+$0x0] =	vst.idx.msk $0xffff, v41  }
0x134: {  	[tilespmem:v21+s10+$0x0] =	vst.idx.msk $0xffff, v20  }
0x135: {  	[tilespmem:v11+s10+$0x0] =	vst.idx.msk $0xffff, v10  }
0x136: {  	[tilespmem:v15+s10+$0x0] =	vst.idx.msk $0xffff, v14  }
0x137: {  	v59 =	vadd.s32 v54, v2;
	v47 =	vld [tilespmem:s31+$0xFFFFFE90];
	[tilespmem:v13+s10+$0x0] =	vst.idx.msk $0xffff, v12  }
0x138: {  	v54 =	vmov v62;
	v13 =	vadd.s32 v62, v5;
	v62 =	vld [tilespmem:$0x1FDB0]  }
0x139: {  	v10 =	vld [tilespmem:s31+$0xFFFFFF10]  }
0x13a: {  	v11 =	vadd.s32 v49, v4;
	v16 =	vld [tilespmem:s31+$0x10]  }
0x13b: {  	v12 =	vld [tilespmem:s31+$0xFFFFFF90]  }
0x13c: {  	v53 =	vmovc v52;
	v52 =	vmov v50;
	v50 =	vmov v33;
	v33 =	vadd.s32 v33, v9;
	v14 =	vld [tilespmem:s31+$0x1A0];
	[tilespmem:v59+s10+$0x0] =	vst.idx.msk $0xffff, v47  }
0x13d: {  	v47 =	vld [tilespmem:$0x1FF70];
	v17 =	vadd.s32 v62, v6;
	_ =	sdelay $0x1  }
0x13e: {  	[tilespmem:v11+s10+$0x0] =	vst.idx.msk $0xffff, v10  }
0x13f: {  	v41 =	vld [tilespmem:$0x1FF50];
	[tilespmem:v13+s10+$0x0] =	vst.idx.msk $0xffff, v12  }
0x140: {  	[tilespmem:v33+s10+$0x0] =	vst.idx.msk $0xffff, v14  }
0x141: {  	v49 =	vld [tilespmem:s31+$0x90];
	v59 =	vadd.s32 v47, v7;
	[tilespmem:v17+s10+$0x0] =	vst.idx.msk $0xffff, v16  }
0x142: {  	v21 =	vld [tilespmem:$0x1FE20]  }
0x143: {  	v12 =	vld [tilespmem:s31+$0xFFFFFE10];
	v13 =	vadd.s32 v28, v3  }
0x144: {  	v10 =	vld [tilespmem:s31+$0x110];
	v11 =	vadd.s32 v41, v8  }
0x145: {  	v42 =	vadd.s32 v56, v2;
	v33 =	vld [tilespmem:s31+$0xFFFFFEA0]  }
0x146: {  	v18 =	vld [tilespmem:s31+$0xFFFFFF20];
	[tilespmem:v59+s10+$0x0] =	vst.idx.msk $0xffff, v49;
	v49 =	vadd.s32 v57, v4  }
0x147: {  	v16 =	vld [tilespmem:s31+$0x1B0];
	v17 =	vadd.s32 v21, v9  }
0x148: {  	[tilespmem:v13+s10+$0x0] =	vst.idx.msk $0xffff, v12  }
0x149: {  	[tilespmem:v11+s10+$0x0] =	vst.idx.msk $0xffff, v10  }
0x14a: {  	v20 =	vld [tilespmem:$0x1FDC0];
	[tilespmem:v42+s10+$0x0] =	vst.idx.msk $0xffff, v33  }
0x14b: {  	[tilespmem:v49+s10+$0x0] =	vst.idx.msk $0xffff, v18  }
0x14c: {  	[tilespmem:v17+s10+$0x0] =	vst.idx.msk $0xffff, v16  }
0x14d: {  	v23 =	vld [tilespmem:$0x1FE30]  }
0x14e: {  	v10 =	vld [tilespmem:s31+$0xFFFFFFA0];
	v11 =	vadd.s32 v38, v5  }
0x14f: {  	v56 =	vmov v38;
	v12 =	vld [tilespmem:s31+$0x20];
	v38 =	vadd.s32 v20, v6  }
0x150: {  	v42 =	vld [tilespmem:s31+$0xA0];
	v33 =	vadd.s32 v63, v7  }
0x151: {  	v57 =	vmov v35;
	v35 =	vadd.s32 v35, v8;
	v16 =	vld [tilespmem:s31+$0x120]  }
0x152: {  	v18 =	vld [tilespmem:s31+$0x1C0];
	v49 =	vadd.s32 v23, v9  }
0x153: {  	[tilespmem:v11+s10+$0x0] =	vst.idx.msk $0xffff, v10;
	v10 =	vld [tilespmem:s31+$0xFFFFFE20];
	v11 =	vadd.s32 v29, v3  }
0x154: {  	v59 =	vadd.s32 v45, v2;
	[tilespmem:v38+s10+$0x0] =	vst.idx.msk $0xffff, v12;
	v12 =	vld [tilespmem:s31+$0xFFFFFEB0]  }
0x155: {  	[tilespmem:v33+s10+$0x0] =	vst.idx.msk $0xffff, v42;
	v42 =	vld [tilespmem:s31+$0xFFFFFF30];
	v33 =	vadd.s32 v46, v4  }
0x156: {  	[tilespmem:v35+s10+$0x0] =	vst.idx.msk $0xffff, v16  }
0x157: {  	[tilespmem:v49+s10+$0x0] =	vst.idx.msk $0xffff, v18  }
0x158: {  	v49 =	vld [tilespmem:$0x1FDD0];
	[tilespmem:v11+s10+$0x0] =	vst.idx.msk $0xffff, v10  }
0x159: {  	[tilespmem:v59+s10+$0x0] =	vst.idx.msk $0xffff, v12  }
0x15a: {  	v13 =	vld [tilespmem:$0x1FED0];
	[tilespmem:v33+s10+$0x0] =	vst.idx.msk $0xffff, v42  }
0x15b: {  	v35 =	vadd.s32 v43, v5;
	v43 =	vld [tilespmem:$0x1FCF0]  }
0x15c: {  	v16 =	vld [tilespmem:s31+$0xFFFFFFB0]  }
0x15d: {  	v38 =	vmov v45;
	v45 =	vld [tilespmem:s31+$0x30];
	v46 =	vadd.s32 v49, v6  }
0x15e: {  	v10 =	vld [tilespmem:s31+$0x1D0];
	v11 =	vadd.s32 v37, v9  }
0x15f: {  	v59 =	vld [tilespmem:s31+$0xB0];
	v13 =	vadd.s32 v13, v7  }
0x160: {  	v14 =	vld [tilespmem:s31+$0x130];
	v33 =	vadd.s32 v43, v8  }
0x161: {  	[tilespmem:v35+s10+$0x0] =	vst.idx.msk $0xffff, v16;
	v16 =	vld [tilespmem:s31+$0xFFFFFE30];
	v35 =	vadd.s32 v30, v3  }
0x162: {  	[tilespmem:v46+s10+$0x0] =	vst.idx.msk $0xffff, v45  }
0x163: {  	v19 =	vld [tilespmem:$0x1FE60];
	[tilespmem:v11+s10+$0x0] =	vst.idx.msk $0xffff, v10  }
0x164: {  	v11 =	vld [tilespmem:$0x1FE70];
	[tilespmem:v13+s10+$0x0] =	vst.idx.msk $0xffff, v59  }
0x165: {  	[tilespmem:v33+s10+$0x0] =	vst.idx.msk $0xffff, v14  }
0x166: {  	v15 =	vld [tilespmem:$0x1FE90];
	[tilespmem:v35+s10+$0x0] =	vst.idx.msk $0xffff, v16  }
0x167: {  	v17 =	vld [tilespmem:$0x1FEE0]  }
0x168: {  	v42 =	vld [tilespmem:s31+$0xFFFFFEC0];
	v19 =	vadd.s32 v19, v2  }
0x169: {  	v46 =	vadd.s32 v0, v9;
	v45 =	vld [tilespmem:s31+$0x1E0]  }
0x16a: {  	v10 =	vld [tilespmem:s31+$0xFFFFFF40];
	v11 =	vadd.s32 v11, v4  }
0x16b: {  	v33 =	vld [tilespmem:s31+$0xFFFFFFC0];
	v15 =	vadd.s32 v15, v5  }
0x16c: {  	v35 =	vld [tilespmem:s31+$0x40];
	v17 =	vadd.s32 v17, v6  }
0x16d: {  	v18 =	vld [tilespmem:s31+$0xC0];
	[tilespmem:v19+s10+$0x0] =	vst.idx.msk $0xffff, v42;
	v19 =	vadd.s32 v61, v7  }
0x16e: {  	[tilespmem:v46+s10+$0x0] =	vst.idx.msk $0xffff, v45  }
0x16f: {  	[tilespmem:v11+s10+$0x0] =	vst.idx.msk $0xffff, v10  }
0x170: {  	[tilespmem:v15+s10+$0x0] =	vst.idx.msk $0xffff, v33  }
0x171: {  	v42 =	vld [tilespmem:$0x1FCA0];
	[tilespmem:v17+s10+$0x0] =	vst.idx.msk $0xffff, v35  }
0x172: {  	v10 =	vld [tilespmem:s31+$0x140];
	v11 =	vadd.s32 v44, v8;
	[tilespmem:v19+s10+$0x0] =	vst.idx.msk $0xffff, v18  }
0x173: {  	v59 =	vmov v0;
	v0 =	vld [tilespmem:$0x1FF30];
	_ =	sdelay $0x3  }
0x174: {  	v12 =	vld [tilespmem:s31+$0xFFFFFE40];
	v45 =	vadd.s32 v31, v3;
	[tilespmem:v11+s10+$0x0] =	vst.idx.msk $0xffff, v10  }
0x175: {  	v18 =	vadd.s32 v0, v4;
	v0 =	vld [tilespmem:$0x1FF10];
	_ =	sdelay $0x3  }
0x176: {  	v46 =	vld [tilespmem:s31+$0x1F0];
	v9 =	vadd.s32 v42, v9;
	[tilespmem:v45+s10+$0x0] =	vst.idx.msk $0xffff, v12  }
0x177: {  	v11 =	vadd.s32 v0, v5;
	v0 =	vld [tilespmem:$0x1FCC0];
	_ =	sdelay $0x2  }
0x178: {  	v33 =	vld [tilespmem:s31+$0xFFFFFED0];
	v35 =	vadd.s32 v51, v2  }
0x179: {  	[tilespmem:v9+s10+$0x0] =	vst.idx.msk $0xffff, v46  }
0x17a: {  	v45 =	vadd.s32 v0, v6;
	v0 =	vld [tilespmem:$0x1FEF0]  }
0x17b: {  	v17 =	vld [tilespmem:s31+$0xFFFFFF50]  }
0x17c: {  	v10 =	vld [tilespmem:s31+$0xFFFFFFD0]  }
0x17d: {  	v12 =	vld [tilespmem:s31+$0x50];
	[tilespmem:v35+s10+$0x0] =	vst.idx.msk $0xffff, v33  }
0x17e: {  	v46 =	vld [tilespmem:$0x1FF00]  }
0x17f: {  	v9 =	vld [tilespmem:s31+$0xD0];
	v14 =	vadd.s32 v0, v7;
	_ =	sdelay $0x1  }
0x180: {  	[tilespmem:v18+s10+$0x0] =	vst.idx.msk $0xffff, v17  }
0x181: {  	[tilespmem:v11+s10+$0x0] =	vst.idx.msk $0xffff, v10  }
0x182: {  	v15 =	vld [tilespmem:s31+$0x150];
	[tilespmem:v45+s10+$0x0] =	vst.idx.msk $0xffff, v12;
	v51 =	vadd.s32 v46, v8  }
0x183: {  	v33 =	vld [tilespmem:s31+$0xFFFFFE50];
	v35 =	vadd.s32 v32, v3;
	[tilespmem:v14+s10+$0x0] =	vst.idx.msk $0xffff, v9  }
0x184: {  	v0 =	vld [tilespmem:$0x1FEB0];
	_ =	sdelay $0x2  }
0x185: {  	[tilespmem:v51+s10+$0x0] =	vst.idx.msk $0xffff, v15  }
0x186: {  	[tilespmem:v35+s10+$0x0] =	vst.idx.msk $0xffff, v33  }
0x187: {  	v14 =	vadd.s32 v0, v5;
	v0 =	vld [tilespmem:$0x1FCD0]  }
0x188: {  	v10 =	vld [tilespmem:s31+$0xFFFFFEE0];
	v11 =	vadd.s32 v48, v2  }
0x189: {  	v45 =	vld [tilespmem:s31+$0xFFFFFF60];
	v46 =	vadd.s32 v55, v4  }
0x18a: {  	v9 =	vld [tilespmem:s31+$0xFFFFFFE0]  }
0x18b: {  	v55 =	vadd.s32 v26, v6;
	v51 =	vld [tilespmem:s31+$0x60]  }
0x18c: {  	v33 =	vld [tilespmem:s31+$0xE0];
	v35 =	vadd.s32 v0, v7  }
0x18d: {  	[tilespmem:v11+s10+$0x0] =	vst.idx.msk $0xffff, v10;
	v10 =	vld [tilespmem:s31+$0x160];
	v11 =	vadd.s32 v39, v8  }
0x18e: {  	[tilespmem:v46+s10+$0x0] =	vst.idx.msk $0xffff, v45;
	v45 =	vld [tilespmem:s31+$0xFFFFFE60];
	v46 =	vadd.s32 v36, v3  }
0x18f: {  	v2 =	vadd.s32 v60, v2;
	[tilespmem:v14+s10+$0x0] =	vst.idx.msk $0xffff, v9;
	v9 =	vld [tilespmem:s31+$0xFFFFFEF0]  }
0x190: {  	v4 =	vadd.s32 v24, v4;
	[tilespmem:v55+s10+$0x0] =	vst.idx.msk $0xffff, v51;
	v51 =	vld [tilespmem:s31+$0xFFFFFF70]  }
0x191: {  	[tilespmem:v35+s10+$0x0] =	vst.idx.msk $0xffff, v33  }
0x192: {  	v16 =	vld [tilespmem:$0x1FEC0];
	[tilespmem:v11+s10+$0x0] =	vst.idx.msk $0xffff, v10  }
0x193: {  	[tilespmem:v46+s10+$0x0] =	vst.idx.msk $0xffff, v45  }
0x194: {  	v33 =	vld [tilespmem:$0x1FCE0];
	[tilespmem:v2+s10+$0x0] =	vst.idx.msk $0xffff, v9  }
0x195: {  	[tilespmem:v4+s10+$0x0] =	vst.idx.msk $0xffff, v51  }
0x196: {  	v9 =	vld [tilespmem:$0x1FCB0]  }
0x197: {  	v6 =	vadd.s32 v25, v6;
	v10 =	vld [tilespmem:s31+$0x70]  }
0x198: {  	v8 =	vadd.s32 v22, v8;
	v2 =	vld [tilespmem:s31+$0x170]  }
0x199: {  	v55 =	vld [tilespmem:s31+$0xFFFFFFF0];
	v5 =	vadd.s32 v16, v5  }
0x19a: {  	v11 =	vld [tilespmem:s31+$0xF0];
	v7 =	vadd.s32 v33, v7  }
0x19b: {  	v60 =	vld [tilespmem:s31+$0xFFFFFE70];
	v3 =	vadd.s32 v9, v3  }
0x19c: {  	p0 =	sgt.u32 s16, $0x1E84;
	[tilespmem:v6+s10+$0x0] =	vst.idx.msk $0xffff, v10  }
.Ltmp5:
0x19d: {  	[tilespmem:v8+s10+$0x0] =	vst.idx.msk $0xffff, v2;
	(pc) =	sbr.rel @p0 .LBB2_8-.Ltmp5, $4  }
0x19e: {  	[tilespmem:v5+s10+$0x0] =	vst.idx.msk $0xffff, v55  }
0x19f: {  	v25 =	vmovc v42;
	v42 =	vmov v48;
	v24 =	vmov v20;
	v48 =	vmov v21;
	[tilespmem:v7+s10+$0x0] =	vst.idx.msk $0xffff, v11  }
0x1a0: {  	v22 =	vmovc v44;
	v36 =	vmovc v41;
	v41 =	vmov v37;
	v35 =	vmov v52;
	v46 =	vmov v63;
	[tilespmem:v3+s10+$0x0] =	vst.idx.msk $0xffff, v60  }
0x1a1: {  	v63 =	vmovc v0;
	v0 =	vmovc v23;
	v8 =	vmov v58;
	v55 =	vmov v50;
	v60 =	vmov v57;
	v57 =	vld [tilespmem:$0x1FE10]  }
0x1a2: {  	s17 =	sshll.u32 s16, $0xA  }
0x1a3: {  	s19 =	simm.s32 $0x4000;
	s18 =	sadd.s32 s4, s17  }
0x1a4: {  	s20 =	simm.s32 $0x8;
	s21 =	simm.s32 $0x4048;
	s22 =	sadd.s32 $0x0, s18  }
.LBB2_6:
0x1a5: {  	[hbm4b:s22+s2] =	stream.linear.scatter [tilespmem:s19], [sflag:$0x3], $0x40, $0x38;
	[tilespmem:$0x8800] =	vst v63  }
0x1a6: {  	s22 =	smov.u32 s20;
	s19 =	smov.u32 s21;
	p0 =	sne.s32 s20, $0x3F8  }
.Ltmp6:
0x1a7: {  	s20 =	sadd.s32 $0x8, s20;
	(pc) =	sbr.rel @p0 .LBB2_6-.Ltmp6, $2  }
0x1a8: {  	_ =	sdelay $0x2  }
0x1a9: {  	s21 =	sadd.s32 $0x48, s21;
	s22 =	sadd.s32 s22, s18  }
0x1aa: {  	[hbm4b:s22+s2] =	stream.linear.scatter [tilespmem:s19], [sflag:$0x3], $0x40, $0x38;
	[tilespmem:$0x8800] =	vst v63  }
0x1ab: {  	p0 =	sgt.u32 s16, $0x1E44  }
0x1ac: {  	s17 =	sadd.s32 @!p0 s17, s7;
	s18 =	simm.s32 @!p0 $0x0  }
0x1ad: {  	[tilespmem:s18], [sflag:$0x1] =	stream.linear.gather @!p0 [hbm4b:s17+s18], $0x2000, $0x38;
	[tilespmem:$0x8800] =	vst v63  }
.LBB2_8:
0x1ae: {  	s16 =	sor.u32 $0x20, s16  }
0x1af: {  	p0 =	sgt.u32 s16, $0x1E84  }
0x1b0: {  	s17 =	simm.s32 @!p0 $0x2  }
0x1b1: {  	s18 =	simm.s32 $0x0;
	s31 =	simm.s32 $0x1;
	_ =	swait.ge @!p0 [sflag:s17], $0x2000  }
0x1b2: {  	s19 =	simm.s32 $0x2;
	v3 =	vmov s31;
	p1 =	por !p1, p0;
	[sflag:s17] =	ssyncset.done @!p0 $0x0  }
0x1b3: {  	s21 =	simm.s32 $0x7;
	v2 =	vmov s18;
	v4 =	vmov s19;
	v3 =	vshrl.u32 v3, $0x3;
	[sflag:s17] =	ssyncadd.s32 @!p0 $0xFFFFE000;
	s17 =	simm.s32 @!p1 $0x4  }
0x1b4: {  	v7 =	vmov s21;
	v4 =	vshrl.u32 v4, $0x3;
	v3 =	vshll.u32 v3, v1;
	_ =	swait.ge @!p1 [sflag:s17], $0x2000  }
0x1b5: {  	s20 =	simm.s32 $0x3;
	v7 =	vshrl.u32 v7, $0x3;
	v23 =	vbroadcast v3, $0x0;
	v3 =	vshll.u32 v4, v1;
	v4 =	vld [tilespmem:$0x1FD20]  }
0x1b6: {  	v5 =	vmov s20;
	s20 =	simm.s32 $0x4;
	v2 =	vshrl.u32 v2, $0x3;
	v7 =	vshll.u32 v7, v1  }
0x1b7: {  	v6 =	vmov s20;
	v5 =	vshrl.u32 v5, $0x3;
	v9 =	vbroadcast v7, $0x0;
	[sflag:s17] =	ssyncset.done @!p1 $0x0  }
0x1b8: {  	v2 =	vshll.u32 v2, v1;
	v51 =	vbroadcast v3, $0x0;
	v3 =	vshll.u32 v5, v1;
	v5 =	vld [tilespmem:$0x1FD30];
	[sflag:s17] =	ssyncadd.s32 @!p1 $0xFFFFE000;
	s17 =	simm.s32 $0x2200  }
0x1b9: {  	v6 =	vshrl.u32 v6, $0x3;
	v2 =	vbroadcast v2, $0x0;
	v12 =	vadd.s32 v57, v9;
	v7 =	vld [tilespmem:s17+$0x180]  }
0x1ba: {  	v16 =	vadd.s32 v4, v23;
	v4 =	vbroadcast v3, $0x0;
	v3 =	vshll.u32 v6, v1;
	v6 =	vld [tilespmem:$0x1FD60]  }
0x1bb: {  	v14 =	vadd.s32 v27, v2;
	v13 =	vld [tilespmem:s17+$0xFFFFFE00]  }
0x1bc: {  	v15 =	vld [tilespmem:s17+$0xFFFFFE80]  }
0x1bd: {  	v17 =	vld [tilespmem:s17+$0xFFFFFF00];
	v18 =	vadd.s32 v5, v51;
	_ =	sdelay $0x1  }
0x1be: {  	s22 =	simm.s32 $0x5;
	v19 =	vadd.s32 v6, v4;
	v6 =	vld [tilespmem:$0x1FDA0];
	[tilespmem:v12+s11+$0x0] =	vst.idx.msk $0xffff, v7  }
0x1bf: {  	v10 =	vmov s22;
	[tilespmem:v14+s11+$0x0] =	vst.idx.msk $0xffff, v13  }
0x1c0: {  	v5 =	vshrl.u32 v10, $0x3;
	v10 =	vld [tilespmem:s17+$0xFFFFFF80];
	[tilespmem:v16+s11+$0x0] =	vst.idx.msk $0xffff, v15  }
0x1c1: {  	[tilespmem:v18+s11+$0x0] =	vst.idx.msk $0xffff, v17  }
0x1c2: {  	v52 =	vld [tilespmem:$0x1FE80]  }
0x1c3: {  	s23 =	simm.s32 $0x6;
	v3 =	vbroadcast v3, $0x0  }
0x1c4: {  	v11 =	vmov s23;
	v20 =	vld [tilespmem:s17+$0x0]  }
0x1c5: {  	v11 =	vshrl.u32 v11, $0x3;
	v5 =	vshll.u32 v5, v1;
	v7 =	vld [tilespmem:s17+$0x190];
	v21 =	vadd.s32 v6, v3;
	[tilespmem:v19+s11+$0x0] =	vst.idx.msk $0xffff, v10  }
0x1c6: {  	v6 =	vbroadcast v5, $0x0;
	v5 =	vshll.u32 v11, v1;
	v11 =	vadd.s32 v8, v9;
	v44 =	vld [tilespmem:$0x1FD40]  }
0x1c7: {  	v16 =	vld [tilespmem:s17+$0xFFFFFE90];
	v5 =	vbroadcast v5, $0x0;
	v17 =	vadd.s32 v52, v23  }
0x1c8: {  	v12 =	vld [tilespmem:s17+$0x80];
	v13 =	vadd.s32 v53, v6  }
0x1c9: {  	v14 =	vld [tilespmem:s17+$0x100];
	v15 =	vadd.s32 v35, v5  }
0x1ca: {  	v19 =	vld [tilespmem:s17+$0xFFFFFF90];
	[tilespmem:v21+s11+$0x0] =	vst.idx.msk $0xffff, v20;
	v20 =	vadd.s32 v54, v4  }
0x1cb: {  	v10 =	vld [tilespmem:s17+$0xFFFFFF10];
	[tilespmem:v11+s11+$0x0] =	vst.idx.msk $0xffff, v7;
	v18 =	vadd.s32 v44, v51  }
0x1cc: {  	v11 =	vadd.s32 v55, v9;
	v7 =	vld [tilespmem:s17+$0x1A0];
	[tilespmem:v17+s11+$0x0] =	vst.idx.msk $0xffff, v16  }
0x1cd: {  	[tilespmem:v13+s11+$0x0] =	vst.idx.msk $0xffff, v12;
	v12 =	vld [tilespmem:s17+$0x10];
	v13 =	vadd.s32 v62, v3  }
0x1ce: {  	[tilespmem:v15+s11+$0x0] =	vst.idx.msk $0xffff, v14  }
0x1cf: {  	v14 =	vld [tilespmem:s17+$0x90];
	[tilespmem:v20+s11+$0x0] =	vst.idx.msk $0xffff, v19  }
0x1d0: {  	v15 =	vadd.s32 v47, v6;
	[tilespmem:v18+s11+$0x0] =	vst.idx.msk $0xffff, v10;
	v10 =	vld [tilespmem:s17+$0x110]  }
0x1d1: {  	v16 =	vadd.s32 v36, v5;
	v37 =	vld [tilespmem:$0x1FF40];
	[tilespmem:v11+s11+$0x0] =	vst.idx.msk $0xffff, v7  }
0x1d2: {  	v17 =	vld [tilespmem:s17+$0xFFFFFE10];
	[tilespmem:v13+s11+$0x0] =	vst.idx.msk $0xffff, v12  }
0x1d3: {  	v18 =	vadd.s32 v28, v2;
	v45 =	vld [tilespmem:$0x1FD50]  }
0x1d4: {  	v11 =	vadd.s32 v48, v9;
	v7 =	vld [tilespmem:s17+$0x1B0]  }
0x1d5: {  	[tilespmem:v15+s11+$0x0] =	vst.idx.msk $0xffff, v14;
	v14 =	vld [tilespmem:s17+$0xFFFFFFA0];
	v15 =	vadd.s32 v56, v4  }
0x1d6: {  	[tilespmem:v16+s11+$0x0] =	vst.idx.msk $0xffff, v10;
	v10 =	vld [tilespmem:s17+$0x20];
	v16 =	vadd.s32 v24, v3  }
0x1d7: {  	v19 =	vld [tilespmem:s17+$0xFFFFFEA0];
	v20 =	vadd.s32 v37, v23  }
0x1d8: {  	v12 =	vld [tilespmem:s17+$0xFFFFFF20];
	[tilespmem:v18+s11+$0x0] =	vst.idx.msk $0xffff, v17;
	v13 =	vadd.s32 v45, v51  }
0x1d9: {  	v17 =	vld [tilespmem:s17+$0xA0];
	v18 =	vadd.s32 v46, v6;
	[tilespmem:v11+s11+$0x0] =	vst.idx.msk $0xffff, v7  }
0x1da: {  	[tilespmem:v15+s11+$0x0] =	vst.idx.msk $0xffff, v14  }
0x1db: {  	[tilespmem:v16+s11+$0x0] =	vst.idx.msk $0xffff, v10  }
0x1dc: {  	[tilespmem:v20+s11+$0x0] =	vst.idx.msk $0xffff, v19  }
0x1dd: {  	v7 =	vld [tilespmem:s17+$0x1C0];
	[tilespmem:v13+s11+$0x0] =	vst.idx.msk $0xffff, v12  }
0x1de: {  	v58 =	vmov v46;
	v46 =	vld [tilespmem:$0x1FE50];
	[tilespmem:v18+s11+$0x0] =	vst.idx.msk $0xffff, v17  }
0x1df: {  	v11 =	vadd.s32 v0, v9;
	v54 =	vld [tilespmem:$0x1FD90]  }
0x1e0: {  	v19 =	vld [tilespmem:s17+$0x120];
	v20 =	vadd.s32 v60, v5  }
0x1e1: {  	v12 =	vld [tilespmem:s17+$0xFFFFFE20];
	v13 =	vadd.s32 v29, v2  }
0x1e2: {  	v15 =	vadd.s32 v38, v23;
	v14 =	vld [tilespmem:s17+$0xFFFFFEB0]  }
0x1e3: {  	v10 =	vld [tilespmem:s17+$0xFFFFFF30];
	v16 =	vadd.s32 v46, v51  }
0x1e4: {  	v17 =	vld [tilespmem:s17+$0xFFFFFFB0];
	[tilespmem:v11+s11+$0x0] =	vst.idx.msk $0xffff, v7;
	v18 =	vadd.s32 v54, v4  }
0x1e5: {  	[tilespmem:v20+s11+$0x0] =	vst.idx.msk $0xffff, v19  }
0x1e6: {  	[tilespmem:v13+s11+$0x0] =	vst.idx.msk $0xffff, v12  }
0x1e7: {  	[tilespmem:v15+s11+$0x0] =	vst.idx.msk $0xffff, v14  }
0x1e8: {  	v50 =	vmov v53;
	v53 =	vmov v56;
	v56 =	vmov v8;
	v8 =	vld [tilespmem:$0x1FED0];
	[tilespmem:v16+s11+$0x0] =	vst.idx.msk $0xffff, v10  }
0x1e9: {  	v19 =	vld [tilespmem:s17+$0x30];
	v20 =	vadd.s32 v49, v3;
	[tilespmem:v18+s11+$0x0] =	vst.idx.msk $0xffff, v17  }
0x1ea: {  	v0 =	vld [tilespmem:$0x1FE60];
	_ =	sdelay $0x2  }
0x1eb: {  	v11 =	vadd.s32 v41, v9;
	v7 =	vld [tilespmem:s17+$0x1D0]  }
0x1ec: {  	v12 =	vld [tilespmem:s17+$0xB0];
	v13 =	vadd.s32 v8, v6;
	[tilespmem:v20+s11+$0x0] =	vst.idx.msk $0xffff, v19  }
0x1ed: {  	v18 =	vadd.s32 v0, v23;
	v0 =	vld [tilespmem:$0x1FE70];
	_ =	sdelay $0x2  }
0x1ee: {  	v14 =	vadd.s32 v43, v5;
	v10 =	vld [tilespmem:s17+$0x130];
	[tilespmem:v11+s11+$0x0] =	vst.idx.msk $0xffff, v7  }
0x1ef: {  	v15 =	vld [tilespmem:s17+$0xFFFFFE30];
	v16 =	vadd.s32 v30, v2;
	[tilespmem:v13+s11+$0x0] =	vst.idx.msk $0xffff, v12  }
0x1f0: {  	v20 =	vadd.s32 v0, v51;
	v0 =	vld [tilespmem:$0x1FE90]  }
0x1f1: {  	v17 =	vld [tilespmem:s17+$0xFFFFFEC0]  }
0x1f2: {  	v19 =	vld [tilespmem:s17+$0xFFFFFF40]  }
0x1f3: {  	v12 =	vld [tilespmem:s17+$0xFFFFFFC0];
	[tilespmem:v14+s11+$0x0] =	vst.idx.msk $0xffff, v10  }
0x1f4: {  	v11 =	vadd.s32 v59, v9;
	v7 =	vld [tilespmem:s17+$0x1E0];
	[tilespmem:v16+s11+$0x0] =	vst.idx.msk $0xffff, v15  }
0x1f5: {  	v13 =	vadd.s32 v0, v4;
	v0 =	vld [tilespmem:$0x1FEE0];
	_ =	sdelay $0x1  }
0x1f6: {  	[tilespmem:v18+s11+$0x0] =	vst.idx.msk $0xffff, v17  }
0x1f7: {  	[tilespmem:v20+s11+$0x0] =	vst.idx.msk $0xffff, v19  }
0x1f8: {  	[tilespmem:v11+s11+$0x0] =	vst.idx.msk $0xffff, v7  }
0x1f9: {  	v10 =	vld [tilespmem:s17+$0x40];
	v14 =	vadd.s32 v0, v3;
	[tilespmem:v13+s11+$0x0] =	vst.idx.msk $0xffff, v12  }
0x1fa: {  	v8 =	vld [tilespmem:$0x1FEA0];
	_ =	sdelay $0x3  }
0x1fb: {  	v15 =	vld [tilespmem:s17+$0xC0];
	v16 =	vadd.s32 v61, v6;
	[tilespmem:v14+s11+$0x0] =	vst.idx.msk $0xffff, v10  }
0x1fc: {  	v12 =	vadd.s32 v8, v23;
	v8 =	vld [tilespmem:$0x1FF30];
	_ =	sdelay $0x2  }
0x1fd: {  	v17 =	vld [tilespmem:s17+$0x140];
	v18 =	vadd.s32 v22, v5  }
0x1fe: {  	v19 =	vld [tilespmem:s17+$0xFFFFFE40];
	v20 =	vadd.s32 v31, v2;
	[tilespmem:v16+s11+$0x0] =	vst.idx.msk $0xffff, v15  }
0x1ff: {  	v13 =	vadd.s32 v8, v51;
	v8 =	vld [tilespmem:$0x1FF10];
	_ =	sdelay $0x2  }
0x200: {  	v9 =	vadd.s32 v25, v9;
	v7 =	vld [tilespmem:s17+$0x1F0];
	[tilespmem:v18+s11+$0x0] =	vst.idx.msk $0xffff, v17  }
0x201: {  	v11 =	vld [tilespmem:s17+$0xFFFFFED0];
	[tilespmem:v20+s11+$0x0] =	vst.idx.msk $0xffff, v19  }
0x202: {  	v15 =	vadd.s32 v8, v4;
	v8 =	vld [tilespmem:$0x1FEF0]  }
0x203: {  	v0 =	vld [tilespmem:$0x1FCC0];
	_ =	sdelay $0x1  }
0x204: {  	v10 =	vld [tilespmem:s17+$0xFFFFFF50];
	[tilespmem:v9+s11+$0x0] =	vst.idx.msk $0xffff, v7  }
0x205: {  	v14 =	vld [tilespmem:s17+$0xFFFFFFD0];
	[tilespmem:v12+s11+$0x0] =	vst.idx.msk $0xffff, v11  }
0x206: {  	v19 =	vadd.s32 v8, v6;
	v8 =	vld [tilespmem:$0x1FF00]  }
0x207: {  	v16 =	vld [tilespmem:s17+$0x50];
	v17 =	vadd.s32 v0, v3;
	_ =	sdelay $0x1  }
0x208: {  	v18 =	vld [tilespmem:s17+$0xD0];
	[tilespmem:v13+s11+$0x0] =	vst.idx.msk $0xffff, v10  }
0x209: {  	v7 =	vld [tilespmem:s17+$0x150];
	[tilespmem:v15+s11+$0x0] =	vst.idx.msk $0xffff, v14  }
0x20a: {  	v9 =	vadd.s32 v8, v5;
	v8 =	vld [tilespmem:$0x1FF20]  }
0x20b: {  	v11 =	vld [tilespmem:s17+$0xFFFFFE50];
	v12 =	vadd.s32 v32, v2;
	[tilespmem:v17+s11+$0x0] =	vst.idx.msk $0xffff, v16  }
0x20c: {  	v0 =	vld [tilespmem:$0x1FEB0]  }
0x20d: {  	v10 =	vld [tilespmem:s17+$0xFFFFFEE0]  }
0x20e: {  	v13 =	vadd.s32 v42, v23;
	v24 =	vld [tilespmem:s17+$0xFFFFFF60]  }
0x20f: {  	v21 =	vld [tilespmem:s17+$0xFFFFFFE0];
	v20 =	vadd.s32 v8, v51  }
0x210: {  	v59 =	vld [tilespmem:s17+$0x60];
	[tilespmem:v12+s11+$0x0] =	vst.idx.msk $0xffff, v11  }
0x211: {  	[tilespmem:v19+s11+$0x0] =	vst.idx.msk $0xffff, v18;
	v18 =	vld [tilespmem:s17+$0xFFFFFE60];
	v15 =	vadd.s32 v0, v4  }
0x212: {  	[tilespmem:v9+s11+$0x0] =	vst.idx.msk $0xffff, v7;
	v9 =	vld [tilespmem:s17+$0xE0]  }
0x213: {  	v25 =	vadd.s32 v26, v3;
	[tilespmem:v13+s11+$0x0] =	vst.idx.msk $0xffff, v10;
	v14 =	vld [tilespmem:s17+$0x160]  }
0x214: {  	s24 =	simm.s32 $0x8;
	v10 =	vld [tilespmem:$0x1FD00];
	[tilespmem:v20+s11+$0x0] =	vst.idx.msk $0xffff, v24  }
0x215: {  	v7 =	vmov s24;
	v24 =	vld [tilespmem:$0x1FF80]  }
0x216: {  	v7 =	vshrl.u32 v7, $0x3;
	[tilespmem:v15+s11+$0x0] =	vst.idx.msk $0xffff, v21;
	v21 =	vld [tilespmem:s17+$0xFFFFFEF0]  }
0x217: {  	v15 =	vshll.u32 v7, v1;
	v7 =	vld [tilespmem:s17+$0xFFFFFF70]  }
0x218: {  	v8 =	vld [tilespmem:$0x1FE40];
	[tilespmem:v25+s11+$0x0] =	vst.idx.msk $0xffff, v59  }
0x219: {  	v39 =	vmov v35;
	v35 =	vld [tilespmem:$0x1FD20]  }
0x21a: {  	v43 =	vld [tilespmem:$0x1FD30]  }
0x21b: {  	v12 =	vadd.s32 v63, v6;
	v63 =	vmov v36;
	v36 =	vmov v52;
	v52 =	vld [tilespmem:$0x1FD70]  }
0x21c: {  	v49 =	vmov v47;
	v47 =	vld [tilespmem:$0x1FEC0]  }
0x21d: {  	v59 =	vld [tilespmem:$0x1FDA0]  }
0x21e: {  	v61 =	vld [tilespmem:$0x1FDC0]  }
0x21f: {  	s26 =	simm.s32 $0xA;
	v0 =	vmov v60;
	v60 =	vmov v62;
	v62 =	vld [tilespmem:$0x1FDD0]  }
0x220: {  	s25 =	simm.s32 $0x9;
	s28 =	simm.s32 $0xB;
	s29 =	simm.s32 $0xC;
	v41 =	vmov v39;
	v22 =	vmov s26;
	v39 =	vld [tilespmem:$0x1FDE0]  }
0x221: {  	v42 =	vmovc v55;
	v16 =	vmov s29;
	v19 =	vmov s25;
	v13 =	vmov s28;
	v55 =	vld [tilespmem:$0x1FE00]  }
0x222: {  	s30 =	simm.s32 $0xD;
	s31 =	simm.s32 $0xE;
	v17 =	vadd.s32 v10, v5;
	v23 =	vadd.s32 v8, v23;
	v8 =	vadd.s32 v40, v51;
	v40 =	vld [tilespmem:$0x1FCB0]  }
0x223: {  	s19 =	simm.s32 $0xF;
	s18 =	simm.s32 $0x10;
	v11 =	vmov s31;
	v10 =	vmov s30;
	v20 =	vadd.s32 v24, v2;
	v51 =	vld [tilespmem:$0x1FD60]  }
.LBB2_9:
0x224: {  	_ =	sdelay $0x1  }
0x225: {  	v19 =	vshrl.u32 v19, $0x3;
	v24 =	vmov s19;
	v25 =	vld [tilespmem:s17+$0xFFFFFFF0];
	v4 =	vadd.s32 v47, v4;
	[tilespmem:v12+s11+$0x0] =	vst.idx.msk $0xffff, v9  }
0x226: {  	v3 =	vadd.s32 v39, v3;
	v12 =	vshrl.u32 v22, $0x3;
	v9 =	vshrl.u32 v24, $0x3;
	v22 =	vld [tilespmem:s17+$0x70];
	[tilespmem:v17+s11+$0x0] =	vst.idx.msk $0xffff, v14  }
0x227: {  	v13 =	vshrl.u32 v13, $0x3;
	[tilespmem:v20+s11+$0x0] =	vst.idx.msk $0xffff, v18;
	v6 =	vadd.s32 v33, v6;
	v9 =	vshll.u32 v9, v1;
	v14 =	vld [tilespmem:s17+$0xF0]  }
0x228: {  	v16 =	vshrl.u32 v16, $0x3;
	v5 =	vadd.s32 v55, v5;
	[tilespmem:v23+s11+$0x0] =	vst.idx.msk $0xffff, v21;
	v17 =	vld [tilespmem:s17+$0x170];
	v9 =	vbroadcast v9, $0x0  }
0x229: {  	v18 =	vshll.u32 v19, v1;
	v20 =	vadd.s32 v40, v2;
	v2 =	vbroadcast v15, $0x0;
	[tilespmem:v8+s11+$0x0] =	vst.idx.msk $0xffff, v7;
	v19 =	vld [tilespmem:s17+$0xFFFFFE70];
	s17 =	sadd.s32 $0x400, s17  }
0x22a: {  	v7 =	vbroadcast v18, $0x0;
	v8 =	vshll.u32 v12, v1;
	[tilespmem:v4+s11+$0x0] =	vst.idx.msk $0xffff, v25;
	v12 =	vld [tilespmem:s17+$0x180];
	v15 =	vadd.s32 v57, v9  }
0x22b: {  	v4 =	vshll.u32 v13, v1;
	v18 =	vld [tilespmem:s17+$0xFFFFFE00];
	v21 =	vadd.s32 v27, v2;
	v8 =	vbroadcast v8, $0x0;
	[tilespmem:v3+s11+$0x0] =	vst.idx.msk $0xffff, v22  }
0x22c: {  	v13 =	vld [tilespmem:s17+$0xFFFFFE80];
	v4 =	vbroadcast v4, $0x0;
	v22 =	vadd.s32 v35, v7;
	v3 =	vshll.u32 v16, v1;
	[tilespmem:v6+s11+$0x0] =	vst.idx.msk $0xffff, v14  }
0x22d: {  	v16 =	vadd.s32 v43, v8;
	v14 =	vld [tilespmem:s17+$0xFFFFFF00];
	v3 =	vbroadcast v3, $0x0;
	v6 =	vshrl.u32 v10, $0x3;
	[tilespmem:v5+s11+$0x0] =	vst.idx.msk $0xffff, v17  }
0x22e: {  	v11 =	vshrl.u32 v11, $0x3;
	v10 =	vld [tilespmem:s17+$0xFFFFFF80];
	v17 =	vadd.s32 v51, v4;
	[tilespmem:v20+s11+$0x0] =	vst.idx.msk $0xffff, v19;
	v5 =	vshll.u32 v6, v1  }
0x22f: {  	v19 =	vld [tilespmem:s17+$0x0];
	v20 =	vadd.s32 v59, v3;
	v6 =	vbroadcast v5, $0x0;
	v5 =	vshll.u32 v11, v1;
	[tilespmem:v15+s11+$0x0] =	vst.idx.msk $0xffff, v12  }
0x230: {  	[tilespmem:v21+s11+$0x0] =	vst.idx.msk $0xffff, v18;
	v5 =	vbroadcast v5, $0x0;
	v12 =	vadd.s32 v56, v9;
	v11 =	vld [tilespmem:s17+$0x190]  }
0x231: {  	[tilespmem:v22+s11+$0x0] =	vst.idx.msk $0xffff, v13;
	v13 =	vld [tilespmem:s17+$0x80];
	v15 =	vadd.s32 v50, v6  }
0x232: {  	[tilespmem:v16+s11+$0x0] =	vst.idx.msk $0xffff, v14;
	v14 =	vld [tilespmem:s17+$0x100];
	v16 =	vadd.s32 v41, v5  }
0x233: {  	v21 =	vadd.s32 v36, v7;
	v18 =	vld [tilespmem:s17+$0xFFFFFE90];
	[tilespmem:v17+s11+$0x0] =	vst.idx.msk $0xffff, v10  }
0x234: {  	v17 =	vadd.s32 v44, v8;
	v10 =	vld [tilespmem:s17+$0xFFFFFF10];
	[tilespmem:v20+s11+$0x0] =	vst.idx.msk $0xffff, v19  }
0x235: {  	v19 =	vld [tilespmem:s17+$0xFFFFFF90];
	v20 =	vadd.s32 v52, v4;
	[tilespmem:v12+s11+$0x0] =	vst.idx.msk $0xffff, v11  }
0x236: {  	[tilespmem:v15+s11+$0x0] =	vst.idx.msk $0xffff, v13;
	v13 =	vld [tilespmem:s17+$0x10];
	v15 =	vadd.s32 v60, v3  }
0x237: {  	v12 =	vadd.s32 v42, v9;
	v11 =	vld [tilespmem:s17+$0x1A0];
	[tilespmem:v16+s11+$0x0] =	vst.idx.msk $0xffff, v14  }
0x238: {  	[tilespmem:v21+s11+$0x0] =	vst.idx.msk $0xffff, v18;
	v14 =	vld [tilespmem:s17+$0x90];
	v16 =	vadd.s32 v49, v6  }
0x239: {  	v18 =	vld [tilespmem:s17+$0xFFFFFE10];
	[tilespmem:v17+s11+$0x0] =	vst.idx.msk $0xffff, v10  }
0x23a: {  	v10 =	vld [tilespmem:s17+$0x110];
	v17 =	vadd.s32 v63, v5;
	[tilespmem:v20+s11+$0x0] =	vst.idx.msk $0xffff, v19  }
0x23b: {  	v21 =	vadd.s32 v28, v2;
	v19 =	vld [tilespmem:s17+$0xFFFFFEA0];
	[tilespmem:v15+s11+$0x0] =	vst.idx.msk $0xffff, v13  }
0x23c: {  	v20 =	vadd.s32 v37, v7;
	v13 =	vld [tilespmem:s17+$0xFFFFFF20];
	[tilespmem:v12+s11+$0x0] =	vst.idx.msk $0xffff, v11  }
0x23d: {  	v15 =	vadd.s32 v45, v8;
	[tilespmem:v16+s11+$0x0] =	vst.idx.msk $0xffff, v14;
	v14 =	vld [tilespmem:s17+$0xFFFFFFA0]  }
0x23e: {  	v16 =	vadd.s32 v53, v4;
	v11 =	vld [tilespmem:s17+$0x1B0]  }
0x23f: {  	v12 =	vadd.s32 v48, v9;
	[tilespmem:v17+s11+$0x0] =	vst.idx.msk $0xffff, v10;
	v10 =	vld [tilespmem:s17+$0x20]  }
0x240: {  	[tilespmem:v21+s11+$0x0] =	vst.idx.msk $0xffff, v18;
	v17 =	vadd.s32 v61, v3;
	v18 =	vld [tilespmem:s17+$0xA0]  }
0x241: {  	[tilespmem:v20+s11+$0x0] =	vst.idx.msk $0xffff, v19;
	v20 =	vld [tilespmem:s17+$0x120]  }
0x242: {  	v19 =	vadd.s32 v58, v6;
	[tilespmem:v15+s11+$0x0] =	vst.idx.msk $0xffff, v13;
	v13 =	vld [tilespmem:s17+$0xFFFFFE20]  }
0x243: {  	v21 =	vadd.s32 v0, v5;
	[tilespmem:v16+s11+$0x0] =	vst.idx.msk $0xffff, v14;
	v14 =	vld [tilespmem:s17+$0xFFFFFEB0]  }
0x244: {  	v15 =	vadd.s32 v29, v2;
	[tilespmem:v12+s11+$0x0] =	vst.idx.msk $0xffff, v11;
	v12 =	vld [tilespmem:$0x1FE30]  }
0x245: {  	[tilespmem:v17+s11+$0x0] =	vst.idx.msk $0xffff, v10;
	v10 =	vld [tilespmem:s17+$0xFFFFFF30]  }
0x246: {  	v16 =	vadd.s32 v38, v7;
	v11 =	vld [tilespmem:s17+$0x1C0]  }
0x247: {  	[tilespmem:v19+s11+$0x0] =	vst.idx.msk $0xffff, v18;
	v18 =	vld [tilespmem:s17+$0xFFFFFFB0]  }
0x248: {  	v17 =	vadd.s32 v46, v8;
	[tilespmem:v21+s11+$0x0] =	vst.idx.msk $0xffff, v20;
	v20 =	vld [tilespmem:s17+$0x30]  }
0x249: {  	v19 =	vadd.s32 v54, v4;
	[tilespmem:v15+s11+$0x0] =	vst.idx.msk $0xffff, v13;
	v13 =	vld [tilespmem:s17+$0xB0]  }
0x24a: {  	v15 =	vld [tilespmem:$0x1FCF0]  }
0x24b: {  	v21 =	vadd.s32 v62, v3;
	[tilespmem:v16+s11+$0x0] =	vst.idx.msk $0xffff, v14;
	v14 =	vld [tilespmem:$0x1FED0]  }
0x24c: {  	v16 =	vld [tilespmem:s17+$0xFFFFFE30]  }
0x24d: {  	v12 =	vadd.s32 v12, v9;
	[tilespmem:v17+s11+$0x0] =	vst.idx.msk $0xffff, v10;
	v10 =	vld [tilespmem:s17+$0x130]  }
0x24e: {  	v17 =	vadd.s32 v30, v2;
	[tilespmem:v19+s11+$0x0] =	vst.idx.msk $0xffff, v18;
	v18 =	vld [tilespmem:s17+$0xFFFFFEC0]  }
0x24f: {  	v19 =	vld [tilespmem:$0x1FE60]  }
0x250: {  	[tilespmem:v21+s11+$0x0] =	vst.idx.msk $0xffff, v20;
	v20 =	vld [tilespmem:s17+$0xFFFFFF40];
	v15 =	vadd.s32 v15, v5  }
0x251: {  	v21 =	vld [tilespmem:$0x1FE70]  }
0x252: {  	v14 =	vadd.s32 v14, v6;
	[tilespmem:v12+s11+$0x0] =	vst.idx.msk $0xffff, v11;
	v12 =	vld [tilespmem:$0x1FD10]  }
0x253: {  	[tilespmem:v17+s11+$0x0] =	vst.idx.msk $0xffff, v16;
	v17 =	vld [tilespmem:$0x1FFE0]  }
0x254: {  	v11 =	vld [tilespmem:s17+$0x1D0]  }
0x255: {  	v19 =	vadd.s32 v19, v7;
	[tilespmem:v15+s11+$0x0] =	vst.idx.msk $0xffff, v10;
	v10 =	vld [tilespmem:s17+$0x40]  }
0x256: {  	v21 =	vadd.s32 v21, v8;
	v15 =	vld [tilespmem:$0x1FEE0]  }
0x257: {  	[tilespmem:v14+s11+$0x0] =	vst.idx.msk $0xffff, v13;
	v13 =	vld [tilespmem:s17+$0xFFFFFFC0];
	v12 =	vadd.s32 v12, v9  }
0x258: {  	v14 =	vld [tilespmem:$0x1FE90]  }
0x259: {  	v16 =	vld [tilespmem:s17+$0xC0];
	v17 =	vadd.s32 v17, v6  }
0x25a: {  	[tilespmem:v19+s11+$0x0] =	vst.idx.msk $0xffff, v18;
	v19 =	vld [tilespmem:$0x1FFD0]  }
0x25b: {  	[tilespmem:v21+s11+$0x0] =	vst.idx.msk $0xffff, v20;
	v20 =	vld [tilespmem:s17+$0xFFFFFE40];
	v21 =	vadd.s32 v31, v2  }
0x25c: {  	v15 =	vadd.s32 v15, v3;
	[tilespmem:v12+s11+$0x0] =	vst.idx.msk $0xffff, v11;
	v12 =	vld [tilespmem:$0x1FFC0]  }
0x25d: {  	v18 =	vld [tilespmem:s17+$0x140];
	v14 =	vadd.s32 v14, v4  }
0x25e: {  	[tilespmem:v17+s11+$0x0] =	vst.idx.msk $0xffff, v16;
	v16 =	vld [tilespmem:$0x1FF10]  }
0x25f: {  	v11 =	vld [tilespmem:s17+$0x1E0]  }
0x260: {  	v19 =	vadd.s32 v19, v5;
	[tilespmem:v21+s11+$0x0] =	vst.idx.msk $0xffff, v20;
	v20 =	vld [tilespmem:$0x1FEF0]  }
0x261: {  	[tilespmem:v15+s11+$0x0] =	vst.idx.msk $0xffff, v10;
	v10 =	vld [tilespmem:s17+$0xFFFFFF50];
	v12 =	vadd.s32 v12, v9  }
0x262: {  	[tilespmem:v14+s11+$0x0] =	vst.idx.msk $0xffff, v13;
	v14 =	vld [tilespmem:$0x1FF30]  }
0x263: {  	v13 =	vld [tilespmem:$0x1FEA0]  }
0x264: {  	v15 =	vld [tilespmem:s17+$0xFFFFFFD0];
	v16 =	vadd.s32 v16, v4  }
0x265: {  	[tilespmem:v19+s11+$0x0] =	vst.idx.msk $0xffff, v18;
	v18 =	vld [tilespmem:$0x1FCC0]  }
0x266: {  	[tilespmem:v12+s11+$0x0] =	vst.idx.msk $0xffff, v11;
	v12 =	vld [tilespmem:$0x1FCA0]  }
0x267: {  	v17 =	vld [tilespmem:s17+$0x50];
	v14 =	vadd.s32 v14, v8  }
0x268: {  	v19 =	vld [tilespmem:s17+$0xD0]  }
0x269: {  	[tilespmem:v16+s11+$0x0] =	vst.idx.msk $0xffff, v15;
	v16 =	vld [tilespmem:$0x1FF20]  }
0x26a: {  	v11 =	vld [tilespmem:s17+$0x1F0];
	v18 =	vadd.s32 v18, v3  }
0x26b: {  	v13 =	vadd.s32 v13, v7;
	v9 =	vadd.s32 v12, v9;
	v12 =	vld [tilespmem:s17+$0xFFFFFED0]  }
0x26c: {  	[tilespmem:v14+s11+$0x0] =	vst.idx.msk $0xffff, v10;
	v14 =	vld [tilespmem:$0x1FFA0]  }
0x26d: {  	v24 =	vld [tilespmem:s17+$0xFFFFFFE0]  }
0x26e: {  	v15 =	vld [tilespmem:s17+$0xFFFFFF60]  }
0x26f: {  	[tilespmem:v18+s11+$0x0] =	vst.idx.msk $0xffff, v17;
	v17 =	vld [tilespmem:$0x1FEB0]  }
0x270: {  	v16 =	vadd.s32 v16, v8;
	v26 =	vld [tilespmem:s17+$0x60];
	[tilespmem:v13+s11+$0x0] =	vst.idx.msk $0xffff, v12  }
0x271: {  	v14 =	vadd.s32 v14, v7;
	v10 =	vld [tilespmem:s17+$0xFFFFFEE0]  }
0x272: {  	[tilespmem:v9+s11+$0x0] =	vst.idx.msk $0xffff, v11;
	v11 =	vld [tilespmem:$0x1FF00]  }
0x273: {  	v12 =	vld [tilespmem:s17+$0xFFFFFE50];
	v13 =	vadd.s32 v32, v2  }
0x274: {  	v25 =	vadd.s32 v17, v4;
	v17 =	vld [tilespmem:$0x1FFB0]  }
0x275: {  	[tilespmem:v16+s11+$0x0] =	vst.idx.msk $0xffff, v15;
	v15 =	vld [tilespmem:$0x1FE40]  }
0x276: {  	[tilespmem:v14+s11+$0x0] =	vst.idx.msk $0xffff, v10;
	v10 =	vld [tilespmem:$0x1FD00]  }
0x277: {  	v20 =	vadd.s32 v20, v6;
	v9 =	vld [tilespmem:s17+$0x150]  }
0x278: {  	v33 =	vmovc v32;
	v32 =	vmov v31;
	v31 =	vmov v30;
	v11 =	vadd.s32 v11, v5;
	[tilespmem:v13+s11+$0x0] =	vst.idx.msk $0xffff, v12;
	v12 =	vld [tilespmem:$0x1FCD0]  }
0x279: {  	v30 =	vmovc v29;
	v29 =	vmov v28;
	v28 =	vmov v27;
	v27 =	vadd.s32 v17, v3;
	[tilespmem:v25+s11+$0x0] =	vst.idx.msk $0xffff, v24;
	v24 =	vld [tilespmem:$0x1FF90]  }
0x27a: {  	s28 =	sadd.s32 $0x2, s18;
	v23 =	vadd.s32 v15, v7;
	v7 =	vld [tilespmem:s17+$0xFFFFFF70]  }
0x27b: {  	p1 =	slt.u32 s18, $0x38;
	s26 =	sadd.s32 $0x1, s18;
	s29 =	sadd.s32 $0x4, s18;
	v22 =	vmov s28;
	v17 =	vadd.s32 v10, v5;
	v10 =	vld [tilespmem:$0x1FF80]  }
.Ltmp7:
0x27c: {  	s20 =	sadd.s32 $0x3, s18;
	[tilespmem:v20+s11+$0x0] =	vst.idx.msk $0xffff, v19;
	v19 =	vmov s26;
	v16 =	vmov s29;
	v18 =	vld [tilespmem:s17+$0xFFFFFE60];
	(pc) =	sbr.rel @p1 .LBB2_9-.Ltmp7, $4  }
0x27d: {  	v13 =	vmov s20;
	v21 =	vld [tilespmem:s17+$0xFFFFFEF0];
	[tilespmem:v11+s11+$0x0] =	vst.idx.msk $0xffff, v9;
	v11 =	vmov s18  }
0x27e: {  	v9 =	vld [tilespmem:s17+$0xE0];
	v12 =	vadd.s32 v12, v6;
	v11 =	vshrl.u32 v11, $0x3;
	v8 =	vadd.s32 v24, v8;
	[tilespmem:v27+s11+$0x0] =	vst.idx.msk $0xffff, v26  }
0x27f: {  	s30 =	sadd.s32 $0x5, s18;
	s31 =	sadd.s32 $0x6, s18;
	v14 =	vld [tilespmem:s17+$0x160];
	v27 =	vmovc v28;
	v28 =	vmovc v29;
	v29 =	vmov v30;
	v30 =	vmov v31;
	v15 =	vshll.u32 v11, v1  }
0x280: {  	s19 =	sadd.s32 $0x7, s18;
	s18 =	sadd.s32 $0x8, s18;
	v31 =	vmovc v32;
	v32 =	vmovc v33;
	v33 =	vld [tilespmem:$0x1FCE0];
	v11 =	vmov s31;
	v20 =	vadd.s32 v10, v2;
	v10 =	vmov s30  }
0x281: {  	_ =	sdelay $0x3  }
0x282: {  	v19 =	vshrl.u32 v19, $0x3;
	v4 =	vadd.s32 v47, v4;
	[tilespmem:v12+s11+$0x0] =	vst.idx.msk $0xffff, v9;
	v9 =	vmov s19;
	v12 =	vld [tilespmem:s17+$0xFFFFFFF0]  }
0x283: {  	[tilespmem:v17+s11+$0x0] =	vst.idx.msk $0xffff, v14;
	v14 =	vshrl.u32 v22, $0x3;
	v9 =	vshrl.u32 v9, $0x3;
	v17 =	vld [tilespmem:s17+$0x70];
	v22 =	vadd.s32 v39, v3  }
0x284: {  	[tilespmem:v20+s11+$0x0] =	vst.idx.msk $0xffff, v18;
	v13 =	vshrl.u32 v13, $0x3;
	v18 =	vld [tilespmem:s17+$0xF0];
	v3 =	vshll.u32 v9, v1;
	v6 =	vadd.s32 v33, v6  }
0x285: {  	v16 =	vshrl.u32 v16, $0x3;
	[tilespmem:v8+s11+$0x0] =	vst.idx.msk $0xffff, v7;
	v8 =	vadd.s32 v40, v2;
	v7 =	vld [tilespmem:s17+$0xFFFFFE70];
	v9 =	vbroadcast v3, $0x0  }
0x286: {  	s31 =	sadd.s32 $0x400, s17;
	[tilespmem:v23+s11+$0x0] =	vst.idx.msk $0xffff, v21;
	v21 =	vadd.s32 v55, v5;
	v5 =	vshll.u32 v19, v1;
	v20 =	vld [tilespmem:s17+$0x170];
	v3 =	vbroadcast v15, $0x0  }
0x287: {  	v2 =	vbroadcast v5, $0x0;
	v5 =	vshll.u32 v14, v1;
	[tilespmem:v4+s11+$0x0] =	vst.idx.msk $0xffff, v12;
	v12 =	vld [tilespmem:s31+$0x180];
	v14 =	vadd.s32 v57, v9  }
0x288: {  	v15 =	vld [tilespmem:s31+$0xFFFFFE00];
	v4 =	vbroadcast v5, $0x0;
	v5 =	vshll.u32 v13, v1;
	[tilespmem:v22+s11+$0x0] =	vst.idx.msk $0xffff, v17;
	v17 =	vadd.s32 v27, v3  }
0x289: {  	v13 =	vld [tilespmem:s31+$0xFFFFFE80];
	v5 =	vbroadcast v5, $0x0;
	[tilespmem:v6+s11+$0x0] =	vst.idx.msk $0xffff, v18;
	v18 =	vadd.s32 v35, v2;
	v6 =	vshll.u32 v16, v1  }
0x28a: {  	v10 =	vshrl.u32 v10, $0x3;
	[tilespmem:v8+s11+$0x0] =	vst.idx.msk $0xffff, v7;
	v16 =	vld [tilespmem:s31+$0xFFFFFF00];
	v19 =	vadd.s32 v43, v4;
	v6 =	vbroadcast v6, $0x0  }
0x28b: {  	v7 =	vshll.u32 v10, v1;
	v8 =	vshrl.u32 v11, $0x3;
	[tilespmem:v21+s11+$0x0] =	vst.idx.msk $0xffff, v20;
	v20 =	vld [tilespmem:s31+$0xFFFFFF80];
	v21 =	vadd.s32 v51, v5  }
0x28c: {  	v10 =	vld [tilespmem:s31+$0x0];
	v7 =	vbroadcast v7, $0x0;
	v8 =	vshll.u32 v8, v1;
	[tilespmem:v14+s11+$0x0] =	vst.idx.msk $0xffff, v12;
	v11 =	vadd.s32 v59, v6  }
0x28d: {  	v8 =	vbroadcast v8, $0x0;
	v14 =	vadd.s32 v56, v9;
	[tilespmem:v17+s11+$0x0] =	vst.idx.msk $0xffff, v15;
	v12 =	vld [tilespmem:s31+$0x190]  }
0x28e: {  	v15 =	vadd.s32 v50, v7;
	[tilespmem:v18+s11+$0x0] =	vst.idx.msk $0xffff, v13;
	v13 =	vld [tilespmem:s31+$0x80]  }
0x28f: {  	v17 =	vadd.s32 v41, v8;
	[tilespmem:v19+s11+$0x0] =	vst.idx.msk $0xffff, v16;
	v16 =	vld [tilespmem:s31+$0x100]  }
0x290: {  	v19 =	vadd.s32 v36, v2;
	[tilespmem:v21+s11+$0x0] =	vst.idx.msk $0xffff, v20;
	v18 =	vld [tilespmem:s31+$0xFFFFFE90]  }
0x291: {  	[tilespmem:v11+s11+$0x0] =	vst.idx.msk $0xffff, v10;
	v10 =	vld [tilespmem:s31+$0xFFFFFF10];
	v11 =	vadd.s32 v44, v4  }
0x292: {  	[tilespmem:v14+s11+$0x0] =	vst.idx.msk $0xffff, v12;
	v12 =	vld [tilespmem:s31+$0xFFFFFF90];
	v14 =	vadd.s32 v52, v5  }
0x293: {  	[tilespmem:v15+s11+$0x0] =	vst.idx.msk $0xffff, v13;
	v13 =	vld [tilespmem:s31+$0x1A0];
	v15 =	vadd.s32 v42, v9  }
0x294: {  	[tilespmem:v17+s11+$0x0] =	vst.idx.msk $0xffff, v16;
	v16 =	vld [tilespmem:s31+$0x10];
	v17 =	vadd.s32 v60, v6  }
0x295: {  	[tilespmem:v19+s11+$0x0] =	vst.idx.msk $0xffff, v18;
	v18 =	vld [tilespmem:s31+$0x90];
	v19 =	vadd.s32 v49, v7  }
0x296: {  	[tilespmem:v11+s11+$0x0] =	vst.idx.msk $0xffff, v10;
	v10 =	vld [tilespmem:s31+$0x110];
	v11 =	vadd.s32 v63, v8  }
0x297: {  	[tilespmem:v14+s11+$0x0] =	vst.idx.msk $0xffff, v12;
	v12 =	vld [tilespmem:s31+$0xFFFFFE10];
	v14 =	vadd.s32 v28, v3  }
0x298: {  	[tilespmem:v15+s11+$0x0] =	vst.idx.msk $0xffff, v13;
	v13 =	vld [tilespmem:s31+$0xFFFFFEA0];
	v15 =	vadd.s32 v37, v2  }
0x299: {  	[tilespmem:v17+s11+$0x0] =	vst.idx.msk $0xffff, v16;
	v17 =	vadd.s32 v48, v9;
	v16 =	vld [tilespmem:s31+$0x1B0]  }
0x29a: {  	[tilespmem:v19+s11+$0x0] =	vst.idx.msk $0xffff, v18;
	v18 =	vld [tilespmem:s31+$0xFFFFFF20];
	v19 =	vadd.s32 v45, v4  }
0x29b: {  	[tilespmem:v11+s11+$0x0] =	vst.idx.msk $0xffff, v10  }
0x29c: {  	[tilespmem:v14+s11+$0x0] =	vst.idx.msk $0xffff, v12  }
0x29d: {  	[tilespmem:v15+s11+$0x0] =	vst.idx.msk $0xffff, v13  }
0x29e: {  	[tilespmem:v17+s11+$0x0] =	vst.idx.msk $0xffff, v16  }
0x29f: {  	v10 =	vld [tilespmem:s31+$0xFFFFFFA0];
	v11 =	vadd.s32 v53, v5;
	[tilespmem:v19+s11+$0x0] =	vst.idx.msk $0xffff, v18  }
0x2a0: {  	v43 =	vmov v0;
	v17 =	vadd.s32 v0, v8;
	v0 =	vld [tilespmem:$0x1FE30]  }
0x2a1: {  	v12 =	vld [tilespmem:s31+$0x20];
	v14 =	vadd.s32 v61, v6  }
0x2a2: {  	v13 =	vld [tilespmem:s31+$0xA0];
	v15 =	vadd.s32 v58, v7  }
0x2a3: {  	v16 =	vld [tilespmem:s31+$0x120]  }
0x2a4: {  	[tilespmem:v11+s11+$0x0] =	vst.idx.msk $0xffff, v10;
	v10 =	vld [tilespmem:s31+$0xFFFFFE20];
	v11 =	vadd.s32 v29, v3  }
0x2a5: {  	v18 =	vld [tilespmem:s31+$0x1C0];
	v19 =	vadd.s32 v0, v9  }
0x2a6: {  	[tilespmem:v14+s11+$0x0] =	vst.idx.msk $0xffff, v12  }
0x2a7: {  	v12 =	vld [tilespmem:s31+$0xFFFFFEB0];
	[tilespmem:v15+s11+$0x0] =	vst.idx.msk $0xffff, v13  }
0x2a8: {  	v14 =	vadd.s32 v38, v2;
	v13 =	vld [tilespmem:s31+$0xFFFFFF30];
	[tilespmem:v17+s11+$0x0] =	vst.idx.msk $0xffff, v16  }
0x2a9: {  	v15 =	vadd.s32 v46, v4;
	v16 =	vld [tilespmem:s31+$0xFFFFFFB0];
	[tilespmem:v11+s11+$0x0] =	vst.idx.msk $0xffff, v10  }
0x2aa: {  	v17 =	vadd.s32 v54, v5;
	[tilespmem:v19+s11+$0x0] =	vst.idx.msk $0xffff, v18;
	v18 =	vld [tilespmem:s31+$0x30]  }
0x2ab: {  	v19 =	vadd.s32 v62, v6;
	v0 =	vld [tilespmem:$0x1FD10];
	_ =	sdelay $0x1  }
0x2ac: {  	[tilespmem:v14+s11+$0x0] =	vst.idx.msk $0xffff, v12  }
0x2ad: {  	v41 =	vld [tilespmem:$0x1FED0];
	[tilespmem:v15+s11+$0x0] =	vst.idx.msk $0xffff, v13  }
0x2ae: {  	v59 =	vmov v36;
	v36 =	vmov v58;
	v58 =	vld [tilespmem:$0x1FCF0];
	[tilespmem:v17+s11+$0x0] =	vst.idx.msk $0xffff, v16  }
0x2af: {  	v10 =	vld [tilespmem:s31+$0x1D0];
	[tilespmem:v19+s11+$0x0] =	vst.idx.msk $0xffff, v18;
	v11 =	vadd.s32 v0, v9  }
0x2b0: {  	v0 =	vld [tilespmem:$0x1FE60];
	_ =	sdelay $0x3  }
0x2b1: {  	v12 =	vld [tilespmem:s31+$0xB0];
	v14 =	vadd.s32 v41, v7;
	[tilespmem:v11+s11+$0x0] =	vst.idx.msk $0xffff, v10  }
0x2b2: {  	v35 =	vmovc v42;
	v42 =	vmov v46;
	v46 =	vmov v0;
	v19 =	vadd.s32 v0, v2;
	v0 =	vld [tilespmem:$0x1FE70];
	_ =	sdelay $0x3  }
0x2b3: {  	v13 =	vld [tilespmem:s31+$0x130];
	v15 =	vadd.s32 v58, v8;
	[tilespmem:v14+s11+$0x0] =	vst.idx.msk $0xffff, v12  }
0x2b4: {  	v48 =	vmov v0;
	v11 =	vadd.s32 v0, v4;
	v0 =	vld [tilespmem:$0x1FFC0];
	_ =	sdelay $0x3  }
0x2b5: {  	v16 =	vld [tilespmem:s31+$0xFFFFFE30];
	v17 =	vadd.s32 v30, v3;
	[tilespmem:v15+s11+$0x0] =	vst.idx.msk $0xffff, v13  }
0x2b6: {  	v53 =	vmov v0;
	v14 =	vadd.s32 v0, v9;
	v0 =	vld [tilespmem:$0x1FE90];
	_ =	sdelay $0x3  }
0x2b7: {  	v18 =	vld [tilespmem:s31+$0xFFFFFEC0];
	[tilespmem:v17+s11+$0x0] =	vst.idx.msk $0xffff, v16  }
0x2b8: {  	v20 =	vmov v0;
	v15 =	vadd.s32 v0, v5;
	v0 =	vld [tilespmem:$0x1FEE0];
	_ =	sdelay $0x3  }
0x2b9: {  	v10 =	vld [tilespmem:s31+$0xFFFFFF40];
	[tilespmem:v19+s11+$0x0] =	vst.idx.msk $0xffff, v18  }
0x2ba: {  	v52 =	vmov v0;
	v17 =	vadd.s32 v0, v6;
	v0 =	vld [tilespmem:$0x1FFE0];
	_ =	sdelay $0x2  }
0x2bb: {  	v12 =	vld [tilespmem:s31+$0x1E0]  }
0x2bc: {  	v13 =	vld [tilespmem:s31+$0xFFFFFFC0];
	[tilespmem:v11+s11+$0x0] =	vst.idx.msk $0xffff, v10  }
0x2bd: {  	v44 =	vmov v37;
	v37 =	vmov v0;
	v19 =	vadd.s32 v0, v7;
	v0 =	vld [tilespmem:$0x1FFD0];
	_ =	sdelay $0x2  }
0x2be: {  	[tilespmem:v14+s11+$0x0] =	vst.idx.msk $0xffff, v12  }
0x2bf: {  	v16 =	vld [tilespmem:s31+$0x40];
	[tilespmem:v15+s11+$0x0] =	vst.idx.msk $0xffff, v13  }
0x2c0: {  	v45 =	vmov v38;
	v38 =	vmov v0;
	v11 =	vadd.s32 v0, v8;
	v0 =	vld [tilespmem:$0x1FCA0];
	_ =	sdelay $0x3  }
0x2c1: {  	v18 =	vld [tilespmem:s31+$0xC0];
	[tilespmem:v17+s11+$0x0] =	vst.idx.msk $0xffff, v16  }
0x2c2: {  	v22 =	vadd.s32 v0, v9;
	v0 =	vld [tilespmem:$0x1FEA0];
	_ =	sdelay $0x3  }
0x2c3: {  	v10 =	vld [tilespmem:s31+$0x140];
	[tilespmem:v19+s11+$0x0] =	vst.idx.msk $0xffff, v18  }
0x2c4: {  	v15 =	vadd.s32 v0, v2;
	v0 =	vld [tilespmem:$0x1FF30];
	_ =	sdelay $0x3  }
0x2c5: {  	v12 =	vld [tilespmem:s31+$0xFFFFFE40];
	v14 =	vadd.s32 v31, v3;
	[tilespmem:v11+s11+$0x0] =	vst.idx.msk $0xffff, v10  }
0x2c6: {  	v21 =	vmov v0;
	v17 =	vadd.s32 v0, v4;
	v0 =	vld [tilespmem:$0x1FF10]  }
0x2c7: {  	v13 =	vld [tilespmem:s31+$0xFFFFFED0]  }
0x2c8: {  	v9 =	vld [tilespmem:s31+$0x1F0]  }
0x2c9: {  	v16 =	vld [tilespmem:s31+$0xFFFFFF50]  }
0x2ca: {  	v10 =	vld [tilespmem:s31+$0xFFFFFFD0];
	[tilespmem:v14+s11+$0x0] =	vst.idx.msk $0xffff, v12  }
0x2cb: {  	v51 =	vmov v63;
	v63 =	vmov v0;
	v11 =	vadd.s32 v0, v5;
	v0 =	vld [tilespmem:$0x1FCC0];
	_ =	sdelay $0x1  }
0x2cc: {  	[tilespmem:v22+s11+$0x0] =	vst.idx.msk $0xffff, v9  }
0x2cd: {  	v60 =	vld [tilespmem:$0x1FEF0];
	[tilespmem:v15+s11+$0x0] =	vst.idx.msk $0xffff, v13  }
0x2ce: {  	v61 =	vld [tilespmem:$0x1FF00];
	[tilespmem:v17+s11+$0x0] =	vst.idx.msk $0xffff, v16  }
0x2cf: {  	v12 =	vld [tilespmem:s31+$0x50];
	v14 =	vadd.s32 v0, v6;
	[tilespmem:v11+s11+$0x0] =	vst.idx.msk $0xffff, v10  }
0x2d0: {  	v0 =	vld [tilespmem:$0x1FFA0];
	_ =	sdelay $0x3  }
0x2d1: {  	v19 =	vld [tilespmem:s31+$0xD0];
	v9 =	vadd.s32 v60, v7;
	[tilespmem:v14+s11+$0x0] =	vst.idx.msk $0xffff, v12  }
0x2d2: {  	v11 =	vadd.s32 v0, v2;
	v0 =	vld [tilespmem:$0x1FF20];
	_ =	sdelay $0x3  }
0x2d3: {  	v13 =	vld [tilespmem:s31+$0x150];
	v15 =	vadd.s32 v61, v8;
	[tilespmem:v9+s11+$0x0] =	vst.idx.msk $0xffff, v19  }
0x2d4: {  	v14 =	vadd.s32 v0, v4;
	v0 =	vld [tilespmem:$0x1FEB0];
	_ =	sdelay $0x3  }
0x2d5: {  	v16 =	vld [tilespmem:s31+$0xFFFFFE50];
	v17 =	vadd.s32 v32, v3;
	[tilespmem:v15+s11+$0x0] =	vst.idx.msk $0xffff, v13  }
0x2d6: {  	v9 =	vadd.s32 v0, v5;
	v0 =	vld [tilespmem:$0x1FFB0];
	_ =	sdelay $0x2  }
0x2d7: {  	v10 =	vld [tilespmem:s31+$0xFFFFFEE0]  }
0x2d8: {  	v12 =	vld [tilespmem:s31+$0xFFFFFF60];
	[tilespmem:v17+s11+$0x0] =	vst.idx.msk $0xffff, v16  }
0x2d9: {  	v15 =	vadd.s32 v0, v6;
	v0 =	vld [tilespmem:$0x1FCD0]  }
0x2da: {  	v19 =	vld [tilespmem:s31+$0xFFFFFFE0]  }
0x2db: {  	v13 =	vld [tilespmem:s31+$0x60];
	_ =	sdelay $0x1  }
0x2dc: {  	[tilespmem:v11+s11+$0x0] =	vst.idx.msk $0xffff, v10  }
0x2dd: {  	v17 =	vadd.s32 v0, v7;
	v0 =	vld [tilespmem:$0x1FD00];
	[tilespmem:v14+s11+$0x0] =	vst.idx.msk $0xffff, v12  }
0x2de: {  	v23 =	vmov v55;
	v55 =	vld [tilespmem:$0x1FF80];
	[tilespmem:v9+s11+$0x0] =	vst.idx.msk $0xffff, v19  }
0x2df: {  	v9 =	vld [tilespmem:$0x1FE40];
	[tilespmem:v15+s11+$0x0] =	vst.idx.msk $0xffff, v13  }
0x2e0: {  	v13 =	vld [tilespmem:$0x1FF90]  }
0x2e1: {  	v16 =	vld [tilespmem:s31+$0xE0]  }
0x2e2: {  	v10 =	vld [tilespmem:s31+$0x160];
	v11 =	vadd.s32 v0, v8  }
0x2e3: {  	v12 =	vld [tilespmem:s31+$0xFFFFFE60];
	v14 =	vadd.s32 v55, v3  }
0x2e4: {  	v62 =	vld [tilespmem:s31+$0xFFFFFEF0];
	v2 =	vadd.s32 v9, v2  }
0x2e5: {  	v25 =	vmov v47;
	v9 =	vld [tilespmem:s31+$0xFFFFFF70];
	v4 =	vadd.s32 v13, v4  }
0x2e6: {  	v5 =	vadd.s32 v25, v5;
	[tilespmem:v17+s11+$0x0] =	vst.idx.msk $0xffff, v16;
	v15 =	vmov v13;
	v13 =	vld [tilespmem:s31+$0xFFFFFFF0]  }
0x2e7: {  	v6 =	vadd.s32 v39, v6;
	v0 =	vmov v33;
	[tilespmem:v11+s11+$0x0] =	vst.idx.msk $0xffff, v10;
	v10 =	vld [tilespmem:s31+$0x70]  }
0x2e8: {  	v7 =	vadd.s32 v0, v7;
	v11 =	vld [tilespmem:s31+$0xF0];
	[tilespmem:v14+s11+$0x0] =	vst.idx.msk $0xffff, v12  }
0x2e9: {  	v24 =	vmov v40;
	v12 =	vld [tilespmem:s31+$0x170];
	[tilespmem:v2+s11+$0x0] =	vst.idx.msk $0xffff, v62;
	v2 =	vadd.s32 v23, v8  }
0x2ea: {  	v3 =	vadd.s32 v24, v3;
	[tilespmem:v4+s11+$0x0] =	vst.idx.msk $0xffff, v9;
	v4 =	vld [tilespmem:s31+$0xFFFFFE70]  }
.Ltmp8:
0x2eb: {  	[tilespmem:v5+s11+$0x0] =	vst.idx.msk $0xffff, v13;
	(pc) =	sbr.rel @p0 .LBB2_14-.Ltmp8, $4  }
0x2ec: {  	[tilespmem:v6+s11+$0x0] =	vst.idx.msk $0xffff, v10  }
0x2ed: {  	[tilespmem:v7+s11+$0x0] =	vst.idx.msk $0xffff, v11  }
0x2ee: {  	v57 =	vmov v56;
	[tilespmem:v2+s11+$0x0] =	vst.idx.msk $0xffff, v12  }
0x2ef: {  	v56 =	vmovc v49;
	v9 =	vmovc v60;
	v60 =	vmov v57;
	v6 =	vmov v41;
	v10 =	vmov v61;
	[tilespmem:v3+s11+$0x0] =	vst.idx.msk $0xffff, v4  }
0x2f0: {  	s17 =	sshll.u32 s16, $0xA  }
0x2f1: {  	s19 =	simm.s32 $0x6400;
	s18 =	sadd.s32 s4, s17  }
0x2f2: {  	s20 =	simm.s32 $0x8;
	s21 =	simm.s32 $0x6448;
	s22 =	sadd.s32 $0x0, s18  }
.LBB2_12:
0x2f3: {  	[hbm4b:s22+s2] =	stream.linear.scatter [tilespmem:s19], [sflag:$0x4], $0x40, $0x38;
	[tilespmem:$0x8800] =	vst v63  }
0x2f4: {  	s22 =	smov.u32 s20;
	s19 =	smov.u32 s21;
	p0 =	sne.s32 s20, $0x3F8  }
.Ltmp9:
0x2f5: {  	s20 =	sadd.s32 $0x8, s20;
	(pc) =	sbr.rel @p0 .LBB2_12-.Ltmp9, $2  }
0x2f6: {  	_ =	sdelay $0x2  }
0x2f7: {  	s21 =	sadd.s32 $0x48, s21;
	s22 =	sadd.s32 s22, s18  }
.Ltmp10:
0x2f8: {  	(pc) =	sbr.rel .LBB2_14-.Ltmp10, $4  }
0x2f9: {  	[hbm4b:s22+s2] =	stream.linear.scatter [tilespmem:s19], [sflag:$0x4], $0x40, $0x38;
	[tilespmem:$0x8800] =	vst v63  }
0x2fa: {  	p0 =	sgt.u32 s16, $0x1E44  }
0x2fb: {  	s16 =	sadd.s32 @!p0 s17, s7;
	s17 =	simm.s32 @!p0 $0x0;
	s18 =	simm.s32 @!p0 $0x2000  }
0x2fc: {  	[tilespmem:s18], [sflag:$0x2] =	stream.linear.gather @!p0 [hbm4b:s16+s17], $0x2000, $0x38;
	[tilespmem:$0x8800] =	vst v63  }
.LBB2_16:
0x2fd: {  	_ =	sfence.sel $0x180000  }
0x2fe: {  	[bflag:$0x0] =	sbarrier.arrive $0xFFFF  }
0x2ff: {  	p0 =	sne.s32 s0, $0x0;
	_ =	strace $0x9000004A  }
0x300: {  	s0 =	sadd.s32 @!p0 $0x100000, s1;
	[bflag:$0x2] =	sbarrier.arrive $0xFFFF  }
0x301: {  	[sflag:s0] =	ssyncadd.tile.s32 @!p0 $0x1;
	_ =	shalt  }
.Lfunc_end2:
_tile_overlayer_lowered:
.L_overlay_start_2:
0x302: {  	(tag) =	ssettag $0x2  }
0x303: {  	s0 =	rddreg [dreg:$0x0];
	s2 =	stileid.u32  }
0x304: {  	s1 =	rddreg [dreg:$0x1];
	p0 =	sne.s32 s2, $0x0  }
0x305: {  	s3 =	rddreg [dreg:$0x2];
	[bflag:$0x3] =	sbarrier.arrive $0xFFFF;
	s2 =	simm.s32 @!p0 $0x1C05  }
0x306: {  	[timem:s3], [sflag:s2] =	dma.local @!p0 [hbm:s0], s1  }
0x307: {  	s0 =	simm.s32 @!p0 $0x5  }
0x308: {  	_ =	swait.ge @!p0 [sflag:s0], s1  }
0x309: {  	s1 =	ssub.s32 @!p0 $0x0, s1;
	[sflag:s0] =	ssyncset.done @!p0 $0x0  }
0x30a: {  	[sflag:s0] =	ssyncadd.s32 @!p0 s1  }
0x30b: {  	[bflag:$0x3] =	sbarrier.arrive $0xFFFF  }
0x30c: {  	_ =	shalt  }

</sc_bundles>
